<compile_context>
chip_gen: v7x
topology: tpu7x:2x2x1
jax: 0.10.2.dev20260603
libtpu: 0.0.44.dev20260713+nightly
codegen_flags: <defaults>
</compile_context>

<pallas_src>
import functools

import jax
import jax.numpy as jnp
from jax import lax
from jax.experimental import pallas as pl
from jax.experimental.pallas import tpu as pltpu
from jax.experimental.pallas import tpu_sc as plsc

N = 10000
D = 128
E = 320000

NC = 2
NS = 16
NW = NC * NS
C = 128
K = 80
KH = K // 2
EW = K * C
NPAD = 10240
RPT = NPAD // NS
BM = 1024
GRID = NPAD // BM

_mesh = plsc.VectorSubcoreMesh(core_axis_name="c", subcore_axis_name="s")


@functools.partial(
    pl.kernel,
    out_type=jax.ShapeDtypeStruct((NC, NPAD), jnp.float32),
    mesh=_mesh,
    scratch_types=[
        pltpu.VMEM((KH, C), jnp.int32),
        pltpu.VMEM((C,), jnp.float32),
        pltpu.VMEM((RPT,), jnp.float32),
        pltpu.VMEM_SHARED((NPAD,), jnp.float32),
    ],
)
def _sc_degree(dst_hbm, out_hbm, dst_v, ones_v, zrow_v, deg_sp):
    c = lax.axis_index("c")
    s = lax.axis_index("s")
    w = c * NS + s
    one16 = jnp.full((16,), 1.0, jnp.float32)
    z16 = jnp.zeros((16,), jnp.float32)
    for k in range(C // 16):
        ones_v[pl.ds(16 * k, 16)] = one16

    @pl.loop(0, RPT // 16)
    def _(i):
        zrow_v[pl.ds(16 * i, 16)] = z16

    pltpu.sync_copy(zrow_v, deg_sp.at[pl.ds(s * RPT, RPT)])
    plsc.subcore_barrier()

    for half in range(2):
        pltpu.sync_copy(dst_hbm.at[w, half], dst_v)

        @pl.loop(0, KH)
        def _(j):
            pltpu.sync_copy(ones_v, deg_sp.at[dst_v.at[j]], add=True)

    plsc.subcore_barrier()
    pltpu.sync_copy(deg_sp.at[pl.ds(s * RPT, RPT)],
                    out_hbm.at[c, pl.ds(s * RPT, RPT)])


@functools.partial(
    pl.kernel,
    out_type=jax.ShapeDtypeStruct((NC, NPAD, D), jnp.float32),
    mesh=_mesh,
    scratch_types=[
        pltpu.VMEM((KH, C), jnp.int32),
        pltpu.VMEM((KH, C), jnp.int32),
        pltpu.VMEM((C, D), jnp.float32),
        pltpu.VMEM((C, D), jnp.float32),
        pltpu.VMEM_SHARED((NPAD, D), jnp.float32),
        pltpu.SemaphoreType.DMA,
        pltpu.SemaphoreType.DMA,
        pltpu.SemaphoreType.DMA,
        pltpu.SemaphoreType.DMA,
    ],
)
def _sc_edge_sum(h_hbm, src_hbm, dst_hbm, z_hbm,
                 src_v, dst_v, rows0_v, rows1_v, z_sp,
                 semg0a, semg0b, semg1a, semg1b):
    c = lax.axis_index("c")
    s = lax.axis_index("s")
    w = c * NS + s
    base = s * RPT
    z16 = jnp.zeros((16,), jnp.float32)

    @pl.loop(0, C)
    def _(r):
        for k in range(D // 16):
            rows0_v[r, pl.ds(16 * k, 16)] = z16

    for i in range(RPT // C):
        pltpu.sync_copy(rows0_v, z_sp.at[pl.ds(base + i * C, C)])
    plsc.subcore_barrier()

    CH2 = C // 2

    def _gather(j, buf, sem_a, sem_b):
        pltpu.async_copy(h_hbm.at[src_v.at[j, pl.ds(0, CH2)]],
                         buf.at[pl.ds(0, CH2)], sem_a)
        pltpu.async_copy(h_hbm.at[src_v.at[j, pl.ds(CH2, CH2)]],
                         buf.at[pl.ds(CH2, CH2)], sem_b)

    def _gwait(j, buf, sem_a, sem_b):
        pltpu.make_async_copy(h_hbm.at[src_v.at[j, pl.ds(0, CH2)]],
                              buf.at[pl.ds(0, CH2)], sem_a).wait()
        pltpu.make_async_copy(h_hbm.at[src_v.at[j, pl.ds(CH2, CH2)]],
                              buf.at[pl.ds(CH2, CH2)], sem_b).wait()

    for half in range(2):
        pltpu.sync_copy(src_hbm.at[w, half], src_v)
        pltpu.sync_copy(dst_hbm.at[w, half], dst_v)

        _gather(0, rows0_v, semg0a, semg0b)

        @pl.loop(0, KH // 2)
        def _(t):
            j = t * 2
            _gwait(j, rows0_v, semg0a, semg0b)
            _gather(j + 1, rows1_v, semg1a, semg1b)
            pltpu.sync_copy(rows0_v, z_sp.at[dst_v.at[j]], add=True)
            _gwait(j + 1, rows1_v, semg1a, semg1b)

            @pl.when(j + 2 < KH)
            def _():
                _gather(j + 2, rows0_v, semg0a, semg0b)

            pltpu.sync_copy(rows1_v, z_sp.at[dst_v.at[j + 1]], add=True)

    plsc.subcore_barrier()
    for i in range(RPT // C):
        pltpu.sync_copy(z_sp.at[pl.ds(base + i * C, C)],
                        z_hbm.at[c, pl.ds(base + i * C, C)])


def _tc1_body(d0_ref, d1_ref, x_ref, w_ref, h_ref, dinv_ref):
    dinv = lax.rsqrt(d0_ref[...] + d1_ref[...] + 1.0)
    dinv_ref[...] = dinv
    u = x_ref[...] * dinv
    h_ref[...] = jnp.dot(u, w_ref[...], preferred_element_type=jnp.float32)


def _tc_fused_body(dinv_ref, z0_ref, z1_ref, h_ref, b_ref, w_ref, o_ref):
    dinv = dinv_ref[...]
    t = dinv * (z0_ref[...] + z1_ref[...] + h_ref[...]) + b_ref[...]
    u = jnp.maximum(t, 0.0) * dinv
    o_ref[...] = jnp.dot(u, w_ref[...], preferred_element_type=jnp.float32)


def _tc_final_body(dinv_ref, z0_ref, z1_ref, h_ref, b_ref, o_ref):
    o_ref[...] = (dinv_ref[...] * (z0_ref[...] + z1_ref[...] + h_ref[...])
                  + b_ref[...])


_row_spec = pl.BlockSpec((BM, D), lambda i: (i, 0))
_col_spec = pl.BlockSpec((BM, 1), lambda i: (i, 0))
_w_spec = pl.BlockSpec((D, D), lambda i: (0, 0))
_b_spec = pl.BlockSpec((1, D), lambda i: (0, 0))

_tc1 = pl.pallas_call(
    _tc1_body,
    grid=(GRID,),
    in_specs=[_col_spec, _col_spec, _row_spec, _w_spec],
    out_specs=[_row_spec, _col_spec],
    out_shape=[jax.ShapeDtypeStruct((NPAD, D), jnp.float32),
               jax.ShapeDtypeStruct((NPAD, 1), jnp.float32)],
)

_tc_fused = pl.pallas_call(
    _tc_fused_body,
    grid=(GRID,),
    in_specs=[_col_spec, _row_spec, _row_spec, _row_spec, _b_spec, _w_spec],
    out_specs=_row_spec,
    out_shape=jax.ShapeDtypeStruct((NPAD, D), jnp.float32),
)

_tc_final = pl.pallas_call(
    _tc_final_body,
    grid=(GRID,),
    in_specs=[_col_spec, _row_spec, _row_spec, _row_spec, _b_spec],
    out_specs=_row_spec,
    out_shape=jax.ShapeDtypeStruct((NPAD, D), jnp.float32),
)


def kernel(x, edge_index, edge_attr, W1, b1, W2, b2, W3, b3):
    del edge_attr
    src = edge_index[0].astype(jnp.int32)
    dst = edge_index[1].astype(jnp.int32)
    epw = E // NW
    src_w = jnp.pad(src.reshape(NW, epw), ((0, 0), (0, EW - epw)),
                    constant_values=N).reshape(NW, 2, KH, C)
    dst_w = jnp.pad(dst.reshape(NW, epw), ((0, 0), (0, EW - epw)),
                    constant_values=N).reshape(NW, 2, KH, C)
    x_pad = jnp.pad(x, ((0, NPAD - N), (0, 0)))

    deg_p = _sc_degree(dst_w)
    d0 = deg_p[0][:, None]
    d1 = deg_p[1][:, None]

    h1, dinv = _tc1(d0, d1, x_pad, W1)
    z1 = _sc_edge_sum(h1, src_w, dst_w)
    h2 = _tc_fused(dinv, z1[0], z1[1], h1, b1.reshape(1, D), W2)
    z2 = _sc_edge_sum(h2, src_w, dst_w)
    h3 = _tc_fused(dinv, z2[0], z2[1], h2, b2.reshape(1, D), W3)
    z3 = _sc_edge_sum(h3, src_w, dst_w)
    out = _tc_final(dinv, z3[0], z3[1], h3, b3.reshape(1, D))
    return out[:N]

# --- scband reference (transcript-rebuilt; emitter-appended) ---
"""Pipeline reference for scband-gcn-17231408791577 (READ-ONLY COPY).

The authoritative reference and input builder live on the scoring server;
editing this copy changes nothing except your own understanding.
"""

import jax, jax.numpy as jnp
import numpy as np

N = 10000
E = 320000
D = 128


def setup_inputs(seed: int = 0) -> dict:
    key = jax.random.key(seed)
    ks = jax.random.split(key, 10)
    x = jax.random.normal(ks[0], (N, D), dtype=jnp.float32)
    edge_index = jax.random.randint(ks[1], (2, E), 0, N).astype(jnp.int64)
    edge_attr = jax.random.normal(ks[2], (E, 4), dtype=jnp.float32)
    s = 1.0 / np.sqrt(D)
    W1 = jax.random.uniform(ks[3], (D, D), minval=-s, maxval=s, dtype=jnp.float32)
    b1 = jnp.zeros((D,), dtype=jnp.float32)
    W2 = jax.random.uniform(ks[4], (D, D), minval=-s, maxval=s, dtype=jnp.float32)
    b2 = jnp.zeros((D,), dtype=jnp.float32)
    W3 = jax.random.uniform(ks[5], (D, D), minval=-s, maxval=s, dtype=jnp.float32)
    b3 = jnp.zeros((D,), dtype=jnp.float32)
    return {"x": x, "edge_index": edge_index, "edge_attr": edge_attr,
            "W1": W1, "b1": b1, "W2": W2, "b2": b2, "W3": W3, "b3": b3}


def _gcn_conv(x, src, dst, W, b):
    # PyG GCNConv: h = X W; add self-loops; symmetric deg normalization; scatter-add.
    n = x.shape[0]
    h = x @ W
    loop = jnp.arange(n, dtype=src.dtype)
    s = jnp.concatenate([src, loop])
    d = jnp.concatenate([dst, loop])
    deg = jnp.zeros((n,), dtype=h.dtype).at[d].add(1.0)
    dinv = jnp.where(deg > 0, jax.lax.rsqrt(jnp.maximum(deg, 1e-12)), 0.0)
    norm = dinv[s] * dinv[d]
    msg = h[s] * norm[:, None]
    out = jnp.zeros_like(h).at[d].add(msg)
    return out + b


def reference(x, edge_index, edge_attr, W1, b1, W2, b2, W3, b3):
    # edge_attr is accepted by the original forward but unused by GCNConv layers.
    src = edge_index[0]
    dst = edge_index[1]
    h = _gcn_conv(x, src, dst, W1, b1)
    h = jax.nn.relu(h)
    # dropout is identity in eval mode
    h = _gcn_conv(h, src, dst, W2, b2)
    h = jax.nn.relu(h)
    h = _gcn_conv(h, src, dst, W3, b3)
    return h

if __name__ == "__main__":
    import jax
    _d = setup_inputs()
    print(jax.jit(kernel)(*tuple(_d.values())))

</pallas_src>

<mosaic_0001>
#map = affine_map<(d0, d1) -> (0, 0, 0, 0)>
#map1 = affine_map<(d0, d1) -> (0, 0)>
module attributes {stable_mosaic.version = 14 : i64} {
  func.func @_sc_degree(%arg0: i32, %arg1: i32, %arg2: memref<32x2x40x128xi32, #tpu.memory_space<hbm>>, %arg3: memref<2x10240xf32, #tpu.memory_space<hbm>>, %arg4: memref<40x128xi32, #tpu.memory_space<vmem>>, %arg5: memref<128xf32, #tpu.memory_space<vmem>>, %arg6: memref<640xf32, #tpu.memory_space<vmem>>, %arg7: memref<10240xf32, #tpu.memory_space<vmem_shared>>) attributes {dimension_semantics = [#tpu.dimension_semantics<core_parallel>, #tpu.dimension_semantics<subcore_parallel>], iteration_bounds = array<i64: 2, 16>, scalar_prefetch = 0 : i64, scratch_operands = 4 : i64, tpu.core_type = #tpu.core_type<sc_vector_subcore>, window_params = [{transform_indices = #map}, {transform_indices = #map1}]} {
    %mul3A = arith.constant 16 : i32
    %mul3A_0 = arith.muli %arg0, %mul3A : i32
    %add3A = arith.addi %mul3A_0, %arg1 : i32
    %broadcast_in_dim3A = arith.constant 1.000000e+00 : f32
    %broadcast_in_dim3A_1 = vector.broadcast %broadcast_in_dim3A : f32 to vector<16xf32>
    %broadcast_in_dim3A_2 = arith.constant 0.000000e+00 : f32
    %broadcast_in_dim3A_3 = vector.broadcast %broadcast_in_dim3A_2 : f32 to vector<16xf32>
    %swap3A = arith.constant 0 : index
    %swap3A_4 = tpu.vector_load %arg5[%swap3A] {strides = array<i32>} : memref<128xf32, #tpu.memory_space<vmem>>, vector<16xf32>,
    %swap3A_5 = vector.shape_cast %swap3A_4 : vector<16xf32> to vector<16xf32>
    %swap3A_6 = vector.shape_cast %broadcast_in_dim3A_1 : vector<16xf32> to vector<16xf32>
    tpu.vector_store %arg5[%swap3A], %swap3A_6 {strides = array<i32>} : memref<128xf32, #tpu.memory_space<vmem>>, vector<16xf32>,
    %swap3A_7 = arith.constant 16 : index
    %swap3A_8 = tpu.vector_load %arg5[%swap3A_7] {strides = array<i32>} : memref<128xf32, #tpu.memory_space<vmem>>, vector<16xf32>,
    %swap3A_9 = vector.shape_cast %swap3A_8 : vector<16xf32> to vector<16xf32>
    %swap3A_10 = vector.shape_cast %broadcast_in_dim3A_1 : vector<16xf32> to vector<16xf32>
    tpu.vector_store %arg5[%swap3A_7], %swap3A_10 {strides = array<i32>} : memref<128xf32, #tpu.memory_space<vmem>>, vector<16xf32>,
    %swap3A_11 = arith.constant 32 : index
    %swap3A_12 = tpu.vector_load %arg5[%swap3A_11] {strides = array<i32>} : memref<128xf32, #tpu.memory_space<vmem>>, vector<16xf32>,
    %swap3A_13 = vector.shape_cast %swap3A_12 : vector<16xf32> to vector<16xf32>
    %swap3A_14 = vector.shape_cast %broadcast_in_dim3A_1 : vector<16xf32> to vector<16xf32>
    tpu.vector_store %arg5[%swap3A_11], %swap3A_14 {strides = array<i32>} : memref<128xf32, #tpu.memory_space<vmem>>, vector<16xf32>,
    %swap3A_15 = arith.constant 48 : index
    %swap3A_16 = tpu.vector_load %arg5[%swap3A_15] {strides = array<i32>} : memref<128xf32, #tpu.memory_space<vmem>>, vector<16xf32>,
    %swap3A_17 = vector.shape_cast %swap3A_16 : vector<16xf32> to vector<16xf32>
    %swap3A_18 = vector.shape_cast %broadcast_in_dim3A_1 : vector<16xf32> to vector<16xf32>
    tpu.vector_store %arg5[%swap3A_15], %swap3A_18 {strides = array<i32>} : memref<128xf32, #tpu.memory_space<vmem>>, vector<16xf32>,
    %swap3A_19 = arith.constant 64 : index
    %swap3A_20 = tpu.vector_load %arg5[%swap3A_19] {strides = array<i32>} : memref<128xf32, #tpu.memory_space<vmem>>, vector<16xf32>,
    %swap3A_21 = vector.shape_cast %swap3A_20 : vector<16xf32> to vector<16xf32>
    %swap3A_22 = vector.shape_cast %broadcast_in_dim3A_1 : vector<16xf32> to vector<16xf32>
    tpu.vector_store %arg5[%swap3A_19], %swap3A_22 {strides = array<i32>} : memref<128xf32, #tpu.memory_space<vmem>>, vector<16xf32>,
    %swap3A_23 = arith.constant 80 : index
    %swap3A_24 = tpu.vector_load %arg5[%swap3A_23] {strides = array<i32>} : memref<128xf32, #tpu.memory_space<vmem>>, vector<16xf32>,
    %swap3A_25 = vector.shape_cast %swap3A_24 : vector<16xf32> to vector<16xf32>
    %swap3A_26 = vector.shape_cast %broadcast_in_dim3A_1 : vector<16xf32> to vector<16xf32>
    tpu.vector_store %arg5[%swap3A_23], %swap3A_26 {strides = array<i32>} : memref<128xf32, #tpu.memory_space<vmem>>, vector<16xf32>,
    %swap3A_27 = arith.constant 96 : index
    %swap3A_28 = tpu.vector_load %arg5[%swap3A_27] {strides = array<i32>} : memref<128xf32, #tpu.memory_space<vmem>>, vector<16xf32>,
    %swap3A_29 = vector.shape_cast %swap3A_28 : vector<16xf32> to vector<16xf32>
    %swap3A_30 = vector.shape_cast %broadcast_in_dim3A_1 : vector<16xf32> to vector<16xf32>
    tpu.vector_store %arg5[%swap3A_27], %swap3A_30 {strides = array<i32>} : memref<128xf32, #tpu.memory_space<vmem>>, vector<16xf32>,
    %swap3A_31 = arith.constant 112 : index
    %swap3A_32 = tpu.vector_load %arg5[%swap3A_31] {strides = array<i32>} : memref<128xf32, #tpu.memory_space<vmem>>, vector<16xf32>,
    %swap3A_33 = vector.shape_cast %swap3A_32 : vector<16xf32> to vector<16xf32>
    %swap3A_34 = vector.shape_cast %broadcast_in_dim3A_1 : vector<16xf32> to vector<16xf32>
    tpu.vector_store %arg5[%swap3A_31], %swap3A_34 {strides = array<i32>} : memref<128xf32, #tpu.memory_space<vmem>>, vector<16xf32>,
    %scan3A = arith.constant 0 : i32
    %scan3A_35 = arith.constant 40 : i32
    %scan3A_36 = arith.addi %scan3A, %scan3A_35 : i32
    %scan3A_37 = arith.constant 1 : i32
    scf.for %scan3A_57 = %scan3A to %scan3A_36 step %scan3A_37  : i32 {
      %mul3A_58 = arith.constant 1 : i32
      %mul3A_59 = arith.muli %scan3A_57, %mul3A_58 : i32
      %add3A_60 = arith.constant 0 : i32
      %add3A_61 = arith.addi %add3A_60, %mul3A_59 : i32
      %mul3A_62 = arith.constant 16 : i32
      %mul3A_63 = arith.muli %mul3A_62, %add3A_61 : i32
      %swap3A_64 = arith.index_cast %mul3A_63 : i32 to index
      %swap3A_65 = tpu.vector_load %arg6[%swap3A_64] {strides = array<i32>} : memref<640xf32, #tpu.memory_space<vmem>>, vector<16xf32>,
      %swap3A_66 = vector.shape_cast %swap3A_65 : vector<16xf32> to vector<16xf32>
      %swap3A_67 = vector.shape_cast %broadcast_in_dim3A_3 : vector<16xf32> to vector<16xf32>
      tpu.vector_store %arg6[%swap3A_64], %swap3A_67 {strides = array<i32>} : memref<640xf32, #tpu.memory_space<vmem>>, vector<16xf32>,
    }
    %scan3A_38 = arith.constant 40 : i32
    %mul3A_39 = arith.constant 640 : i32
    %mul3A_40 = arith.muli %arg1, %mul3A_39 : i32
    "tpu.region"() ({
      %run_scoped3A_57 = tpu.sem_alloc : memref<!tpu.dma_semaphore, #tpu.memory_space<semaphore_mem>>
      %dma_start3A = tpu.memref_slice %arg7[%mul3A_40] : memref<10240xf32, #tpu.memory_space<vmem_shared>> -> memref<640xf32, #tpu.memory_space<vmem_shared>>
      %dma_start3A_58 = tpu.memref_slice %arg7[%mul3A_40] : memref<10240xf32, #tpu.memory_space<vmem_shared>> -> memref<640xf32, #tpu.memory_space<vmem_shared>>
      tpu.enqueue_dma source(%arg6 : memref<640xf32, #tpu.memory_space<vmem>>) target(%dma_start3A_58 : memref<640xf32, #tpu.memory_space<vmem_shared>>) target_semaphore(%run_scoped3A_57 : memref<!tpu.dma_semaphore, #tpu.memory_space<semaphore_mem>>)
      %dma_wait3A = tpu.memref_slice %arg7[%mul3A_40] : memref<10240xf32, #tpu.memory_space<vmem_shared>> -> memref<640xf32, #tpu.memory_space<vmem_shared>>
      %dma_wait3A_59 = tpu.memref_slice %arg7[%mul3A_40] : memref<10240xf32, #tpu.memory_space<vmem_shared>> -> memref<640xf32, #tpu.memory_space<vmem_shared>>
      tpu.wait_dma2 semaphore(%run_scoped3A_57 : memref<!tpu.dma_semaphore, #tpu.memory_space<semaphore_mem>>) src(%arg6 : memref<640xf32, #tpu.memory_space<vmem>>) dst(%dma_wait3A_59 : memref<640xf32, #tpu.memory_space<vmem_shared>>)
      tpu.yield
    }) : () -> ()
    %barrier3A = arith.constant 0 : index
    tpu.barrier barrier_id(%barrier3A)
    %run_scoped3A = arith.constant 0 : i32
    "tpu.region"() ({
      %run_scoped3A_57 = tpu.sem_alloc : memref<!tpu.dma_semaphore, #tpu.memory_space<semaphore_mem>>
      %dma_start3A = arith.constant 0 : i32
      %dma_start3A_58 = arith.constant 0 : i32
      %dma_start3A_59 = tpu.memref_slice %arg2[%add3A, %run_scoped3A, %dma_start3A, %dma_start3A_58] : memref<32x2x40x128xi32, #tpu.memory_space<hbm>> -> memref<1x1x40x128xi32, #tpu.memory_space<hbm>>
      %dma_start3A_60 = tpu.memref_squeeze %dma_start3A_59 : memref<1x1x40x128xi32, #tpu.memory_space<hbm>> -> memref<40x128xi32, #tpu.memory_space<hbm>>
      %dma_start3A_61 = arith.constant 0 : i32
      %dma_start3A_62 = arith.constant 0 : i32
      %dma_start3A_63 = tpu.memref_slice %arg2[%add3A, %run_scoped3A, %dma_start3A_61, %dma_start3A_62] : memref<32x2x40x128xi32, #tpu.memory_space<hbm>> -> memref<1x1x40x128xi32, #tpu.memory_space<hbm>>
      %dma_start3A_64 = tpu.memref_squeeze %dma_start3A_63 : memref<1x1x40x128xi32, #tpu.memory_space<hbm>> -> memref<40x128xi32, #tpu.memory_space<hbm>>
      tpu.enqueue_dma source(%dma_start3A_64 : memref<40x128xi32, #tpu.memory_space<hbm>>) target(%arg4 : memref<40x128xi32, #tpu.memory_space<vmem>>) target_semaphore(%run_scoped3A_57 : memref<!tpu.dma_semaphore, #tpu.memory_space<semaphore_mem>>)
      %dma_wait3A = arith.constant 0 : i32
      %dma_wait3A_65 = arith.constant 0 : i32
      %dma_wait3A_66 = tpu.memref_slice %arg2[%add3A, %run_scoped3A, %dma_wait3A, %dma_wait3A_65] : memref<32x2x40x128xi32, #tpu.memory_space<hbm>> -> memref<1x1x40x128xi32, #tpu.memory_space<hbm>>
      %dma_wait3A_67 = tpu.memref_squeeze %dma_wait3A_66 : memref<1x1x40x128xi32, #tpu.memory_space<hbm>> -> memref<40x128xi32, #tpu.memory_space<hbm>>
      %dma_wait3A_68 = arith.constant 0 : i32
      %dma_wait3A_69 = arith.constant 0 : i32
      %dma_wait3A_70 = tpu.memref_slice %arg2[%add3A, %run_scoped3A, %dma_wait3A_68, %dma_wait3A_69] : memref<32x2x40x128xi32, #tpu.memory_space<hbm>> -> memref<1x1x40x128xi32, #tpu.memory_space<hbm>>
      %dma_wait3A_71 = tpu.memref_squeeze %dma_wait3A_70 : memref<1x1x40x128xi32, #tpu.memory_space<hbm>> -> memref<40x128xi32, #tpu.memory_space<hbm>>
      tpu.wait_dma2 semaphore(%run_scoped3A_57 : memref<!tpu.dma_semaphore, #tpu.memory_space<semaphore_mem>>) src(%dma_wait3A_71 : memref<40x128xi32, #tpu.memory_space<hbm>>) dst(%arg4 : memref<40x128xi32, #tpu.memory_space<vmem>>)
      tpu.yield
    }) : () -> ()
    %scan3A_41 = arith.constant 0 : i32
    %scan3A_42 = arith.constant 40 : i32
    %scan3A_43 = arith.addi %scan3A_41, %scan3A_42 : i32
    %scan3A_44 = arith.constant 1 : i32
    scf.for %scan3A_57 = %scan3A_41 to %scan3A_43 step %scan3A_44  : i32 {
      %mul3A_58 = arith.constant 1 : i32
      %mul3A_59 = arith.muli %scan3A_57, %mul3A_58 : i32
      %add3A_60 = arith.constant 0 : i32
      %add3A_61 = arith.addi %add3A_60, %mul3A_59 : i32
      "tpu.region"() ({
        %run_scoped3A_62 = tpu.sem_alloc : memref<!tpu.dma_semaphore, #tpu.memory_space<semaphore_mem>>
        %dma_start3A = arith.constant 0 : i32
        %dma_start3A_63 = tpu.memref_slice %arg4[%add3A_61, %dma_start3A] : memref<40x128xi32, #tpu.memory_space<vmem>> -> memref<1x128xi32, #tpu.memory_space<vmem>>
        %dma_start3A_64 = tpu.memref_squeeze %dma_start3A_63 : memref<1x128xi32, #tpu.memory_space<vmem>> -> memref<128xi32, #tpu.memory_space<vmem>>
        %dma_start3A_65 = arith.constant 0 : i32
        %dma_start3A_66 = tpu.memref_slice %arg7[%dma_start3A_65] : memref<10240xf32, #tpu.memory_space<vmem_shared>> -> memref<10240xf32, #tpu.memory_space<vmem_shared>>
        tpu.enqueue_indirect_dma source(%arg5 : memref<128xf32, #tpu.memory_space<vmem>>) target(%dma_start3A_66 : memref<10240xf32, #tpu.memory_space<vmem_shared>>) offsets(%dma_start3A_64 : memref<128xi32, #tpu.memory_space<vmem>>) semaphore(%run_scoped3A_62 : memref<!tpu.dma_semaphore, #tpu.memory_space<semaphore_mem>>) {add = true}
        %dma_wait3A = arith.constant 0 : i32
        %dma_wait3A_67 = tpu.memref_slice %arg4[%add3A_61, %dma_wait3A] : memref<40x128xi32, #tpu.memory_space<vmem>> -> memref<1x128xi32, #tpu.memory_space<vmem>>
        %dma_wait3A_68 = tpu.memref_squeeze %dma_wait3A_67 : memref<1x128xi32, #tpu.memory_space<vmem>> -> memref<128xi32, #tpu.memory_space<vmem>>
        %dma_wait3A_69 = arith.constant 0 : i32
        %dma_wait3A_70 = tpu.memref_slice %arg7[%dma_wait3A_69] : memref<10240xf32, #tpu.memory_space<vmem_shared>> -> memref<10240xf32, #tpu.memory_space<vmem_shared>>
        tpu.wait_indirect_dma semaphore(%run_scoped3A_62 : memref<!tpu.dma_semaphore, #tpu.memory_space<semaphore_mem>>) src(%arg5 : memref<128xf32, #tpu.memory_space<vmem>>) dst(%dma_wait3A_70 : memref<10240xf32, #tpu.memory_space<vmem_shared>>)
        tpu.yield
      }) : () -> ()
    }
    %scan3A_45 = arith.constant 40 : i32
    %run_scoped3A_46 = arith.constant 1 : i32
    "tpu.region"() ({
      %run_scoped3A_57 = tpu.sem_alloc : memref<!tpu.dma_semaphore, #tpu.memory_space<semaphore_mem>>
      %dma_start3A = arith.constant 0 : i32
      %dma_start3A_58 = arith.constant 0 : i32
      %dma_start3A_59 = tpu.memref_slice %arg2[%add3A, %run_scoped3A_46, %dma_start3A, %dma_start3A_58] : memref<32x2x40x128xi32, #tpu.memory_space<hbm>> -> memref<1x1x40x128xi32, #tpu.memory_space<hbm>>
      %dma_start3A_60 = tpu.memref_squeeze %dma_start3A_59 : memref<1x1x40x128xi32, #tpu.memory_space<hbm>> -> memref<40x128xi32, #tpu.memory_space<hbm>>
      %dma_start3A_61 = arith.constant 0 : i32
      %dma_start3A_62 = arith.constant 0 : i32
      %dma_start3A_63 = tpu.memref_slice %arg2[%add3A, %run_scoped3A_46, %dma_start3A_61, %dma_start3A_62] : memref<32x2x40x128xi32, #tpu.memory_space<hbm>> -> memref<1x1x40x128xi32, #tpu.memory_space<hbm>>
      %dma_start3A_64 = tpu.memref_squeeze %dma_start3A_63 : memref<1x1x40x128xi32, #tpu.memory_space<hbm>> -> memref<40x128xi32, #tpu.memory_space<hbm>>
      tpu.enqueue_dma source(%dma_start3A_64 : memref<40x128xi32, #tpu.memory_space<hbm>>) target(%arg4 : memref<40x128xi32, #tpu.memory_space<vmem>>) target_semaphore(%run_scoped3A_57 : memref<!tpu.dma_semaphore, #tpu.memory_space<semaphore_mem>>)
      %dma_wait3A = arith.constant 0 : i32
      %dma_wait3A_65 = arith.constant 0 : i32
      %dma_wait3A_66 = tpu.memref_slice %arg2[%add3A, %run_scoped3A_46, %dma_wait3A, %dma_wait3A_65] : memref<32x2x40x128xi32, #tpu.memory_space<hbm>> -> memref<1x1x40x128xi32, #tpu.memory_space<hbm>>
      %dma_wait3A_67 = tpu.memref_squeeze %dma_wait3A_66 : memref<1x1x40x128xi32, #tpu.memory_space<hbm>> -> memref<40x128xi32, #tpu.memory_space<hbm>>
      %dma_wait3A_68 = arith.constant 0 : i32
      %dma_wait3A_69 = arith.constant 0 : i32
      %dma_wait3A_70 = tpu.memref_slice %arg2[%add3A, %run_scoped3A_46, %dma_wait3A_68, %dma_wait3A_69] : memref<32x2x40x128xi32, #tpu.memory_space<hbm>> -> memref<1x1x40x128xi32, #tpu.memory_space<hbm>>
      %dma_wait3A_71 = tpu.memref_squeeze %dma_wait3A_70 : memref<1x1x40x128xi32, #tpu.memory_space<hbm>> -> memref<40x128xi32, #tpu.memory_space<hbm>>
      tpu.wait_dma2 semaphore(%run_scoped3A_57 : memref<!tpu.dma_semaphore, #tpu.memory_space<semaphore_mem>>) src(%dma_wait3A_71 : memref<40x128xi32, #tpu.memory_space<hbm>>) dst(%arg4 : memref<40x128xi32, #tpu.memory_space<vmem>>)
      tpu.yield
    }) : () -> ()
    %scan3A_47 = arith.constant 0 : i32
    %scan3A_48 = arith.constant 40 : i32
    %scan3A_49 = arith.addi %scan3A_47, %scan3A_48 : i32
    %scan3A_50 = arith.constant 1 : i32
    scf.for %scan3A_57 = %scan3A_47 to %scan3A_49 step %scan3A_50  : i32 {
      %mul3A_58 = arith.constant 1 : i32
      %mul3A_59 = arith.muli %scan3A_57, %mul3A_58 : i32
      %add3A_60 = arith.constant 0 : i32
      %add3A_61 = arith.addi %add3A_60, %mul3A_59 : i32
      "tpu.region"() ({
        %run_scoped3A_62 = tpu.sem_alloc : memref<!tpu.dma_semaphore, #tpu.memory_space<semaphore_mem>>
        %dma_start3A = arith.constant 0 : i32
        %dma_start3A_63 = tpu.memref_slice %arg4[%add3A_61, %dma_start3A] : memref<40x128xi32, #tpu.memory_space<vmem>> -> memref<1x128xi32, #tpu.memory_space<vmem>>
        %dma_start3A_64 = tpu.memref_squeeze %dma_start3A_63 : memref<1x128xi32, #tpu.memory_space<vmem>> -> memref<128xi32, #tpu.memory_space<vmem>>
        %dma_start3A_65 = arith.constant 0 : i32
        %dma_start3A_66 = tpu.memref_slice %arg7[%dma_start3A_65] : memref<10240xf32, #tpu.memory_space<vmem_shared>> -> memref<10240xf32, #tpu.memory_space<vmem_shared>>
        tpu.enqueue_indirect_dma source(%arg5 : memref<128xf32, #tpu.memory_space<vmem>>) target(%dma_start3A_66 : memref<10240xf32, #tpu.memory_space<vmem_shared>>) offsets(%dma_start3A_64 : memref<128xi32, #tpu.memory_space<vmem>>) semaphore(%run_scoped3A_62 : memref<!tpu.dma_semaphore, #tpu.memory_space<semaphore_mem>>) {add = true}
        %dma_wait3A = arith.constant 0 : i32
        %dma_wait3A_67 = tpu.memref_slice %arg4[%add3A_61, %dma_wait3A] : memref<40x128xi32, #tpu.memory_space<vmem>> -> memref<1x128xi32, #tpu.memory_space<vmem>>
        %dma_wait3A_68 = tpu.memref_squeeze %dma_wait3A_67 : memref<1x128xi32, #tpu.memory_space<vmem>> -> memref<128xi32, #tpu.memory_space<vmem>>
        %dma_wait3A_69 = arith.constant 0 : i32
        %dma_wait3A_70 = tpu.memref_slice %arg7[%dma_wait3A_69] : memref<10240xf32, #tpu.memory_space<vmem_shared>> -> memref<10240xf32, #tpu.memory_space<vmem_shared>>
        tpu.wait_indirect_dma semaphore(%run_scoped3A_62 : memref<!tpu.dma_semaphore, #tpu.memory_space<semaphore_mem>>) src(%arg5 : memref<128xf32, #tpu.memory_space<vmem>>) dst(%dma_wait3A_70 : memref<10240xf32, #tpu.memory_space<vmem_shared>>)
        tpu.yield
      }) : () -> ()
    }
    %scan3A_51 = arith.constant 40 : i32
    %barrier3A_52 = arith.constant 0 : index
    tpu.barrier barrier_id(%barrier3A_52)
    %mul3A_53 = arith.constant 640 : i32
    %mul3A_54 = arith.muli %arg1, %mul3A_53 : i32
    %mul3A_55 = arith.constant 640 : i32
    %mul3A_56 = arith.muli %arg1, %mul3A_55 : i32
    "tpu.region"() ({
      %run_scoped3A_57 = tpu.sem_alloc : memref<!tpu.dma_semaphore, #tpu.memory_space<semaphore_mem>>
      %dma_start3A = tpu.memref_slice %arg3[%arg0, %mul3A_56] : memref<2x10240xf32, #tpu.memory_space<hbm>> -> memref<1x640xf32, #tpu.memory_space<hbm>>
      %dma_start3A_58 = tpu.memref_squeeze %dma_start3A : memref<1x640xf32, #tpu.memory_space<hbm>> -> memref<640xf32, #tpu.memory_space<hbm>>
      %dma_start3A_59 = tpu.memref_slice %arg7[%mul3A_54] : memref<10240xf32, #tpu.memory_space<vmem_shared>> -> memref<640xf32, #tpu.memory_space<vmem_shared>>
      tpu.enqueue_dma source(%dma_start3A_59 : memref<640xf32, #tpu.memory_space<vmem_shared>>) target(%dma_start3A_58 : memref<640xf32, #tpu.memory_space<hbm>>) target_semaphore(%run_scoped3A_57 : memref<!tpu.dma_semaphore, #tpu.memory_space<semaphore_mem>>)
      %dma_wait3A = tpu.memref_slice %arg3[%arg0, %mul3A_56] : memref<2x10240xf32, #tpu.memory_space<hbm>> -> memref<1x640xf32, #tpu.memory_space<hbm>>
      %dma_wait3A_60 = tpu.memref_squeeze %dma_wait3A : memref<1x640xf32, #tpu.memory_space<hbm>> -> memref<640xf32, #tpu.memory_space<hbm>>
      %dma_wait3A_61 = tpu.memref_slice %arg7[%mul3A_54] : memref<10240xf32, #tpu.memory_space<vmem_shared>> -> memref<640xf32, #tpu.memory_space<vmem_shared>>
      tpu.wait_dma2 semaphore(%run_scoped3A_57 : memref<!tpu.dma_semaphore, #tpu.memory_space<semaphore_mem>>) src(%dma_wait3A_61 : memref<640xf32, #tpu.memory_space<vmem_shared>>) dst(%dma_wait3A_60 : memref<640xf32, #tpu.memory_space<hbm>>)
      tpu.yield
    }) : () -> ()
    return
  }
}

#map = affine_map<(d0, d1) -> (0, 0)>
#map1 = affine_map<(d0, d1) -> (0, 0, 0, 0)>
#map2 = affine_map<(d0, d1) -> (0, 0, 0)>
module attributes {stable_mosaic.version = 14 : i64} {
  func.func @_sc_edge_sum(%arg0: i32, %arg1: i32, %arg2: memref<10240x128xf32, #tpu.memory_space<hbm>>, %arg3: memref<32x2x40x128xi32, #tpu.memory_space<hbm>>, %arg4: memref<32x2x40x128xi32, #tpu.memory_space<hbm>>, %arg5: memref<2x10240x128xf32, #tpu.memory_space<hbm>>, %arg6: memref<40x128xi32, #tpu.memory_space<vmem>>, %arg7: memref<40x128xi32, #tpu.memory_space<vmem>>, %arg8: memref<128x128xf32, #tpu.memory_space<vmem>>, %arg9: memref<128x128xf32, #tpu.memory_space<vmem>>, %arg10: memref<10240x128xf32, #tpu.memory_space<vmem_shared>>, %arg11: memref<!tpu.dma_semaphore, #tpu.memory_space<semaphore_mem>>, %arg12: memref<!tpu.dma_semaphore, #tpu.memory_space<semaphore_mem>>, %arg13: memref<!tpu.dma_semaphore, #tpu.memory_space<semaphore_mem>>, %arg14: memref<!tpu.dma_semaphore, #tpu.memory_space<semaphore_mem>>) attributes {dimension_semantics = [#tpu.dimension_semantics<core_parallel>, #tpu.dimension_semantics<subcore_parallel>], iteration_bounds = array<i64: 2, 16>, scalar_prefetch = 0 : i64, scratch_operands = 9 : i64, tpu.core_type = #tpu.core_type<sc_vector_subcore>, window_params = [{transform_indices = #map}, {transform_indices = #map1}, {transform_indices = #map1}, {transform_indices = #map2}]} {
    %mul3A = arith.constant 16 : i32
    %mul3A_0 = arith.muli %arg0, %mul3A : i32
    %add3A = arith.addi %mul3A_0, %arg1 : i32
    %mul3A_1 = arith.constant 640 : i32
    %mul3A_2 = arith.muli %arg1, %mul3A_1 : i32
    %broadcast_in_dim3A = arith.constant 0.000000e+00 : f32
    %broadcast_in_dim3A_3 = vector.broadcast %broadcast_in_dim3A : f32 to vector<16xf32>
    %scan3A = arith.constant 0 : i32
    %scan3A_4 = arith.constant 128 : i32
    %scan3A_5 = arith.addi %scan3A, %scan3A_4 : i32
    %scan3A_6 = arith.constant 1 : i32
    scf.for %scan3A_91 = %scan3A to %scan3A_5 step %scan3A_6  : i32 {
      %mul3A_92 = arith.constant 1 : i32
      %mul3A_93 = arith.muli %scan3A_91, %mul3A_92 : i32
      %add3A_94 = arith.constant 0 : i32
      %add3A_95 = arith.addi %add3A_94, %mul3A_93 : i32
      %swap3A = arith.index_cast %add3A_95 : i32 to index
      %swap3A_96 = arith.constant 0 : index
      %swap3A_97 = tpu.vector_load %arg8[%swap3A, %swap3A_96] {strides = array<i32>} : memref<128x128xf32, #tpu.memory_space<vmem>>, vector<1x16xf32>,
      %swap3A_98 = vector.shape_cast %swap3A_97 : vector<1x16xf32> to vector<16xf32>
      %swap3A_99 = vector.shape_cast %broadcast_in_dim3A_3 : vector<16xf32> to vector<1x16xf32>
      tpu.vector_store %arg8[%swap3A, %swap3A_96], %swap3A_99 {strides = array<i32>} : memref<128x128xf32, #tpu.memory_space<vmem>>, vector<1x16xf32>,
      %swap3A_100 = arith.index_cast %add3A_95 : i32 to index
      %swap3A_101 = arith.constant 16 : index
      %swap3A_102 = tpu.vector_load %arg8[%swap3A_100, %swap3A_101] {strides = array<i32>} : memref<128x128xf32, #tpu.memory_space<vmem>>, vector<1x16xf32>,
      %swap3A_103 = vector.shape_cast %swap3A_102 : vector<1x16xf32> to vector<16xf32>
      %swap3A_104 = vector.shape_cast %broadcast_in_dim3A_3 : vector<16xf32> to vector<1x16xf32>
      tpu.vector_store %arg8[%swap3A_100, %swap3A_101], %swap3A_104 {strides = array<i32>} : memref<128x128xf32, #tpu.memory_space<vmem>>, vector<1x16xf32>,
      %swap3A_105 = arith.index_cast %add3A_95 : i32 to index
      %swap3A_106 = arith.constant 32 : index
      %swap3A_107 = tpu.vector_load %arg8[%swap3A_105, %swap3A_106] {strides = array<i32>} : memref<128x128xf32, #tpu.memory_space<vmem>>, vector<1x16xf32>,
      %swap3A_108 = vector.shape_cast %swap3A_107 : vector<1x16xf32> to vector<16xf32>
      %swap3A_109 = vector.shape_cast %broadcast_in_dim3A_3 : vector<16xf32> to vector<1x16xf32>
      tpu.vector_store %arg8[%swap3A_105, %swap3A_106], %swap3A_109 {strides = array<i32>} : memref<128x128xf32, #tpu.memory_space<vmem>>, vector<1x16xf32>,
      %swap3A_110 = arith.index_cast %add3A_95 : i32 to index
      %swap3A_111 = arith.constant 48 : index
      %swap3A_112 = tpu.vector_load %arg8[%swap3A_110, %swap3A_111] {strides = array<i32>} : memref<128x128xf32, #tpu.memory_space<vmem>>, vector<1x16xf32>,
      %swap3A_113 = vector.shape_cast %swap3A_112 : vector<1x16xf32> to vector<16xf32>
      %swap3A_114 = vector.shape_cast %broadcast_in_dim3A_3 : vector<16xf32> to vector<1x16xf32>
      tpu.vector_store %arg8[%swap3A_110, %swap3A_111], %swap3A_114 {strides = array<i32>} : memref<128x128xf32, #tpu.memory_space<vmem>>, vector<1x16xf32>,
      %swap3A_115 = arith.index_cast %add3A_95 : i32 to index
      %swap3A_116 = arith.constant 64 : index
      %swap3A_117 = tpu.vector_load %arg8[%swap3A_115, %swap3A_116] {strides = array<i32>} : memref<128x128xf32, #tpu.memory_space<vmem>>, vector<1x16xf32>,
      %swap3A_118 = vector.shape_cast %swap3A_117 : vector<1x16xf32> to vector<16xf32>
      %swap3A_119 = vector.shape_cast %broadcast_in_dim3A_3 : vector<16xf32> to vector<1x16xf32>
      tpu.vector_store %arg8[%swap3A_115, %swap3A_116], %swap3A_119 {strides = array<i32>} : memref<128x128xf32, #tpu.memory_space<vmem>>, vector<1x16xf32>,
      %swap3A_120 = arith.index_cast %add3A_95 : i32 to index
      %swap3A_121 = arith.constant 80 : index
      %swap3A_122 = tpu.vector_load %arg8[%swap3A_120, %swap3A_121] {strides = array<i32>} : memref<128x128xf32, #tpu.memory_space<vmem>>, vector<1x16xf32>,
      %swap3A_123 = vector.shape_cast %swap3A_122 : vector<1x16xf32> to vector<16xf32>
      %swap3A_124 = vector.shape_cast %broadcast_in_dim3A_3 : vector<16xf32> to vector<1x16xf32>
      tpu.vector_store %arg8[%swap3A_120, %swap3A_121], %swap3A_124 {strides = array<i32>} : memref<128x128xf32, #tpu.memory_space<vmem>>, vector<1x16xf32>,
      %swap3A_125 = arith.index_cast %add3A_95 : i32 to index
      %swap3A_126 = arith.constant 96 : index
      %swap3A_127 = tpu.vector_load %arg8[%swap3A_125, %swap3A_126] {strides = array<i32>} : memref<128x128xf32, #tpu.memory_space<vmem>>, vector<1x16xf32>,
      %swap3A_128 = vector.shape_cast %swap3A_127 : vector<1x16xf32> to vector<16xf32>
      %swap3A_129 = vector.shape_cast %broadcast_in_dim3A_3 : vector<16xf32> to vector<1x16xf32>
      tpu.vector_store %arg8[%swap3A_125, %swap3A_126], %swap3A_129 {strides = array<i32>} : memref<128x128xf32, #tpu.memory_space<vmem>>, vector<1x16xf32>,
      %swap3A_130 = arith.index_cast %add3A_95 : i32 to index
      %swap3A_131 = arith.constant 112 : index
      %swap3A_132 = tpu.vector_load %arg8[%swap3A_130, %swap3A_131] {strides = array<i32>} : memref<128x128xf32, #tpu.memory_space<vmem>>, vector<1x16xf32>,
      %swap3A_133 = vector.shape_cast %swap3A_132 : vector<1x16xf32> to vector<16xf32>
      %swap3A_134 = vector.shape_cast %broadcast_in_dim3A_3 : vector<16xf32> to vector<1x16xf32>
      tpu.vector_store %arg8[%swap3A_130, %swap3A_131], %swap3A_134 {strides = array<i32>} : memref<128x128xf32, #tpu.memory_space<vmem>>, vector<1x16xf32>,
    }
    %scan3A_7 = arith.constant 128 : i32
    %add3A_8 = arith.constant 0 : i32
    %add3A_9 = arith.addi %mul3A_2, %add3A_8 : i32
    "tpu.region"() ({
      %run_scoped3A_91 = tpu.sem_alloc : memref<!tpu.dma_semaphore, #tpu.memory_space<semaphore_mem>>
      %dma_start3A_92 = arith.constant 0 : i32
      %dma_start3A_93 = tpu.memref_slice %arg10[%add3A_9, %dma_start3A_92] : memref<10240x128xf32, #tpu.memory_space<vmem_shared>> -> memref<128x128xf32, #tpu.memory_space<vmem_shared>>
      %dma_start3A_94 = arith.constant 0 : i32
      %dma_start3A_95 = tpu.memref_slice %arg10[%add3A_9, %dma_start3A_94] : memref<10240x128xf32, #tpu.memory_space<vmem_shared>> -> memref<128x128xf32, #tpu.memory_space<vmem_shared>>
      tpu.enqueue_dma source(%arg8 : memref<128x128xf32, #tpu.memory_space<vmem>>) target(%dma_start3A_95 : memref<128x128xf32, #tpu.memory_space<vmem_shared>>) target_semaphore(%run_scoped3A_91 : memref<!tpu.dma_semaphore, #tpu.memory_space<semaphore_mem>>)
      %dma_wait3A = arith.constant 0 : i32
      %dma_wait3A_96 = tpu.memref_slice %arg10[%add3A_9, %dma_wait3A] : memref<10240x128xf32, #tpu.memory_space<vmem_shared>> -> memref<128x128xf32, #tpu.memory_space<vmem_shared>>
      %dma_wait3A_97 = arith.constant 0 : i32
      %dma_wait3A_98 = tpu.memref_slice %arg10[%add3A_9, %dma_wait3A_97] : memref<10240x128xf32, #tpu.memory_space<vmem_shared>> -> memref<128x128xf32, #tpu.memory_space<vmem_shared>>
      tpu.wait_dma2 semaphore(%run_scoped3A_91 : memref<!tpu.dma_semaphore, #tpu.memory_space<semaphore_mem>>) src(%arg8 : memref<128x128xf32, #tpu.memory_space<vmem>>) dst(%dma_wait3A_98 : memref<128x128xf32, #tpu.memory_space<vmem_shared>>)
      tpu.yield
    }) : () -> ()
    %add3A_10 = arith.constant 128 : i32
    %add3A_11 = arith.addi %mul3A_2, %add3A_10 : i32
    "tpu.region"() ({
      %run_scoped3A_91 = tpu.sem_alloc : memref<!tpu.dma_semaphore, #tpu.memory_space<semaphore_mem>>
      %dma_start3A_92 = arith.constant 0 : i32
      %dma_start3A_93 = tpu.memref_slice %arg10[%add3A_11, %dma_start3A_92] : memref<10240x128xf32, #tpu.memory_space<vmem_shared>> -> memref<128x128xf32, #tpu.memory_space<vmem_shared>>
      %dma_start3A_94 = arith.constant 0 : i32
      %dma_start3A_95 = tpu.memref_slice %arg10[%add3A_11, %dma_start3A_94] : memref<10240x128xf32, #tpu.memory_space<vmem_shared>> -> memref<128x128xf32, #tpu.memory_space<vmem_shared>>
      tpu.enqueue_dma source(%arg8 : memref<128x128xf32, #tpu.memory_space<vmem>>) target(%dma_start3A_95 : memref<128x128xf32, #tpu.memory_space<vmem_shared>>) target_semaphore(%run_scoped3A_91 : memref<!tpu.dma_semaphore, #tpu.memory_space<semaphore_mem>>)
      %dma_wait3A = arith.constant 0 : i32
      %dma_wait3A_96 = tpu.memref_slice %arg10[%add3A_11, %dma_wait3A] : memref<10240x128xf32, #tpu.memory_space<vmem_shared>> -> memref<128x128xf32, #tpu.memory_space<vmem_shared>>
      %dma_wait3A_97 = arith.constant 0 : i32
      %dma_wait3A_98 = tpu.memref_slice %arg10[%add3A_11, %dma_wait3A_97] : memref<10240x128xf32, #tpu.memory_space<vmem_shared>> -> memref<128x128xf32, #tpu.memory_space<vmem_shared>>
      tpu.wait_dma2 semaphore(%run_scoped3A_91 : memref<!tpu.dma_semaphore, #tpu.memory_space<semaphore_mem>>) src(%arg8 : memref<128x128xf32, #tpu.memory_space<vmem>>) dst(%dma_wait3A_98 : memref<128x128xf32, #tpu.memory_space<vmem_shared>>)
      tpu.yield
    }) : () -> ()
    %add3A_12 = arith.constant 256 : i32
    %add3A_13 = arith.addi %mul3A_2, %add3A_12 : i32
    "tpu.region"() ({
      %run_scoped3A_91 = tpu.sem_alloc : memref<!tpu.dma_semaphore, #tpu.memory_space<semaphore_mem>>
      %dma_start3A_92 = arith.constant 0 : i32
      %dma_start3A_93 = tpu.memref_slice %arg10[%add3A_13, %dma_start3A_92] : memref<10240x128xf32, #tpu.memory_space<vmem_shared>> -> memref<128x128xf32, #tpu.memory_space<vmem_shared>>
      %dma_start3A_94 = arith.constant 0 : i32
      %dma_start3A_95 = tpu.memref_slice %arg10[%add3A_13, %dma_start3A_94] : memref<10240x128xf32, #tpu.memory_space<vmem_shared>> -> memref<128x128xf32, #tpu.memory_space<vmem_shared>>
      tpu.enqueue_dma source(%arg8 : memref<128x128xf32, #tpu.memory_space<vmem>>) target(%dma_start3A_95 : memref<128x128xf32, #tpu.memory_space<vmem_shared>>) target_semaphore(%run_scoped3A_91 : memref<!tpu.dma_semaphore, #tpu.memory_space<semaphore_mem>>)
      %dma_wait3A = arith.constant 0 : i32
      %dma_wait3A_96 = tpu.memref_slice %arg10[%add3A_13, %dma_wait3A] : memref<10240x128xf32, #tpu.memory_space<vmem_shared>> -> memref<128x128xf32, #tpu.memory_space<vmem_shared>>
      %dma_wait3A_97 = arith.constant 0 : i32
      %dma_wait3A_98 = tpu.memref_slice %arg10[%add3A_13, %dma_wait3A_97] : memref<10240x128xf32, #tpu.memory_space<vmem_shared>> -> memref<128x128xf32, #tpu.memory_space<vmem_shared>>
      tpu.wait_dma2 semaphore(%run_scoped3A_91 : memref<!tpu.dma_semaphore, #tpu.memory_space<semaphore_mem>>) src(%arg8 : memref<128x128xf32, #tpu.memory_space<vmem>>) dst(%dma_wait3A_98 : memref<128x128xf32, #tpu.memory_space<vmem_shared>>)
      tpu.yield
    }) : () -> ()
    %add3A_14 = arith.constant 384 : i32
    %add3A_15 = arith.addi %mul3A_2, %add3A_14 : i32
    "tpu.region"() ({
      %run_scoped3A_91 = tpu.sem_alloc : memref<!tpu.dma_semaphore, #tpu.memory_space<semaphore_mem>>
      %dma_start3A_92 = arith.constant 0 : i32
      %dma_start3A_93 = tpu.memref_slice %arg10[%add3A_15, %dma_start3A_92] : memref<10240x128xf32, #tpu.memory_space<vmem_shared>> -> memref<128x128xf32, #tpu.memory_space<vmem_shared>>
      %dma_start3A_94 = arith.constant 0 : i32
      %dma_start3A_95 = tpu.memref_slice %arg10[%add3A_15, %dma_start3A_94] : memref<10240x128xf32, #tpu.memory_space<vmem_shared>> -> memref<128x128xf32, #tpu.memory_space<vmem_shared>>
      tpu.enqueue_dma source(%arg8 : memref<128x128xf32, #tpu.memory_space<vmem>>) target(%dma_start3A_95 : memref<128x128xf32, #tpu.memory_space<vmem_shared>>) target_semaphore(%run_scoped3A_91 : memref<!tpu.dma_semaphore, #tpu.memory_space<semaphore_mem>>)
      %dma_wait3A = arith.constant 0 : i32
      %dma_wait3A_96 = tpu.memref_slice %arg10[%add3A_15, %dma_wait3A] : memref<10240x128xf32, #tpu.memory_space<vmem_shared>> -> memref<128x128xf32, #tpu.memory_space<vmem_shared>>
      %dma_wait3A_97 = arith.constant 0 : i32
      %dma_wait3A_98 = tpu.memref_slice %arg10[%add3A_15, %dma_wait3A_97] : memref<10240x128xf32, #tpu.memory_space<vmem_shared>> -> memref<128x128xf32, #tpu.memory_space<vmem_shared>>
      tpu.wait_dma2 semaphore(%run_scoped3A_91 : memref<!tpu.dma_semaphore, #tpu.memory_space<semaphore_mem>>) src(%arg8 : memref<128x128xf32, #tpu.memory_space<vmem>>) dst(%dma_wait3A_98 : memref<128x128xf32, #tpu.memory_space<vmem_shared>>)
      tpu.yield
    }) : () -> ()
    %add3A_16 = arith.constant 512 : i32
    %add3A_17 = arith.addi %mul3A_2, %add3A_16 : i32
    "tpu.region"() ({
      %run_scoped3A_91 = tpu.sem_alloc : memref<!tpu.dma_semaphore, #tpu.memory_space<semaphore_mem>>
      %dma_start3A_92 = arith.constant 0 : i32
      %dma_start3A_93 = tpu.memref_slice %arg10[%add3A_17, %dma_start3A_92] : memref<10240x128xf32, #tpu.memory_space<vmem_shared>> -> memref<128x128xf32, #tpu.memory_space<vmem_shared>>
      %dma_start3A_94 = arith.constant 0 : i32
      %dma_start3A_95 = tpu.memref_slice %arg10[%add3A_17, %dma_start3A_94] : memref<10240x128xf32, #tpu.memory_space<vmem_shared>> -> memref<128x128xf32, #tpu.memory_space<vmem_shared>>
      tpu.enqueue_dma source(%arg8 : memref<128x128xf32, #tpu.memory_space<vmem>>) target(%dma_start3A_95 : memref<128x128xf32, #tpu.memory_space<vmem_shared>>) target_semaphore(%run_scoped3A_91 : memref<!tpu.dma_semaphore, #tpu.memory_space<semaphore_mem>>)
      %dma_wait3A = arith.constant 0 : i32
      %dma_wait3A_96 = tpu.memref_slice %arg10[%add3A_17, %dma_wait3A] : memref<10240x128xf32, #tpu.memory_space<vmem_shared>> -> memref<128x128xf32, #tpu.memory_space<vmem_shared>>
      %dma_wait3A_97 = arith.constant 0 : i32
      %dma_wait3A_98 = tpu.memref_slice %arg10[%add3A_17, %dma_wait3A_97] : memref<10240x128xf32, #tpu.memory_space<vmem_shared>> -> memref<128x128xf32, #tpu.memory_space<vmem_shared>>
      tpu.wait_dma2 semaphore(%run_scoped3A_91 : memref<!tpu.dma_semaphore, #tpu.memory_space<semaphore_mem>>) src(%arg8 : memref<128x128xf32, #tpu.memory_space<vmem>>) dst(%dma_wait3A_98 : memref<128x128xf32, #tpu.memory_space<vmem_shared>>)
      tpu.yield
    }) : () -> ()
    %barrier3A = arith.constant 0 : index
    tpu.barrier barrier_id(%barrier3A)
    %run_scoped3A = arith.constant 0 : i32
    "tpu.region"() ({
      %run_scoped3A_91 = tpu.sem_alloc : memref<!tpu.dma_semaphore, #tpu.memory_space<semaphore_mem>>
      %dma_start3A_92 = arith.constant 0 : i32
      %dma_start3A_93 = arith.constant 0 : i32
      %dma_start3A_94 = tpu.memref_slice %arg3[%add3A, %run_scoped3A, %dma_start3A_92, %dma_start3A_93] : memref<32x2x40x128xi32, #tpu.memory_space<hbm>> -> memref<1x1x40x128xi32, #tpu.memory_space<hbm>>
      %dma_start3A_95 = tpu.memref_squeeze %dma_start3A_94 : memref<1x1x40x128xi32, #tpu.memory_space<hbm>> -> memref<40x128xi32, #tpu.memory_space<hbm>>
      %dma_start3A_96 = arith.constant 0 : i32
      %dma_start3A_97 = arith.constant 0 : i32
      %dma_start3A_98 = tpu.memref_slice %arg3[%add3A, %run_scoped3A, %dma_start3A_96, %dma_start3A_97] : memref<32x2x40x128xi32, #tpu.memory_space<hbm>> -> memref<1x1x40x128xi32, #tpu.memory_space<hbm>>
      %dma_start3A_99 = tpu.memref_squeeze %dma_start3A_98 : memref<1x1x40x128xi32, #tpu.memory_space<hbm>> -> memref<40x128xi32, #tpu.memory_space<hbm>>
      tpu.enqueue_dma source(%dma_start3A_99 : memref<40x128xi32, #tpu.memory_space<hbm>>) target(%arg6 : memref<40x128xi32, #tpu.memory_space<vmem>>) target_semaphore(%run_scoped3A_91 : memref<!tpu.dma_semaphore, #tpu.memory_space<semaphore_mem>>)
      %dma_wait3A = arith.constant 0 : i32
      %dma_wait3A_100 = arith.constant 0 : i32
      %dma_wait3A_101 = tpu.memref_slice %arg3[%add3A, %run_scoped3A, %dma_wait3A, %dma_wait3A_100] : memref<32x2x40x128xi32, #tpu.memory_space<hbm>> -> memref<1x1x40x128xi32, #tpu.memory_space<hbm>>
      %dma_wait3A_102 = tpu.memref_squeeze %dma_wait3A_101 : memref<1x1x40x128xi32, #tpu.memory_space<hbm>> -> memref<40x128xi32, #tpu.memory_space<hbm>>
      %dma_wait3A_103 = arith.constant 0 : i32
      %dma_wait3A_104 = arith.constant 0 : i32
      %dma_wait3A_105 = tpu.memref_slice %arg3[%add3A, %run_scoped3A, %dma_wait3A_103, %dma_wait3A_104] : memref<32x2x40x128xi32, #tpu.memory_space<hbm>> -> memref<1x1x40x128xi32, #tpu.memory_space<hbm>>
      %dma_wait3A_106 = tpu.memref_squeeze %dma_wait3A_105 : memref<1x1x40x128xi32, #tpu.memory_space<hbm>> -> memref<40x128xi32, #tpu.memory_space<hbm>>
      tpu.wait_dma2 semaphore(%run_scoped3A_91 : memref<!tpu.dma_semaphore, #tpu.memory_space<semaphore_mem>>) src(%dma_wait3A_106 : memref<40x128xi32, #tpu.memory_space<hbm>>) dst(%arg6 : memref<40x128xi32, #tpu.memory_space<vmem>>)
      tpu.yield
    }) : () -> ()
    %run_scoped3A_18 = arith.constant 0 : i32
    "tpu.region"() ({
      %run_scoped3A_91 = tpu.sem_alloc : memref<!tpu.dma_semaphore, #tpu.memory_space<semaphore_mem>>
      %dma_start3A_92 = arith.constant 0 : i32
      %dma_start3A_93 = arith.constant 0 : i32
      %dma_start3A_94 = tpu.memref_slice %arg4[%add3A, %run_scoped3A_18, %dma_start3A_92, %dma_start3A_93] : memref<32x2x40x128xi32, #tpu.memory_space<hbm>> -> memref<1x1x40x128xi32, #tpu.memory_space<hbm>>
      %dma_start3A_95 = tpu.memref_squeeze %dma_start3A_94 : memref<1x1x40x128xi32, #tpu.memory_space<hbm>> -> memref<40x128xi32, #tpu.memory_space<hbm>>
      %dma_start3A_96 = arith.constant 0 : i32
      %dma_start3A_97 = arith.constant 0 : i32
      %dma_start3A_98 = tpu.memref_slice %arg4[%add3A, %run_scoped3A_18, %dma_start3A_96, %dma_start3A_97] : memref<32x2x40x128xi32, #tpu.memory_space<hbm>> -> memref<1x1x40x128xi32, #tpu.memory_space<hbm>>
      %dma_start3A_99 = tpu.memref_squeeze %dma_start3A_98 : memref<1x1x40x128xi32, #tpu.memory_space<hbm>> -> memref<40x128xi32, #tpu.memory_space<hbm>>
      tpu.enqueue_dma source(%dma_start3A_99 : memref<40x128xi32, #tpu.memory_space<hbm>>) target(%arg7 : memref<40x128xi32, #tpu.memory_space<vmem>>) target_semaphore(%run_scoped3A_91 : memref<!tpu.dma_semaphore, #tpu.memory_space<semaphore_mem>>)
      %dma_wait3A = arith.constant 0 : i32
      %dma_wait3A_100 = arith.constant 0 : i32
      %dma_wait3A_101 = tpu.memref_slice %arg4[%add3A, %run_scoped3A_18, %dma_wait3A, %dma_wait3A_100] : memref<32x2x40x128xi32, #tpu.memory_space<hbm>> -> memref<1x1x40x128xi32, #tpu.memory_space<hbm>>
      %dma_wait3A_102 = tpu.memref_squeeze %dma_wait3A_101 : memref<1x1x40x128xi32, #tpu.memory_space<hbm>> -> memref<40x128xi32, #tpu.memory_space<hbm>>
      %dma_wait3A_103 = arith.constant 0 : i32
      %dma_wait3A_104 = arith.constant 0 : i32
      %dma_wait3A_105 = tpu.memref_slice %arg4[%add3A, %run_scoped3A_18, %dma_wait3A_103, %dma_wait3A_104] : memref<32x2x40x128xi32, #tpu.memory_space<hbm>> -> memref<1x1x40x128xi32, #tpu.memory_space<hbm>>
      %dma_wait3A_106 = tpu.memref_squeeze %dma_wait3A_105 : memref<1x1x40x128xi32, #tpu.memory_space<hbm>> -> memref<40x128xi32, #tpu.memory_space<hbm>>
      tpu.wait_dma2 semaphore(%run_scoped3A_91 : memref<!tpu.dma_semaphore, #tpu.memory_space<semaphore_mem>>) src(%dma_wait3A_106 : memref<40x128xi32, #tpu.memory_space<hbm>>) dst(%arg7 : memref<40x128xi32, #tpu.memory_space<vmem>>)
      tpu.yield
    }) : () -> ()
    %dma_start3A = arith.constant 0 : i32
    %dma_start3A_19 = arith.constant 0 : i32
    %dma_start3A_20 = arith.constant 0 : i32
    %dma_start3A_21 = tpu.memref_slice %arg8[%dma_start3A_19, %dma_start3A_20] : memref<128x128xf32, #tpu.memory_space<vmem>> -> memref<64x128xf32, #tpu.memory_space<vmem>>
    %dma_start3A_22 = arith.constant 0 : i32
    %dma_start3A_23 = tpu.memref_slice %arg6[%dma_start3A, %dma_start3A_22] : memref<40x128xi32, #tpu.memory_space<vmem>> -> memref<1x64xi32, #tpu.memory_space<vmem>>
    %dma_start3A_24 = tpu.memref_squeeze %dma_start3A_23 : memref<1x64xi32, #tpu.memory_space<vmem>> -> memref<64xi32, #tpu.memory_space<vmem>>
    %dma_start3A_25 = arith.constant 0 : i32
    %dma_start3A_26 = arith.constant 0 : i32
    %dma_start3A_27 = tpu.memref_slice %arg2[%dma_start3A_25, %dma_start3A_26] : memref<10240x128xf32, #tpu.memory_space<hbm>> -> memref<10240x128xf32, #tpu.memory_space<hbm>>
    tpu.enqueue_indirect_dma source(%dma_start3A_27 : memref<10240x128xf32, #tpu.memory_space<hbm>>) target(%dma_start3A_21 : memref<64x128xf32, #tpu.memory_space<vmem>>) offsets(%dma_start3A_24 : memref<64xi32, #tpu.memory_space<vmem>>) semaphore(%arg11 : memref<!tpu.dma_semaphore, #tpu.memory_space<semaphore_mem>>)
    %dma_start3A_28 = arith.constant 0 : i32
    %dma_start3A_29 = arith.constant 64 : i32
    %dma_start3A_30 = arith.constant 0 : i32
    %dma_start3A_31 = tpu.memref_slice %arg8[%dma_start3A_29, %dma_start3A_30] : memref<128x128xf32, #tpu.memory_space<vmem>> -> memref<64x128xf32, #tpu.memory_space<vmem>>
    %dma_start3A_32 = arith.constant 64 : i32
    %dma_start3A_33 = tpu.memref_slice %arg6[%dma_start3A_28, %dma_start3A_32] : memref<40x128xi32, #tpu.memory_space<vmem>> -> memref<1x64xi32, #tpu.memory_space<vmem>>
    %dma_start3A_34 = tpu.memref_squeeze %dma_start3A_33 : memref<1x64xi32, #tpu.memory_space<vmem>> -> memref<64xi32, #tpu.memory_space<vmem>>
    %dma_start3A_35 = arith.constant 0 : i32
    %dma_start3A_36 = arith.constant 0 : i32
    %dma_start3A_37 = tpu.memref_slice %arg2[%dma_start3A_35, %dma_start3A_36] : memref<10240x128xf32, #tpu.memory_space<hbm>> -> memref<10240x128xf32, #tpu.memory_space<hbm>>
    tpu.enqueue_indirect_dma source(%dma_start3A_37 : memref<10240x128xf32, #tpu.memory_space<hbm>>) target(%dma_start3A_31 : memref<64x128xf32, #tpu.memory_space<vmem>>) offsets(%dma_start3A_34 : memref<64xi32, #tpu.memory_space<vmem>>) semaphore(%arg12 : memref<!tpu.dma_semaphore, #tpu.memory_space<semaphore_mem>>)
    %scan3A_38 = arith.constant 0 : i32
    %scan3A_39 = arith.constant 20 : i32
    %scan3A_40 = arith.addi %scan3A_38, %scan3A_39 : i32
    %scan3A_41 = arith.constant 1 : i32
    scf.for %scan3A_91 = %scan3A_38 to %scan3A_40 step %scan3A_41  : i32 {
      %mul3A_92 = arith.constant 1 : i32
      %mul3A_93 = arith.muli %scan3A_91, %mul3A_92 : i32
      %add3A_94 = arith.constant 0 : i32
      %add3A_95 = arith.addi %add3A_94, %mul3A_93 : i32
      %mul3A_96 = arith.constant 2 : i32
      %mul3A_97 = arith.muli %add3A_95, %mul3A_96 : i32
      %dma_wait3A = arith.constant 0 : i32
      %dma_wait3A_98 = arith.constant 0 : i32
      %dma_wait3A_99 = tpu.memref_slice %arg8[%dma_wait3A, %dma_wait3A_98] : memref<128x128xf32, #tpu.memory_space<vmem>> -> memref<64x128xf32, #tpu.memory_space<vmem>>
      %dma_wait3A_100 = arith.constant 0 : i32
      %dma_wait3A_101 = tpu.memref_slice %arg6[%mul3A_97, %dma_wait3A_100] : memref<40x128xi32, #tpu.memory_space<vmem>> -> memref<1x64xi32, #tpu.memory_space<vmem>>
      %dma_wait3A_102 = tpu.memref_squeeze %dma_wait3A_101 : memref<1x64xi32, #tpu.memory_space<vmem>> -> memref<64xi32, #tpu.memory_space<vmem>>
      %dma_wait3A_103 = arith.constant 0 : i32
      %dma_wait3A_104 = arith.constant 0 : i32
      %dma_wait3A_105 = tpu.memref_slice %arg2[%dma_wait3A_103, %dma_wait3A_104] : memref<10240x128xf32, #tpu.memory_space<hbm>> -> memref<10240x128xf32, #tpu.memory_space<hbm>>
      tpu.wait_indirect_dma semaphore(%arg11 : memref<!tpu.dma_semaphore, #tpu.memory_space<semaphore_mem>>) src(%dma_wait3A_105 : memref<10240x128xf32, #tpu.memory_space<hbm>>) dst(%dma_wait3A_99 : memref<64x128xf32, #tpu.memory_space<vmem>>)
      %dma_wait3A_106 = arith.constant 64 : i32
      %dma_wait3A_107 = arith.constant 0 : i32
      %dma_wait3A_108 = tpu.memref_slice %arg8[%dma_wait3A_106, %dma_wait3A_107] : memref<128x128xf32, #tpu.memory_space<vmem>> -> memref<64x128xf32, #tpu.memory_space<vmem>>
      %dma_wait3A_109 = arith.constant 64 : i32
      %dma_wait3A_110 = tpu.memref_slice %arg6[%mul3A_97, %dma_wait3A_109] : memref<40x128xi32, #tpu.memory_space<vmem>> -> memref<1x64xi32, #tpu.memory_space<vmem>>
      %dma_wait3A_111 = tpu.memref_squeeze %dma_wait3A_110 : memref<1x64xi32, #tpu.memory_space<vmem>> -> memref<64xi32, #tpu.memory_space<vmem>>
      %dma_wait3A_112 = arith.constant 0 : i32
      %dma_wait3A_113 = arith.constant 0 : i32
      %dma_wait3A_114 = tpu.memref_slice %arg2[%dma_wait3A_112, %dma_wait3A_113] : memref<10240x128xf32, #tpu.memory_space<hbm>> -> memref<10240x128xf32, #tpu.memory_space<hbm>>
      tpu.wait_indirect_dma semaphore(%arg12 : memref<!tpu.dma_semaphore, #tpu.memory_space<semaphore_mem>>) src(%dma_wait3A_114 : memref<10240x128xf32, #tpu.memory_space<hbm>>) dst(%dma_wait3A_108 : memref<64x128xf32, #tpu.memory_space<vmem>>)
      %add3A_115 = arith.constant 1 : i32
      %add3A_116 = arith.addi %mul3A_97, %add3A_115 : i32
      %dma_start3A_117 = arith.constant 0 : i32
      %dma_start3A_118 = arith.constant 0 : i32
      %dma_start3A_119 = tpu.memref_slice %arg9[%dma_start3A_117, %dma_start3A_118] : memref<128x128xf32, #tpu.memory_space<vmem>> -> memref<64x128xf32, #tpu.memory_space<vmem>>
      %dma_start3A_120 = arith.constant 0 : i32
      %dma_start3A_121 = tpu.memref_slice %arg6[%add3A_116, %dma_start3A_120] : memref<40x128xi32, #tpu.memory_space<vmem>> -> memref<1x64xi32, #tpu.memory_space<vmem>>
      %dma_start3A_122 = tpu.memref_squeeze %dma_start3A_121 : memref<1x64xi32, #tpu.memory_space<vmem>> -> memref<64xi32, #tpu.memory_space<vmem>>
      %dma_start3A_123 = arith.constant 0 : i32
      %dma_start3A_124 = arith.constant 0 : i32
      %dma_start3A_125 = tpu.memref_slice %arg2[%dma_start3A_123, %dma_start3A_124] : memref<10240x128xf32, #tpu.memory_space<hbm>> -> memref<10240x128xf32, #tpu.memory_space<hbm>>
      tpu.enqueue_indirect_dma source(%dma_start3A_125 : memref<10240x128xf32, #tpu.memory_space<hbm>>) target(%dma_start3A_119 : memref<64x128xf32, #tpu.memory_space<vmem>>) offsets(%dma_start3A_122 : memref<64xi32, #tpu.memory_space<vmem>>) semaphore(%arg13 : memref<!tpu.dma_semaphore, #tpu.memory_space<semaphore_mem>>)
      %dma_start3A_126 = arith.constant 64 : i32
      %dma_start3A_127 = arith.constant 0 : i32
      %dma_start3A_128 = tpu.memref_slice %arg9[%dma_start3A_126, %dma_start3A_127] : memref<128x128xf32, #tpu.memory_space<vmem>> -> memref<64x128xf32, #tpu.memory_space<vmem>>
      %dma_start3A_129 = arith.constant 64 : i32
      %dma_start3A_130 = tpu.memref_slice %arg6[%add3A_116, %dma_start3A_129] : memref<40x128xi32, #tpu.memory_space<vmem>> -> memref<1x64xi32, #tpu.memory_space<vmem>>
      %dma_start3A_131 = tpu.memref_squeeze %dma_start3A_130 : memref<1x64xi32, #tpu.memory_space<vmem>> -> memref<64xi32, #tpu.memory_space<vmem>>
      %dma_start3A_132 = arith.constant 0 : i32
      %dma_start3A_133 = arith.constant 0 : i32
      %dma_start3A_134 = tpu.memref_slice %arg2[%dma_start3A_132, %dma_start3A_133] : memref<10240x128xf32, #tpu.memory_space<hbm>> -> memref<10240x128xf32, #tpu.memory_space<hbm>>
      tpu.enqueue_indirect_dma source(%dma_start3A_134 : memref<10240x128xf32, #tpu.memory_space<hbm>>) target(%dma_start3A_128 : memref<64x128xf32, #tpu.memory_space<vmem>>) offsets(%dma_start3A_131 : memref<64xi32, #tpu.memory_space<vmem>>) semaphore(%arg14 : memref<!tpu.dma_semaphore, #tpu.memory_space<semaphore_mem>>)
      "tpu.region"() ({
        %run_scoped3A_161 = tpu.sem_alloc : memref<!tpu.dma_semaphore, #tpu.memory_space<semaphore_mem>>
        %dma_start3A_162 = arith.constant 0 : i32
        %dma_start3A_163 = tpu.memref_slice %arg7[%mul3A_97, %dma_start3A_162] : memref<40x128xi32, #tpu.memory_space<vmem>> -> memref<1x128xi32, #tpu.memory_space<vmem>>
        %dma_start3A_164 = tpu.memref_squeeze %dma_start3A_163 : memref<1x128xi32, #tpu.memory_space<vmem>> -> memref<128xi32, #tpu.memory_space<vmem>>
        %dma_start3A_165 = arith.constant 0 : i32
        %dma_start3A_166 = arith.constant 0 : i32
        %dma_start3A_167 = tpu.memref_slice %arg10[%dma_start3A_165, %dma_start3A_166] : memref<10240x128xf32, #tpu.memory_space<vmem_shared>> -> memref<10240x128xf32, #tpu.memory_space<vmem_shared>>
        tpu.enqueue_indirect_dma source(%arg8 : memref<128x128xf32, #tpu.memory_space<vmem>>) target(%dma_start3A_167 : memref<10240x128xf32, #tpu.memory_space<vmem_shared>>) offsets(%dma_start3A_164 : memref<128xi32, #tpu.memory_space<vmem>>) semaphore(%run_scoped3A_161 : memref<!tpu.dma_semaphore, #tpu.memory_space<semaphore_mem>>) {add = true}
        %dma_wait3A_168 = arith.constant 0 : i32
        %dma_wait3A_169 = tpu.memref_slice %arg7[%mul3A_97, %dma_wait3A_168] : memref<40x128xi32, #tpu.memory_space<vmem>> -> memref<1x128xi32, #tpu.memory_space<vmem>>
        %dma_wait3A_170 = tpu.memref_squeeze %dma_wait3A_169 : memref<1x128xi32, #tpu.memory_space<vmem>> -> memref<128xi32, #tpu.memory_space<vmem>>
        %dma_wait3A_171 = arith.constant 0 : i32
        %dma_wait3A_172 = arith.constant 0 : i32
        %dma_wait3A_173 = tpu.memref_slice %arg10[%dma_wait3A_171, %dma_wait3A_172] : memref<10240x128xf32, #tpu.memory_space<vmem_shared>> -> memref<10240x128xf32, #tpu.memory_space<vmem_shared>>
        tpu.wait_indirect_dma semaphore(%run_scoped3A_161 : memref<!tpu.dma_semaphore, #tpu.memory_space<semaphore_mem>>) src(%arg8 : memref<128x128xf32, #tpu.memory_space<vmem>>) dst(%dma_wait3A_173 : memref<10240x128xf32, #tpu.memory_space<vmem_shared>>)
        tpu.yield
      }) : () -> ()
      %add3A_135 = arith.constant 1 : i32
      %add3A_136 = arith.addi %mul3A_97, %add3A_135 : i32
      %dma_wait3A_137 = arith.constant 0 : i32
      %dma_wait3A_138 = arith.constant 0 : i32
      %dma_wait3A_139 = tpu.memref_slice %arg9[%dma_wait3A_137, %dma_wait3A_138] : memref<128x128xf32, #tpu.memory_space<vmem>> -> memref<64x128xf32, #tpu.memory_space<vmem>>
      %dma_wait3A_140 = arith.constant 0 : i32
      %dma_wait3A_141 = tpu.memref_slice %arg6[%add3A_136, %dma_wait3A_140] : memref<40x128xi32, #tpu.memory_space<vmem>> -> memref<1x64xi32, #tpu.memory_space<vmem>>
      %dma_wait3A_142 = tpu.memref_squeeze %dma_wait3A_141 : memref<1x64xi32, #tpu.memory_space<vmem>> -> memref<64xi32, #tpu.memory_space<vmem>>
      %dma_wait3A_143 = arith.constant 0 : i32
      %dma_wait3A_144 = arith.constant 0 : i32
      %dma_wait3A_145 = tpu.memref_slice %arg2[%dma_wait3A_143, %dma_wait3A_144] : memref<10240x128xf32, #tpu.memory_space<hbm>> -> memref<10240x128xf32, #tpu.memory_space<hbm>>
      tpu.wait_indirect_dma semaphore(%arg13 : memref<!tpu.dma_semaphore, #tpu.memory_space<semaphore_mem>>) src(%dma_wait3A_145 : memref<10240x128xf32, #tpu.memory_space<hbm>>) dst(%dma_wait3A_139 : memref<64x128xf32, #tpu.memory_space<vmem>>)
      %dma_wait3A_146 = arith.constant 64 : i32
      %dma_wait3A_147 = arith.constant 0 : i32
      %dma_wait3A_148 = tpu.memref_slice %arg9[%dma_wait3A_146, %dma_wait3A_147] : memref<128x128xf32, #tpu.memory_space<vmem>> -> memref<64x128xf32, #tpu.memory_space<vmem>>
      %dma_wait3A_149 = arith.constant 64 : i32
      %dma_wait3A_150 = tpu.memref_slice %arg6[%add3A_136, %dma_wait3A_149] : memref<40x128xi32, #tpu.memory_space<vmem>> -> memref<1x64xi32, #tpu.memory_space<vmem>>
      %dma_wait3A_151 = tpu.memref_squeeze %dma_wait3A_150 : memref<1x64xi32, #tpu.memory_space<vmem>> -> memref<64xi32, #tpu.memory_space<vmem>>
      %dma_wait3A_152 = arith.constant 0 : i32
      %dma_wait3A_153 = arith.constant 0 : i32
      %dma_wait3A_154 = tpu.memref_slice %arg2[%dma_wait3A_152, %dma_wait3A_153] : memref<10240x128xf32, #tpu.memory_space<hbm>> -> memref<10240x128xf32, #tpu.memory_space<hbm>>
      tpu.wait_indirect_dma semaphore(%arg14 : memref<!tpu.dma_semaphore, #tpu.memory_space<semaphore_mem>>) src(%dma_wait3A_154 : memref<10240x128xf32, #tpu.memory_space<hbm>>) dst(%dma_wait3A_148 : memref<64x128xf32, #tpu.memory_space<vmem>>)
      %add3A_155 = arith.constant 2 : i32
      %add3A_156 = arith.addi %mul3A_97, %add3A_155 : i32
      %lt3A = arith.constant 40 : i32
      %lt3A_157 = arith.cmpi slt, %add3A_156, %lt3A : i32
      %convert_element_type3A = arith.extui %lt3A_157 : i1 to i32
      %cond3A = arith.constant 0 : i32
      %cond3A_158 = arith.cmpi ne, %convert_element_type3A, %cond3A : i32
      scf.if %cond3A_158 {
        %add3A_161 = arith.constant 2 : i32
        %add3A_162 = arith.addi %mul3A_97, %add3A_161 : i32
        %dma_start3A_163 = arith.constant 0 : i32
        %dma_start3A_164 = arith.constant 0 : i32
        %dma_start3A_165 = tpu.memref_slice %arg8[%dma_start3A_163, %dma_start3A_164] : memref<128x128xf32, #tpu.memory_space<vmem>> -> memref<64x128xf32, #tpu.memory_space<vmem>>
        %dma_start3A_166 = arith.constant 0 : i32
        %dma_start3A_167 = tpu.memref_slice %arg6[%add3A_162, %dma_start3A_166] : memref<40x128xi32, #tpu.memory_space<vmem>> -> memref<1x64xi32, #tpu.memory_space<vmem>>
        %dma_start3A_168 = tpu.memref_squeeze %dma_start3A_167 : memref<1x64xi32, #tpu.memory_space<vmem>> -> memref<64xi32, #tpu.memory_space<vmem>>
        %dma_start3A_169 = arith.constant 0 : i32
        %dma_start3A_170 = arith.constant 0 : i32
        %dma_start3A_171 = tpu.memref_slice %arg2[%dma_start3A_169, %dma_start3A_170] : memref<10240x128xf32, #tpu.memory_space<hbm>> -> memref<10240x128xf32, #tpu.memory_space<hbm>>
        tpu.enqueue_indirect_dma source(%dma_start3A_171 : memref<10240x128xf32, #tpu.memory_space<hbm>>) target(%dma_start3A_165 : memref<64x128xf32, #tpu.memory_space<vmem>>) offsets(%dma_start3A_168 : memref<64xi32, #tpu.memory_space<vmem>>) semaphore(%arg11 : memref<!tpu.dma_semaphore, #tpu.memory_space<semaphore_mem>>)
        %dma_start3A_172 = arith.constant 64 : i32
        %dma_start3A_173 = arith.constant 0 : i32
        %dma_start3A_174 = tpu.memref_slice %arg8[%dma_start3A_172, %dma_start3A_173] : memref<128x128xf32, #tpu.memory_space<vmem>> -> memref<64x128xf32, #tpu.memory_space<vmem>>
        %dma_start3A_175 = arith.constant 64 : i32
        %dma_start3A_176 = tpu.memref_slice %arg6[%add3A_162, %dma_start3A_175] : memref<40x128xi32, #tpu.memory_space<vmem>> -> memref<1x64xi32, #tpu.memory_space<vmem>>
        %dma_start3A_177 = tpu.memref_squeeze %dma_start3A_176 : memref<1x64xi32, #tpu.memory_space<vmem>> -> memref<64xi32, #tpu.memory_space<vmem>>
        %dma_start3A_178 = arith.constant 0 : i32
        %dma_start3A_179 = arith.constant 0 : i32
        %dma_start3A_180 = tpu.memref_slice %arg2[%dma_start3A_178, %dma_start3A_179] : memref<10240x128xf32, #tpu.memory_space<hbm>> -> memref<10240x128xf32, #tpu.memory_space<hbm>>
        tpu.enqueue_indirect_dma source(%dma_start3A_180 : memref<10240x128xf32, #tpu.memory_space<hbm>>) target(%dma_start3A_174 : memref<64x128xf32, #tpu.memory_space<vmem>>) offsets(%dma_start3A_177 : memref<64xi32, #tpu.memory_space<vmem>>) semaphore(%arg12 : memref<!tpu.dma_semaphore, #tpu.memory_space<semaphore_mem>>)
      } else {
      }
      %add3A_159 = arith.constant 1 : i32
      %add3A_160 = arith.addi %mul3A_97, %add3A_159 : i32
      "tpu.region"() ({
        %run_scoped3A_161 = tpu.sem_alloc : memref<!tpu.dma_semaphore, #tpu.memory_space<semaphore_mem>>
        %dma_start3A_162 = arith.constant 0 : i32
        %dma_start3A_163 = tpu.memref_slice %arg7[%add3A_160, %dma_start3A_162] : memref<40x128xi32, #tpu.memory_space<vmem>> -> memref<1x128xi32, #tpu.memory_space<vmem>>
        %dma_start3A_164 = tpu.memref_squeeze %dma_start3A_163 : memref<1x128xi32, #tpu.memory_space<vmem>> -> memref<128xi32, #tpu.memory_space<vmem>>
        %dma_start3A_165 = arith.constant 0 : i32
        %dma_start3A_166 = arith.constant 0 : i32
        %dma_start3A_167 = tpu.memref_slice %arg10[%dma_start3A_165, %dma_start3A_166] : memref<10240x128xf32, #tpu.memory_space<vmem_shared>> -> memref<10240x128xf32, #tpu.memory_space<vmem_shared>>
        tpu.enqueue_indirect_dma source(%arg9 : memref<128x128xf32, #tpu.memory_space<vmem>>) target(%dma_start3A_167 : memref<10240x128xf32, #tpu.memory_space<vmem_shared>>) offsets(%dma_start3A_164 : memref<128xi32, #tpu.memory_space<vmem>>) semaphore(%run_scoped3A_161 : memref<!tpu.dma_semaphore, #tpu.memory_space<semaphore_mem>>) {add = true}
        %dma_wait3A_168 = arith.constant 0 : i32
        %dma_wait3A_169 = tpu.memref_slice %arg7[%add3A_160, %dma_wait3A_168] : memref<40x128xi32, #tpu.memory_space<vmem>> -> memref<1x128xi32, #tpu.memory_space<vmem>>
        %dma_wait3A_170 = tpu.memref_squeeze %dma_wait3A_169 : memref<1x128xi32, #tpu.memory_space<vmem>> -> memref<128xi32, #tpu.memory_space<vmem>>
        %dma_wait3A_171 = arith.constant 0 : i32
        %dma_wait3A_172 = arith.constant 0 : i32
        %dma_wait3A_173 = tpu.memref_slice %arg10[%dma_wait3A_171, %dma_wait3A_172] : memref<10240x128xf32, #tpu.memory_space<vmem_shared>> -> memref<10240x128xf32, #tpu.memory_space<vmem_shared>>
        tpu.wait_indirect_dma semaphore(%run_scoped3A_161 : memref<!tpu.dma_semaphore, #tpu.memory_space<semaphore_mem>>) src(%arg9 : memref<128x128xf32, #tpu.memory_space<vmem>>) dst(%dma_wait3A_173 : memref<10240x128xf32, #tpu.memory_space<vmem_shared>>)
        tpu.yield
      }) : () -> ()
    }
    %scan3A_42 = arith.constant 20 : i32
    %run_scoped3A_43 = arith.constant 1 : i32
    "tpu.region"() ({
      %run_scoped3A_91 = tpu.sem_alloc : memref<!tpu.dma_semaphore, #tpu.memory_space<semaphore_mem>>
      %dma_start3A_92 = arith.constant 0 : i32
      %dma_start3A_93 = arith.constant 0 : i32
      %dma_start3A_94 = tpu.memref_slice %arg3[%add3A, %run_scoped3A_43, %dma_start3A_92, %dma_start3A_93] : memref<32x2x40x128xi32, #tpu.memory_space<hbm>> -> memref<1x1x40x128xi32, #tpu.memory_space<hbm>>
      %dma_start3A_95 = tpu.memref_squeeze %dma_start3A_94 : memref<1x1x40x128xi32, #tpu.memory_space<hbm>> -> memref<40x128xi32, #tpu.memory_space<hbm>>
      %dma_start3A_96 = arith.constant 0 : i32
      %dma_start3A_97 = arith.constant 0 : i32
      %dma_start3A_98 = tpu.memref_slice %arg3[%add3A, %run_scoped3A_43, %dma_start3A_96, %dma_start3A_97] : memref<32x2x40x128xi32, #tpu.memory_space<hbm>> -> memref<1x1x40x128xi32, #tpu.memory_space<hbm>>
      %dma_start3A_99 = tpu.memref_squeeze %dma_start3A_98 : memref<1x1x40x128xi32, #tpu.memory_space<hbm>> -> memref<40x128xi32, #tpu.memory_space<hbm>>
      tpu.enqueue_dma source(%dma_start3A_99 : memref<40x128xi32, #tpu.memory_space<hbm>>) target(%arg6 : memref<40x128xi32, #tpu.memory_space<vmem>>) target_semaphore(%run_scoped3A_91 : memref<!tpu.dma_semaphore, #tpu.memory_space<semaphore_mem>>)
      %dma_wait3A = arith.constant 0 : i32
      %dma_wait3A_100 = arith.constant 0 : i32
      %dma_wait3A_101 = tpu.memref_slice %arg3[%add3A, %run_scoped3A_43, %dma_wait3A, %dma_wait3A_100] : memref<32x2x40x128xi32, #tpu.memory_space<hbm>> -> memref<1x1x40x128xi32, #tpu.memory_space<hbm>>
      %dma_wait3A_102 = tpu.memref_squeeze %dma_wait3A_101 : memref<1x1x40x128xi32, #tpu.memory_space<hbm>> -> memref<40x128xi32, #tpu.memory_space<hbm>>
      %dma_wait3A_103 = arith.constant 0 : i32
      %dma_wait3A_104 = arith.constant 0 : i32
      %dma_wait3A_105 = tpu.memref_slice %arg3[%add3A, %run_scoped3A_43, %dma_wait3A_103, %dma_wait3A_104] : memref<32x2x40x128xi32, #tpu.memory_space<hbm>> -> memref<1x1x40x128xi32, #tpu.memory_space<hbm>>
      %dma_wait3A_106 = tpu.memref_squeeze %dma_wait3A_105 : memref<1x1x40x128xi32, #tpu.memory_space<hbm>> -> memref<40x128xi32, #tpu.memory_space<hbm>>
      tpu.wait_dma2 semaphore(%run_scoped3A_91 : memref<!tpu.dma_semaphore, #tpu.memory_space<semaphore_mem>>) src(%dma_wait3A_106 : memref<40x128xi32, #tpu.memory_space<hbm>>) dst(%arg6 : memref<40x128xi32, #tpu.memory_space<vmem>>)
      tpu.yield
    }) : () -> ()
    %run_scoped3A_44 = arith.constant 1 : i32
    "tpu.region"() ({
      %run_scoped3A_91 = tpu.sem_alloc : memref<!tpu.dma_semaphore, #tpu.memory_space<semaphore_mem>>
      %dma_start3A_92 = arith.constant 0 : i32
      %dma_start3A_93 = arith.constant 0 : i32
      %dma_start3A_94 = tpu.memref_slice %arg4[%add3A, %run_scoped3A_44, %dma_start3A_92, %dma_start3A_93] : memref<32x2x40x128xi32, #tpu.memory_space<hbm>> -> memref<1x1x40x128xi32, #tpu.memory_space<hbm>>
      %dma_start3A_95 = tpu.memref_squeeze %dma_start3A_94 : memref<1x1x40x128xi32, #tpu.memory_space<hbm>> -> memref<40x128xi32, #tpu.memory_space<hbm>>
      %dma_start3A_96 = arith.constant 0 : i32
      %dma_start3A_97 = arith.constant 0 : i32
      %dma_start3A_98 = tpu.memref_slice %arg4[%add3A, %run_scoped3A_44, %dma_start3A_96, %dma_start3A_97] : memref<32x2x40x128xi32, #tpu.memory_space<hbm>> -> memref<1x1x40x128xi32, #tpu.memory_space<hbm>>
      %dma_start3A_99 = tpu.memref_squeeze %dma_start3A_98 : memref<1x1x40x128xi32, #tpu.memory_space<hbm>> -> memref<40x128xi32, #tpu.memory_space<hbm>>
      tpu.enqueue_dma source(%dma_start3A_99 : memref<40x128xi32, #tpu.memory_space<hbm>>) target(%arg7 : memref<40x128xi32, #tpu.memory_space<vmem>>) target_semaphore(%run_scoped3A_91 : memref<!tpu.dma_semaphore, #tpu.memory_space<semaphore_mem>>)
      %dma_wait3A = arith.constant 0 : i32
      %dma_wait3A_100 = arith.constant 0 : i32
      %dma_wait3A_101 = tpu.memref_slice %arg4[%add3A, %run_scoped3A_44, %dma_wait3A, %dma_wait3A_100] : memref<32x2x40x128xi32, #tpu.memory_space<hbm>> -> memref<1x1x40x128xi32, #tpu.memory_space<hbm>>
      %dma_wait3A_102 = tpu.memref_squeeze %dma_wait3A_101 : memref<1x1x40x128xi32, #tpu.memory_space<hbm>> -> memref<40x128xi32, #tpu.memory_space<hbm>>
      %dma_wait3A_103 = arith.constant 0 : i32
      %dma_wait3A_104 = arith.constant 0 : i32
      %dma_wait3A_105 = tpu.memref_slice %arg4[%add3A, %run_scoped3A_44, %dma_wait3A_103, %dma_wait3A_104] : memref<32x2x40x128xi32, #tpu.memory_space<hbm>> -> memref<1x1x40x128xi32, #tpu.memory_space<hbm>>
      %dma_wait3A_106 = tpu.memref_squeeze %dma_wait3A_105 : memref<1x1x40x128xi32, #tpu.memory_space<hbm>> -> memref<40x128xi32, #tpu.memory_space<hbm>>
      tpu.wait_dma2 semaphore(%run_scoped3A_91 : memref<!tpu.dma_semaphore, #tpu.memory_space<semaphore_mem>>) src(%dma_wait3A_106 : memref<40x128xi32, #tpu.memory_space<hbm>>) dst(%arg7 : memref<40x128xi32, #tpu.memory_space<vmem>>)
      tpu.yield
    }) : () -> ()
    %dma_start3A_45 = arith.constant 0 : i32
    %dma_start3A_46 = arith.constant 0 : i32
    %dma_start3A_47 = arith.constant 0 : i32
    %dma_start3A_48 = tpu.memref_slice %arg8[%dma_start3A_46, %dma_start3A_47] : memref<128x128xf32, #tpu.memory_space<vmem>> -> memref<64x128xf32, #tpu.memory_space<vmem>>
    %dma_start3A_49 = arith.constant 0 : i32
    %dma_start3A_50 = tpu.memref_slice %arg6[%dma_start3A_45, %dma_start3A_49] : memref<40x128xi32, #tpu.memory_space<vmem>> -> memref<1x64xi32, #tpu.memory_space<vmem>>
    %dma_start3A_51 = tpu.memref_squeeze %dma_start3A_50 : memref<1x64xi32, #tpu.memory_space<vmem>> -> memref<64xi32, #tpu.memory_space<vmem>>
    %dma_start3A_52 = arith.constant 0 : i32
    %dma_start3A_53 = arith.constant 0 : i32
    %dma_start3A_54 = tpu.memref_slice %arg2[%dma_start3A_52, %dma_start3A_53] : memref<10240x128xf32, #tpu.memory_space<hbm>> -> memref<10240x128xf32, #tpu.memory_space<hbm>>
    tpu.enqueue_indirect_dma source(%dma_start3A_54 : memref<10240x128xf32, #tpu.memory_space<hbm>>) target(%dma_start3A_48 : memref<64x128xf32, #tpu.memory_space<vmem>>) offsets(%dma_start3A_51 : memref<64xi32, #tpu.memory_space<vmem>>) semaphore(%arg11 : memref<!tpu.dma_semaphore, #tpu.memory_space<semaphore_mem>>)
    %dma_start3A_55 = arith.constant 0 : i32
    %dma_start3A_56 = arith.constant 64 : i32
    %dma_start3A_57 = arith.constant 0 : i32
    %dma_start3A_58 = tpu.memref_slice %arg8[%dma_start3A_56, %dma_start3A_57] : memref<128x128xf32, #tpu.memory_space<vmem>> -> memref<64x128xf32, #tpu.memory_space<vmem>>
    %dma_start3A_59 = arith.constant 64 : i32
    %dma_start3A_60 = tpu.memref_slice %arg6[%dma_start3A_55, %dma_start3A_59] : memref<40x128xi32, #tpu.memory_space<vmem>> -> memref<1x64xi32, #tpu.memory_space<vmem>>
    %dma_start3A_61 = tpu.memref_squeeze %dma_start3A_60 : memref<1x64xi32, #tpu.memory_space<vmem>> -> memref<64xi32, #tpu.memory_space<vmem>>
    %dma_start3A_62 = arith.constant 0 : i32
    %dma_start3A_63 = arith.constant 0 : i32
    %dma_start3A_64 = tpu.memref_slice %arg2[%dma_start3A_62, %dma_start3A_63] : memref<10240x128xf32, #tpu.memory_space<hbm>> -> memref<10240x128xf32, #tpu.memory_space<hbm>>
    tpu.enqueue_indirect_dma source(%dma_start3A_64 : memref<10240x128xf32, #tpu.memory_space<hbm>>) target(%dma_start3A_58 : memref<64x128xf32, #tpu.memory_space<vmem>>) offsets(%dma_start3A_61 : memref<64xi32, #tpu.memory_space<vmem>>) semaphore(%arg12 : memref<!tpu.dma_semaphore, #tpu.memory_space<semaphore_mem>>)
    %scan3A_65 = arith.constant 0 : i32
    %scan3A_66 = arith.constant 20 : i32
    %scan3A_67 = arith.addi %scan3A_65, %scan3A_66 : i32
    %scan3A_68 = arith.constant 1 : i32
    scf.for %scan3A_91 = %scan3A_65 to %scan3A_67 step %scan3A_68  : i32 {
      %mul3A_92 = arith.constant 1 : i32
      %mul3A_93 = arith.muli %scan3A_91, %mul3A_92 : i32
      %add3A_94 = arith.constant 0 : i32
      %add3A_95 = arith.addi %add3A_94, %mul3A_93 : i32
      %mul3A_96 = arith.constant 2 : i32
      %mul3A_97 = arith.muli %add3A_95, %mul3A_96 : i32
      %dma_wait3A = arith.constant 0 : i32
      %dma_wait3A_98 = arith.constant 0 : i32
      %dma_wait3A_99 = tpu.memref_slice %arg8[%dma_wait3A, %dma_wait3A_98] : memref<128x128xf32, #tpu.memory_space<vmem>> -> memref<64x128xf32, #tpu.memory_space<vmem>>
      %dma_wait3A_100 = arith.constant 0 : i32
      %dma_wait3A_101 = tpu.memref_slice %arg6[%mul3A_97, %dma_wait3A_100] : memref<40x128xi32, #tpu.memory_space<vmem>> -> memref<1x64xi32, #tpu.memory_space<vmem>>
      %dma_wait3A_102 = tpu.memref_squeeze %dma_wait3A_101 : memref<1x64xi32, #tpu.memory_space<vmem>> -> memref<64xi32, #tpu.memory_space<vmem>>
      %dma_wait3A_103 = arith.constant 0 : i32
      %dma_wait3A_104 = arith.constant 0 : i32
      %dma_wait3A_105 = tpu.memref_slice %arg2[%dma_wait3A_103, %dma_wait3A_104] : memref<10240x128xf32, #tpu.memory_space<hbm>> -> memref<10240x128xf32, #tpu.memory_space<hbm>>
      tpu.wait_indirect_dma semaphore(%arg11 : memref<!tpu.dma_semaphore, #tpu.memory_space<semaphore_mem>>) src(%dma_wait3A_105 : memref<10240x128xf32, #tpu.memory_space<hbm>>) dst(%dma_wait3A_99 : memref<64x128xf32, #tpu.memory_space<vmem>>)
      %dma_wait3A_106 = arith.constant 64 : i32
      %dma_wait3A_107 = arith.constant 0 : i32
      %dma_wait3A_108 = tpu.memref_slice %arg8[%dma_wait3A_106, %dma_wait3A_107] : memref<128x128xf32, #tpu.memory_space<vmem>> -> memref<64x128xf32, #tpu.memory_space<vmem>>
      %dma_wait3A_109 = arith.constant 64 : i32
      %dma_wait3A_110 = tpu.memref_slice %arg6[%mul3A_97, %dma_wait3A_109] : memref<40x128xi32, #tpu.memory_space<vmem>> -> memref<1x64xi32, #tpu.memory_space<vmem>>
      %dma_wait3A_111 = tpu.memref_squeeze %dma_wait3A_110 : memref<1x64xi32, #tpu.memory_space<vmem>> -> memref<64xi32, #tpu.memory_space<vmem>>
      %dma_wait3A_112 = arith.constant 0 : i32
      %dma_wait3A_113 = arith.constant 0 : i32
      %dma_wait3A_114 = tpu.memref_slice %arg2[%dma_wait3A_112, %dma_wait3A_113] : memref<10240x128xf32, #tpu.memory_space<hbm>> -> memref<10240x128xf32, #tpu.memory_space<hbm>>
      tpu.wait_indirect_dma semaphore(%arg12 : memref<!tpu.dma_semaphore, #tpu.memory_space<semaphore_mem>>) src(%dma_wait3A_114 : memref<10240x128xf32, #tpu.memory_space<hbm>>) dst(%dma_wait3A_108 : memref<64x128xf32, #tpu.memory_space<vmem>>)
      %add3A_115 = arith.constant 1 : i32
      %add3A_116 = arith.addi %mul3A_97, %add3A_115 : i32
      %dma_start3A_117 = arith.constant 0 : i32
      %dma_start3A_118 = arith.constant 0 : i32
      %dma_start3A_119 = tpu.memref_slice %arg9[%dma_start3A_117, %dma_start3A_118] : memref<128x128xf32, #tpu.memory_space<vmem>> -> memref<64x128xf32, #tpu.memory_space<vmem>>
      %dma_start3A_120 = arith.constant 0 : i32
      %dma_start3A_121 = tpu.memref_slice %arg6[%add3A_116, %dma_start3A_120] : memref<40x128xi32, #tpu.memory_space<vmem>> -> memref<1x64xi32, #tpu.memory_space<vmem>>
      %dma_start3A_122 = tpu.memref_squeeze %dma_start3A_121 : memref<1x64xi32, #tpu.memory_space<vmem>> -> memref<64xi32, #tpu.memory_space<vmem>>
      %dma_start3A_123 = arith.constant 0 : i32
      %dma_start3A_124 = arith.constant 0 : i32
      %dma_start3A_125 = tpu.memref_slice %arg2[%dma_start3A_123, %dma_start3A_124] : memref<10240x128xf32, #tpu.memory_space<hbm>> -> memref<10240x128xf32, #tpu.memory_space<hbm>>
      tpu.enqueue_indirect_dma source(%dma_start3A_125 : memref<10240x128xf32, #tpu.memory_space<hbm>>) target(%dma_start3A_119 : memref<64x128xf32, #tpu.memory_space<vmem>>) offsets(%dma_start3A_122 : memref<64xi32, #tpu.memory_space<vmem>>) semaphore(%arg13 : memref<!tpu.dma_semaphore, #tpu.memory_space<semaphore_mem>>)
      %dma_start3A_126 = arith.constant 64 : i32
      %dma_start3A_127 = arith.constant 0 : i32
      %dma_start3A_128 = tpu.memref_slice %arg9[%dma_start3A_126, %dma_start3A_127] : memref<128x128xf32, #tpu.memory_space<vmem>> -> memref<64x128xf32, #tpu.memory_space<vmem>>
      %dma_start3A_129 = arith.constant 64 : i32
      %dma_start3A_130 = tpu.memref_slice %arg6[%add3A_116, %dma_start3A_129] : memref<40x128xi32, #tpu.memory_space<vmem>> -> memref<1x64xi32, #tpu.memory_space<vmem>>
      %dma_start3A_131 = tpu.memref_squeeze %dma_start3A_130 : memref<1x64xi32, #tpu.memory_space<vmem>> -> memref<64xi32, #tpu.memory_space<vmem>>
      %dma_start3A_132 = arith.constant 0 : i32
      %dma_start3A_133 = arith.constant 0 : i32
      %dma_start3A_134 = tpu.memref_slice %arg2[%dma_start3A_132, %dma_start3A_133] : memref<10240x128xf32, #tpu.memory_space<hbm>> -> memref<10240x128xf32, #tpu.memory_space<hbm>>
      tpu.enqueue_indirect_dma source(%dma_start3A_134 : memref<10240x128xf32, #tpu.memory_space<hbm>>) target(%dma_start3A_128 : memref<64x128xf32, #tpu.memory_space<vmem>>) offsets(%dma_start3A_131 : memref<64xi32, #tpu.memory_space<vmem>>) semaphore(%arg14 : memref<!tpu.dma_semaphore, #tpu.memory_space<semaphore_mem>>)
      "tpu.region"() ({
        %run_scoped3A_161 = tpu.sem_alloc : memref<!tpu.dma_semaphore, #tpu.memory_space<semaphore_mem>>
        %dma_start3A_162 = arith.constant 0 : i32
        %dma_start3A_163 = tpu.memref_slice %arg7[%mul3A_97, %dma_start3A_162] : memref<40x128xi32, #tpu.memory_space<vmem>> -> memref<1x128xi32, #tpu.memory_space<vmem>>
        %dma_start3A_164 = tpu.memref_squeeze %dma_start3A_163 : memref<1x128xi32, #tpu.memory_space<vmem>> -> memref<128xi32, #tpu.memory_space<vmem>>
        %dma_start3A_165 = arith.constant 0 : i32
        %dma_start3A_166 = arith.constant 0 : i32
        %dma_start3A_167 = tpu.memref_slice %arg10[%dma_start3A_165, %dma_start3A_166] : memref<10240x128xf32, #tpu.memory_space<vmem_shared>> -> memref<10240x128xf32, #tpu.memory_space<vmem_shared>>
        tpu.enqueue_indirect_dma source(%arg8 : memref<128x128xf32, #tpu.memory_space<vmem>>) target(%dma_start3A_167 : memref<10240x128xf32, #tpu.memory_space<vmem_shared>>) offsets(%dma_start3A_164 : memref<128xi32, #tpu.memory_space<vmem>>) semaphore(%run_scoped3A_161 : memref<!tpu.dma_semaphore, #tpu.memory_space<semaphore_mem>>) {add = true}
        %dma_wait3A_168 = arith.constant 0 : i32
        %dma_wait3A_169 = tpu.memref_slice %arg7[%mul3A_97, %dma_wait3A_168] : memref<40x128xi32, #tpu.memory_space<vmem>> -> memref<1x128xi32, #tpu.memory_space<vmem>>
        %dma_wait3A_170 = tpu.memref_squeeze %dma_wait3A_169 : memref<1x128xi32, #tpu.memory_space<vmem>> -> memref<128xi32, #tpu.memory_space<vmem>>
        %dma_wait3A_171 = arith.constant 0 : i32
        %dma_wait3A_172 = arith.constant 0 : i32
        %dma_wait3A_173 = tpu.memref_slice %arg10[%dma_wait3A_171, %dma_wait3A_172] : memref<10240x128xf32, #tpu.memory_space<vmem_shared>> -> memref<10240x128xf32, #tpu.memory_space<vmem_shared>>
        tpu.wait_indirect_dma semaphore(%run_scoped3A_161 : memref<!tpu.dma_semaphore, #tpu.memory_space<semaphore_mem>>) src(%arg8 : memref<128x128xf32, #tpu.memory_space<vmem>>) dst(%dma_wait3A_173 : memref<10240x128xf32, #tpu.memory_space<vmem_shared>>)
        tpu.yield
      }) : () -> ()
      %add3A_135 = arith.constant 1 : i32
      %add3A_136 = arith.addi %mul3A_97, %add3A_135 : i32
      %dma_wait3A_137 = arith.constant 0 : i32
      %dma_wait3A_138 = arith.constant 0 : i32
      %dma_wait3A_139 = tpu.memref_slice %arg9[%dma_wait3A_137, %dma_wait3A_138] : memref<128x128xf32, #tpu.memory_space<vmem>> -> memref<64x128xf32, #tpu.memory_space<vmem>>
      %dma_wait3A_140 = arith.constant 0 : i32
      %dma_wait3A_141 = tpu.memref_slice %arg6[%add3A_136, %dma_wait3A_140] : memref<40x128xi32, #tpu.memory_space<vmem>> -> memref<1x64xi32, #tpu.memory_space<vmem>>
      %dma_wait3A_142 = tpu.memref_squeeze %dma_wait3A_141 : memref<1x64xi32, #tpu.memory_space<vmem>> -> memref<64xi32, #tpu.memory_space<vmem>>
      %dma_wait3A_143 = arith.constant 0 : i32
      %dma_wait3A_144 = arith.constant 0 : i32
      %dma_wait3A_145 = tpu.memref_slice %arg2[%dma_wait3A_143, %dma_wait3A_144] : memref<10240x128xf32, #tpu.memory_space<hbm>> -> memref<10240x128xf32, #tpu.memory_space<hbm>>
      tpu.wait_indirect_dma semaphore(%arg13 : memref<!tpu.dma_semaphore, #tpu.memory_space<semaphore_mem>>) src(%dma_wait3A_145 : memref<10240x128xf32, #tpu.memory_space<hbm>>) dst(%dma_wait3A_139 : memref<64x128xf32, #tpu.memory_space<vmem>>)
      %dma_wait3A_146 = arith.constant 64 : i32
      %dma_wait3A_147 = arith.constant 0 : i32
      %dma_wait3A_148 = tpu.memref_slice %arg9[%dma_wait3A_146, %dma_wait3A_147] : memref<128x128xf32, #tpu.memory_space<vmem>> -> memref<64x128xf32, #tpu.memory_space<vmem>>
      %dma_wait3A_149 = arith.constant 64 : i32
      %dma_wait3A_150 = tpu.memref_slice %arg6[%add3A_136, %dma_wait3A_149] : memref<40x128xi32, #tpu.memory_space<vmem>> -> memref<1x64xi32, #tpu.memory_space<vmem>>
      %dma_wait3A_151 = tpu.memref_squeeze %dma_wait3A_150 : memref<1x64xi32, #tpu.memory_space<vmem>> -> memref<64xi32, #tpu.memory_space<vmem>>
      %dma_wait3A_152 = arith.constant 0 : i32
      %dma_wait3A_153 = arith.constant 0 : i32
      %dma_wait3A_154 = tpu.memref_slice %arg2[%dma_wait3A_152, %dma_wait3A_153] : memref<10240x128xf32, #tpu.memory_space<hbm>> -> memref<10240x128xf32, #tpu.memory_space<hbm>>
      tpu.wait_indirect_dma semaphore(%arg14 : memref<!tpu.dma_semaphore, #tpu.memory_space<semaphore_mem>>) src(%dma_wait3A_154 : memref<10240x128xf32, #tpu.memory_space<hbm>>) dst(%dma_wait3A_148 : memref<64x128xf32, #tpu.memory_space<vmem>>)
      %add3A_155 = arith.constant 2 : i32
      %add3A_156 = arith.addi %mul3A_97, %add3A_155 : i32
      %lt3A = arith.constant 40 : i32
      %lt3A_157 = arith.cmpi slt, %add3A_156, %lt3A : i32
      %convert_element_type3A = arith.extui %lt3A_157 : i1 to i32
      %cond3A = arith.constant 0 : i32
      %cond3A_158 = arith.cmpi ne, %convert_element_type3A, %cond3A : i32
      scf.if %cond3A_158 {
        %add3A_161 = arith.constant 2 : i32
        %add3A_162 = arith.addi %mul3A_97, %add3A_161 : i32
        %dma_start3A_163 = arith.constant 0 : i32
        %dma_start3A_164 = arith.constant 0 : i32
        %dma_start3A_165 = tpu.memref_slice %arg8[%dma_start3A_163, %dma_start3A_164] : memref<128x128xf32, #tpu.memory_space<vmem>> -> memref<64x128xf32, #tpu.memory_space<vmem>>
        %dma_start3A_166 = arith.constant 0 : i32
        %dma_start3A_167 = tpu.memref_slice %arg6[%add3A_162, %dma_start3A_166] : memref<40x128xi32, #tpu.memory_space<vmem>> -> memref<1x64xi32, #tpu.memory_space<vmem>>
        %dma_start3A_168 = tpu.memref_squeeze %dma_start3A_167 : memref<1x64xi32, #tpu.memory_space<vmem>> -> memref<64xi32, #tpu.memory_space<vmem>>
        %dma_start3A_169 = arith.constant 0 : i32
        %dma_start3A_170 = arith.constant 0 : i32
        %dma_start3A_171 = tpu.memref_slice %arg2[%dma_start3A_169, %dma_start3A_170] : memref<10240x128xf32, #tpu.memory_space<hbm>> -> memref<10240x128xf32, #tpu.memory_space<hbm>>
        tpu.enqueue_indirect_dma source(%dma_start3A_171 : memref<10240x128xf32, #tpu.memory_space<hbm>>) target(%dma_start3A_165 : memref<64x128xf32, #tpu.memory_space<vmem>>) offsets(%dma_start3A_168 : memref<64xi32, #tpu.memory_space<vmem>>) semaphore(%arg11 : memref<!tpu.dma_semaphore, #tpu.memory_space<semaphore_mem>>)
        %dma_start3A_172 = arith.constant 64 : i32
        %dma_start3A_173 = arith.constant 0 : i32
        %dma_start3A_174 = tpu.memref_slice %arg8[%dma_start3A_172, %dma_start3A_173] : memref<128x128xf32, #tpu.memory_space<vmem>> -> memref<64x128xf32, #tpu.memory_space<vmem>>
        %dma_start3A_175 = arith.constant 64 : i32
        %dma_start3A_176 = tpu.memref_slice %arg6[%add3A_162, %dma_start3A_175] : memref<40x128xi32, #tpu.memory_space<vmem>> -> memref<1x64xi32, #tpu.memory_space<vmem>>
        %dma_start3A_177 = tpu.memref_squeeze %dma_start3A_176 : memref<1x64xi32, #tpu.memory_space<vmem>> -> memref<64xi32, #tpu.memory_space<vmem>>
        %dma_start3A_178 = arith.constant 0 : i32
        %dma_start3A_179 = arith.constant 0 : i32
        %dma_start3A_180 = tpu.memref_slice %arg2[%dma_start3A_178, %dma_start3A_179] : memref<10240x128xf32, #tpu.memory_space<hbm>> -> memref<10240x128xf32, #tpu.memory_space<hbm>>
        tpu.enqueue_indirect_dma source(%dma_start3A_180 : memref<10240x128xf32, #tpu.memory_space<hbm>>) target(%dma_start3A_174 : memref<64x128xf32, #tpu.memory_space<vmem>>) offsets(%dma_start3A_177 : memref<64xi32, #tpu.memory_space<vmem>>) semaphore(%arg12 : memref<!tpu.dma_semaphore, #tpu.memory_space<semaphore_mem>>)
      } else {
      }
      %add3A_159 = arith.constant 1 : i32
      %add3A_160 = arith.addi %mul3A_97, %add3A_159 : i32
      "tpu.region"() ({
        %run_scoped3A_161 = tpu.sem_alloc : memref<!tpu.dma_semaphore, #tpu.memory_space<semaphore_mem>>
        %dma_start3A_162 = arith.constant 0 : i32
        %dma_start3A_163 = tpu.memref_slice %arg7[%add3A_160, %dma_start3A_162] : memref<40x128xi32, #tpu.memory_space<vmem>> -> memref<1x128xi32, #tpu.memory_space<vmem>>
        %dma_start3A_164 = tpu.memref_squeeze %dma_start3A_163 : memref<1x128xi32, #tpu.memory_space<vmem>> -> memref<128xi32, #tpu.memory_space<vmem>>
        %dma_start3A_165 = arith.constant 0 : i32
        %dma_start3A_166 = arith.constant 0 : i32
        %dma_start3A_167 = tpu.memref_slice %arg10[%dma_start3A_165, %dma_start3A_166] : memref<10240x128xf32, #tpu.memory_space<vmem_shared>> -> memref<10240x128xf32, #tpu.memory_space<vmem_shared>>
        tpu.enqueue_indirect_dma source(%arg9 : memref<128x128xf32, #tpu.memory_space<vmem>>) target(%dma_start3A_167 : memref<10240x128xf32, #tpu.memory_space<vmem_shared>>) offsets(%dma_start3A_164 : memref<128xi32, #tpu.memory_space<vmem>>) semaphore(%run_scoped3A_161 : memref<!tpu.dma_semaphore, #tpu.memory_space<semaphore_mem>>) {add = true}
        %dma_wait3A_168 = arith.constant 0 : i32
        %dma_wait3A_169 = tpu.memref_slice %arg7[%add3A_160, %dma_wait3A_168] : memref<40x128xi32, #tpu.memory_space<vmem>> -> memref<1x128xi32, #tpu.memory_space<vmem>>
        %dma_wait3A_170 = tpu.memref_squeeze %dma_wait3A_169 : memref<1x128xi32, #tpu.memory_space<vmem>> -> memref<128xi32, #tpu.memory_space<vmem>>
        %dma_wait3A_171 = arith.constant 0 : i32
        %dma_wait3A_172 = arith.constant 0 : i32
        %dma_wait3A_173 = tpu.memref_slice %arg10[%dma_wait3A_171, %dma_wait3A_172] : memref<10240x128xf32, #tpu.memory_space<vmem_shared>> -> memref<10240x128xf32, #tpu.memory_space<vmem_shared>>
        tpu.wait_indirect_dma semaphore(%run_scoped3A_161 : memref<!tpu.dma_semaphore, #tpu.memory_space<semaphore_mem>>) src(%arg9 : memref<128x128xf32, #tpu.memory_space<vmem>>) dst(%dma_wait3A_173 : memref<10240x128xf32, #tpu.memory_space<vmem_shared>>)
        tpu.yield
      }) : () -> ()
    }
    %scan3A_69 = arith.constant 20 : i32
    %barrier3A_70 = arith.constant 0 : index
    tpu.barrier barrier_id(%barrier3A_70)
    %add3A_71 = arith.constant 0 : i32
    %add3A_72 = arith.addi %mul3A_2, %add3A_71 : i32
    %add3A_73 = arith.constant 0 : i32
    %add3A_74 = arith.addi %mul3A_2, %add3A_73 : i32
    "tpu.region"() ({
      %run_scoped3A_91 = tpu.sem_alloc : memref<!tpu.dma_semaphore, #tpu.memory_space<semaphore_mem>>
      %dma_start3A_92 = arith.constant 0 : i32
      %dma_start3A_93 = tpu.memref_slice %arg5[%arg0, %add3A_74, %dma_start3A_92] : memref<2x10240x128xf32, #tpu.memory_space<hbm>> -> memref<1x128x128xf32, #tpu.memory_space<hbm>>
      %dma_start3A_94 = tpu.memref_squeeze %dma_start3A_93 : memref<1x128x128xf32, #tpu.memory_space<hbm>> -> memref<128x128xf32, #tpu.memory_space<hbm>>
      %dma_start3A_95 = arith.constant 0 : i32
      %dma_start3A_96 = tpu.memref_slice %arg10[%add3A_72, %dma_start3A_95] : memref<10240x128xf32, #tpu.memory_space<vmem_shared>> -> memref<128x128xf32, #tpu.memory_space<vmem_shared>>
      tpu.enqueue_dma source(%dma_start3A_96 : memref<128x128xf32, #tpu.memory_space<vmem_shared>>) target(%dma_start3A_94 : memref<128x128xf32, #tpu.memory_space<hbm>>) target_semaphore(%run_scoped3A_91 : memref<!tpu.dma_semaphore, #tpu.memory_space<semaphore_mem>>)
      %dma_wait3A = arith.constant 0 : i32
      %dma_wait3A_97 = tpu.memref_slice %arg5[%arg0, %add3A_74, %dma_wait3A] : memref<2x10240x128xf32, #tpu.memory_space<hbm>> -> memref<1x128x128xf32, #tpu.memory_space<hbm>>
      %dma_wait3A_98 = tpu.memref_squeeze %dma_wait3A_97 : memref<1x128x128xf32, #tpu.memory_space<hbm>> -> memref<128x128xf32, #tpu.memory_space<hbm>>
      %dma_wait3A_99 = arith.constant 0 : i32
      %dma_wait3A_100 = tpu.memref_slice %arg10[%add3A_72, %dma_wait3A_99] : memref<10240x128xf32, #tpu.memory_space<vmem_shared>> -> memref<128x128xf32, #tpu.memory_space<vmem_shared>>
      tpu.wait_dma2 semaphore(%run_scoped3A_91 : memref<!tpu.dma_semaphore, #tpu.memory_space<semaphore_mem>>) src(%dma_wait3A_100 : memref<128x128xf32, #tpu.memory_space<vmem_shared>>) dst(%dma_wait3A_98 : memref<128x128xf32, #tpu.memory_space<hbm>>)
      tpu.yield
    }) : () -> ()
    %add3A_75 = arith.constant 128 : i32
    %add3A_76 = arith.addi %mul3A_2, %add3A_75 : i32
    %add3A_77 = arith.constant 128 : i32
    %add3A_78 = arith.addi %mul3A_2, %add3A_77 : i32
    "tpu.region"() ({
      %run_scoped3A_91 = tpu.sem_alloc : memref<!tpu.dma_semaphore, #tpu.memory_space<semaphore_mem>>
      %dma_start3A_92 = arith.constant 0 : i32
      %dma_start3A_93 = tpu.memref_slice %arg5[%arg0, %add3A_78, %dma_start3A_92] : memref<2x10240x128xf32, #tpu.memory_space<hbm>> -> memref<1x128x128xf32, #tpu.memory_space<hbm>>
      %dma_start3A_94 = tpu.memref_squeeze %dma_start3A_93 : memref<1x128x128xf32, #tpu.memory_space<hbm>> -> memref<128x128xf32, #tpu.memory_space<hbm>>
      %dma_start3A_95 = arith.constant 0 : i32
      %dma_start3A_96 = tpu.memref_slice %arg10[%add3A_76, %dma_start3A_95] : memref<10240x128xf32, #tpu.memory_space<vmem_shared>> -> memref<128x128xf32, #tpu.memory_space<vmem_shared>>
      tpu.enqueue_dma source(%dma_start3A_96 : memref<128x128xf32, #tpu.memory_space<vmem_shared>>) target(%dma_start3A_94 : memref<128x128xf32, #tpu.memory_space<hbm>>) target_semaphore(%run_scoped3A_91 : memref<!tpu.dma_semaphore, #tpu.memory_space<semaphore_mem>>)
      %dma_wait3A = arith.constant 0 : i32
      %dma_wait3A_97 = tpu.memref_slice %arg5[%arg0, %add3A_78, %dma_wait3A] : memref<2x10240x128xf32, #tpu.memory_space<hbm>> -> memref<1x128x128xf32, #tpu.memory_space<hbm>>
      %dma_wait3A_98 = tpu.memref_squeeze %dma_wait3A_97 : memref<1x128x128xf32, #tpu.memory_space<hbm>> -> memref<128x128xf32, #tpu.memory_space<hbm>>
      %dma_wait3A_99 = arith.constant 0 : i32
      %dma_wait3A_100 = tpu.memref_slice %arg10[%add3A_76, %dma_wait3A_99] : memref<10240x128xf32, #tpu.memory_space<vmem_shared>> -> memref<128x128xf32, #tpu.memory_space<vmem_shared>>
      tpu.wait_dma2 semaphore(%run_scoped3A_91 : memref<!tpu.dma_semaphore, #tpu.memory_space<semaphore_mem>>) src(%dma_wait3A_100 : memref<128x128xf32, #tpu.memory_space<vmem_shared>>) dst(%dma_wait3A_98 : memref<128x128xf32, #tpu.memory_space<hbm>>)
      tpu.yield
    }) : () -> ()
    %add3A_79 = arith.constant 256 : i32
    %add3A_80 = arith.addi %mul3A_2, %add3A_79 : i32
    %add3A_81 = arith.constant 256 : i32
    %add3A_82 = arith.addi %mul3A_2, %add3A_81 : i32
    "tpu.region"() ({
      %run_scoped3A_91 = tpu.sem_alloc : memref<!tpu.dma_semaphore, #tpu.memory_space<semaphore_mem>>
      %dma_start3A_92 = arith.constant 0 : i32
      %dma_start3A_93 = tpu.memref_slice %arg5[%arg0, %add3A_82, %dma_start3A_92] : memref<2x10240x128xf32, #tpu.memory_space<hbm>> -> memref<1x128x128xf32, #tpu.memory_space<hbm>>
      %dma_start3A_94 = tpu.memref_squeeze %dma_start3A_93 : memref<1x128x128xf32, #tpu.memory_space<hbm>> -> memref<128x128xf32, #tpu.memory_space<hbm>>
      %dma_start3A_95 = arith.constant 0 : i32
      %dma_start3A_96 = tpu.memref_slice %arg10[%add3A_80, %dma_start3A_95] : memref<10240x128xf32, #tpu.memory_space<vmem_shared>> -> memref<128x128xf32, #tpu.memory_space<vmem_shared>>
      tpu.enqueue_dma source(%dma_start3A_96 : memref<128x128xf32, #tpu.memory_space<vmem_shared>>) target(%dma_start3A_94 : memref<128x128xf32, #tpu.memory_space<hbm>>) target_semaphore(%run_scoped3A_91 : memref<!tpu.dma_semaphore, #tpu.memory_space<semaphore_mem>>)
      %dma_wait3A = arith.constant 0 : i32
      %dma_wait3A_97 = tpu.memref_slice %arg5[%arg0, %add3A_82, %dma_wait3A] : memref<2x10240x128xf32, #tpu.memory_space<hbm>> -> memref<1x128x128xf32, #tpu.memory_space<hbm>>
      %dma_wait3A_98 = tpu.memref_squeeze %dma_wait3A_97 : memref<1x128x128xf32, #tpu.memory_space<hbm>> -> memref<128x128xf32, #tpu.memory_space<hbm>>
      %dma_wait3A_99 = arith.constant 0 : i32
      %dma_wait3A_100 = tpu.memref_slice %arg10[%add3A_80, %dma_wait3A_99] : memref<10240x128xf32, #tpu.memory_space<vmem_shared>> -> memref<128x128xf32, #tpu.memory_space<vmem_shared>>
      tpu.wait_dma2 semaphore(%run_scoped3A_91 : memref<!tpu.dma_semaphore, #tpu.memory_space<semaphore_mem>>) src(%dma_wait3A_100 : memref<128x128xf32, #tpu.memory_space<vmem_shared>>) dst(%dma_wait3A_98 : memref<128x128xf32, #tpu.memory_space<hbm>>)
      tpu.yield
    }) : () -> ()
    %add3A_83 = arith.constant 384 : i32
    %add3A_84 = arith.addi %mul3A_2, %add3A_83 : i32
    %add3A_85 = arith.constant 384 : i32
    %add3A_86 = arith.addi %mul3A_2, %add3A_85 : i32
    "tpu.region"() ({
      %run_scoped3A_91 = tpu.sem_alloc : memref<!tpu.dma_semaphore, #tpu.memory_space<semaphore_mem>>
      %dma_start3A_92 = arith.constant 0 : i32
      %dma_start3A_93 = tpu.memref_slice %arg5[%arg0, %add3A_86, %dma_start3A_92] : memref<2x10240x128xf32, #tpu.memory_space<hbm>> -> memref<1x128x128xf32, #tpu.memory_space<hbm>>
      %dma_start3A_94 = tpu.memref_squeeze %dma_start3A_93 : memref<1x128x128xf32, #tpu.memory_space<hbm>> -> memref<128x128xf32, #tpu.memory_space<hbm>>
      %dma_start3A_95 = arith.constant 0 : i32
      %dma_start3A_96 = tpu.memref_slice %arg10[%add3A_84, %dma_start3A_95] : memref<10240x128xf32, #tpu.memory_space<vmem_shared>> -> memref<128x128xf32, #tpu.memory_space<vmem_shared>>
      tpu.enqueue_dma source(%dma_start3A_96 : memref<128x128xf32, #tpu.memory_space<vmem_shared>>) target(%dma_start3A_94 : memref<128x128xf32, #tpu.memory_space<hbm>>) target_semaphore(%run_scoped3A_91 : memref<!tpu.dma_semaphore, #tpu.memory_space<semaphore_mem>>)
      %dma_wait3A = arith.constant 0 : i32
      %dma_wait3A_97 = tpu.memref_slice %arg5[%arg0, %add3A_86, %dma_wait3A] : memref<2x10240x128xf32, #tpu.memory_space<hbm>> -> memref<1x128x128xf32, #tpu.memory_space<hbm>>
      %dma_wait3A_98 = tpu.memref_squeeze %dma_wait3A_97 : memref<1x128x128xf32, #tpu.memory_space<hbm>> -> memref<128x128xf32, #tpu.memory_space<hbm>>
      %dma_wait3A_99 = arith.constant 0 : i32
      %dma_wait3A_100 = tpu.memref_slice %arg10[%add3A_84, %dma_wait3A_99] : memref<10240x128xf32, #tpu.memory_space<vmem_shared>> -> memref<128x128xf32, #tpu.memory_space<vmem_shared>>
      tpu.wait_dma2 semaphore(%run_scoped3A_91 : memref<!tpu.dma_semaphore, #tpu.memory_space<semaphore_mem>>) src(%dma_wait3A_100 : memref<128x128xf32, #tpu.memory_space<vmem_shared>>) dst(%dma_wait3A_98 : memref<128x128xf32, #tpu.memory_space<hbm>>)
      tpu.yield
    }) : () -> ()
    %add3A_87 = arith.constant 512 : i32
    %add3A_88 = arith.addi %mul3A_2, %add3A_87 : i32
    %add3A_89 = arith.constant 512 : i32
    %add3A_90 = arith.addi %mul3A_2, %add3A_89 : i32
    "tpu.region"() ({
      %run_scoped3A_91 = tpu.sem_alloc : memref<!tpu.dma_semaphore, #tpu.memory_space<semaphore_mem>>
      %dma_start3A_92 = arith.constant 0 : i32
      %dma_start3A_93 = tpu.memref_slice %arg5[%arg0, %add3A_90, %dma_start3A_92] : memref<2x10240x128xf32, #tpu.memory_space<hbm>> -> memref<1x128x128xf32, #tpu.memory_space<hbm>>
      %dma_start3A_94 = tpu.memref_squeeze %dma_start3A_93 : memref<1x128x128xf32, #tpu.memory_space<hbm>> -> memref<128x128xf32, #tpu.memory_space<hbm>>
      %dma_start3A_95 = arith.constant 0 : i32
      %dma_start3A_96 = tpu.memref_slice %arg10[%add3A_88, %dma_start3A_95] : memref<10240x128xf32, #tpu.memory_space<vmem_shared>> -> memref<128x128xf32, #tpu.memory_space<vmem_shared>>
      tpu.enqueue_dma source(%dma_start3A_96 : memref<128x128xf32, #tpu.memory_space<vmem_shared>>) target(%dma_start3A_94 : memref<128x128xf32, #tpu.memory_space<hbm>>) target_semaphore(%run_scoped3A_91 : memref<!tpu.dma_semaphore, #tpu.memory_space<semaphore_mem>>)
      %dma_wait3A = arith.constant 0 : i32
      %dma_wait3A_97 = tpu.memref_slice %arg5[%arg0, %add3A_90, %dma_wait3A] : memref<2x10240x128xf32, #tpu.memory_space<hbm>> -> memref<1x128x128xf32, #tpu.memory_space<hbm>>
      %dma_wait3A_98 = tpu.memref_squeeze %dma_wait3A_97 : memref<1x128x128xf32, #tpu.memory_space<hbm>> -> memref<128x128xf32, #tpu.memory_space<hbm>>
      %dma_wait3A_99 = arith.constant 0 : i32
      %dma_wait3A_100 = tpu.memref_slice %arg10[%add3A_88, %dma_wait3A_99] : memref<10240x128xf32, #tpu.memory_space<vmem_shared>> -> memref<128x128xf32, #tpu.memory_space<vmem_shared>>
      tpu.wait_dma2 semaphore(%run_scoped3A_91 : memref<!tpu.dma_semaphore, #tpu.memory_space<semaphore_mem>>) src(%dma_wait3A_100 : memref<128x128xf32, #tpu.memory_space<vmem_shared>>) dst(%dma_wait3A_98 : memref<128x128xf32, #tpu.memory_space<hbm>>)
      tpu.yield
    }) : () -> ()
    return
  }
}

#map = affine_map<(d0, d1) -> (0, 0)>
#map1 = affine_map<(d0, d1) -> (0, 0, 0, 0)>
#map2 = affine_map<(d0, d1) -> (0, 0, 0)>
module attributes {stable_mosaic.version = 14 : i64} {
  func.func @_sc_edge_sum(%arg0: i32, %arg1: i32, %arg2: memref<10240x128xf32, #tpu.memory_space<hbm>>, %arg3: memref<32x2x40x128xi32, #tpu.memory_space<hbm>>, %arg4: memref<32x2x40x128xi32, #tpu.memory_space<hbm>>, %arg5: memref<2x10240x128xf32, #tpu.memory_space<hbm>>, %arg6: memref<40x128xi32, #tpu.memory_space<vmem>>, %arg7: memref<40x128xi32, #tpu.memory_space<vmem>>, %arg8: memref<128x128xf32, #tpu.memory_space<vmem>>, %arg9: memref<128x128xf32, #tpu.memory_space<vmem>>, %arg10: memref<10240x128xf32, #tpu.memory_space<vmem_shared>>, %arg11: memref<!tpu.dma_semaphore, #tpu.memory_space<semaphore_mem>>, %arg12: memref<!tpu.dma_semaphore, #tpu.memory_space<semaphore_mem>>, %arg13: memref<!tpu.dma_semaphore, #tpu.memory_space<semaphore_mem>>, %arg14: memref<!tpu.dma_semaphore, #tpu.memory_space<semaphore_mem>>) attributes {dimension_semantics = [#tpu.dimension_semantics<core_parallel>, #tpu.dimension_semantics<subcore_parallel>], iteration_bounds = array<i64: 2, 16>, scalar_prefetch = 0 : i64, scratch_operands = 9 : i64, tpu.core_type = #tpu.core_type<sc_vector_subcore>, window_params = [{transform_indices = #map}, {transform_indices = #map1}, {transform_indices = #map1}, {transform_indices = #map2}]} {
    %mul3A = arith.constant 16 : i32
    %mul3A_0 = arith.muli %arg0, %mul3A : i32
    %add3A = arith.addi %mul3A_0, %arg1 : i32
    %mul3A_1 = arith.constant 640 : i32
    %mul3A_2 = arith.muli %arg1, %mul3A_1 : i32
    %broadcast_in_dim3A = arith.constant 0.000000e+00 : f32
    %broadcast_in_dim3A_3 = vector.broadcast %broadcast_in_dim3A : f32 to vector<16xf32>
    %scan3A = arith.constant 0 : i32
    %scan3A_4 = arith.constant 128 : i32
    %scan3A_5 = arith.addi %scan3A, %scan3A_4 : i32
    %scan3A_6 = arith.constant 1 : i32
    scf.for %scan3A_91 = %scan3A to %scan3A_5 step %scan3A_6  : i32 {
      %mul3A_92 = arith.constant 1 : i32
      %mul3A_93 = arith.muli %scan3A_91, %mul3A_92 : i32
      %add3A_94 = arith.constant 0 : i32
      %add3A_95 = arith.addi %add3A_94, %mul3A_93 : i32
      %swap3A = arith.index_cast %add3A_95 : i32 to index
      %swap3A_96 = arith.constant 0 : index
      %swap3A_97 = tpu.vector_load %arg8[%swap3A, %swap3A_96] {strides = array<i32>} : memref<128x128xf32, #tpu.memory_space<vmem>>, vector<1x16xf32>,
      %swap3A_98 = vector.shape_cast %swap3A_97 : vector<1x16xf32> to vector<16xf32>
      %swap3A_99 = vector.shape_cast %broadcast_in_dim3A_3 : vector<16xf32> to vector<1x16xf32>
      tpu.vector_store %arg8[%swap3A, %swap3A_96], %swap3A_99 {strides = array<i32>} : memref<128x128xf32, #tpu.memory_space<vmem>>, vector<1x16xf32>,
      %swap3A_100 = arith.index_cast %add3A_95 : i32 to index
      %swap3A_101 = arith.constant 16 : index
      %swap3A_102 = tpu.vector_load %arg8[%swap3A_100, %swap3A_101] {strides = array<i32>} : memref<128x128xf32, #tpu.memory_space<vmem>>, vector<1x16xf32>,
      %swap3A_103 = vector.shape_cast %swap3A_102 : vector<1x16xf32> to vector<16xf32>
      %swap3A_104 = vector.shape_cast %broadcast_in_dim3A_3 : vector<16xf32> to vector<1x16xf32>
      tpu.vector_store %arg8[%swap3A_100, %swap3A_101], %swap3A_104 {strides = array<i32>} : memref<128x128xf32, #tpu.memory_space<vmem>>, vector<1x16xf32>,
      %swap3A_105 = arith.index_cast %add3A_95 : i32 to index
      %swap3A_106 = arith.constant 32 : index
      %swap3A_107 = tpu.vector_load %arg8[%swap3A_105, %swap3A_106] {strides = array<i32>} : memref<128x128xf32, #tpu.memory_space<vmem>>, vector<1x16xf32>,
      %swap3A_108 = vector.shape_cast %swap3A_107 : vector<1x16xf32> to vector<16xf32>
      %swap3A_109 = vector.shape_cast %broadcast_in_dim3A_3 : vector<16xf32> to vector<1x16xf32>
      tpu.vector_store %arg8[%swap3A_105, %swap3A_106], %swap3A_109 {strides = array<i32>} : memref<128x128xf32, #tpu.memory_space<vmem>>, vector<1x16xf32>,
      %swap3A_110 = arith.index_cast %add3A_95 : i32 to index
      %swap3A_111 = arith.constant 48 : index
      %swap3A_112 = tpu.vector_load %arg8[%swap3A_110, %swap3A_111] {strides = array<i32>} : memref<128x128xf32, #tpu.memory_space<vmem>>, vector<1x16xf32>,
      %swap3A_113 = vector.shape_cast %swap3A_112 : vector<1x16xf32> to vector<16xf32>
      %swap3A_114 = vector.shape_cast %broadcast_in_dim3A_3 : vector<16xf32> to vector<1x16xf32>
      tpu.vector_store %arg8[%swap3A_110, %swap3A_111], %swap3A_114 {strides = array<i32>} : memref<128x128xf32, #tpu.memory_space<vmem>>, vector<1x16xf32>,
      %swap3A_115 = arith.index_cast %add3A_95 : i32 to index
      %swap3A_116 = arith.constant 64 : index
      %swap3A_117 = tpu.vector_load %arg8[%swap3A_115, %swap3A_116] {strides = array<i32>} : memref<128x128xf32, #tpu.memory_space<vmem>>, vector<1x16xf32>,
      %swap3A_118 = vector.shape_cast %swap3A_117 : vector<1x16xf32> to vector<16xf32>
      %swap3A_119 = vector.shape_cast %broadcast_in_dim3A_3 : vector<16xf32> to vector<1x16xf32>
      tpu.vector_store %arg8[%swap3A_115, %swap3A_116], %swap3A_119 {strides = array<i32>} : memref<128x128xf32, #tpu.memory_space<vmem>>, vector<1x16xf32>,
      %swap3A_120 = arith.index_cast %add3A_95 : i32 to index
      %swap3A_121 = arith.constant 80 : index
      %swap3A_122 = tpu.vector_load %arg8[%swap3A_120, %swap3A_121] {strides = array<i32>} : memref<128x128xf32, #tpu.memory_space<vmem>>, vector<1x16xf32>,
      %swap3A_123 = vector.shape_cast %swap3A_122 : vector<1x16xf32> to vector<16xf32>
      %swap3A_124 = vector.shape_cast %broadcast_in_dim3A_3 : vector<16xf32> to vector<1x16xf32>
      tpu.vector_store %arg8[%swap3A_120, %swap3A_121], %swap3A_124 {strides = array<i32>} : memref<128x128xf32, #tpu.memory_space<vmem>>, vector<1x16xf32>,
      %swap3A_125 = arith.index_cast %add3A_95 : i32 to index
      %swap3A_126 = arith.constant 96 : index
      %swap3A_127 = tpu.vector_load %arg8[%swap3A_125, %swap3A_126] {strides = array<i32>} : memref<128x128xf32, #tpu.memory_space<vmem>>, vector<1x16xf32>,
      %swap3A_128 = vector.shape_cast %swap3A_127 : vector<1x16xf32> to vector<16xf32>
      %swap3A_129 = vector.shape_cast %broadcast_in_dim3A_3 : vector<16xf32> to vector<1x16xf32>
      tpu.vector_store %arg8[%swap3A_125, %swap3A_126], %swap3A_129 {strides = array<i32>} : memref<128x128xf32, #tpu.memory_space<vmem>>, vector<1x16xf32>,
      %swap3A_130 = arith.index_cast %add3A_95 : i32 to index
      %swap3A_131 = arith.constant 112 : index
      %swap3A_132 = tpu.vector_load %arg8[%swap3A_130, %swap3A_131] {strides = array<i32>} : memref<128x128xf32, #tpu.memory_space<vmem>>, vector<1x16xf32>,
      %swap3A_133 = vector.shape_cast %swap3A_132 : vector<1x16xf32> to vector<16xf32>
      %swap3A_134 = vector.shape_cast %broadcast_in_dim3A_3 : vector<16xf32> to vector<1x16xf32>
      tpu.vector_store %arg8[%swap3A_130, %swap3A_131], %swap3A_134 {strides = array<i32>} : memref<128x128xf32, #tpu.memory_space<vmem>>, vector<1x16xf32>,
    }
    %scan3A_7 = arith.constant 128 : i32
    %add3A_8 = arith.constant 0 : i32
    %add3A_9 = arith.addi %mul3A_2, %add3A_8 : i32
    "tpu.region"() ({
      %run_scoped3A_91 = tpu.sem_alloc : memref<!tpu.dma_semaphore, #tpu.memory_space<semaphore_mem>>
      %dma_start3A_92 = arith.constant 0 : i32
      %dma_start3A_93 = tpu.memref_slice %arg10[%add3A_9, %dma_start3A_92] : memref<10240x128xf32, #tpu.memory_space<vmem_shared>> -> memref<128x128xf32, #tpu.memory_space<vmem_shared>>
      %dma_start3A_94 = arith.constant 0 : i32
      %dma_start3A_95 = tpu.memref_slice %arg10[%add3A_9, %dma_start3A_94] : memref<10240x128xf32, #tpu.memory_space<vmem_shared>> -> memref<128x128xf32, #tpu.memory_space<vmem_shared>>
      tpu.enqueue_dma source(%arg8 : memref<128x128xf32, #tpu.memory_space<vmem>>) target(%dma_start3A_95 : memref<128x128xf32, #tpu.memory_space<vmem_shared>>) target_semaphore(%run_scoped3A_91 : memref<!tpu.dma_semaphore, #tpu.memory_space<semaphore_mem>>)
      %dma_wait3A = arith.constant 0 : i32
      %dma_wait3A_96 = tpu.memref_slice %arg10[%add3A_9, %dma_wait3A] : memref<10240x128xf32, #tpu.memory_space<vmem_shared>> -> memref<128x128xf32, #tpu.memory_space<vmem_shared>>
      %dma_wait3A_97 = arith.constant 0 : i32
      %dma_wait3A_98 = tpu.memref_slice %arg10[%add3A_9, %dma_wait3A_97] : memref<10240x128xf32, #tpu.memory_space<vmem_shared>> -> memref<128x128xf32, #tpu.memory_space<vmem_shared>>
      tpu.wait_dma2 semaphore(%run_scoped3A_91 : memref<!tpu.dma_semaphore, #tpu.memory_space<semaphore_mem>>) src(%arg8 : memref<128x128xf32, #tpu.memory_space<vmem>>) dst(%dma_wait3A_98 : memref<128x128xf32, #tpu.memory_space<vmem_shared>>)
      tpu.yield
    }) : () -> ()
    %add3A_10 = arith.constant 128 : i32
    %add3A_11 = arith.addi %mul3A_2, %add3A_10 : i32
    "tpu.region"() ({
      %run_scoped3A_91 = tpu.sem_alloc : memref<!tpu.dma_semaphore, #tpu.memory_space<semaphore_mem>>
      %dma_start3A_92 = arith.constant 0 : i32
      %dma_start3A_93 = tpu.memref_slice %arg10[%add3A_11, %dma_start3A_92] : memref<10240x128xf32, #tpu.memory_space<vmem_shared>> -> memref<128x128xf32, #tpu.memory_space<vmem_shared>>
      %dma_start3A_94 = arith.constant 0 : i32
      %dma_start3A_95 = tpu.memref_slice %arg10[%add3A_11, %dma_start3A_94] : memref<10240x128xf32, #tpu.memory_space<vmem_shared>> -> memref<128x128xf32, #tpu.memory_space<vmem_shared>>
      tpu.enqueue_dma source(%arg8 : memref<128x128xf32, #tpu.memory_space<vmem>>) target(%dma_start3A_95 : memref<128x128xf32, #tpu.memory_space<vmem_shared>>) target_semaphore(%run_scoped3A_91 : memref<!tpu.dma_semaphore, #tpu.memory_space<semaphore_mem>>)
      %dma_wait3A = arith.constant 0 : i32
      %dma_wait3A_96 = tpu.memref_slice %arg10[%add3A_11, %dma_wait3A] : memref<10240x128xf32, #tpu.memory_space<vmem_shared>> -> memref<128x128xf32, #tpu.memory_space<vmem_shared>>
      %dma_wait3A_97 = arith.constant 0 : i32
      %dma_wait3A_98 = tpu.memref_slice %arg10[%add3A_11, %dma_wait3A_97] : memref<10240x128xf32, #tpu.memory_space<vmem_shared>> -> memref<128x128xf32, #tpu.memory_space<vmem_shared>>
      tpu.wait_dma2 semaphore(%run_scoped3A_91 : memref<!tpu.dma_semaphore, #tpu.memory_space<semaphore_mem>>) src(%arg8 : memref<128x128xf32, #tpu.memory_space<vmem>>) dst(%dma_wait3A_98 : memref<128x128xf32, #tpu.memory_space<vmem_shared>>)
      tpu.yield
    }) : () -> ()
    %add3A_12 = arith.constant 256 : i32
    %add3A_13 = arith.addi %mul3A_2, %add3A_12 : i32
    "tpu.region"() ({
      %run_scoped3A_91 = tpu.sem_alloc : memref<!tpu.dma_semaphore, #tpu.memory_space<semaphore_mem>>
      %dma_start3A_92 = arith.constant 0 : i32
      %dma_start3A_93 = tpu.memref_slice %arg10[%add3A_13, %dma_start3A_92] : memref<10240x128xf32, #tpu.memory_space<vmem_shared>> -> memref<128x128xf32, #tpu.memory_space<vmem_shared>>
      %dma_start3A_94 = arith.constant 0 : i32
      %dma_start3A_95 = tpu.memref_slice %arg10[%add3A_13, %dma_start3A_94] : memref<10240x128xf32, #tpu.memory_space<vmem_shared>> -> memref<128x128xf32, #tpu.memory_space<vmem_shared>>
      tpu.enqueue_dma source(%arg8 : memref<128x128xf32, #tpu.memory_space<vmem>>) target(%dma_start3A_95 : memref<128x128xf32, #tpu.memory_space<vmem_shared>>) target_semaphore(%run_scoped3A_91 : memref<!tpu.dma_semaphore, #tpu.memory_space<semaphore_mem>>)
      %dma_wait3A = arith.constant 0 : i32
      %dma_wait3A_96 = tpu.memref_slice %arg10[%add3A_13, %dma_wait3A] : memref<10240x128xf32, #tpu.memory_space<vmem_shared>> -> memref<128x128xf32, #tpu.memory_space<vmem_shared>>
      %dma_wait3A_97 = arith.constant 0 : i32
      %dma_wait3A_98 = tpu.memref_slice %arg10[%add3A_13, %dma_wait3A_97] : memref<10240x128xf32, #tpu.memory_space<vmem_shared>> -> memref<128x128xf32, #tpu.memory_space<vmem_shared>>
      tpu.wait_dma2 semaphore(%run_scoped3A_91 : memref<!tpu.dma_semaphore, #tpu.memory_space<semaphore_mem>>) src(%arg8 : memref<128x128xf32, #tpu.memory_space<vmem>>) dst(%dma_wait3A_98 : memref<128x128xf32, #tpu.memory_space<vmem_shared>>)
      tpu.yield
    }) : () -> ()
    %add3A_14 = arith.constant 384 : i32
    %add3A_15 = arith.addi %mul3A_2, %add3A_14 : i32
    "tpu.region"() ({
      %run_scoped3A_91 = tpu.sem_alloc : memref<!tpu.dma_semaphore, #tpu.memory_space<semaphore_mem>>
      %dma_start3A_92 = arith.constant 0 : i32
      %dma_start3A_93 = tpu.memref_slice %arg10[%add3A_15, %dma_start3A_92] : memref<10240x128xf32, #tpu.memory_space<vmem_shared>> -> memref<128x128xf32, #tpu.memory_space<vmem_shared>>
      %dma_start3A_94 = arith.constant 0 : i32
      %dma_start3A_95 = tpu.memref_slice %arg10[%add3A_15, %dma_start3A_94] : memref<10240x128xf32, #tpu.memory_space<vmem_shared>> -> memref<128x128xf32, #tpu.memory_space<vmem_shared>>
      tpu.enqueue_dma source(%arg8 : memref<128x128xf32, #tpu.memory_space<vmem>>) target(%dma_start3A_95 : memref<128x128xf32, #tpu.memory_space<vmem_shared>>) target_semaphore(%run_scoped3A_91 : memref<!tpu.dma_semaphore, #tpu.memory_space<semaphore_mem>>)
      %dma_wait3A = arith.constant 0 : i32
      %dma_wait3A_96 = tpu.memref_slice %arg10[%add3A_15, %dma_wait3A] : memref<10240x128xf32, #tpu.memory_space<vmem_shared>> -> memref<128x128xf32, #tpu.memory_space<vmem_shared>>
      %dma_wait3A_97 = arith.constant 0 : i32
      %dma_wait3A_98 = tpu.memref_slice %arg10[%add3A_15, %dma_wait3A_97] : memref<10240x128xf32, #tpu.memory_space<vmem_shared>> -> memref<128x128xf32, #tpu.memory_space<vmem_shared>>
      tpu.wait_dma2 semaphore(%run_scoped3A_91 : memref<!tpu.dma_semaphore, #tpu.memory_space<semaphore_mem>>) src(%arg8 : memref<128x128xf32, #tpu.memory_space<vmem>>) dst(%dma_wait3A_98 : memref<128x128xf32, #tpu.memory_space<vmem_shared>>)
      tpu.yield
    }) : () -> ()
    %add3A_16 = arith.constant 512 : i32
    %add3A_17 = arith.addi %mul3A_2, %add3A_16 : i32
    "tpu.region"() ({
      %run_scoped3A_91 = tpu.sem_alloc : memref<!tpu.dma_semaphore, #tpu.memory_space<semaphore_mem>>
      %dma_start3A_92 = arith.constant 0 : i32
      %dma_start3A_93 = tpu.memref_slice %arg10[%add3A_17, %dma_start3A_92] : memref<10240x128xf32, #tpu.memory_space<vmem_shared>> -> memref<128x128xf32, #tpu.memory_space<vmem_shared>>
      %dma_start3A_94 = arith.constant 0 : i32
      %dma_start3A_95 = tpu.memref_slice %arg10[%add3A_17, %dma_start3A_94] : memref<10240x128xf32, #tpu.memory_space<vmem_shared>> -> memref<128x128xf32, #tpu.memory_space<vmem_shared>>
      tpu.enqueue_dma source(%arg8 : memref<128x128xf32, #tpu.memory_space<vmem>>) target(%dma_start3A_95 : memref<128x128xf32, #tpu.memory_space<vmem_shared>>) target_semaphore(%run_scoped3A_91 : memref<!tpu.dma_semaphore, #tpu.memory_space<semaphore_mem>>)
      %dma_wait3A = arith.constant 0 : i32
      %dma_wait3A_96 = tpu.memref_slice %arg10[%add3A_17, %dma_wait3A] : memref<10240x128xf32, #tpu.memory_space<vmem_shared>> -> memref<128x128xf32, #tpu.memory_space<vmem_shared>>
      %dma_wait3A_97 = arith.constant 0 : i32
      %dma_wait3A_98 = tpu.memref_slice %arg10[%add3A_17, %dma_wait3A_97] : memref<10240x128xf32, #tpu.memory_space<vmem_shared>> -> memref<128x128xf32, #tpu.memory_space<vmem_shared>>
      tpu.wait_dma2 semaphore(%run_scoped3A_91 : memref<!tpu.dma_semaphore, #tpu.memory_space<semaphore_mem>>) src(%arg8 : memref<128x128xf32, #tpu.memory_space<vmem>>) dst(%dma_wait3A_98 : memref<128x128xf32, #tpu.memory_space<vmem_shared>>)
      tpu.yield
    }) : () -> ()
    %barrier3A = arith.constant 0 : index
    tpu.barrier barrier_id(%barrier3A)
    %run_scoped3A = arith.constant 0 : i32
    "tpu.region"() ({
      %run_scoped3A_91 = tpu.sem_alloc : memref<!tpu.dma_semaphore, #tpu.memory_space<semaphore_mem>>
      %dma_start3A_92 = arith.constant 0 : i32
      %dma_start3A_93 = arith.constant 0 : i32
      %dma_start3A_94 = tpu.memref_slice %arg3[%add3A, %run_scoped3A, %dma_start3A_92, %dma_start3A_93] : memref<32x2x40x128xi32, #tpu.memory_space<hbm>> -> memref<1x1x40x128xi32, #tpu.memory_space<hbm>>
      %dma_start3A_95 = tpu.memref_squeeze %dma_start3A_94 : memref<1x1x40x128xi32, #tpu.memory_space<hbm>> -> memref<40x128xi32, #tpu.memory_space<hbm>>
      %dma_start3A_96 = arith.constant 0 : i32
      %dma_start3A_97 = arith.constant 0 : i32
      %dma_start3A_98 = tpu.memref_slice %arg3[%add3A, %run_scoped3A, %dma_start3A_96, %dma_start3A_97] : memref<32x2x40x128xi32, #tpu.memory_space<hbm>> -> memref<1x1x40x128xi32, #tpu.memory_space<hbm>>
      %dma_start3A_99 = tpu.memref_squeeze %dma_start3A_98 : memref<1x1x40x128xi32, #tpu.memory_space<hbm>> -> memref<40x128xi32, #tpu.memory_space<hbm>>
      tpu.enqueue_dma source(%dma_start3A_99 : memref<40x128xi32, #tpu.memory_space<hbm>>) target(%arg6 : memref<40x128xi32, #tpu.memory_space<vmem>>) target_semaphore(%run_scoped3A_91 : memref<!tpu.dma_semaphore, #tpu.memory_space<semaphore_mem>>)
      %dma_wait3A = arith.constant 0 : i32
      %dma_wait3A_100 = arith.constant 0 : i32
      %dma_wait3A_101 = tpu.memref_slice %arg3[%add3A, %run_scoped3A, %dma_wait3A, %dma_wait3A_100] : memref<32x2x40x128xi32, #tpu.memory_space<hbm>> -> memref<1x1x40x128xi32, #tpu.memory_space<hbm>>
      %dma_wait3A_102 = tpu.memref_squeeze %dma_wait3A_101 : memref<1x1x40x128xi32, #tpu.memory_space<hbm>> -> memref<40x128xi32, #tpu.memory_space<hbm>>
      %dma_wait3A_103 = arith.constant 0 : i32
      %dma_wait3A_104 = arith.constant 0 : i32
      %dma_wait3A_105 = tpu.memref_slice %arg3[%add3A, %run_scoped3A, %dma_wait3A_103, %dma_wait3A_104] : memref<32x2x40x128xi32, #tpu.memory_space<hbm>> -> memref<1x1x40x128xi32, #tpu.memory_space<hbm>>
      %dma_wait3A_106 = tpu.memref_squeeze %dma_wait3A_105 : memref<1x1x40x128xi32, #tpu.memory_space<hbm>> -> memref<40x128xi32, #tpu.memory_space<hbm>>
      tpu.wait_dma2 semaphore(%run_scoped3A_91 : memref<!tpu.dma_semaphore, #tpu.memory_space<semaphore_mem>>) src(%dma_wait3A_106 : memref<40x128xi32, #tpu.memory_space<hbm>>) dst(%arg6 : memref<40x128xi32, #tpu.memory_space<vmem>>)
      tpu.yield
    }) : () -> ()
    %run_scoped3A_18 = arith.constant 0 : i32
    "tpu.region"() ({
      %run_scoped3A_91 = tpu.sem_alloc : memref<!tpu.dma_semaphore, #tpu.memory_space<semaphore_mem>>
      %dma_start3A_92 = arith.constant 0 : i32
      %dma_start3A_93 = arith.constant 0 : i32
      %dma_start3A_94 = tpu.memref_slice %arg4[%add3A, %run_scoped3A_18, %dma_start3A_92, %dma_start3A_93] : memref<32x2x40x128xi32, #tpu.memory_space<hbm>> -> memref<1x1x40x128xi32, #tpu.memory_space<hbm>>
      %dma_start3A_95 = tpu.memref_squeeze %dma_start3A_94 : memref<1x1x40x128xi32, #tpu.memory_space<hbm>> -> memref<40x128xi32, #tpu.memory_space<hbm>>
      %dma_start3A_96 = arith.constant 0 : i32
      %dma_start3A_97 = arith.constant 0 : i32
      %dma_start3A_98 = tpu.memref_slice %arg4[%add3A, %run_scoped3A_18, %dma_start3A_96, %dma_start3A_97] : memref<32x2x40x128xi32, #tpu.memory_space<hbm>> -> memref<1x1x40x128xi32, #tpu.memory_space<hbm>>
      %dma_start3A_99 = tpu.memref_squeeze %dma_start3A_98 : memref<1x1x40x128xi32, #tpu.memory_space<hbm>> -> memref<40x128xi32, #tpu.memory_space<hbm>>
      tpu.enqueue_dma source(%dma_start3A_99 : memref<40x128xi32, #tpu.memory_space<hbm>>) target(%arg7 : memref<40x128xi32, #tpu.memory_space<vmem>>) target_semaphore(%run_scoped3A_91 : memref<!tpu.dma_semaphore, #tpu.memory_space<semaphore_mem>>)
      %dma_wait3A = arith.constant 0 : i32
      %dma_wait3A_100 = arith.constant 0 : i32
      %dma_wait3A_101 = tpu.memref_slice %arg4[%add3A, %run_scoped3A_18, %dma_wait3A, %dma_wait3A_100] : memref<32x2x40x128xi32, #tpu.memory_space<hbm>> -> memref<1x1x40x128xi32, #tpu.memory_space<hbm>>
      %dma_wait3A_102 = tpu.memref_squeeze %dma_wait3A_101 : memref<1x1x40x128xi32, #tpu.memory_space<hbm>> -> memref<40x128xi32, #tpu.memory_space<hbm>>
      %dma_wait3A_103 = arith.constant 0 : i32
      %dma_wait3A_104 = arith.constant 0 : i32
      %dma_wait3A_105 = tpu.memref_slice %arg4[%add3A, %run_scoped3A_18, %dma_wait3A_103, %dma_wait3A_104] : memref<32x2x40x128xi32, #tpu.memory_space<hbm>> -> memref<1x1x40x128xi32, #tpu.memory_space<hbm>>
      %dma_wait3A_106 = tpu.memref_squeeze %dma_wait3A_105 : memref<1x1x40x128xi32, #tpu.memory_space<hbm>> -> memref<40x128xi32, #tpu.memory_space<hbm>>
      tpu.wait_dma2 semaphore(%run_scoped3A_91 : memref<!tpu.dma_semaphore, #tpu.memory_space<semaphore_mem>>) src(%dma_wait3A_106 : memref<40x128xi32, #tpu.memory_space<hbm>>) dst(%arg7 : memref<40x128xi32, #tpu.memory_space<vmem>>)
      tpu.yield
    }) : () -> ()
    %dma_start3A = arith.constant 0 : i32
    %dma_start3A_19 = arith.constant 0 : i32
    %dma_start3A_20 = arith.constant 0 : i32
    %dma_start3A_21 = tpu.memref_slice %arg8[%dma_start3A_19, %dma_start3A_20] : memref<128x128xf32, #tpu.memory_space<vmem>> -> memref<64x128xf32, #tpu.memory_space<vmem>>
    %dma_start3A_22 = arith.constant 0 : i32
    %dma_start3A_23 = tpu.memref_slice %arg6[%dma_start3A, %dma_start3A_22] : memref<40x128xi32, #tpu.memory_space<vmem>> -> memref<1x64xi32, #tpu.memory_space<vmem>>
    %dma_start3A_24 = tpu.memref_squeeze %dma_start3A_23 : memref<1x64xi32, #tpu.memory_space<vmem>> -> memref<64xi32, #tpu.memory_space<vmem>>
    %dma_start3A_25 = arith.constant 0 : i32
    %dma_start3A_26 = arith.constant 0 : i32
    %dma_start3A_27 = tpu.memref_slice %arg2[%dma_start3A_25, %dma_start3A_26] : memref<10240x128xf32, #tpu.memory_space<hbm>> -> memref<10240x128xf32, #tpu.memory_space<hbm>>
    tpu.enqueue_indirect_dma source(%dma_start3A_27 : memref<10240x128xf32, #tpu.memory_space<hbm>>) target(%dma_start3A_21 : memref<64x128xf32, #tpu.memory_space<vmem>>) offsets(%dma_start3A_24 : memref<64xi32, #tpu.memory_space<vmem>>) semaphore(%arg11 : memref<!tpu.dma_semaphore, #tpu.memory_space<semaphore_mem>>)
    %dma_start3A_28 = arith.constant 0 : i32
    %dma_start3A_29 = arith.constant 64 : i32
    %dma_start3A_30 = arith.constant 0 : i32
    %dma_start3A_31 = tpu.memref_slice %arg8[%dma_start3A_29, %dma_start3A_30] : memref<128x128xf32, #tpu.memory_space<vmem>> -> memref<64x128xf32, #tpu.memory_space<vmem>>
    %dma_start3A_32 = arith.constant 64 : i32
    %dma_start3A_33 = tpu.memref_slice %arg6[%dma_start3A_28, %dma_start3A_32] : memref<40x128xi32, #tpu.memory_space<vmem>> -> memref<1x64xi32, #tpu.memory_space<vmem>>
    %dma_start3A_34 = tpu.memref_squeeze %dma_start3A_33 : memref<1x64xi32, #tpu.memory_space<vmem>> -> memref<64xi32, #tpu.memory_space<vmem>>
    %dma_start3A_35 = arith.constant 0 : i32
    %dma_start3A_36 = arith.constant 0 : i32
    %dma_start3A_37 = tpu.memref_slice %arg2[%dma_start3A_35, %dma_start3A_36] : memref<10240x128xf32, #tpu.memory_space<hbm>> -> memref<10240x128xf32, #tpu.memory_space<hbm>>
    tpu.enqueue_indirect_dma source(%dma_start3A_37 : memref<10240x128xf32, #tpu.memory_space<hbm>>) target(%dma_start3A_31 : memref<64x128xf32, #tpu.memory_space<vmem>>) offsets(%dma_start3A_34 : memref<64xi32, #tpu.memory_space<vmem>>) semaphore(%arg12 : memref<!tpu.dma_semaphore, #tpu.memory_space<semaphore_mem>>)
    %scan3A_38 = arith.constant 0 : i32
    %scan3A_39 = arith.constant 20 : i32
    %scan3A_40 = arith.addi %scan3A_38, %scan3A_39 : i32
    %scan3A_41 = arith.constant 1 : i32
    scf.for %scan3A_91 = %scan3A_38 to %scan3A_40 step %scan3A_41  : i32 {
      %mul3A_92 = arith.constant 1 : i32
      %mul3A_93 = arith.muli %scan3A_91, %mul3A_92 : i32
      %add3A_94 = arith.constant 0 : i32
      %add3A_95 = arith.addi %add3A_94, %mul3A_93 : i32
      %mul3A_96 = arith.constant 2 : i32
      %mul3A_97 = arith.muli %add3A_95, %mul3A_96 : i32
      %dma_wait3A = arith.constant 0 : i32
      %dma_wait3A_98 = arith.constant 0 : i32
      %dma_wait3A_99 = tpu.memref_slice %arg8[%dma_wait3A, %dma_wait3A_98] : memref<128x128xf32, #tpu.memory_space<vmem>> -> memref<64x128xf32, #tpu.memory_space<vmem>>
      %dma_wait3A_100 = arith.constant 0 : i32
      %dma_wait3A_101 = tpu.memref_slice %arg6[%mul3A_97, %dma_wait3A_100] : memref<40x128xi32, #tpu.memory_space<vmem>> -> memref<1x64xi32, #tpu.memory_space<vmem>>
      %dma_wait3A_102 = tpu.memref_squeeze %dma_wait3A_101 : memref<1x64xi32, #tpu.memory_space<vmem>> -> memref<64xi32, #tpu.memory_space<vmem>>
      %dma_wait3A_103 = arith.constant 0 : i32
      %dma_wait3A_104 = arith.constant 0 : i32
      %dma_wait3A_105 = tpu.memref_slice %arg2[%dma_wait3A_103, %dma_wait3A_104] : memref<10240x128xf32, #tpu.memory_space<hbm>> -> memref<10240x128xf32, #tpu.memory_space<hbm>>
      tpu.wait_indirect_dma semaphore(%arg11 : memref<!tpu.dma_semaphore, #tpu.memory_space<semaphore_mem>>) src(%dma_wait3A_105 : memref<10240x128xf32, #tpu.memory_space<hbm>>) dst(%dma_wait3A_99 : memref<64x128xf32, #tpu.memory_space<vmem>>)
      %dma_wait3A_106 = arith.constant 64 : i32
      %dma_wait3A_107 = arith.constant 0 : i32
      %dma_wait3A_108 = tpu.memref_slice %arg8[%dma_wait3A_106, %dma_wait3A_107] : memref<128x128xf32, #tpu.memory_space<vmem>> -> memref<64x128xf32, #tpu.memory_space<vmem>>
      %dma_wait3A_109 = arith.constant 64 : i32
      %dma_wait3A_110 = tpu.memref_slice %arg6[%mul3A_97, %dma_wait3A_109] : memref<40x128xi32, #tpu.memory_space<vmem>> -> memref<1x64xi32, #tpu.memory_space<vmem>>
      %dma_wait3A_111 = tpu.memref_squeeze %dma_wait3A_110 : memref<1x64xi32, #tpu.memory_space<vmem>> -> memref<64xi32, #tpu.memory_space<vmem>>
      %dma_wait3A_112 = arith.constant 0 : i32
      %dma_wait3A_113 = arith.constant 0 : i32
      %dma_wait3A_114 = tpu.memref_slice %arg2[%dma_wait3A_112, %dma_wait3A_113] : memref<10240x128xf32, #tpu.memory_space<hbm>> -> memref<10240x128xf32, #tpu.memory_space<hbm>>
      tpu.wait_indirect_dma semaphore(%arg12 : memref<!tpu.dma_semaphore, #tpu.memory_space<semaphore_mem>>) src(%dma_wait3A_114 : memref<10240x128xf32, #tpu.memory_space<hbm>>) dst(%dma_wait3A_108 : memref<64x128xf32, #tpu.memory_space<vmem>>)
      %add3A_115 = arith.constant 1 : i32
      %add3A_116 = arith.addi %mul3A_97, %add3A_115 : i32
      %dma_start3A_117 = arith.constant 0 : i32
      %dma_start3A_118 = arith.constant 0 : i32
      %dma_start3A_119 = tpu.memref_slice %arg9[%dma_start3A_117, %dma_start3A_118] : memref<128x128xf32, #tpu.memory_space<vmem>> -> memref<64x128xf32, #tpu.memory_space<vmem>>
      %dma_start3A_120 = arith.constant 0 : i32
      %dma_start3A_121 = tpu.memref_slice %arg6[%add3A_116, %dma_start3A_120] : memref<40x128xi32, #tpu.memory_space<vmem>> -> memref<1x64xi32, #tpu.memory_space<vmem>>
      %dma_start3A_122 = tpu.memref_squeeze %dma_start3A_121 : memref<1x64xi32, #tpu.memory_space<vmem>> -> memref<64xi32, #tpu.memory_space<vmem>>
      %dma_start3A_123 = arith.constant 0 : i32
      %dma_start3A_124 = arith.constant 0 : i32
      %dma_start3A_125 = tpu.memref_slice %arg2[%dma_start3A_123, %dma_start3A_124] : memref<10240x128xf32, #tpu.memory_space<hbm>> -> memref<10240x128xf32, #tpu.memory_space<hbm>>
      tpu.enqueue_indirect_dma source(%dma_start3A_125 : memref<10240x128xf32, #tpu.memory_space<hbm>>) target(%dma_start3A_119 : memref<64x128xf32, #tpu.memory_space<vmem>>) offsets(%dma_start3A_122 : memref<64xi32, #tpu.memory_space<vmem>>) semaphore(%arg13 : memref<!tpu.dma_semaphore, #tpu.memory_space<semaphore_mem>>)
      %dma_start3A_126 = arith.constant 64 : i32
      %dma_start3A_127 = arith.constant 0 : i32
      %dma_start3A_128 = tpu.memref_slice %arg9[%dma_start3A_126, %dma_start3A_127] : memref<128x128xf32, #tpu.memory_space<vmem>> -> memref<64x128xf32, #tpu.memory_space<vmem>>
      %dma_start3A_129 = arith.constant 64 : i32
      %dma_start3A_130 = tpu.memref_slice %arg6[%add3A_116, %dma_start3A_129] : memref<40x128xi32, #tpu.memory_space<vmem>> -> memref<1x64xi32, #tpu.memory_space<vmem>>
      %dma_start3A_131 = tpu.memref_squeeze %dma_start3A_130 : memref<1x64xi32, #tpu.memory_space<vmem>> -> memref<64xi32, #tpu.memory_space<vmem>>
      %dma_start3A_132 = arith.constant 0 : i32
      %dma_start3A_133 = arith.constant 0 : i32
      %dma_start3A_134 = tpu.memref_slice %arg2[%dma_start3A_132, %dma_start3A_133] : memref<10240x128xf32, #tpu.memory_space<hbm>> -> memref<10240x128xf32, #tpu.memory_space<hbm>>
      tpu.enqueue_indirect_dma source(%dma_start3A_134 : memref<10240x128xf32, #tpu.memory_space<hbm>>) target(%dma_start3A_128 : memref<64x128xf32, #tpu.memory_space<vmem>>) offsets(%dma_start3A_131 : memref<64xi32, #tpu.memory_space<vmem>>) semaphore(%arg14 : memref<!tpu.dma_semaphore, #tpu.memory_space<semaphore_mem>>)
      "tpu.region"() ({
        %run_scoped3A_161 = tpu.sem_alloc : memref<!tpu.dma_semaphore, #tpu.memory_space<semaphore_mem>>
        %dma_start3A_162 = arith.constant 0 : i32
        %dma_start3A_163 = tpu.memref_slice %arg7[%mul3A_97, %dma_start3A_162] : memref<40x128xi32, #tpu.memory_space<vmem>> -> memref<1x128xi32, #tpu.memory_space<vmem>>
        %dma_start3A_164 = tpu.memref_squeeze %dma_start3A_163 : memref<1x128xi32, #tpu.memory_space<vmem>> -> memref<128xi32, #tpu.memory_space<vmem>>
        %dma_start3A_165 = arith.constant 0 : i32
        %dma_start3A_166 = arith.constant 0 : i32
        %dma_start3A_167 = tpu.memref_slice %arg10[%dma_start3A_165, %dma_start3A_166] : memref<10240x128xf32, #tpu.memory_space<vmem_shared>> -> memref<10240x128xf32, #tpu.memory_space<vmem_shared>>
        tpu.enqueue_indirect_dma source(%arg8 : memref<128x128xf32, #tpu.memory_space<vmem>>) target(%dma_start3A_167 : memref<10240x128xf32, #tpu.memory_space<vmem_shared>>) offsets(%dma_start3A_164 : memref<128xi32, #tpu.memory_space<vmem>>) semaphore(%run_scoped3A_161 : memref<!tpu.dma_semaphore, #tpu.memory_space<semaphore_mem>>) {add = true}
        %dma_wait3A_168 = arith.constant 0 : i32
        %dma_wait3A_169 = tpu.memref_slice %arg7[%mul3A_97, %dma_wait3A_168] : memref<40x128xi32, #tpu.memory_space<vmem>> -> memref<1x128xi32, #tpu.memory_space<vmem>>
        %dma_wait3A_170 = tpu.memref_squeeze %dma_wait3A_169 : memref<1x128xi32, #tpu.memory_space<vmem>> -> memref<128xi32, #tpu.memory_space<vmem>>
        %dma_wait3A_171 = arith.constant 0 : i32
        %dma_wait3A_172 = arith.constant 0 : i32
        %dma_wait3A_173 = tpu.memref_slice %arg10[%dma_wait3A_171, %dma_wait3A_172] : memref<10240x128xf32, #tpu.memory_space<vmem_shared>> -> memref<10240x128xf32, #tpu.memory_space<vmem_shared>>
        tpu.wait_indirect_dma semaphore(%run_scoped3A_161 : memref<!tpu.dma_semaphore, #tpu.memory_space<semaphore_mem>>) src(%arg8 : memref<128x128xf32, #tpu.memory_space<vmem>>) dst(%dma_wait3A_173 : memref<10240x128xf32, #tpu.memory_space<vmem_shared>>)
        tpu.yield
      }) : () -> ()
      %add3A_135 = arith.constant 1 : i32
      %add3A_136 = arith.addi %mul3A_97, %add3A_135 : i32
      %dma_wait3A_137 = arith.constant 0 : i32
      %dma_wait3A_138 = arith.constant 0 : i32
      %dma_wait3A_139 = tpu.memref_slice %arg9[%dma_wait3A_137, %dma_wait3A_138] : memref<128x128xf32, #tpu.memory_space<vmem>> -> memref<64x128xf32, #tpu.memory_space<vmem>>
      %dma_wait3A_140 = arith.constant 0 : i32
      %dma_wait3A_141 = tpu.memref_slice %arg6[%add3A_136, %dma_wait3A_140] : memref<40x128xi32, #tpu.memory_space<vmem>> -> memref<1x64xi32, #tpu.memory_space<vmem>>
      %dma_wait3A_142 = tpu.memref_squeeze %dma_wait3A_141 : memref<1x64xi32, #tpu.memory_space<vmem>> -> memref<64xi32, #tpu.memory_space<vmem>>
      %dma_wait3A_143 = arith.constant 0 : i32
      %dma_wait3A_144 = arith.constant 0 : i32
      %dma_wait3A_145 = tpu.memref_slice %arg2[%dma_wait3A_143, %dma_wait3A_144] : memref<10240x128xf32, #tpu.memory_space<hbm>> -> memref<10240x128xf32, #tpu.memory_space<hbm>>
      tpu.wait_indirect_dma semaphore(%arg13 : memref<!tpu.dma_semaphore, #tpu.memory_space<semaphore_mem>>) src(%dma_wait3A_145 : memref<10240x128xf32, #tpu.memory_space<hbm>>) dst(%dma_wait3A_139 : memref<64x128xf32, #tpu.memory_space<vmem>>)
      %dma_wait3A_146 = arith.constant 64 : i32
      %dma_wait3A_147 = arith.constant 0 : i32
      %dma_wait3A_148 = tpu.memref_slice %arg9[%dma_wait3A_146, %dma_wait3A_147] : memref<128x128xf32, #tpu.memory_space<vmem>> -> memref<64x128xf32, #tpu.memory_space<vmem>>
      %dma_wait3A_149 = arith.constant 64 : i32
      %dma_wait3A_150 = tpu.memref_slice %arg6[%add3A_136, %dma_wait3A_149] : memref<40x128xi32, #tpu.memory_space<vmem>> -> memref<1x64xi32, #tpu.memory_space<vmem>>
      %dma_wait3A_151 = tpu.memref_squeeze %dma_wait3A_150 : memref<1x64xi32, #tpu.memory_space<vmem>> -> memref<64xi32, #tpu.memory_space<vmem>>
      %dma_wait3A_152 = arith.constant 0 : i32
      %dma_wait3A_153 = arith.constant 0 : i32
      %dma_wait3A_154 = tpu.memref_slice %arg2[%dma_wait3A_152, %dma_wait3A_153] : memref<10240x128xf32, #tpu.memory_space<hbm>> -> memref<10240x128xf32, #tpu.memory_space<hbm>>
      tpu.wait_indirect_dma semaphore(%arg14 : memref<!tpu.dma_semaphore, #tpu.memory_space<semaphore_mem>>) src(%dma_wait3A_154 : memref<10240x128xf32, #tpu.memory_space<hbm>>) dst(%dma_wait3A_148 : memref<64x128xf32, #tpu.memory_space<vmem>>)
      %add3A_155 = arith.constant 2 : i32
      %add3A_156 = arith.addi %mul3A_97, %add3A_155 : i32
      %lt3A = arith.constant 40 : i32
      %lt3A_157 = arith.cmpi slt, %add3A_156, %lt3A : i32
      %convert_element_type3A = arith.extui %lt3A_157 : i1 to i32
      %cond3A = arith.constant 0 : i32
      %cond3A_158 = arith.cmpi ne, %convert_element_type3A, %cond3A : i32
      scf.if %cond3A_158 {
        %add3A_161 = arith.constant 2 : i32
        %add3A_162 = arith.addi %mul3A_97, %add3A_161 : i32
        %dma_start3A_163 = arith.constant 0 : i32
        %dma_start3A_164 = arith.constant 0 : i32
        %dma_start3A_165 = tpu.memref_slice %arg8[%dma_start3A_163, %dma_start3A_164] : memref<128x128xf32, #tpu.memory_space<vmem>> -> memref<64x128xf32, #tpu.memory_space<vmem>>
        %dma_start3A_166 = arith.constant 0 : i32
        %dma_start3A_167 = tpu.memref_slice %arg6[%add3A_162, %dma_start3A_166] : memref<40x128xi32, #tpu.memory_space<vmem>> -> memref<1x64xi32, #tpu.memory_space<vmem>>
        %dma_start3A_168 = tpu.memref_squeeze %dma_start3A_167 : memref<1x64xi32, #tpu.memory_space<vmem>> -> memref<64xi32, #tpu.memory_space<vmem>>
        %dma_start3A_169 = arith.constant 0 : i32
        %dma_start3A_170 = arith.constant 0 : i32
        %dma_start3A_171 = tpu.memref_slice %arg2[%dma_start3A_169, %dma_start3A_170] : memref<10240x128xf32, #tpu.memory_space<hbm>> -> memref<10240x128xf32, #tpu.memory_space<hbm>>
        tpu.enqueue_indirect_dma source(%dma_start3A_171 : memref<10240x128xf32, #tpu.memory_space<hbm>>) target(%dma_start3A_165 : memref<64x128xf32, #tpu.memory_space<vmem>>) offsets(%dma_start3A_168 : memref<64xi32, #tpu.memory_space<vmem>>) semaphore(%arg11 : memref<!tpu.dma_semaphore, #tpu.memory_space<semaphore_mem>>)
        %dma_start3A_172 = arith.constant 64 : i32
        %dma_start3A_173 = arith.constant 0 : i32
        %dma_start3A_174 = tpu.memref_slice %arg8[%dma_start3A_172, %dma_start3A_173] : memref<128x128xf32, #tpu.memory_space<vmem>> -> memref<64x128xf32, #tpu.memory_space<vmem>>
        %dma_start3A_175 = arith.constant 64 : i32
        %dma_start3A_176 = tpu.memref_slice %arg6[%add3A_162, %dma_start3A_175] : memref<40x128xi32, #tpu.memory_space<vmem>> -> memref<1x64xi32, #tpu.memory_space<vmem>>
        %dma_start3A_177 = tpu.memref_squeeze %dma_start3A_176 : memref<1x64xi32, #tpu.memory_space<vmem>> -> memref<64xi32, #tpu.memory_space<vmem>>
        %dma_start3A_178 = arith.constant 0 : i32
        %dma_start3A_179 = arith.constant 0 : i32
        %dma_start3A_180 = tpu.memref_slice %arg2[%dma_start3A_178, %dma_start3A_179] : memref<10240x128xf32, #tpu.memory_space<hbm>> -> memref<10240x128xf32, #tpu.memory_space<hbm>>
        tpu.enqueue_indirect_dma source(%dma_start3A_180 : memref<10240x128xf32, #tpu.memory_space<hbm>>) target(%dma_start3A_174 : memref<64x128xf32, #tpu.memory_space<vmem>>) offsets(%dma_start3A_177 : memref<64xi32, #tpu.memory_space<vmem>>) semaphore(%arg12 : memref<!tpu.dma_semaphore, #tpu.memory_space<semaphore_mem>>)
      } else {
      }
      %add3A_159 = arith.constant 1 : i32
      %add3A_160 = arith.addi %mul3A_97, %add3A_159 : i32
      "tpu.region"() ({
        %run_scoped3A_161 = tpu.sem_alloc : memref<!tpu.dma_semaphore, #tpu.memory_space<semaphore_mem>>
        %dma_start3A_162 = arith.constant 0 : i32
        %dma_start3A_163 = tpu.memref_slice %arg7[%add3A_160, %dma_start3A_162] : memref<40x128xi32, #tpu.memory_space<vmem>> -> memref<1x128xi32, #tpu.memory_space<vmem>>
        %dma_start3A_164 = tpu.memref_squeeze %dma_start3A_163 : memref<1x128xi32, #tpu.memory_space<vmem>> -> memref<128xi32, #tpu.memory_space<vmem>>
        %dma_start3A_165 = arith.constant 0 : i32
        %dma_start3A_166 = arith.constant 0 : i32
        %dma_start3A_167 = tpu.memref_slice %arg10[%dma_start3A_165, %dma_start3A_166] : memref<10240x128xf32, #tpu.memory_space<vmem_shared>> -> memref<10240x128xf32, #tpu.memory_space<vmem_shared>>
        tpu.enqueue_indirect_dma source(%arg9 : memref<128x128xf32, #tpu.memory_space<vmem>>) target(%dma_start3A_167 : memref<10240x128xf32, #tpu.memory_space<vmem_shared>>) offsets(%dma_start3A_164 : memref<128xi32, #tpu.memory_space<vmem>>) semaphore(%run_scoped3A_161 : memref<!tpu.dma_semaphore, #tpu.memory_space<semaphore_mem>>) {add = true}
        %dma_wait3A_168 = arith.constant 0 : i32
        %dma_wait3A_169 = tpu.memref_slice %arg7[%add3A_160, %dma_wait3A_168] : memref<40x128xi32, #tpu.memory_space<vmem>> -> memref<1x128xi32, #tpu.memory_space<vmem>>
        %dma_wait3A_170 = tpu.memref_squeeze %dma_wait3A_169 : memref<1x128xi32, #tpu.memory_space<vmem>> -> memref<128xi32, #tpu.memory_space<vmem>>
        %dma_wait3A_171 = arith.constant 0 : i32
        %dma_wait3A_172 = arith.constant 0 : i32
        %dma_wait3A_173 = tpu.memref_slice %arg10[%dma_wait3A_171, %dma_wait3A_172] : memref<10240x128xf32, #tpu.memory_space<vmem_shared>> -> memref<10240x128xf32, #tpu.memory_space<vmem_shared>>
        tpu.wait_indirect_dma semaphore(%run_scoped3A_161 : memref<!tpu.dma_semaphore, #tpu.memory_space<semaphore_mem>>) src(%arg9 : memref<128x128xf32, #tpu.memory_space<vmem>>) dst(%dma_wait3A_173 : memref<10240x128xf32, #tpu.memory_space<vmem_shared>>)
        tpu.yield
      }) : () -> ()
    }
    %scan3A_42 = arith.constant 20 : i32
    %run_scoped3A_43 = arith.constant 1 : i32
    "tpu.region"() ({
      %run_scoped3A_91 = tpu.sem_alloc : memref<!tpu.dma_semaphore, #tpu.memory_space<semaphore_mem>>
      %dma_start3A_92 = arith.constant 0 : i32
      %dma_start3A_93 = arith.constant 0 : i32
      %dma_start3A_94 = tpu.memref_slice %arg3[%add3A, %run_scoped3A_43, %dma_start3A_92, %dma_start3A_93] : memref<32x2x40x128xi32, #tpu.memory_space<hbm>> -> memref<1x1x40x128xi32, #tpu.memory_space<hbm>>
      %dma_start3A_95 = tpu.memref_squeeze %dma_start3A_94 : memref<1x1x40x128xi32, #tpu.memory_space<hbm>> -> memref<40x128xi32, #tpu.memory_space<hbm>>
      %dma_start3A_96 = arith.constant 0 : i32
      %dma_start3A_97 = arith.constant 0 : i32
      %dma_start3A_98 = tpu.memref_slice %arg3[%add3A, %run_scoped3A_43, %dma_start3A_96, %dma_start3A_97] : memref<32x2x40x128xi32, #tpu.memory_space<hbm>> -> memref<1x1x40x128xi32, #tpu.memory_space<hbm>>
      %dma_start3A_99 = tpu.memref_squeeze %dma_start3A_98 : memref<1x1x40x128xi32, #tpu.memory_space<hbm>> -> memref<40x128xi32, #tpu.memory_space<hbm>>
      tpu.enqueue_dma source(%dma_start3A_99 : memref<40x128xi32, #tpu.memory_space<hbm>>) target(%arg6 : memref<40x128xi32, #tpu.memory_space<vmem>>) target_semaphore(%run_scoped3A_91 : memref<!tpu.dma_semaphore, #tpu.memory_space<semaphore_mem>>)
      %dma_wait3A = arith.constant 0 : i32
      %dma_wait3A_100 = arith.constant 0 : i32
      %dma_wait3A_101 = tpu.memref_slice %arg3[%add3A, %run_scoped3A_43, %dma_wait3A, %dma_wait3A_100] : memref<32x2x40x128xi32, #tpu.memory_space<hbm>> -> memref<1x1x40x128xi32, #tpu.memory_space<hbm>>
      %dma_wait3A_102 = tpu.memref_squeeze %dma_wait3A_101 : memref<1x1x40x128xi32, #tpu.memory_space<hbm>> -> memref<40x128xi32, #tpu.memory_space<hbm>>
      %dma_wait3A_103 = arith.constant 0 : i32
      %dma_wait3A_104 = arith.constant 0 : i32
      %dma_wait3A_105 = tpu.memref_slice %arg3[%add3A, %run_scoped3A_43, %dma_wait3A_103, %dma_wait3A_104] : memref<32x2x40x128xi32, #tpu.memory_space<hbm>> -> memref<1x1x40x128xi32, #tpu.memory_space<hbm>>
      %dma_wait3A_106 = tpu.memref_squeeze %dma_wait3A_105 : memref<1x1x40x128xi32, #tpu.memory_space<hbm>> -> memref<40x128xi32, #tpu.memory_space<hbm>>
      tpu.wait_dma2 semaphore(%run_scoped3A_91 : memref<!tpu.dma_semaphore, #tpu.memory_space<semaphore_mem>>) src(%dma_wait3A_106 : memref<40x128xi32, #tpu.memory_space<hbm>>) dst(%arg6 : memref<40x128xi32, #tpu.memory_space<vmem>>)
      tpu.yield
    }) : () -> ()
    %run_scoped3A_44 = arith.constant 1 : i32
    "tpu.region"() ({
      %run_scoped3A_91 = tpu.sem_alloc : memref<!tpu.dma_semaphore, #tpu.memory_space<semaphore_mem>>
      %dma_start3A_92 = arith.constant 0 : i32
      %dma_start3A_93 = arith.constant 0 : i32
      %dma_start3A_94 = tpu.memref_slice %arg4[%add3A, %run_scoped3A_44, %dma_start3A_92, %dma_start3A_93] : memref<32x2x40x128xi32, #tpu.memory_space<hbm>> -> memref<1x1x40x128xi32, #tpu.memory_space<hbm>>
      %dma_start3A_95 = tpu.memref_squeeze %dma_start3A_94 : memref<1x1x40x128xi32, #tpu.memory_space<hbm>> -> memref<40x128xi32, #tpu.memory_space<hbm>>
      %dma_start3A_96 = arith.constant 0 : i32
      %dma_start3A_97 = arith.constant 0 : i32
      %dma_start3A_98 = tpu.memref_slice %arg4[%add3A, %run_scoped3A_44, %dma_start3A_96, %dma_start3A_97] : memref<32x2x40x128xi32, #tpu.memory_space<hbm>> -> memref<1x1x40x128xi32, #tpu.memory_space<hbm>>
      %dma_start3A_99 = tpu.memref_squeeze %dma_start3A_98 : memref<1x1x40x128xi32, #tpu.memory_space<hbm>> -> memref<40x128xi32, #tpu.memory_space<hbm>>
      tpu.enqueue_dma source(%dma_start3A_99 : memref<40x128xi32, #tpu.memory_space<hbm>>) target(%arg7 : memref<40x128xi32, #tpu.memory_space<vmem>>) target_semaphore(%run_scoped3A_91 : memref<!tpu.dma_semaphore, #tpu.memory_space<semaphore_mem>>)
      %dma_wait3A = arith.constant 0 : i32
      %dma_wait3A_100 = arith.constant 0 : i32
      %dma_wait3A_101 = tpu.memref_slice %arg4[%add3A, %run_scoped3A_44, %dma_wait3A, %dma_wait3A_100] : memref<32x2x40x128xi32, #tpu.memory_space<hbm>> -> memref<1x1x40x128xi32, #tpu.memory_space<hbm>>
      %dma_wait3A_102 = tpu.memref_squeeze %dma_wait3A_101 : memref<1x1x40x128xi32, #tpu.memory_space<hbm>> -> memref<40x128xi32, #tpu.memory_space<hbm>>
      %dma_wait3A_103 = arith.constant 0 : i32
      %dma_wait3A_104 = arith.constant 0 : i32
      %dma_wait3A_105 = tpu.memref_slice %arg4[%add3A, %run_scoped3A_44, %dma_wait3A_103, %dma_wait3A_104] : memref<32x2x40x128xi32, #tpu.memory_space<hbm>> -> memref<1x1x40x128xi32, #tpu.memory_space<hbm>>
      %dma_wait3A_106 = tpu.memref_squeeze %dma_wait3A_105 : memref<1x1x40x128xi32, #tpu.memory_space<hbm>> -> memref<40x128xi32, #tpu.memory_space<hbm>>
      tpu.wait_dma2 semaphore(%run_scoped3A_91 : memref<!tpu.dma_semaphore, #tpu.memory_space<semaphore_mem>>) src(%dma_wait3A_106 : memref<40x128xi32, #tpu.memory_space<hbm>>) dst(%arg7 : memref<40x128xi32, #tpu.memory_space<vmem>>)
      tpu.yield
    }) : () -> ()
    %dma_start3A_45 = arith.constant 0 : i32
    %dma_start3A_46 = arith.constant 0 : i32
    %dma_start3A_47 = arith.constant 0 : i32
    %dma_start3A_48 = tpu.memref_slice %arg8[%dma_start3A_46, %dma_start3A_47] : memref<128x128xf32, #tpu.memory_space<vmem>> -> memref<64x128xf32, #tpu.memory_space<vmem>>
    %dma_start3A_49 = arith.constant 0 : i32
    %dma_start3A_50 = tpu.memref_slice %arg6[%dma_start3A_45, %dma_start3A_49] : memref<40x128xi32, #tpu.memory_space<vmem>> -> memref<1x64xi32, #tpu.memory_space<vmem>>
    %dma_start3A_51 = tpu.memref_squeeze %dma_start3A_50 : memref<1x64xi32, #tpu.memory_space<vmem>> -> memref<64xi32, #tpu.memory_space<vmem>>
    %dma_start3A_52 = arith.constant 0 : i32
    %dma_start3A_53 = arith.constant 0 : i32
    %dma_start3A_54 = tpu.memref_slice %arg2[%dma_start3A_52, %dma_start3A_53] : memref<10240x128xf32, #tpu.memory_space<hbm>> -> memref<10240x128xf32, #tpu.memory_space<hbm>>
    tpu.enqueue_indirect_dma source(%dma_start3A_54 : memref<10240x128xf32, #tpu.memory_space<hbm>>) target(%dma_start3A_48 : memref<64x128xf32, #tpu.memory_space<vmem>>) offsets(%dma_start3A_51 : memref<64xi32, #tpu.memory_space<vmem>>) semaphore(%arg11 : memref<!tpu.dma_semaphore, #tpu.memory_space<semaphore_mem>>)
    %dma_start3A_55 = arith.constant 0 : i32
    %dma_start3A_56 = arith.constant 64 : i32
    %dma_start3A_57 = arith.constant 0 : i32
    %dma_start3A_58 = tpu.memref_slice %arg8[%dma_start3A_56, %dma_start3A_57] : memref<128x128xf32, #tpu.memory_space<vmem>> -> memref<64x128xf32, #tpu.memory_space<vmem>>
    %dma_start3A_59 = arith.constant 64 : i32
    %dma_start3A_60 = tpu.memref_slice %arg6[%dma_start3A_55, %dma_start3A_59] : memref<40x128xi32, #tpu.memory_space<vmem>> -> memref<1x64xi32, #tpu.memory_space<vmem>>
    %dma_start3A_61 = tpu.memref_squeeze %dma_start3A_60 : memref<1x64xi32, #tpu.memory_space<vmem>> -> memref<64xi32, #tpu.memory_space<vmem>>
    %dma_start3A_62 = arith.constant 0 : i32
    %dma_start3A_63 = arith.constant 0 : i32
    %dma_start3A_64 = tpu.memref_slice %arg2[%dma_start3A_62, %dma_start3A_63] : memref<10240x128xf32, #tpu.memory_space<hbm>> -> memref<10240x128xf32, #tpu.memory_space<hbm>>
    tpu.enqueue_indirect_dma source(%dma_start3A_64 : memref<10240x128xf32, #tpu.memory_space<hbm>>) target(%dma_start3A_58 : memref<64x128xf32, #tpu.memory_space<vmem>>) offsets(%dma_start3A_61 : memref<64xi32, #tpu.memory_space<vmem>>) semaphore(%arg12 : memref<!tpu.dma_semaphore, #tpu.memory_space<semaphore_mem>>)
    %scan3A_65 = arith.constant 0 : i32
    %scan3A_66 = arith.constant 20 : i32
    %scan3A_67 = arith.addi %scan3A_65, %scan3A_66 : i32
    %scan3A_68 = arith.constant 1 : i32
    scf.for %scan3A_91 = %scan3A_65 to %scan3A_67 step %scan3A_68  : i32 {
      %mul3A_92 = arith.constant 1 : i32
      %mul3A_93 = arith.muli %scan3A_91, %mul3A_92 : i32
      %add3A_94 = arith.constant 0 : i32
      %add3A_95 = arith.addi %add3A_94, %mul3A_93 : i32
      %mul3A_96 = arith.constant 2 : i32
      %mul3A_97 = arith.muli %add3A_95, %mul3A_96 : i32
      %dma_wait3A = arith.constant 0 : i32
      %dma_wait3A_98 = arith.constant 0 : i32
      %dma_wait3A_99 = tpu.memref_slice %arg8[%dma_wait3A, %dma_wait3A_98] : memref<128x128xf32, #tpu.memory_space<vmem>> -> memref<64x128xf32, #tpu.memory_space<vmem>>
      %dma_wait3A_100 = arith.constant 0 : i32
      %dma_wait3A_101 = tpu.memref_slice %arg6[%mul3A_97, %dma_wait3A_100] : memref<40x128xi32, #tpu.memory_space<vmem>> -> memref<1x64xi32, #tpu.memory_space<vmem>>
      %dma_wait3A_102 = tpu.memref_squeeze %dma_wait3A_101 : memref<1x64xi32, #tpu.memory_space<vmem>> -> memref<64xi32, #tpu.memory_space<vmem>>
      %dma_wait3A_103 = arith.constant 0 : i32
      %dma_wait3A_104 = arith.constant 0 : i32
      %dma_wait3A_105 = tpu.memref_slice %arg2[%dma_wait3A_103, %dma_wait3A_104] : memref<10240x128xf32, #tpu.memory_space<hbm>> -> memref<10240x128xf32, #tpu.memory_space<hbm>>
      tpu.wait_indirect_dma semaphore(%arg11 : memref<!tpu.dma_semaphore, #tpu.memory_space<semaphore_mem>>) src(%dma_wait3A_105 : memref<10240x128xf32, #tpu.memory_space<hbm>>) dst(%dma_wait3A_99 : memref<64x128xf32, #tpu.memory_space<vmem>>)
      %dma_wait3A_106 = arith.constant 64 : i32
      %dma_wait3A_107 = arith.constant 0 : i32
      %dma_wait3A_108 = tpu.memref_slice %arg8[%dma_wait3A_106, %dma_wait3A_107] : memref<128x128xf32, #tpu.memory_space<vmem>> -> memref<64x128xf32, #tpu.memory_space<vmem>>
      %dma_wait3A_109 = arith.constant 64 : i32
      %dma_wait3A_110 = tpu.memref_slice %arg6[%mul3A_97, %dma_wait3A_109] : memref<40x128xi32, #tpu.memory_space<vmem>> -> memref<1x64xi32, #tpu.memory_space<vmem>>
      %dma_wait3A_111 = tpu.memref_squeeze %dma_wait3A_110 : memref<1x64xi32, #tpu.memory_space<vmem>> -> memref<64xi32, #tpu.memory_space<vmem>>
      %dma_wait3A_112 = arith.constant 0 : i32
      %dma_wait3A_113 = arith.constant 0 : i32
      %dma_wait3A_114 = tpu.memref_slice %arg2[%dma_wait3A_112, %dma_wait3A_113] : memref<10240x128xf32, #tpu.memory_space<hbm>> -> memref<10240x128xf32, #tpu.memory_space<hbm>>
      tpu.wait_indirect_dma semaphore(%arg12 : memref<!tpu.dma_semaphore, #tpu.memory_space<semaphore_mem>>) src(%dma_wait3A_114 : memref<10240x128xf32, #tpu.memory_space<hbm>>) dst(%dma_wait3A_108 : memref<64x128xf32, #tpu.memory_space<vmem>>)
      %add3A_115 = arith.constant 1 : i32
      %add3A_116 = arith.addi %mul3A_97, %add3A_115 : i32
      %dma_start3A_117 = arith.constant 0 : i32
      %dma_start3A_118 = arith.constant 0 : i32
      %dma_start3A_119 = tpu.memref_slice %arg9[%dma_start3A_117, %dma_start3A_118] : memref<128x128xf32, #tpu.memory_space<vmem>> -> memref<64x128xf32, #tpu.memory_space<vmem>>
      %dma_start3A_120 = arith.constant 0 : i32
      %dma_start3A_121 = tpu.memref_slice %arg6[%add3A_116, %dma_start3A_120] : memref<40x128xi32, #tpu.memory_space<vmem>> -> memref<1x64xi32, #tpu.memory_space<vmem>>
      %dma_start3A_122 = tpu.memref_squeeze %dma_start3A_121 : memref<1x64xi32, #tpu.memory_space<vmem>> -> memref<64xi32, #tpu.memory_space<vmem>>
      %dma_start3A_123 = arith.constant 0 : i32
      %dma_start3A_124 = arith.constant 0 : i32
      %dma_start3A_125 = tpu.memref_slice %arg2[%dma_start3A_123, %dma_start3A_124] : memref<10240x128xf32, #tpu.memory_space<hbm>> -> memref<10240x128xf32, #tpu.memory_space<hbm>>
      tpu.enqueue_indirect_dma source(%dma_start3A_125 : memref<10240x128xf32, #tpu.memory_space<hbm>>) target(%dma_start3A_119 : memref<64x128xf32, #tpu.memory_space<vmem>>) offsets(%dma_start3A_122 : memref<64xi32, #tpu.memory_space<vmem>>) semaphore(%arg13 : memref<!tpu.dma_semaphore, #tpu.memory_space<semaphore_mem>>)
      %dma_start3A_126 = arith.constant 64 : i32
      %dma_start3A_127 = arith.constant 0 : i32
      %dma_start3A_128 = tpu.memref_slice %arg9[%dma_start3A_126, %dma_start3A_127] : memref<128x128xf32, #tpu.memory_space<vmem>> -> memref<64x128xf32, #tpu.memory_space<vmem>>
      %dma_start3A_129 = arith.constant 64 : i32
      %dma_start3A_130 = tpu.memref_slice %arg6[%add3A_116, %dma_start3A_129] : memref<40x128xi32, #tpu.memory_space<vmem>> -> memref<1x64xi32, #tpu.memory_space<vmem>>
      %dma_start3A_131 = tpu.memref_squeeze %dma_start3A_130 : memref<1x64xi32, #tpu.memory_space<vmem>> -> memref<64xi32, #tpu.memory_space<vmem>>
      %dma_start3A_132 = arith.constant 0 : i32
      %dma_start3A_133 = arith.constant 0 : i32
      %dma_start3A_134 = tpu.memref_slice %arg2[%dma_start3A_132, %dma_start3A_133] : memref<10240x128xf32, #tpu.memory_space<hbm>> -> memref<10240x128xf32, #tpu.memory_space<hbm>>
      tpu.enqueue_indirect_dma source(%dma_start3A_134 : memref<10240x128xf32, #tpu.memory_space<hbm>>) target(%dma_start3A_128 : memref<64x128xf32, #tpu.memory_space<vmem>>) offsets(%dma_start3A_131 : memref<64xi32, #tpu.memory_space<vmem>>) semaphore(%arg14 : memref<!tpu.dma_semaphore, #tpu.memory_space<semaphore_mem>>)
      "tpu.region"() ({
        %run_scoped3A_161 = tpu.sem_alloc : memref<!tpu.dma_semaphore, #tpu.memory_space<semaphore_mem>>
        %dma_start3A_162 = arith.constant 0 : i32
        %dma_start3A_163 = tpu.memref_slice %arg7[%mul3A_97, %dma_start3A_162] : memref<40x128xi32, #tpu.memory_space<vmem>> -> memref<1x128xi32, #tpu.memory_space<vmem>>
        %dma_start3A_164 = tpu.memref_squeeze %dma_start3A_163 : memref<1x128xi32, #tpu.memory_space<vmem>> -> memref<128xi32, #tpu.memory_space<vmem>>
        %dma_start3A_165 = arith.constant 0 : i32
        %dma_start3A_166 = arith.constant 0 : i32
        %dma_start3A_167 = tpu.memref_slice %arg10[%dma_start3A_165, %dma_start3A_166] : memref<10240x128xf32, #tpu.memory_space<vmem_shared>> -> memref<10240x128xf32, #tpu.memory_space<vmem_shared>>
        tpu.enqueue_indirect_dma source(%arg8 : memref<128x128xf32, #tpu.memory_space<vmem>>) target(%dma_start3A_167 : memref<10240x128xf32, #tpu.memory_space<vmem_shared>>) offsets(%dma_start3A_164 : memref<128xi32, #tpu.memory_space<vmem>>) semaphore(%run_scoped3A_161 : memref<!tpu.dma_semaphore, #tpu.memory_space<semaphore_mem>>) {add = true}
        %dma_wait3A_168 = arith.constant 0 : i32
        %dma_wait3A_169 = tpu.memref_slice %arg7[%mul3A_97, %dma_wait3A_168] : memref<40x128xi32, #tpu.memory_space<vmem>> -> memref<1x128xi32, #tpu.memory_space<vmem>>
        %dma_wait3A_170 = tpu.memref_squeeze %dma_wait3A_169 : memref<1x128xi32, #tpu.memory_space<vmem>> -> memref<128xi32, #tpu.memory_space<vmem>>
        %dma_wait3A_171 = arith.constant 0 : i32
        %dma_wait3A_172 = arith.constant 0 : i32
        %dma_wait3A_173 = tpu.memref_slice %arg10[%dma_wait3A_171, %dma_wait3A_172] : memref<10240x128xf32, #tpu.memory_space<vmem_shared>> -> memref<10240x128xf32, #tpu.memory_space<vmem_shared>>
        tpu.wait_indirect_dma semaphore(%run_scoped3A_161 : memref<!tpu.dma_semaphore, #tpu.memory_space<semaphore_mem>>) src(%arg8 : memref<128x128xf32, #tpu.memory_space<vmem>>) dst(%dma_wait3A_173 : memref<10240x128xf32, #tpu.memory_space<vmem_shared>>)
        tpu.yield
      }) : () -> ()
      %add3A_135 = arith.constant 1 : i32
      %add3A_136 = arith.addi %mul3A_97, %add3A_135 : i32
      %dma_wait3A_137 = arith.constant 0 : i32
      %dma_wait3A_138 = arith.constant 0 : i32
      %dma_wait3A_139 = tpu.memref_slice %arg9[%dma_wait3A_137, %dma_wait3A_138] : memref<128x128xf32, #tpu.memory_space<vmem>> -> memref<64x128xf32, #tpu.memory_space<vmem>>
      %dma_wait3A_140 = arith.constant 0 : i32
      %dma_wait3A_141 = tpu.memref_slice %arg6[%add3A_136, %dma_wait3A_140] : memref<40x128xi32, #tpu.memory_space<vmem>> -> memref<1x64xi32, #tpu.memory_space<vmem>>
      %dma_wait3A_142 = tpu.memref_squeeze %dma_wait3A_141 : memref<1x64xi32, #tpu.memory_space<vmem>> -> memref<64xi32, #tpu.memory_space<vmem>>
      %dma_wait3A_143 = arith.constant 0 : i32
      %dma_wait3A_144 = arith.constant 0 : i32
      %dma_wait3A_145 = tpu.memref_slice %arg2[%dma_wait3A_143, %dma_wait3A_144] : memref<10240x128xf32, #tpu.memory_space<hbm>> -> memref<10240x128xf32, #tpu.memory_space<hbm>>
      tpu.wait_indirect_dma semaphore(%arg13 : memref<!tpu.dma_semaphore, #tpu.memory_space<semaphore_mem>>) src(%dma_wait3A_145 : memref<10240x128xf32, #tpu.memory_space<hbm>>) dst(%dma_wait3A_139 : memref<64x128xf32, #tpu.memory_space<vmem>>)
      %dma_wait3A_146 = arith.constant 64 : i32
      %dma_wait3A_147 = arith.constant 0 : i32
      %dma_wait3A_148 = tpu.memref_slice %arg9[%dma_wait3A_146, %dma_wait3A_147] : memref<128x128xf32, #tpu.memory_space<vmem>> -> memref<64x128xf32, #tpu.memory_space<vmem>>
      %dma_wait3A_149 = arith.constant 64 : i32
      %dma_wait3A_150 = tpu.memref_slice %arg6[%add3A_136, %dma_wait3A_149] : memref<40x128xi32, #tpu.memory_space<vmem>> -> memref<1x64xi32, #tpu.memory_space<vmem>>
      %dma_wait3A_151 = tpu.memref_squeeze %dma_wait3A_150 : memref<1x64xi32, #tpu.memory_space<vmem>> -> memref<64xi32, #tpu.memory_space<vmem>>
      %dma_wait3A_152 = arith.constant 0 : i32
      %dma_wait3A_153 = arith.constant 0 : i32
      %dma_wait3A_154 = tpu.memref_slice %arg2[%dma_wait3A_152, %dma_wait3A_153] : memref<10240x128xf32, #tpu.memory_space<hbm>> -> memref<10240x128xf32, #tpu.memory_space<hbm>>
      tpu.wait_indirect_dma semaphore(%arg14 : memref<!tpu.dma_semaphore, #tpu.memory_space<semaphore_mem>>) src(%dma_wait3A_154 : memref<10240x128xf32, #tpu.memory_space<hbm>>) dst(%dma_wait3A_148 : memref<64x128xf32, #tpu.memory_space<vmem>>)
      %add3A_155 = arith.constant 2 : i32
      %add3A_156 = arith.addi %mul3A_97, %add3A_155 : i32
      %lt3A = arith.constant 40 : i32
      %lt3A_157 = arith.cmpi slt, %add3A_156, %lt3A : i32
      %convert_element_type3A = arith.extui %lt3A_157 : i1 to i32
      %cond3A = arith.constant 0 : i32
      %cond3A_158 = arith.cmpi ne, %convert_element_type3A, %cond3A : i32
      scf.if %cond3A_158 {
        %add3A_161 = arith.constant 2 : i32
        %add3A_162 = arith.addi %mul3A_97, %add3A_161 : i32
        %dma_start3A_163 = arith.constant 0 : i32
        %dma_start3A_164 = arith.constant 0 : i32
        %dma_start3A_165 = tpu.memref_slice %arg8[%dma_start3A_163, %dma_start3A_164] : memref<128x128xf32, #tpu.memory_space<vmem>> -> memref<64x128xf32, #tpu.memory_space<vmem>>
        %dma_start3A_166 = arith.constant 0 : i32
        %dma_start3A_167 = tpu.memref_slice %arg6[%add3A_162, %dma_start3A_166] : memref<40x128xi32, #tpu.memory_space<vmem>> -> memref<1x64xi32, #tpu.memory_space<vmem>>
        %dma_start3A_168 = tpu.memref_squeeze %dma_start3A_167 : memref<1x64xi32, #tpu.memory_space<vmem>> -> memref<64xi32, #tpu.memory_space<vmem>>
        %dma_start3A_169 = arith.constant 0 : i32
        %dma_start3A_170 = arith.constant 0 : i32
        %dma_start3A_171 = tpu.memref_slice %arg2[%dma_start3A_169, %dma_start3A_170] : memref<10240x128xf32, #tpu.memory_space<hbm>> -> memref<10240x128xf32, #tpu.memory_space<hbm>>
        tpu.enqueue_indirect_dma source(%dma_start3A_171 : memref<10240x128xf32, #tpu.memory_space<hbm>>) target(%dma_start3A_165 : memref<64x128xf32, #tpu.memory_space<vmem>>) offsets(%dma_start3A_168 : memref<64xi32, #tpu.memory_space<vmem>>) semaphore(%arg11 : memref<!tpu.dma_semaphore, #tpu.memory_space<semaphore_mem>>)
        %dma_start3A_172 = arith.constant 64 : i32
        %dma_start3A_173 = arith.constant 0 : i32
        %dma_start3A_174 = tpu.memref_slice %arg8[%dma_start3A_172, %dma_start3A_173] : memref<128x128xf32, #tpu.memory_space<vmem>> -> memref<64x128xf32, #tpu.memory_space<vmem>>
        %dma_start3A_175 = arith.constant 64 : i32
        %dma_start3A_176 = tpu.memref_slice %arg6[%add3A_162, %dma_start3A_175] : memref<40x128xi32, #tpu.memory_space<vmem>> -> memref<1x64xi32, #tpu.memory_space<vmem>>
        %dma_start3A_177 = tpu.memref_squeeze %dma_start3A_176 : memref<1x64xi32, #tpu.memory_space<vmem>> -> memref<64xi32, #tpu.memory_space<vmem>>
        %dma_start3A_178 = arith.constant 0 : i32
        %dma_start3A_179 = arith.constant 0 : i32
        %dma_start3A_180 = tpu.memref_slice %arg2[%dma_start3A_178, %dma_start3A_179] : memref<10240x128xf32, #tpu.memory_space<hbm>> -> memref<10240x128xf32, #tpu.memory_space<hbm>>
        tpu.enqueue_indirect_dma source(%dma_start3A_180 : memref<10240x128xf32, #tpu.memory_space<hbm>>) target(%dma_start3A_174 : memref<64x128xf32, #tpu.memory_space<vmem>>) offsets(%dma_start3A_177 : memref<64xi32, #tpu.memory_space<vmem>>) semaphore(%arg12 : memref<!tpu.dma_semaphore, #tpu.memory_space<semaphore_mem>>)
      } else {
      }
      %add3A_159 = arith.constant 1 : i32
      %add3A_160 = arith.addi %mul3A_97, %add3A_159 : i32
      "tpu.region"() ({
        %run_scoped3A_161 = tpu.sem_alloc : memref<!tpu.dma_semaphore, #tpu.memory_space<semaphore_mem>>
        %dma_start3A_162 = arith.constant 0 : i32
        %dma_start3A_163 = tpu.memref_slice %arg7[%add3A_160, %dma_start3A_162] : memref<40x128xi32, #tpu.memory_space<vmem>> -> memref<1x128xi32, #tpu.memory_space<vmem>>
        %dma_start3A_164 = tpu.memref_squeeze %dma_start3A_163 : memref<1x128xi32, #tpu.memory_space<vmem>> -> memref<128xi32, #tpu.memory_space<vmem>>
        %dma_start3A_165 = arith.constant 0 : i32
        %dma_start3A_166 = arith.constant 0 : i32
        %dma_start3A_167 = tpu.memref_slice %arg10[%dma_start3A_165, %dma_start3A_166] : memref<10240x128xf32, #tpu.memory_space<vmem_shared>> -> memref<10240x128xf32, #tpu.memory_space<vmem_shared>>
        tpu.enqueue_indirect_dma source(%arg9 : memref<128x128xf32, #tpu.memory_space<vmem>>) target(%dma_start3A_167 : memref<10240x128xf32, #tpu.memory_space<vmem_shared>>) offsets(%dma_start3A_164 : memref<128xi32, #tpu.memory_space<vmem>>) semaphore(%run_scoped3A_161 : memref<!tpu.dma_semaphore, #tpu.memory_space<semaphore_mem>>) {add = true}
        %dma_wait3A_168 = arith.constant 0 : i32
        %dma_wait3A_169 = tpu.memref_slice %arg7[%add3A_160, %dma_wait3A_168] : memref<40x128xi32, #tpu.memory_space<vmem>> -> memref<1x128xi32, #tpu.memory_space<vmem>>
        %dma_wait3A_170 = tpu.memref_squeeze %dma_wait3A_169 : memref<1x128xi32, #tpu.memory_space<vmem>> -> memref<128xi32, #tpu.memory_space<vmem>>
        %dma_wait3A_171 = arith.constant 0 : i32
        %dma_wait3A_172 = arith.constant 0 : i32
        %dma_wait3A_173 = tpu.memref_slice %arg10[%dma_wait3A_171, %dma_wait3A_172] : memref<10240x128xf32, #tpu.memory_space<vmem_shared>> -> memref<10240x128xf32, #tpu.memory_space<vmem_shared>>
        tpu.wait_indirect_dma semaphore(%run_scoped3A_161 : memref<!tpu.dma_semaphore, #tpu.memory_space<semaphore_mem>>) src(%arg9 : memref<128x128xf32, #tpu.memory_space<vmem>>) dst(%dma_wait3A_173 : memref<10240x128xf32, #tpu.memory_space<vmem_shared>>)
        tpu.yield
      }) : () -> ()
    }
    %scan3A_69 = arith.constant 20 : i32
    %barrier3A_70 = arith.constant 0 : index
    tpu.barrier barrier_id(%barrier3A_70)
    %add3A_71 = arith.constant 0 : i32
    %add3A_72 = arith.addi %mul3A_2, %add3A_71 : i32
    %add3A_73 = arith.constant 0 : i32
    %add3A_74 = arith.addi %mul3A_2, %add3A_73 : i32
    "tpu.region"() ({
      %run_scoped3A_91 = tpu.sem_alloc : memref<!tpu.dma_semaphore, #tpu.memory_space<semaphore_mem>>
      %dma_start3A_92 = arith.constant 0 : i32
      %dma_start3A_93 = tpu.memref_slice %arg5[%arg0, %add3A_74, %dma_start3A_92] : memref<2x10240x128xf32, #tpu.memory_space<hbm>> -> memref<1x128x128xf32, #tpu.memory_space<hbm>>
      %dma_start3A_94 = tpu.memref_squeeze %dma_start3A_93 : memref<1x128x128xf32, #tpu.memory_space<hbm>> -> memref<128x128xf32, #tpu.memory_space<hbm>>
      %dma_start3A_95 = arith.constant 0 : i32
      %dma_start3A_96 = tpu.memref_slice %arg10[%add3A_72, %dma_start3A_95] : memref<10240x128xf32, #tpu.memory_space<vmem_shared>> -> memref<128x128xf32, #tpu.memory_space<vmem_shared>>
      tpu.enqueue_dma source(%dma_start3A_96 : memref<128x128xf32, #tpu.memory_space<vmem_shared>>) target(%dma_start3A_94 : memref<128x128xf32, #tpu.memory_space<hbm>>) target_semaphore(%run_scoped3A_91 : memref<!tpu.dma_semaphore, #tpu.memory_space<semaphore_mem>>)
      %dma_wait3A = arith.constant 0 : i32
      %dma_wait3A_97 = tpu.memref_slice %arg5[%arg0, %add3A_74, %dma_wait3A] : memref<2x10240x128xf32, #tpu.memory_space<hbm>> -> memref<1x128x128xf32, #tpu.memory_space<hbm>>
      %dma_wait3A_98 = tpu.memref_squeeze %dma_wait3A_97 : memref<1x128x128xf32, #tpu.memory_space<hbm>> -> memref<128x128xf32, #tpu.memory_space<hbm>>
      %dma_wait3A_99 = arith.constant 0 : i32
      %dma_wait3A_100 = tpu.memref_slice %arg10[%add3A_72, %dma_wait3A_99] : memref<10240x128xf32, #tpu.memory_space<vmem_shared>> -> memref<128x128xf32, #tpu.memory_space<vmem_shared>>
      tpu.wait_dma2 semaphore(%run_scoped3A_91 : memref<!tpu.dma_semaphore, #tpu.memory_space<semaphore_mem>>) src(%dma_wait3A_100 : memref<128x128xf32, #tpu.memory_space<vmem_shared>>) dst(%dma_wait3A_98 : memref<128x128xf32, #tpu.memory_space<hbm>>)
      tpu.yield
    }) : () -> ()
    %add3A_75 = arith.constant 128 : i32
    %add3A_76 = arith.addi %mul3A_2, %add3A_75 : i32
    %add3A_77 = arith.constant 128 : i32
    %add3A_78 = arith.addi %mul3A_2, %add3A_77 : i32
    "tpu.region"() ({
      %run_scoped3A_91 = tpu.sem_alloc : memref<!tpu.dma_semaphore, #tpu.memory_space<semaphore_mem>>
      %dma_start3A_92 = arith.constant 0 : i32
      %dma_start3A_93 = tpu.memref_slice %arg5[%arg0, %add3A_78, %dma_start3A_92] : memref<2x10240x128xf32, #tpu.memory_space<hbm>> -> memref<1x128x128xf32, #tpu.memory_space<hbm>>
      %dma_start3A_94 = tpu.memref_squeeze %dma_start3A_93 : memref<1x128x128xf32, #tpu.memory_space<hbm>> -> memref<128x128xf32, #tpu.memory_space<hbm>>
      %dma_start3A_95 = arith.constant 0 : i32
      %dma_start3A_96 = tpu.memref_slice %arg10[%add3A_76, %dma_start3A_95] : memref<10240x128xf32, #tpu.memory_space<vmem_shared>> -> memref<128x128xf32, #tpu.memory_space<vmem_shared>>
      tpu.enqueue_dma source(%dma_start3A_96 : memref<128x128xf32, #tpu.memory_space<vmem_shared>>) target(%dma_start3A_94 : memref<128x128xf32, #tpu.memory_space<hbm>>) target_semaphore(%run_scoped3A_91 : memref<!tpu.dma_semaphore, #tpu.memory_space<semaphore_mem>>)
      %dma_wait3A = arith.constant 0 : i32
      %dma_wait3A_97 = tpu.memref_slice %arg5[%arg0, %add3A_78, %dma_wait3A] : memref<2x10240x128xf32, #tpu.memory_space<hbm>> -> memref<1x128x128xf32, #tpu.memory_space<hbm>>
      %dma_wait3A_98 = tpu.memref_squeeze %dma_wait3A_97 : memref<1x128x128xf32, #tpu.memory_space<hbm>> -> memref<128x128xf32, #tpu.memory_space<hbm>>
      %dma_wait3A_99 = arith.constant 0 : i32
      %dma_wait3A_100 = tpu.memref_slice %arg10[%add3A_76, %dma_wait3A_99] : memref<10240x128xf32, #tpu.memory_space<vmem_shared>> -> memref<128x128xf32, #tpu.memory_space<vmem_shared>>
      tpu.wait_dma2 semaphore(%run_scoped3A_91 : memref<!tpu.dma_semaphore, #tpu.memory_space<semaphore_mem>>) src(%dma_wait3A_100 : memref<128x128xf32, #tpu.memory_space<vmem_shared>>) dst(%dma_wait3A_98 : memref<128x128xf32, #tpu.memory_space<hbm>>)
      tpu.yield
    }) : () -> ()
    %add3A_79 = arith.constant 256 : i32
    %add3A_80 = arith.addi %mul3A_2, %add3A_79 : i32
    %add3A_81 = arith.constant 256 : i32
    %add3A_82 = arith.addi %mul3A_2, %add3A_81 : i32
    "tpu.region"() ({
      %run_scoped3A_91 = tpu.sem_alloc : memref<!tpu.dma_semaphore, #tpu.memory_space<semaphore_mem>>
      %dma_start3A_92 = arith.constant 0 : i32
      %dma_start3A_93 = tpu.memref_slice %arg5[%arg0, %add3A_82, %dma_start3A_92] : memref<2x10240x128xf32, #tpu.memory_space<hbm>> -> memref<1x128x128xf32, #tpu.memory_space<hbm>>
      %dma_start3A_94 = tpu.memref_squeeze %dma_start3A_93 : memref<1x128x128xf32, #tpu.memory_space<hbm>> -> memref<128x128xf32, #tpu.memory_space<hbm>>
      %dma_start3A_95 = arith.constant 0 : i32
      %dma_start3A_96 = tpu.memref_slice %arg10[%add3A_80, %dma_start3A_95] : memref<10240x128xf32, #tpu.memory_space<vmem_shared>> -> memref<128x128xf32, #tpu.memory_space<vmem_shared>>
      tpu.enqueue_dma source(%dma_start3A_96 : memref<128x128xf32, #tpu.memory_space<vmem_shared>>) target(%dma_start3A_94 : memref<128x128xf32, #tpu.memory_space<hbm>>) target_semaphore(%run_scoped3A_91 : memref<!tpu.dma_semaphore, #tpu.memory_space<semaphore_mem>>)
      %dma_wait3A = arith.constant 0 : i32
      %dma_wait3A_97 = tpu.memref_slice %arg5[%arg0, %add3A_82, %dma_wait3A] : memref<2x10240x128xf32, #tpu.memory_space<hbm>> -> memref<1x128x128xf32, #tpu.memory_space<hbm>>
      %dma_wait3A_98 = tpu.memref_squeeze %dma_wait3A_97 : memref<1x128x128xf32, #tpu.memory_space<hbm>> -> memref<128x128xf32, #tpu.memory_space<hbm>>
      %dma_wait3A_99 = arith.constant 0 : i32
      %dma_wait3A_100 = tpu.memref_slice %arg10[%add3A_80, %dma_wait3A_99] : memref<10240x128xf32, #tpu.memory_space<vmem_shared>> -> memref<128x128xf32, #tpu.memory_space<vmem_shared>>
      tpu.wait_dma2 semaphore(%run_scoped3A_91 : memref<!tpu.dma_semaphore, #tpu.memory_space<semaphore_mem>>) src(%dma_wait3A_100 : memref<128x128xf32, #tpu.memory_space<vmem_shared>>) dst(%dma_wait3A_98 : memref<128x128xf32, #tpu.memory_space<hbm>>)
      tpu.yield
    }) : () -> ()
    %add3A_83 = arith.constant 384 : i32
    %add3A_84 = arith.addi %mul3A_2, %add3A_83 : i32
    %add3A_85 = arith.constant 384 : i32
    %add3A_86 = arith.addi %mul3A_2, %add3A_85 : i32
    "tpu.region"() ({
      %run_scoped3A_91 = tpu.sem_alloc : memref<!tpu.dma_semaphore, #tpu.memory_space<semaphore_mem>>
      %dma_start3A_92 = arith.constant 0 : i32
      %dma_start3A_93 = tpu.memref_slice %arg5[%arg0, %add3A_86, %dma_start3A_92] : memref<2x10240x128xf32, #tpu.memory_space<hbm>> -> memref<1x128x128xf32, #tpu.memory_space<hbm>>
      %dma_start3A_94 = tpu.memref_squeeze %dma_start3A_93 : memref<1x128x128xf32, #tpu.memory_space<hbm>> -> memref<128x128xf32, #tpu.memory_space<hbm>>
      %dma_start3A_95 = arith.constant 0 : i32
      %dma_start3A_96 = tpu.memref_slice %arg10[%add3A_84, %dma_start3A_95] : memref<10240x128xf32, #tpu.memory_space<vmem_shared>> -> memref<128x128xf32, #tpu.memory_space<vmem_shared>>
      tpu.enqueue_dma source(%dma_start3A_96 : memref<128x128xf32, #tpu.memory_space<vmem_shared>>) target(%dma_start3A_94 : memref<128x128xf32, #tpu.memory_space<hbm>>) target_semaphore(%run_scoped3A_91 : memref<!tpu.dma_semaphore, #tpu.memory_space<semaphore_mem>>)
      %dma_wait3A = arith.constant 0 : i32
      %dma_wait3A_97 = tpu.memref_slice %arg5[%arg0, %add3A_86, %dma_wait3A] : memref<2x10240x128xf32, #tpu.memory_space<hbm>> -> memref<1x128x128xf32, #tpu.memory_space<hbm>>
      %dma_wait3A_98 = tpu.memref_squeeze %dma_wait3A_97 : memref<1x128x128xf32, #tpu.memory_space<hbm>> -> memref<128x128xf32, #tpu.memory_space<hbm>>
      %dma_wait3A_99 = arith.constant 0 : i32
      %dma_wait3A_100 = tpu.memref_slice %arg10[%add3A_84, %dma_wait3A_99] : memref<10240x128xf32, #tpu.memory_space<vmem_shared>> -> memref<128x128xf32, #tpu.memory_space<vmem_shared>>
      tpu.wait_dma2 semaphore(%run_scoped3A_91 : memref<!tpu.dma_semaphore, #tpu.memory_space<semaphore_mem>>) src(%dma_wait3A_100 : memref<128x128xf32, #tpu.memory_space<vmem_shared>>) dst(%dma_wait3A_98 : memref<128x128xf32, #tpu.memory_space<hbm>>)
      tpu.yield
    }) : () -> ()
    %add3A_87 = arith.constant 512 : i32
    %add3A_88 = arith.addi %mul3A_2, %add3A_87 : i32
    %add3A_89 = arith.constant 512 : i32
    %add3A_90 = arith.addi %mul3A_2, %add3A_89 : i32
    "tpu.region"() ({
      %run_scoped3A_91 = tpu.sem_alloc : memref<!tpu.dma_semaphore, #tpu.memory_space<semaphore_mem>>
      %dma_start3A_92 = arith.constant 0 : i32
      %dma_start3A_93 = tpu.memref_slice %arg5[%arg0, %add3A_90, %dma_start3A_92] : memref<2x10240x128xf32, #tpu.memory_space<hbm>> -> memref<1x128x128xf32, #tpu.memory_space<hbm>>
      %dma_start3A_94 = tpu.memref_squeeze %dma_start3A_93 : memref<1x128x128xf32, #tpu.memory_space<hbm>> -> memref<128x128xf32, #tpu.memory_space<hbm>>
      %dma_start3A_95 = arith.constant 0 : i32
      %dma_start3A_96 = tpu.memref_slice %arg10[%add3A_88, %dma_start3A_95] : memref<10240x128xf32, #tpu.memory_space<vmem_shared>> -> memref<128x128xf32, #tpu.memory_space<vmem_shared>>
      tpu.enqueue_dma source(%dma_start3A_96 : memref<128x128xf32, #tpu.memory_space<vmem_shared>>) target(%dma_start3A_94 : memref<128x128xf32, #tpu.memory_space<hbm>>) target_semaphore(%run_scoped3A_91 : memref<!tpu.dma_semaphore, #tpu.memory_space<semaphore_mem>>)
      %dma_wait3A = arith.constant 0 : i32
      %dma_wait3A_97 = tpu.memref_slice %arg5[%arg0, %add3A_90, %dma_wait3A] : memref<2x10240x128xf32, #tpu.memory_space<hbm>> -> memref<1x128x128xf32, #tpu.memory_space<hbm>>
      %dma_wait3A_98 = tpu.memref_squeeze %dma_wait3A_97 : memref<1x128x128xf32, #tpu.memory_space<hbm>> -> memref<128x128xf32, #tpu.memory_space<hbm>>
      %dma_wait3A_99 = arith.constant 0 : i32
      %dma_wait3A_100 = tpu.memref_slice %arg10[%add3A_88, %dma_wait3A_99] : memref<10240x128xf32, #tpu.memory_space<vmem_shared>> -> memref<128x128xf32, #tpu.memory_space<vmem_shared>>
      tpu.wait_dma2 semaphore(%run_scoped3A_91 : memref<!tpu.dma_semaphore, #tpu.memory_space<semaphore_mem>>) src(%dma_wait3A_100 : memref<128x128xf32, #tpu.memory_space<vmem_shared>>) dst(%dma_wait3A_98 : memref<128x128xf32, #tpu.memory_space<hbm>>)
      tpu.yield
    }) : () -> ()
    return
  }
}

#map = affine_map<(d0, d1) -> (0, 0)>
#map1 = affine_map<(d0, d1) -> (0, 0, 0, 0)>
#map2 = affine_map<(d0, d1) -> (0, 0, 0)>
module attributes {stable_mosaic.version = 14 : i64} {
  func.func @_sc_edge_sum(%arg0: i32, %arg1: i32, %arg2: memref<10240x128xf32, #tpu.memory_space<hbm>>, %arg3: memref<32x2x40x128xi32, #tpu.memory_space<hbm>>, %arg4: memref<32x2x40x128xi32, #tpu.memory_space<hbm>>, %arg5: memref<2x10240x128xf32, #tpu.memory_space<hbm>>, %arg6: memref<40x128xi32, #tpu.memory_space<vmem>>, %arg7: memref<40x128xi32, #tpu.memory_space<vmem>>, %arg8: memref<128x128xf32, #tpu.memory_space<vmem>>, %arg9: memref<128x128xf32, #tpu.memory_space<vmem>>, %arg10: memref<10240x128xf32, #tpu.memory_space<vmem_shared>>, %arg11: memref<!tpu.dma_semaphore, #tpu.memory_space<semaphore_mem>>, %arg12: memref<!tpu.dma_semaphore, #tpu.memory_space<semaphore_mem>>, %arg13: memref<!tpu.dma_semaphore, #tpu.memory_space<semaphore_mem>>, %arg14: memref<!tpu.dma_semaphore, #tpu.memory_space<semaphore_mem>>) attributes {dimension_semantics = [#tpu.dimension_semantics<core_parallel>, #tpu.dimension_semantics<subcore_parallel>], iteration_bounds = array<i64: 2, 16>, scalar_prefetch = 0 : i64, scratch_operands = 9 : i64, tpu.core_type = #tpu.core_type<sc_vector_subcore>, window_params = [{transform_indices = #map}, {transform_indices = #map1}, {transform_indices = #map1}, {transform_indices = #map2}]} {
    %mul3A = arith.constant 16 : i32
    %mul3A_0 = arith.muli %arg0, %mul3A : i32
    %add3A = arith.addi %mul3A_0, %arg1 : i32
    %mul3A_1 = arith.constant 640 : i32
    %mul3A_2 = arith.muli %arg1, %mul3A_1 : i32
    %broadcast_in_dim3A = arith.constant 0.000000e+00 : f32
    %broadcast_in_dim3A_3 = vector.broadcast %broadcast_in_dim3A : f32 to vector<16xf32>
    %scan3A = arith.constant 0 : i32
    %scan3A_4 = arith.constant 128 : i32
    %scan3A_5 = arith.addi %scan3A, %scan3A_4 : i32
    %scan3A_6 = arith.constant 1 : i32
    scf.for %scan3A_91 = %scan3A to %scan3A_5 step %scan3A_6  : i32 {
      %mul3A_92 = arith.constant 1 : i32
      %mul3A_93 = arith.muli %scan3A_91, %mul3A_92 : i32
      %add3A_94 = arith.constant 0 : i32
      %add3A_95 = arith.addi %add3A_94, %mul3A_93 : i32
      %swap3A = arith.index_cast %add3A_95 : i32 to index
      %swap3A_96 = arith.constant 0 : index
      %swap3A_97 = tpu.vector_load %arg8[%swap3A, %swap3A_96] {strides = array<i32>} : memref<128x128xf32, #tpu.memory_space<vmem>>, vector<1x16xf32>,
      %swap3A_98 = vector.shape_cast %swap3A_97 : vector<1x16xf32> to vector<16xf32>
      %swap3A_99 = vector.shape_cast %broadcast_in_dim3A_3 : vector<16xf32> to vector<1x16xf32>
      tpu.vector_store %arg8[%swap3A, %swap3A_96], %swap3A_99 {strides = array<i32>} : memref<128x128xf32, #tpu.memory_space<vmem>>, vector<1x16xf32>,
      %swap3A_100 = arith.index_cast %add3A_95 : i32 to index
      %swap3A_101 = arith.constant 16 : index
      %swap3A_102 = tpu.vector_load %arg8[%swap3A_100, %swap3A_101] {strides = array<i32>} : memref<128x128xf32, #tpu.memory_space<vmem>>, vector<1x16xf32>,
      %swap3A_103 = vector.shape_cast %swap3A_102 : vector<1x16xf32> to vector<16xf32>
      %swap3A_104 = vector.shape_cast %broadcast_in_dim3A_3 : vector<16xf32> to vector<1x16xf32>
      tpu.vector_store %arg8[%swap3A_100, %swap3A_101], %swap3A_104 {strides = array<i32>} : memref<128x128xf32, #tpu.memory_space<vmem>>, vector<1x16xf32>,
      %swap3A_105 = arith.index_cast %add3A_95 : i32 to index
      %swap3A_106 = arith.constant 32 : index
      %swap3A_107 = tpu.vector_load %arg8[%swap3A_105, %swap3A_106] {strides = array<i32>} : memref<128x128xf32, #tpu.memory_space<vmem>>, vector<1x16xf32>,
      %swap3A_108 = vector.shape_cast %swap3A_107 : vector<1x16xf32> to vector<16xf32>
      %swap3A_109 = vector.shape_cast %broadcast_in_dim3A_3 : vector<16xf32> to vector<1x16xf32>
      tpu.vector_store %arg8[%swap3A_105, %swap3A_106], %swap3A_109 {strides = array<i32>} : memref<128x128xf32, #tpu.memory_space<vmem>>, vector<1x16xf32>,
      %swap3A_110 = arith.index_cast %add3A_95 : i32 to index
      %swap3A_111 = arith.constant 48 : index
      %swap3A_112 = tpu.vector_load %arg8[%swap3A_110, %swap3A_111] {strides = array<i32>} : memref<128x128xf32, #tpu.memory_space<vmem>>, vector<1x16xf32>,
      %swap3A_113 = vector.shape_cast %swap3A_112 : vector<1x16xf32> to vector<16xf32>
      %swap3A_114 = vector.shape_cast %broadcast_in_dim3A_3 : vector<16xf32> to vector<1x16xf32>
      tpu.vector_store %arg8[%swap3A_110, %swap3A_111], %swap3A_114 {strides = array<i32>} : memref<128x128xf32, #tpu.memory_space<vmem>>, vector<1x16xf32>,
      %swap3A_115 = arith.index_cast %add3A_95 : i32 to index
      %swap3A_116 = arith.constant 64 : index
      %swap3A_117 = tpu.vector_load %arg8[%swap3A_115, %swap3A_116] {strides = array<i32>} : memref<128x128xf32, #tpu.memory_space<vmem>>, vector<1x16xf32>,
      %swap3A_118 = vector.shape_cast %swap3A_117 : vector<1x16xf32> to vector<16xf32>
      %swap3A_119 = vector.shape_cast %broadcast_in_dim3A_3 : vector<16xf32> to vector<1x16xf32>
      tpu.vector_store %arg8[%swap3A_115, %swap3A_116], %swap3A_119 {strides = array<i32>} : memref<128x128xf32, #tpu.memory_space<vmem>>, vector<1x16xf32>,
      %swap3A_120 = arith.index_cast %add3A_95 : i32 to index
      %swap3A_121 = arith.constant 80 : index
      %swap3A_122 = tpu.vector_load %arg8[%swap3A_120, %swap3A_121] {strides = array<i32>} : memref<128x128xf32, #tpu.memory_space<vmem>>, vector<1x16xf32>,
      %swap3A_123 = vector.shape_cast %swap3A_122 : vector<1x16xf32> to vector<16xf32>
      %swap3A_124 = vector.shape_cast %broadcast_in_dim3A_3 : vector<16xf32> to vector<1x16xf32>
      tpu.vector_store %arg8[%swap3A_120, %swap3A_121], %swap3A_124 {strides = array<i32>} : memref<128x128xf32, #tpu.memory_space<vmem>>, vector<1x16xf32>,
      %swap3A_125 = arith.index_cast %add3A_95 : i32 to index
      %swap3A_126 = arith.constant 96 : index
      %swap3A_127 = tpu.vector_load %arg8[%swap3A_125, %swap3A_126] {strides = array<i32>} : memref<128x128xf32, #tpu.memory_space<vmem>>, vector<1x16xf32>,
      %swap3A_128 = vector.shape_cast %swap3A_127 : vector<1x16xf32> to vector<16xf32>
      %swap3A_129 = vector.shape_cast %broadcast_in_dim3A_3 : vector<16xf32> to vector<1x16xf32>
      tpu.vector_store %arg8[%swap3A_125, %swap3A_126], %swap3A_129 {strides = array<i32>} : memref<128x128xf32, #tpu.memory_space<vmem>>, vector<1x16xf32>,
      %swap3A_130 = arith.index_cast %add3A_95 : i32 to index
      %swap3A_131 = arith.constant 112 : index
      %swap3A_132 = tpu.vector_load %arg8[%swap3A_130, %swap3A_131] {strides = array<i32>} : memref<128x128xf32, #tpu.memory_space<vmem>>, vector<1x16xf32>,
      %swap3A_133 = vector.shape_cast %swap3A_132 : vector<1x16xf32> to vector<16xf32>
      %swap3A_134 = vector.shape_cast %broadcast_in_dim3A_3 : vector<16xf32> to vector<1x16xf32>
      tpu.vector_store %arg8[%swap3A_130, %swap3A_131], %swap3A_134 {strides = array<i32>} : memref<128x128xf32, #tpu.memory_space<vmem>>, vector<1x16xf32>,
    }
    %scan3A_7 = arith.constant 128 : i32
    %add3A_8 = arith.constant 0 : i32
    %add3A_9 = arith.addi %mul3A_2, %add3A_8 : i32
    "tpu.region"() ({
      %run_scoped3A_91 = tpu.sem_alloc : memref<!tpu.dma_semaphore, #tpu.memory_space<semaphore_mem>>
      %dma_start3A_92 = arith.constant 0 : i32
      %dma_start3A_93 = tpu.memref_slice %arg10[%add3A_9, %dma_start3A_92] : memref<10240x128xf32, #tpu.memory_space<vmem_shared>> -> memref<128x128xf32, #tpu.memory_space<vmem_shared>>
      %dma_start3A_94 = arith.constant 0 : i32
      %dma_start3A_95 = tpu.memref_slice %arg10[%add3A_9, %dma_start3A_94] : memref<10240x128xf32, #tpu.memory_space<vmem_shared>> -> memref<128x128xf32, #tpu.memory_space<vmem_shared>>
      tpu.enqueue_dma source(%arg8 : memref<128x128xf32, #tpu.memory_space<vmem>>) target(%dma_start3A_95 : memref<128x128xf32, #tpu.memory_space<vmem_shared>>) target_semaphore(%run_scoped3A_91 : memref<!tpu.dma_semaphore, #tpu.memory_space<semaphore_mem>>)
      %dma_wait3A = arith.constant 0 : i32
      %dma_wait3A_96 = tpu.memref_slice %arg10[%add3A_9, %dma_wait3A] : memref<10240x128xf32, #tpu.memory_space<vmem_shared>> -> memref<128x128xf32, #tpu.memory_space<vmem_shared>>
      %dma_wait3A_97 = arith.constant 0 : i32
      %dma_wait3A_98 = tpu.memref_slice %arg10[%add3A_9, %dma_wait3A_97] : memref<10240x128xf32, #tpu.memory_space<vmem_shared>> -> memref<128x128xf32, #tpu.memory_space<vmem_shared>>
      tpu.wait_dma2 semaphore(%run_scoped3A_91 : memref<!tpu.dma_semaphore, #tpu.memory_space<semaphore_mem>>) src(%arg8 : memref<128x128xf32, #tpu.memory_space<vmem>>) dst(%dma_wait3A_98 : memref<128x128xf32, #tpu.memory_space<vmem_shared>>)
      tpu.yield
    }) : () -> ()
    %add3A_10 = arith.constant 128 : i32
    %add3A_11 = arith.addi %mul3A_2, %add3A_10 : i32
    "tpu.region"() ({
      %run_scoped3A_91 = tpu.sem_alloc : memref<!tpu.dma_semaphore, #tpu.memory_space<semaphore_mem>>
      %dma_start3A_92 = arith.constant 0 : i32
      %dma_start3A_93 = tpu.memref_slice %arg10[%add3A_11, %dma_start3A_92] : memref<10240x128xf32, #tpu.memory_space<vmem_shared>> -> memref<128x128xf32, #tpu.memory_space<vmem_shared>>
      %dma_start3A_94 = arith.constant 0 : i32
      %dma_start3A_95 = tpu.memref_slice %arg10[%add3A_11, %dma_start3A_94] : memref<10240x128xf32, #tpu.memory_space<vmem_shared>> -> memref<128x128xf32, #tpu.memory_space<vmem_shared>>
      tpu.enqueue_dma source(%arg8 : memref<128x128xf32, #tpu.memory_space<vmem>>) target(%dma_start3A_95 : memref<128x128xf32, #tpu.memory_space<vmem_shared>>) target_semaphore(%run_scoped3A_91 : memref<!tpu.dma_semaphore, #tpu.memory_space<semaphore_mem>>)
      %dma_wait3A = arith.constant 0 : i32
      %dma_wait3A_96 = tpu.memref_slice %arg10[%add3A_11, %dma_wait3A] : memref<10240x128xf32, #tpu.memory_space<vmem_shared>> -> memref<128x128xf32, #tpu.memory_space<vmem_shared>>
      %dma_wait3A_97 = arith.constant 0 : i32
      %dma_wait3A_98 = tpu.memref_slice %arg10[%add3A_11, %dma_wait3A_97] : memref<10240x128xf32, #tpu.memory_space<vmem_shared>> -> memref<128x128xf32, #tpu.memory_space<vmem_shared>>
      tpu.wait_dma2 semaphore(%run_scoped3A_91 : memref<!tpu.dma_semaphore, #tpu.memory_space<semaphore_mem>>) src(%arg8 : memref<128x128xf32, #tpu.memory_space<vmem>>) dst(%dma_wait3A_98 : memref<128x128xf32, #tpu.memory_space<vmem_shared>>)
      tpu.yield
    }) : () -> ()
    %add3A_12 = arith.constant 256 : i32
    %add3A_13 = arith.addi %mul3A_2, %add3A_12 : i32
    "tpu.region"() ({
      %run_scoped3A_91 = tpu.sem_alloc : memref<!tpu.dma_semaphore, #tpu.memory_space<semaphore_mem>>
      %dma_start3A_92 = arith.constant 0 : i32
      %dma_start3A_93 = tpu.memref_slice %arg10[%add3A_13, %dma_start3A_92] : memref<10240x128xf32, #tpu.memory_space<vmem_shared>> -> memref<128x128xf32, #tpu.memory_space<vmem_shared>>
      %dma_start3A_94 = arith.constant 0 : i32
      %dma_start3A_95 = tpu.memref_slice %arg10[%add3A_13, %dma_start3A_94] : memref<10240x128xf32, #tpu.memory_space<vmem_shared>> -> memref<128x128xf32, #tpu.memory_space<vmem_shared>>
      tpu.enqueue_dma source(%arg8 : memref<128x128xf32, #tpu.memory_space<vmem>>) target(%dma_start3A_95 : memref<128x128xf32, #tpu.memory_space<vmem_shared>>) target_semaphore(%run_scoped3A_91 : memref<!tpu.dma_semaphore, #tpu.memory_space<semaphore_mem>>)
      %dma_wait3A = arith.constant 0 : i32
      %dma_wait3A_96 = tpu.memref_slice %arg10[%add3A_13, %dma_wait3A] : memref<10240x128xf32, #tpu.memory_space<vmem_shared>> -> memref<128x128xf32, #tpu.memory_space<vmem_shared>>
      %dma_wait3A_97 = arith.constant 0 : i32
      %dma_wait3A_98 = tpu.memref_slice %arg10[%add3A_13, %dma_wait3A_97] : memref<10240x128xf32, #tpu.memory_space<vmem_shared>> -> memref<128x128xf32, #tpu.memory_space<vmem_shared>>
      tpu.wait_dma2 semaphore(%run_scoped3A_91 : memref<!tpu.dma_semaphore, #tpu.memory_space<semaphore_mem>>) src(%arg8 : memref<128x128xf32, #tpu.memory_space<vmem>>) dst(%dma_wait3A_98 : memref<128x128xf32, #tpu.memory_space<vmem_shared>>)
      tpu.yield
    }) : () -> ()
    %add3A_14 = arith.constant 384 : i32
    %add3A_15 = arith.addi %mul3A_2, %add3A_14 : i32
    "tpu.region"() ({
      %run_scoped3A_91 = tpu.sem_alloc : memref<!tpu.dma_semaphore, #tpu.memory_space<semaphore_mem>>
      %dma_start3A_92 = arith.constant 0 : i32
      %dma_start3A_93 = tpu.memref_slice %arg10[%add3A_15, %dma_start3A_92] : memref<10240x128xf32, #tpu.memory_space<vmem_shared>> -> memref<128x128xf32, #tpu.memory_space<vmem_shared>>
      %dma_start3A_94 = arith.constant 0 : i32
      %dma_start3A_95 = tpu.memref_slice %arg10[%add3A_15, %dma_start3A_94] : memref<10240x128xf32, #tpu.memory_space<vmem_shared>> -> memref<128x128xf32, #tpu.memory_space<vmem_shared>>
      tpu.enqueue_dma source(%arg8 : memref<128x128xf32, #tpu.memory_space<vmem>>) target(%dma_start3A_95 : memref<128x128xf32, #tpu.memory_space<vmem_shared>>) target_semaphore(%run_scoped3A_91 : memref<!tpu.dma_semaphore, #tpu.memory_space<semaphore_mem>>)
      %dma_wait3A = arith.constant 0 : i32
      %dma_wait3A_96 = tpu.memref_slice %arg10[%add3A_15, %dma_wait3A] : memref<10240x128xf32, #tpu.memory_space<vmem_shared>> -> memref<128x128xf32, #tpu.memory_space<vmem_shared>>
      %dma_wait3A_97 = arith.constant 0 : i32
      %dma_wait3A_98 = tpu.memref_slice %arg10[%add3A_15, %dma_wait3A_97] : memref<10240x128xf32, #tpu.memory_space<vmem_shared>> -> memref<128x128xf32, #tpu.memory_space<vmem_shared>>
      tpu.wait_dma2 semaphore(%run_scoped3A_91 : memref<!tpu.dma_semaphore, #tpu.memory_space<semaphore_mem>>) src(%arg8 : memref<128x128xf32, #tpu.memory_space<vmem>>) dst(%dma_wait3A_98 : memref<128x128xf32, #tpu.memory_space<vmem_shared>>)
      tpu.yield
    }) : () -> ()
    %add3A_16 = arith.constant 512 : i32
    %add3A_17 = arith.addi %mul3A_2, %add3A_16 : i32
    "tpu.region"() ({
      %run_scoped3A_91 = tpu.sem_alloc : memref<!tpu.dma_semaphore, #tpu.memory_space<semaphore_mem>>
      %dma_start3A_92 = arith.constant 0 : i32
      %dma_start3A_93 = tpu.memref_slice %arg10[%add3A_17, %dma_start3A_92] : memref<10240x128xf32, #tpu.memory_space<vmem_shared>> -> memref<128x128xf32, #tpu.memory_space<vmem_shared>>
      %dma_start3A_94 = arith.constant 0 : i32
      %dma_start3A_95 = tpu.memref_slice %arg10[%add3A_17, %dma_start3A_94] : memref<10240x128xf32, #tpu.memory_space<vmem_shared>> -> memref<128x128xf32, #tpu.memory_space<vmem_shared>>
      tpu.enqueue_dma source(%arg8 : memref<128x128xf32, #tpu.memory_space<vmem>>) target(%dma_start3A_95 : memref<128x128xf32, #tpu.memory_space<vmem_shared>>) target_semaphore(%run_scoped3A_91 : memref<!tpu.dma_semaphore, #tpu.memory_space<semaphore_mem>>)
      %dma_wait3A = arith.constant 0 : i32
      %dma_wait3A_96 = tpu.memref_slice %arg10[%add3A_17, %dma_wait3A] : memref<10240x128xf32, #tpu.memory_space<vmem_shared>> -> memref<128x128xf32, #tpu.memory_space<vmem_shared>>
      %dma_wait3A_97 = arith.constant 0 : i32
      %dma_wait3A_98 = tpu.memref_slice %arg10[%add3A_17, %dma_wait3A_97] : memref<10240x128xf32, #tpu.memory_space<vmem_shared>> -> memref<128x128xf32, #tpu.memory_space<vmem_shared>>
      tpu.wait_dma2 semaphore(%run_scoped3A_91 : memref<!tpu.dma_semaphore, #tpu.memory_space<semaphore_mem>>) src(%arg8 : memref<128x128xf32, #tpu.memory_space<vmem>>) dst(%dma_wait3A_98 : memref<128x128xf32, #tpu.memory_space<vmem_shared>>)
      tpu.yield
    }) : () -> ()
    %barrier3A = arith.constant 0 : index
    tpu.barrier barrier_id(%barrier3A)
    %run_scoped3A = arith.constant 0 : i32
    "tpu.region"() ({
      %run_scoped3A_91 = tpu.sem_alloc : memref<!tpu.dma_semaphore, #tpu.memory_space<semaphore_mem>>
      %dma_start3A_92 = arith.constant 0 : i32
      %dma_start3A_93 = arith.constant 0 : i32
      %dma_start3A_94 = tpu.memref_slice %arg3[%add3A, %run_scoped3A, %dma_start3A_92, %dma_start3A_93] : memref<32x2x40x128xi32, #tpu.memory_space<hbm>> -> memref<1x1x40x128xi32, #tpu.memory_space<hbm>>
      %dma_start3A_95 = tpu.memref_squeeze %dma_start3A_94 : memref<1x1x40x128xi32, #tpu.memory_space<hbm>> -> memref<40x128xi32, #tpu.memory_space<hbm>>
      %dma_start3A_96 = arith.constant 0 : i32
      %dma_start3A_97 = arith.constant 0 : i32
      %dma_start3A_98 = tpu.memref_slice %arg3[%add3A, %run_scoped3A, %dma_start3A_96, %dma_start3A_97] : memref<32x2x40x128xi32, #tpu.memory_space<hbm>> -> memref<1x1x40x128xi32, #tpu.memory_space<hbm>>
      %dma_start3A_99 = tpu.memref_squeeze %dma_start3A_98 : memref<1x1x40x128xi32, #tpu.memory_space<hbm>> -> memref<40x128xi32, #tpu.memory_space<hbm>>
      tpu.enqueue_dma source(%dma_start3A_99 : memref<40x128xi32, #tpu.memory_space<hbm>>) target(%arg6 : memref<40x128xi32, #tpu.memory_space<vmem>>) target_semaphore(%run_scoped3A_91 : memref<!tpu.dma_semaphore, #tpu.memory_space<semaphore_mem>>)
      %dma_wait3A = arith.constant 0 : i32
      %dma_wait3A_100 = arith.constant 0 : i32
      %dma_wait3A_101 = tpu.memref_slice %arg3[%add3A, %run_scoped3A, %dma_wait3A, %dma_wait3A_100] : memref<32x2x40x128xi32, #tpu.memory_space<hbm>> -> memref<1x1x40x128xi32, #tpu.memory_space<hbm>>
      %dma_wait3A_102 = tpu.memref_squeeze %dma_wait3A_101 : memref<1x1x40x128xi32, #tpu.memory_space<hbm>> -> memref<40x128xi32, #tpu.memory_space<hbm>>
      %dma_wait3A_103 = arith.constant 0 : i32
      %dma_wait3A_104 = arith.constant 0 : i32
      %dma_wait3A_105 = tpu.memref_slice %arg3[%add3A, %run_scoped3A, %dma_wait3A_103, %dma_wait3A_104] : memref<32x2x40x128xi32, #tpu.memory_space<hbm>> -> memref<1x1x40x128xi32, #tpu.memory_space<hbm>>
      %dma_wait3A_106 = tpu.memref_squeeze %dma_wait3A_105 : memref<1x1x40x128xi32, #tpu.memory_space<hbm>> -> memref<40x128xi32, #tpu.memory_space<hbm>>
      tpu.wait_dma2 semaphore(%run_scoped3A_91 : memref<!tpu.dma_semaphore, #tpu.memory_space<semaphore_mem>>) src(%dma_wait3A_106 : memref<40x128xi32, #tpu.memory_space<hbm>>) dst(%arg6 : memref<40x128xi32, #tpu.memory_space<vmem>>)
      tpu.yield
    }) : () -> ()
    %run_scoped3A_18 = arith.constant 0 : i32
    "tpu.region"() ({
      %run_scoped3A_91 = tpu.sem_alloc : memref<!tpu.dma_semaphore, #tpu.memory_space<semaphore_mem>>
      %dma_start3A_92 = arith.constant 0 : i32
      %dma_start3A_93 = arith.constant 0 : i32
      %dma_start3A_94 = tpu.memref_slice %arg4[%add3A, %run_scoped3A_18, %dma_start3A_92, %dma_start3A_93] : memref<32x2x40x128xi32, #tpu.memory_space<hbm>> -> memref<1x1x40x128xi32, #tpu.memory_space<hbm>>
      %dma_start3A_95 = tpu.memref_squeeze %dma_start3A_94 : memref<1x1x40x128xi32, #tpu.memory_space<hbm>> -> memref<40x128xi32, #tpu.memory_space<hbm>>
      %dma_start3A_96 = arith.constant 0 : i32
      %dma_start3A_97 = arith.constant 0 : i32
      %dma_start3A_98 = tpu.memref_slice %arg4[%add3A, %run_scoped3A_18, %dma_start3A_96, %dma_start3A_97] : memref<32x2x40x128xi32, #tpu.memory_space<hbm>> -> memref<1x1x40x128xi32, #tpu.memory_space<hbm>>
      %dma_start3A_99 = tpu.memref_squeeze %dma_start3A_98 : memref<1x1x40x128xi32, #tpu.memory_space<hbm>> -> memref<40x128xi32, #tpu.memory_space<hbm>>
      tpu.enqueue_dma source(%dma_start3A_99 : memref<40x128xi32, #tpu.memory_space<hbm>>) target(%arg7 : memref<40x128xi32, #tpu.memory_space<vmem>>) target_semaphore(%run_scoped3A_91 : memref<!tpu.dma_semaphore, #tpu.memory_space<semaphore_mem>>)
      %dma_wait3A = arith.constant 0 : i32
      %dma_wait3A_100 = arith.constant 0 : i32
      %dma_wait3A_101 = tpu.memref_slice %arg4[%add3A, %run_scoped3A_18, %dma_wait3A, %dma_wait3A_100] : memref<32x2x40x128xi32, #tpu.memory_space<hbm>> -> memref<1x1x40x128xi32, #tpu.memory_space<hbm>>
      %dma_wait3A_102 = tpu.memref_squeeze %dma_wait3A_101 : memref<1x1x40x128xi32, #tpu.memory_space<hbm>> -> memref<40x128xi32, #tpu.memory_space<hbm>>
      %dma_wait3A_103 = arith.constant 0 : i32
      %dma_wait3A_104 = arith.constant 0 : i32
      %dma_wait3A_105 = tpu.memref_slice %arg4[%add3A, %run_scoped3A_18, %dma_wait3A_103, %dma_wait3A_104] : memref<32x2x40x128xi32, #tpu.memory_space<hbm>> -> memref<1x1x40x128xi32, #tpu.memory_space<hbm>>
      %dma_wait3A_106 = tpu.memref_squeeze %dma_wait3A_105 : memref<1x1x40x128xi32, #tpu.memory_space<hbm>> -> memref<40x128xi32, #tpu.memory_space<hbm>>
      tpu.wait_dma2 semaphore(%run_scoped3A_91 : memref<!tpu.dma_semaphore, #tpu.memory_space<semaphore_mem>>) src(%dma_wait3A_106 : memref<40x128xi32, #tpu.memory_space<hbm>>) dst(%arg7 : memref<40x128xi32, #tpu.memory_space<vmem>>)
      tpu.yield
    }) : () -> ()
    %dma_start3A = arith.constant 0 : i32
    %dma_start3A_19 = arith.constant 0 : i32
    %dma_start3A_20 = arith.constant 0 : i32
    %dma_start3A_21 = tpu.memref_slice %arg8[%dma_start3A_19, %dma_start3A_20] : memref<128x128xf32, #tpu.memory_space<vmem>> -> memref<64x128xf32, #tpu.memory_space<vmem>>
    %dma_start3A_22 = arith.constant 0 : i32
    %dma_start3A_23 = tpu.memref_slice %arg6[%dma_start3A, %dma_start3A_22] : memref<40x128xi32, #tpu.memory_space<vmem>> -> memref<1x64xi32, #tpu.memory_space<vmem>>
    %dma_start3A_24 = tpu.memref_squeeze %dma_start3A_23 : memref<1x64xi32, #tpu.memory_space<vmem>> -> memref<64xi32, #tpu.memory_space<vmem>>
    %dma_start3A_25 = arith.constant 0 : i32
    %dma_start3A_26 = arith.constant 0 : i32
    %dma_start3A_27 = tpu.memref_slice %arg2[%dma_start3A_25, %dma_start3A_26] : memref<10240x128xf32, #tpu.memory_space<hbm>> -> memref<10240x128xf32, #tpu.memory_space<hbm>>
    tpu.enqueue_indirect_dma source(%dma_start3A_27 : memref<10240x128xf32, #tpu.memory_space<hbm>>) target(%dma_start3A_21 : memref<64x128xf32, #tpu.memory_space<vmem>>) offsets(%dma_start3A_24 : memref<64xi32, #tpu.memory_space<vmem>>) semaphore(%arg11 : memref<!tpu.dma_semaphore, #tpu.memory_space<semaphore_mem>>)
    %dma_start3A_28 = arith.constant 0 : i32
    %dma_start3A_29 = arith.constant 64 : i32
    %dma_start3A_30 = arith.constant 0 : i32
    %dma_start3A_31 = tpu.memref_slice %arg8[%dma_start3A_29, %dma_start3A_30] : memref<128x128xf32, #tpu.memory_space<vmem>> -> memref<64x128xf32, #tpu.memory_space<vmem>>
    %dma_start3A_32 = arith.constant 64 : i32
    %dma_start3A_33 = tpu.memref_slice %arg6[%dma_start3A_28, %dma_start3A_32] : memref<40x128xi32, #tpu.memory_space<vmem>> -> memref<1x64xi32, #tpu.memory_space<vmem>>
    %dma_start3A_34 = tpu.memref_squeeze %dma_start3A_33 : memref<1x64xi32, #tpu.memory_space<vmem>> -> memref<64xi32, #tpu.memory_space<vmem>>
    %dma_start3A_35 = arith.constant 0 : i32
    %dma_start3A_36 = arith.constant 0 : i32
    %dma_start3A_37 = tpu.memref_slice %arg2[%dma_start3A_35, %dma_start3A_36] : memref<10240x128xf32, #tpu.memory_space<hbm>> -> memref<10240x128xf32, #tpu.memory_space<hbm>>
    tpu.enqueue_indirect_dma source(%dma_start3A_37 : memref<10240x128xf32, #tpu.memory_space<hbm>>) target(%dma_start3A_31 : memref<64x128xf32, #tpu.memory_space<vmem>>) offsets(%dma_start3A_34 : memref<64xi32, #tpu.memory_space<vmem>>) semaphore(%arg12 : memref<!tpu.dma_semaphore, #tpu.memory_space<semaphore_mem>>)
    %scan3A_38 = arith.constant 0 : i32
    %scan3A_39 = arith.constant 20 : i32
    %scan3A_40 = arith.addi %scan3A_38, %scan3A_39 : i32
    %scan3A_41 = arith.constant 1 : i32
    scf.for %scan3A_91 = %scan3A_38 to %scan3A_40 step %scan3A_41  : i32 {
      %mul3A_92 = arith.constant 1 : i32
      %mul3A_93 = arith.muli %scan3A_91, %mul3A_92 : i32
      %add3A_94 = arith.constant 0 : i32
      %add3A_95 = arith.addi %add3A_94, %mul3A_93 : i32
      %mul3A_96 = arith.constant 2 : i32
      %mul3A_97 = arith.muli %add3A_95, %mul3A_96 : i32
      %dma_wait3A = arith.constant 0 : i32
      %dma_wait3A_98 = arith.constant 0 : i32
      %dma_wait3A_99 = tpu.memref_slice %arg8[%dma_wait3A, %dma_wait3A_98] : memref<128x128xf32, #tpu.memory_space<vmem>> -> memref<64x128xf32, #tpu.memory_space<vmem>>
      %dma_wait3A_100 = arith.constant 0 : i32
      %dma_wait3A_101 = tpu.memref_slice %arg6[%mul3A_97, %dma_wait3A_100] : memref<40x128xi32, #tpu.memory_space<vmem>> -> memref<1x64xi32, #tpu.memory_space<vmem>>
      %dma_wait3A_102 = tpu.memref_squeeze %dma_wait3A_101 : memref<1x64xi32, #tpu.memory_space<vmem>> -> memref<64xi32, #tpu.memory_space<vmem>>
      %dma_wait3A_103 = arith.constant 0 : i32
      %dma_wait3A_104 = arith.constant 0 : i32
      %dma_wait3A_105 = tpu.memref_slice %arg2[%dma_wait3A_103, %dma_wait3A_104] : memref<10240x128xf32, #tpu.memory_space<hbm>> -> memref<10240x128xf32, #tpu.memory_space<hbm>>
      tpu.wait_indirect_dma semaphore(%arg11 : memref<!tpu.dma_semaphore, #tpu.memory_space<semaphore_mem>>) src(%dma_wait3A_105 : memref<10240x128xf32, #tpu.memory_space<hbm>>) dst(%dma_wait3A_99 : memref<64x128xf32, #tpu.memory_space<vmem>>)
      %dma_wait3A_106 = arith.constant 64 : i32
      %dma_wait3A_107 = arith.constant 0 : i32
      %dma_wait3A_108 = tpu.memref_slice %arg8[%dma_wait3A_106, %dma_wait3A_107] : memref<128x128xf32, #tpu.memory_space<vmem>> -> memref<64x128xf32, #tpu.memory_space<vmem>>
      %dma_wait3A_109 = arith.constant 64 : i32
      %dma_wait3A_110 = tpu.memref_slice %arg6[%mul3A_97, %dma_wait3A_109] : memref<40x128xi32, #tpu.memory_space<vmem>> -> memref<1x64xi32, #tpu.memory_space<vmem>>
      %dma_wait3A_111 = tpu.memref_squeeze %dma_wait3A_110 : memref<1x64xi32, #tpu.memory_space<vmem>> -> memref<64xi32, #tpu.memory_space<vmem>>
      %dma_wait3A_112 = arith.constant 0 : i32
      %dma_wait3A_113 = arith.constant 0 : i32
      %dma_wait3A_114 = tpu.memref_slice %arg2[%dma_wait3A_112, %dma_wait3A_113] : memref<10240x128xf32, #tpu.memory_space<hbm>> -> memref<10240x128xf32, #tpu.memory_space<hbm>>
      tpu.wait_indirect_dma semaphore(%arg12 : memref<!tpu.dma_semaphore, #tpu.memory_space<semaphore_mem>>) src(%dma_wait3A_114 : memref<10240x128xf32, #tpu.memory_space<hbm>>) dst(%dma_wait3A_108 : memref<64x128xf32, #tpu.memory_space<vmem>>)
      %add3A_115 = arith.constant 1 : i32
      %add3A_116 = arith.addi %mul3A_97, %add3A_115 : i32
      %dma_start3A_117 = arith.constant 0 : i32
      %dma_start3A_118 = arith.constant 0 : i32
      %dma_start3A_119 = tpu.memref_slice %arg9[%dma_start3A_117, %dma_start3A_118] : memref<128x128xf32, #tpu.memory_space<vmem>> -> memref<64x128xf32, #tpu.memory_space<vmem>>
      %dma_start3A_120 = arith.constant 0 : i32
      %dma_start3A_121 = tpu.memref_slice %arg6[%add3A_116, %dma_start3A_120] : memref<40x128xi32, #tpu.memory_space<vmem>> -> memref<1x64xi32, #tpu.memory_space<vmem>>
      %dma_start3A_122 = tpu.memref_squeeze %dma_start3A_121 : memref<1x64xi32, #tpu.memory_space<vmem>> -> memref<64xi32, #tpu.memory_space<vmem>>
      %dma_start3A_123 = arith.constant 0 : i32
      %dma_start3A_124 = arith.constant 0 : i32
      %dma_start3A_125 = tpu.memref_slice %arg2[%dma_start3A_123, %dma_start3A_124] : memref<10240x128xf32, #tpu.memory_space<hbm>> -> memref<10240x128xf32, #tpu.memory_space<hbm>>
      tpu.enqueue_indirect_dma source(%dma_start3A_125 : memref<10240x128xf32, #tpu.memory_space<hbm>>) target(%dma_start3A_119 : memref<64x128xf32, #tpu.memory_space<vmem>>) offsets(%dma_start3A_122 : memref<64xi32, #tpu.memory_space<vmem>>) semaphore(%arg13 : memref<!tpu.dma_semaphore, #tpu.memory_space<semaphore_mem>>)
      %dma_start3A_126 = arith.constant 64 : i32
      %dma_start3A_127 = arith.constant 0 : i32
      %dma_start3A_128 = tpu.memref_slice %arg9[%dma_start3A_126, %dma_start3A_127] : memref<128x128xf32, #tpu.memory_space<vmem>> -> memref<64x128xf32, #tpu.memory_space<vmem>>
      %dma_start3A_129 = arith.constant 64 : i32
      %dma_start3A_130 = tpu.memref_slice %arg6[%add3A_116, %dma_start3A_129] : memref<40x128xi32, #tpu.memory_space<vmem>> -> memref<1x64xi32, #tpu.memory_space<vmem>>
      %dma_start3A_131 = tpu.memref_squeeze %dma_start3A_130 : memref<1x64xi32, #tpu.memory_space<vmem>> -> memref<64xi32, #tpu.memory_space<vmem>>
      %dma_start3A_132 = arith.constant 0 : i32
      %dma_start3A_133 = arith.constant 0 : i32
      %dma_start3A_134 = tpu.memref_slice %arg2[%dma_start3A_132, %dma_start3A_133] : memref<10240x128xf32, #tpu.memory_space<hbm>> -> memref<10240x128xf32, #tpu.memory_space<hbm>>
      tpu.enqueue_indirect_dma source(%dma_start3A_134 : memref<10240x128xf32, #tpu.memory_space<hbm>>) target(%dma_start3A_128 : memref<64x128xf32, #tpu.memory_space<vmem>>) offsets(%dma_start3A_131 : memref<64xi32, #tpu.memory_space<vmem>>) semaphore(%arg14 : memref<!tpu.dma_semaphore, #tpu.memory_space<semaphore_mem>>)
      "tpu.region"() ({
        %run_scoped3A_161 = tpu.sem_alloc : memref<!tpu.dma_semaphore, #tpu.memory_space<semaphore_mem>>
        %dma_start3A_162 = arith.constant 0 : i32
        %dma_start3A_163 = tpu.memref_slice %arg7[%mul3A_97, %dma_start3A_162] : memref<40x128xi32, #tpu.memory_space<vmem>> -> memref<1x128xi32, #tpu.memory_space<vmem>>
        %dma_start3A_164 = tpu.memref_squeeze %dma_start3A_163 : memref<1x128xi32, #tpu.memory_space<vmem>> -> memref<128xi32, #tpu.memory_space<vmem>>
        %dma_start3A_165 = arith.constant 0 : i32
        %dma_start3A_166 = arith.constant 0 : i32
        %dma_start3A_167 = tpu.memref_slice %arg10[%dma_start3A_165, %dma_start3A_166] : memref<10240x128xf32, #tpu.memory_space<vmem_shared>> -> memref<10240x128xf32, #tpu.memory_space<vmem_shared>>
        tpu.enqueue_indirect_dma source(%arg8 : memref<128x128xf32, #tpu.memory_space<vmem>>) target(%dma_start3A_167 : memref<10240x128xf32, #tpu.memory_space<vmem_shared>>) offsets(%dma_start3A_164 : memref<128xi32, #tpu.memory_space<vmem>>) semaphore(%run_scoped3A_161 : memref<!tpu.dma_semaphore, #tpu.memory_space<semaphore_mem>>) {add = true}
        %dma_wait3A_168 = arith.constant 0 : i32
        %dma_wait3A_169 = tpu.memref_slice %arg7[%mul3A_97, %dma_wait3A_168] : memref<40x128xi32, #tpu.memory_space<vmem>> -> memref<1x128xi32, #tpu.memory_space<vmem>>
        %dma_wait3A_170 = tpu.memref_squeeze %dma_wait3A_169 : memref<1x128xi32, #tpu.memory_space<vmem>> -> memref<128xi32, #tpu.memory_space<vmem>>
        %dma_wait3A_171 = arith.constant 0 : i32
        %dma_wait3A_172 = arith.constant 0 : i32
        %dma_wait3A_173 = tpu.memref_slice %arg10[%dma_wait3A_171, %dma_wait3A_172] : memref<10240x128xf32, #tpu.memory_space<vmem_shared>> -> memref<10240x128xf32, #tpu.memory_space<vmem_shared>>
        tpu.wait_indirect_dma semaphore(%run_scoped3A_161 : memref<!tpu.dma_semaphore, #tpu.memory_space<semaphore_mem>>) src(%arg8 : memref<128x128xf32, #tpu.memory_space<vmem>>) dst(%dma_wait3A_173 : memref<10240x128xf32, #tpu.memory_space<vmem_shared>>)
        tpu.yield
      }) : () -> ()
      %add3A_135 = arith.constant 1 : i32
      %add3A_136 = arith.addi %mul3A_97, %add3A_135 : i32
      %dma_wait3A_137 = arith.constant 0 : i32
      %dma_wait3A_138 = arith.constant 0 : i32
      %dma_wait3A_139 = tpu.memref_slice %arg9[%dma_wait3A_137, %dma_wait3A_138] : memref<128x128xf32, #tpu.memory_space<vmem>> -> memref<64x128xf32, #tpu.memory_space<vmem>>
      %dma_wait3A_140 = arith.constant 0 : i32
      %dma_wait3A_141 = tpu.memref_slice %arg6[%add3A_136, %dma_wait3A_140] : memref<40x128xi32, #tpu.memory_space<vmem>> -> memref<1x64xi32, #tpu.memory_space<vmem>>
      %dma_wait3A_142 = tpu.memref_squeeze %dma_wait3A_141 : memref<1x64xi32, #tpu.memory_space<vmem>> -> memref<64xi32, #tpu.memory_space<vmem>>
      %dma_wait3A_143 = arith.constant 0 : i32
      %dma_wait3A_144 = arith.constant 0 : i32
      %dma_wait3A_145 = tpu.memref_slice %arg2[%dma_wait3A_143, %dma_wait3A_144] : memref<10240x128xf32, #tpu.memory_space<hbm>> -> memref<10240x128xf32, #tpu.memory_space<hbm>>
      tpu.wait_indirect_dma semaphore(%arg13 : memref<!tpu.dma_semaphore, #tpu.memory_space<semaphore_mem>>) src(%dma_wait3A_145 : memref<10240x128xf32, #tpu.memory_space<hbm>>) dst(%dma_wait3A_139 : memref<64x128xf32, #tpu.memory_space<vmem>>)
      %dma_wait3A_146 = arith.constant 64 : i32
      %dma_wait3A_147 = arith.constant 0 : i32
      %dma_wait3A_148 = tpu.memref_slice %arg9[%dma_wait3A_146, %dma_wait3A_147] : memref<128x128xf32, #tpu.memory_space<vmem>> -> memref<64x128xf32, #tpu.memory_space<vmem>>
      %dma_wait3A_149 = arith.constant 64 : i32
      %dma_wait3A_150 = tpu.memref_slice %arg6[%add3A_136, %dma_wait3A_149] : memref<40x128xi32, #tpu.memory_space<vmem>> -> memref<1x64xi32, #tpu.memory_space<vmem>>
      %dma_wait3A_151 = tpu.memref_squeeze %dma_wait3A_150 : memref<1x64xi32, #tpu.memory_space<vmem>> -> memref<64xi32, #tpu.memory_space<vmem>>
      %dma_wait3A_152 = arith.constant 0 : i32
      %dma_wait3A_153 = arith.constant 0 : i32
      %dma_wait3A_154 = tpu.memref_slice %arg2[%dma_wait3A_152, %dma_wait3A_153] : memref<10240x128xf32, #tpu.memory_space<hbm>> -> memref<10240x128xf32, #tpu.memory_space<hbm>>
      tpu.wait_indirect_dma semaphore(%arg14 : memref<!tpu.dma_semaphore, #tpu.memory_space<semaphore_mem>>) src(%dma_wait3A_154 : memref<10240x128xf32, #tpu.memory_space<hbm>>) dst(%dma_wait3A_148 : memref<64x128xf32, #tpu.memory_space<vmem>>)
      %add3A_155 = arith.constant 2 : i32
      %add3A_156 = arith.addi %mul3A_97, %add3A_155 : i32
      %lt3A = arith.constant 40 : i32
      %lt3A_157 = arith.cmpi slt, %add3A_156, %lt3A : i32
      %convert_element_type3A = arith.extui %lt3A_157 : i1 to i32
      %cond3A = arith.constant 0 : i32
      %cond3A_158 = arith.cmpi ne, %convert_element_type3A, %cond3A : i32
      scf.if %cond3A_158 {
        %add3A_161 = arith.constant 2 : i32
        %add3A_162 = arith.addi %mul3A_97, %add3A_161 : i32
        %dma_start3A_163 = arith.constant 0 : i32
        %dma_start3A_164 = arith.constant 0 : i32
        %dma_start3A_165 = tpu.memref_slice %arg8[%dma_start3A_163, %dma_start3A_164] : memref<128x128xf32, #tpu.memory_space<vmem>> -> memref<64x128xf32, #tpu.memory_space<vmem>>
        %dma_start3A_166 = arith.constant 0 : i32
        %dma_start3A_167 = tpu.memref_slice %arg6[%add3A_162, %dma_start3A_166] : memref<40x128xi32, #tpu.memory_space<vmem>> -> memref<1x64xi32, #tpu.memory_space<vmem>>
        %dma_start3A_168 = tpu.memref_squeeze %dma_start3A_167 : memref<1x64xi32, #tpu.memory_space<vmem>> -> memref<64xi32, #tpu.memory_space<vmem>>
        %dma_start3A_169 = arith.constant 0 : i32
        %dma_start3A_170 = arith.constant 0 : i32
        %dma_start3A_171 = tpu.memref_slice %arg2[%dma_start3A_169, %dma_start3A_170] : memref<10240x128xf32, #tpu.memory_space<hbm>> -> memref<10240x128xf32, #tpu.memory_space<hbm>>
        tpu.enqueue_indirect_dma source(%dma_start3A_171 : memref<10240x128xf32, #tpu.memory_space<hbm>>) target(%dma_start3A_165 : memref<64x128xf32, #tpu.memory_space<vmem>>) offsets(%dma_start3A_168 : memref<64xi32, #tpu.memory_space<vmem>>) semaphore(%arg11 : memref<!tpu.dma_semaphore, #tpu.memory_space<semaphore_mem>>)
        %dma_start3A_172 = arith.constant 64 : i32
        %dma_start3A_173 = arith.constant 0 : i32
        %dma_start3A_174 = tpu.memref_slice %arg8[%dma_start3A_172, %dma_start3A_173] : memref<128x128xf32, #tpu.memory_space<vmem>> -> memref<64x128xf32, #tpu.memory_space<vmem>>
        %dma_start3A_175 = arith.constant 64 : i32
        %dma_start3A_176 = tpu.memref_slice %arg6[%add3A_162, %dma_start3A_175] : memref<40x128xi32, #tpu.memory_space<vmem>> -> memref<1x64xi32, #tpu.memory_space<vmem>>
        %dma_start3A_177 = tpu.memref_squeeze %dma_start3A_176 : memref<1x64xi32, #tpu.memory_space<vmem>> -> memref<64xi32, #tpu.memory_space<vmem>>
        %dma_start3A_178 = arith.constant 0 : i32
        %dma_start3A_179 = arith.constant 0 : i32
        %dma_start3A_180 = tpu.memref_slice %arg2[%dma_start3A_178, %dma_start3A_179] : memref<10240x128xf32, #tpu.memory_space<hbm>> -> memref<10240x128xf32, #tpu.memory_space<hbm>>
        tpu.enqueue_indirect_dma source(%dma_start3A_180 : memref<10240x128xf32, #tpu.memory_space<hbm>>) target(%dma_start3A_174 : memref<64x128xf32, #tpu.memory_space<vmem>>) offsets(%dma_start3A_177 : memref<64xi32, #tpu.memory_space<vmem>>) semaphore(%arg12 : memref<!tpu.dma_semaphore, #tpu.memory_space<semaphore_mem>>)
      } else {
      }
      %add3A_159 = arith.constant 1 : i32
      %add3A_160 = arith.addi %mul3A_97, %add3A_159 : i32
      "tpu.region"() ({
        %run_scoped3A_161 = tpu.sem_alloc : memref<!tpu.dma_semaphore, #tpu.memory_space<semaphore_mem>>
        %dma_start3A_162 = arith.constant 0 : i32
        %dma_start3A_163 = tpu.memref_slice %arg7[%add3A_160, %dma_start3A_162] : memref<40x128xi32, #tpu.memory_space<vmem>> -> memref<1x128xi32, #tpu.memory_space<vmem>>
        %dma_start3A_164 = tpu.memref_squeeze %dma_start3A_163 : memref<1x128xi32, #tpu.memory_space<vmem>> -> memref<128xi32, #tpu.memory_space<vmem>>
        %dma_start3A_165 = arith.constant 0 : i32
        %dma_start3A_166 = arith.constant 0 : i32
        %dma_start3A_167 = tpu.memref_slice %arg10[%dma_start3A_165, %dma_start3A_166] : memref<10240x128xf32, #tpu.memory_space<vmem_shared>> -> memref<10240x128xf32, #tpu.memory_space<vmem_shared>>
        tpu.enqueue_indirect_dma source(%arg9 : memref<128x128xf32, #tpu.memory_space<vmem>>) target(%dma_start3A_167 : memref<10240x128xf32, #tpu.memory_space<vmem_shared>>) offsets(%dma_start3A_164 : memref<128xi32, #tpu.memory_space<vmem>>) semaphore(%run_scoped3A_161 : memref<!tpu.dma_semaphore, #tpu.memory_space<semaphore_mem>>) {add = true}
        %dma_wait3A_168 = arith.constant 0 : i32
        %dma_wait3A_169 = tpu.memref_slice %arg7[%add3A_160, %dma_wait3A_168] : memref<40x128xi32, #tpu.memory_space<vmem>> -> memref<1x128xi32, #tpu.memory_space<vmem>>
        %dma_wait3A_170 = tpu.memref_squeeze %dma_wait3A_169 : memref<1x128xi32, #tpu.memory_space<vmem>> -> memref<128xi32, #tpu.memory_space<vmem>>
        %dma_wait3A_171 = arith.constant 0 : i32
        %dma_wait3A_172 = arith.constant 0 : i32
        %dma_wait3A_173 = tpu.memref_slice %arg10[%dma_wait3A_171, %dma_wait3A_172] : memref<10240x128xf32, #tpu.memory_space<vmem_shared>> -> memref<10240x128xf32, #tpu.memory_space<vmem_shared>>
        tpu.wait_indirect_dma semaphore(%run_scoped3A_161 : memref<!tpu.dma_semaphore, #tpu.memory_space<semaphore_mem>>) src(%arg9 : memref<128x128xf32, #tpu.memory_space<vmem>>) dst(%dma_wait3A_173 : memref<10240x128xf32, #tpu.memory_space<vmem_shared>>)
        tpu.yield
      }) : () -> ()
    }
    %scan3A_42 = arith.constant 20 : i32
    %run_scoped3A_43 = arith.constant 1 : i32
    "tpu.region"() ({
      %run_scoped3A_91 = tpu.sem_alloc : memref<!tpu.dma_semaphore, #tpu.memory_space<semaphore_mem>>
      %dma_start3A_92 = arith.constant 0 : i32
      %dma_start3A_93 = arith.constant 0 : i32
      %dma_start3A_94 = tpu.memref_slice %arg3[%add3A, %run_scoped3A_43, %dma_start3A_92, %dma_start3A_93] : memref<32x2x40x128xi32, #tpu.memory_space<hbm>> -> memref<1x1x40x128xi32, #tpu.memory_space<hbm>>
      %dma_start3A_95 = tpu.memref_squeeze %dma_start3A_94 : memref<1x1x40x128xi32, #tpu.memory_space<hbm>> -> memref<40x128xi32, #tpu.memory_space<hbm>>
      %dma_start3A_96 = arith.constant 0 : i32
      %dma_start3A_97 = arith.constant 0 : i32
      %dma_start3A_98 = tpu.memref_slice %arg3[%add3A, %run_scoped3A_43, %dma_start3A_96, %dma_start3A_97] : memref<32x2x40x128xi32, #tpu.memory_space<hbm>> -> memref<1x1x40x128xi32, #tpu.memory_space<hbm>>
      %dma_start3A_99 = tpu.memref_squeeze %dma_start3A_98 : memref<1x1x40x128xi32, #tpu.memory_space<hbm>> -> memref<40x128xi32, #tpu.memory_space<hbm>>
      tpu.enqueue_dma source(%dma_start3A_99 : memref<40x128xi32, #tpu.memory_space<hbm>>) target(%arg6 : memref<40x128xi32, #tpu.memory_space<vmem>>) target_semaphore(%run_scoped3A_91 : memref<!tpu.dma_semaphore, #tpu.memory_space<semaphore_mem>>)
      %dma_wait3A = arith.constant 0 : i32
      %dma_wait3A_100 = arith.constant 0 : i32
      %dma_wait3A_101 = tpu.memref_slice %arg3[%add3A, %run_scoped3A_43, %dma_wait3A, %dma_wait3A_100] : memref<32x2x40x128xi32, #tpu.memory_space<hbm>> -> memref<1x1x40x128xi32, #tpu.memory_space<hbm>>
      %dma_wait3A_102 = tpu.memref_squeeze %dma_wait3A_101 : memref<1x1x40x128xi32, #tpu.memory_space<hbm>> -> memref<40x128xi32, #tpu.memory_space<hbm>>
      %dma_wait3A_103 = arith.constant 0 : i32
      %dma_wait3A_104 = arith.constant 0 : i32
      %dma_wait3A_105 = tpu.memref_slice %arg3[%add3A, %run_scoped3A_43, %dma_wait3A_103, %dma_wait3A_104] : memref<32x2x40x128xi32, #tpu.memory_space<hbm>> -> memref<1x1x40x128xi32, #tpu.memory_space<hbm>>
      %dma_wait3A_106 = tpu.memref_squeeze %dma_wait3A_105 : memref<1x1x40x128xi32, #tpu.memory_space<hbm>> -> memref<40x128xi32, #tpu.memory_space<hbm>>
      tpu.wait_dma2 semaphore(%run_scoped3A_91 : memref<!tpu.dma_semaphore, #tpu.memory_space<semaphore_mem>>) src(%dma_wait3A_106 : memref<40x128xi32, #tpu.memory_space<hbm>>) dst(%arg6 : memref<40x128xi32, #tpu.memory_space<vmem>>)
      tpu.yield
    }) : () -> ()
    %run_scoped3A_44 = arith.constant 1 : i32
    "tpu.region"() ({
      %run_scoped3A_91 = tpu.sem_alloc : memref<!tpu.dma_semaphore, #tpu.memory_space<semaphore_mem>>
      %dma_start3A_92 = arith.constant 0 : i32
      %dma_start3A_93 = arith.constant 0 : i32
      %dma_start3A_94 = tpu.memref_slice %arg4[%add3A, %run_scoped3A_44, %dma_start3A_92, %dma_start3A_93] : memref<32x2x40x128xi32, #tpu.memory_space<hbm>> -> memref<1x1x40x128xi32, #tpu.memory_space<hbm>>
      %dma_start3A_95 = tpu.memref_squeeze %dma_start3A_94 : memref<1x1x40x128xi32, #tpu.memory_space<hbm>> -> memref<40x128xi32, #tpu.memory_space<hbm>>
      %dma_start3A_96 = arith.constant 0 : i32
      %dma_start3A_97 = arith.constant 0 : i32
      %dma_start3A_98 = tpu.memref_slice %arg4[%add3A, %run_scoped3A_44, %dma_start3A_96, %dma_start3A_97] : memref<32x2x40x128xi32, #tpu.memory_space<hbm>> -> memref<1x1x40x128xi32, #tpu.memory_space<hbm>>
      %dma_start3A_99 = tpu.memref_squeeze %dma_start3A_98 : memref<1x1x40x128xi32, #tpu.memory_space<hbm>> -> memref<40x128xi32, #tpu.memory_space<hbm>>
      tpu.enqueue_dma source(%dma_start3A_99 : memref<40x128xi32, #tpu.memory_space<hbm>>) target(%arg7 : memref<40x128xi32, #tpu.memory_space<vmem>>) target_semaphore(%run_scoped3A_91 : memref<!tpu.dma_semaphore, #tpu.memory_space<semaphore_mem>>)
      %dma_wait3A = arith.constant 0 : i32
      %dma_wait3A_100 = arith.constant 0 : i32
      %dma_wait3A_101 = tpu.memref_slice %arg4[%add3A, %run_scoped3A_44, %dma_wait3A, %dma_wait3A_100] : memref<32x2x40x128xi32, #tpu.memory_space<hbm>> -> memref<1x1x40x128xi32, #tpu.memory_space<hbm>>
      %dma_wait3A_102 = tpu.memref_squeeze %dma_wait3A_101 : memref<1x1x40x128xi32, #tpu.memory_space<hbm>> -> memref<40x128xi32, #tpu.memory_space<hbm>>
      %dma_wait3A_103 = arith.constant 0 : i32
      %dma_wait3A_104 = arith.constant 0 : i32
      %dma_wait3A_105 = tpu.memref_slice %arg4[%add3A, %run_scoped3A_44, %dma_wait3A_103, %dma_wait3A_104] : memref<32x2x40x128xi32, #tpu.memory_space<hbm>> -> memref<1x1x40x128xi32, #tpu.memory_space<hbm>>
      %dma_wait3A_106 = tpu.memref_squeeze %dma_wait3A_105 : memref<1x1x40x128xi32, #tpu.memory_space<hbm>> -> memref<40x128xi32, #tpu.memory_space<hbm>>
      tpu.wait_dma2 semaphore(%run_scoped3A_91 : memref<!tpu.dma_semaphore, #tpu.memory_space<semaphore_mem>>) src(%dma_wait3A_106 : memref<40x128xi32, #tpu.memory_space<hbm>>) dst(%arg7 : memref<40x128xi32, #tpu.memory_space<vmem>>)
      tpu.yield
    }) : () -> ()
    %dma_start3A_45 = arith.constant 0 : i32
    %dma_start3A_46 = arith.constant 0 : i32
    %dma_start3A_47 = arith.constant 0 : i32
    %dma_start3A_48 = tpu.memref_slice %arg8[%dma_start3A_46, %dma_start3A_47] : memref<128x128xf32, #tpu.memory_space<vmem>> -> memref<64x128xf32, #tpu.memory_space<vmem>>
    %dma_start3A_49 = arith.constant 0 : i32
    %dma_start3A_50 = tpu.memref_slice %arg6[%dma_start3A_45, %dma_start3A_49] : memref<40x128xi32, #tpu.memory_space<vmem>> -> memref<1x64xi32, #tpu.memory_space<vmem>>
    %dma_start3A_51 = tpu.memref_squeeze %dma_start3A_50 : memref<1x64xi32, #tpu.memory_space<vmem>> -> memref<64xi32, #tpu.memory_space<vmem>>
    %dma_start3A_52 = arith.constant 0 : i32
    %dma_start3A_53 = arith.constant 0 : i32
    %dma_start3A_54 = tpu.memref_slice %arg2[%dma_start3A_52, %dma_start3A_53] : memref<10240x128xf32, #tpu.memory_space<hbm>> -> memref<10240x128xf32, #tpu.memory_space<hbm>>
    tpu.enqueue_indirect_dma source(%dma_start3A_54 : memref<10240x128xf32, #tpu.memory_space<hbm>>) target(%dma_start3A_48 : memref<64x128xf32, #tpu.memory_space<vmem>>) offsets(%dma_start3A_51 : memref<64xi32, #tpu.memory_space<vmem>>) semaphore(%arg11 : memref<!tpu.dma_semaphore, #tpu.memory_space<semaphore_mem>>)
    %dma_start3A_55 = arith.constant 0 : i32
    %dma_start3A_56 = arith.constant 64 : i32
    %dma_start3A_57 = arith.constant 0 : i32
    %dma_start3A_58 = tpu.memref_slice %arg8[%dma_start3A_56, %dma_start3A_57] : memref<128x128xf32, #tpu.memory_space<vmem>> -> memref<64x128xf32, #tpu.memory_space<vmem>>
    %dma_start3A_59 = arith.constant 64 : i32
    %dma_start3A_60 = tpu.memref_slice %arg6[%dma_start3A_55, %dma_start3A_59] : memref<40x128xi32, #tpu.memory_space<vmem>> -> memref<1x64xi32, #tpu.memory_space<vmem>>
    %dma_start3A_61 = tpu.memref_squeeze %dma_start3A_60 : memref<1x64xi32, #tpu.memory_space<vmem>> -> memref<64xi32, #tpu.memory_space<vmem>>
    %dma_start3A_62 = arith.constant 0 : i32
    %dma_start3A_63 = arith.constant 0 : i32
    %dma_start3A_64 = tpu.memref_slice %arg2[%dma_start3A_62, %dma_start3A_63] : memref<10240x128xf32, #tpu.memory_space<hbm>> -> memref<10240x128xf32, #tpu.memory_space<hbm>>
    tpu.enqueue_indirect_dma source(%dma_start3A_64 : memref<10240x128xf32, #tpu.memory_space<hbm>>) target(%dma_start3A_58 : memref<64x128xf32, #tpu.memory_space<vmem>>) offsets(%dma_start3A_61 : memref<64xi32, #tpu.memory_space<vmem>>) semaphore(%arg12 : memref<!tpu.dma_semaphore, #tpu.memory_space<semaphore_mem>>)
    %scan3A_65 = arith.constant 0 : i32
    %scan3A_66 = arith.constant 20 : i32
    %scan3A_67 = arith.addi %scan3A_65, %scan3A_66 : i32
    %scan3A_68 = arith.constant 1 : i32
    scf.for %scan3A_91 = %scan3A_65 to %scan3A_67 step %scan3A_68  : i32 {
      %mul3A_92 = arith.constant 1 : i32
      %mul3A_93 = arith.muli %scan3A_91, %mul3A_92 : i32
      %add3A_94 = arith.constant 0 : i32
      %add3A_95 = arith.addi %add3A_94, %mul3A_93 : i32
      %mul3A_96 = arith.constant 2 : i32
      %mul3A_97 = arith.muli %add3A_95, %mul3A_96 : i32
      %dma_wait3A = arith.constant 0 : i32
      %dma_wait3A_98 = arith.constant 0 : i32
      %dma_wait3A_99 = tpu.memref_slice %arg8[%dma_wait3A, %dma_wait3A_98] : memref<128x128xf32, #tpu.memory_space<vmem>> -> memref<64x128xf32, #tpu.memory_space<vmem>>
      %dma_wait3A_100 = arith.constant 0 : i32
      %dma_wait3A_101 = tpu.memref_slice %arg6[%mul3A_97, %dma_wait3A_100] : memref<40x128xi32, #tpu.memory_space<vmem>> -> memref<1x64xi32, #tpu.memory_space<vmem>>
      %dma_wait3A_102 = tpu.memref_squeeze %dma_wait3A_101 : memref<1x64xi32, #tpu.memory_space<vmem>> -> memref<64xi32, #tpu.memory_space<vmem>>
      %dma_wait3A_103 = arith.constant 0 : i32
      %dma_wait3A_104 = arith.constant 0 : i32
      %dma_wait3A_105 = tpu.memref_slice %arg2[%dma_wait3A_103, %dma_wait3A_104] : memref<10240x128xf32, #tpu.memory_space<hbm>> -> memref<10240x128xf32, #tpu.memory_space<hbm>>
      tpu.wait_indirect_dma semaphore(%arg11 : memref<!tpu.dma_semaphore, #tpu.memory_space<semaphore_mem>>) src(%dma_wait3A_105 : memref<10240x128xf32, #tpu.memory_space<hbm>>) dst(%dma_wait3A_99 : memref<64x128xf32, #tpu.memory_space<vmem>>)
      %dma_wait3A_106 = arith.constant 64 : i32
      %dma_wait3A_107 = arith.constant 0 : i32
      %dma_wait3A_108 = tpu.memref_slice %arg8[%dma_wait3A_106, %dma_wait3A_107] : memref<128x128xf32, #tpu.memory_space<vmem>> -> memref<64x128xf32, #tpu.memory_space<vmem>>
      %dma_wait3A_109 = arith.constant 64 : i32
      %dma_wait3A_110 = tpu.memref_slice %arg6[%mul3A_97, %dma_wait3A_109] : memref<40x128xi32, #tpu.memory_space<vmem>> -> memref<1x64xi32, #tpu.memory_space<vmem>>
      %dma_wait3A_111 = tpu.memref_squeeze %dma_wait3A_110 : memref<1x64xi32, #tpu.memory_space<vmem>> -> memref<64xi32, #tpu.memory_space<vmem>>
      %dma_wait3A_112 = arith.constant 0 : i32
      %dma_wait3A_113 = arith.constant 0 : i32
      %dma_wait3A_114 = tpu.memref_slice %arg2[%dma_wait3A_112, %dma_wait3A_113] : memref<10240x128xf32, #tpu.memory_space<hbm>> -> memref<10240x128xf32, #tpu.memory_space<hbm>>
      tpu.wait_indirect_dma semaphore(%arg12 : memref<!tpu.dma_semaphore, #tpu.memory_space<semaphore_mem>>) src(%dma_wait3A_114 : memref<10240x128xf32, #tpu.memory_space<hbm>>) dst(%dma_wait3A_108 : memref<64x128xf32, #tpu.memory_space<vmem>>)
      %add3A_115 = arith.constant 1 : i32
      %add3A_116 = arith.addi %mul3A_97, %add3A_115 : i32
      %dma_start3A_117 = arith.constant 0 : i32
      %dma_start3A_118 = arith.constant 0 : i32
      %dma_start3A_119 = tpu.memref_slice %arg9[%dma_start3A_117, %dma_start3A_118] : memref<128x128xf32, #tpu.memory_space<vmem>> -> memref<64x128xf32, #tpu.memory_space<vmem>>
      %dma_start3A_120 = arith.constant 0 : i32
      %dma_start3A_121 = tpu.memref_slice %arg6[%add3A_116, %dma_start3A_120] : memref<40x128xi32, #tpu.memory_space<vmem>> -> memref<1x64xi32, #tpu.memory_space<vmem>>
      %dma_start3A_122 = tpu.memref_squeeze %dma_start3A_121 : memref<1x64xi32, #tpu.memory_space<vmem>> -> memref<64xi32, #tpu.memory_space<vmem>>
      %dma_start3A_123 = arith.constant 0 : i32
      %dma_start3A_124 = arith.constant 0 : i32
      %dma_start3A_125 = tpu.memref_slice %arg2[%dma_start3A_123, %dma_start3A_124] : memref<10240x128xf32, #tpu.memory_space<hbm>> -> memref<10240x128xf32, #tpu.memory_space<hbm>>
      tpu.enqueue_indirect_dma source(%dma_start3A_125 : memref<10240x128xf32, #tpu.memory_space<hbm>>) target(%dma_start3A_119 : memref<64x128xf32, #tpu.memory_space<vmem>>) offsets(%dma_start3A_122 : memref<64xi32, #tpu.memory_space<vmem>>) semaphore(%arg13 : memref<!tpu.dma_semaphore, #tpu.memory_space<semaphore_mem>>)
      %dma_start3A_126 = arith.constant 64 : i32
      %dma_start3A_127 = arith.constant 0 : i32
      %dma_start3A_128 = tpu.memref_slice %arg9[%dma_start3A_126, %dma_start3A_127] : memref<128x128xf32, #tpu.memory_space<vmem>> -> memref<64x128xf32, #tpu.memory_space<vmem>>
      %dma_start3A_129 = arith.constant 64 : i32
      %dma_start3A_130 = tpu.memref_slice %arg6[%add3A_116, %dma_start3A_129] : memref<40x128xi32, #tpu.memory_space<vmem>> -> memref<1x64xi32, #tpu.memory_space<vmem>>
      %dma_start3A_131 = tpu.memref_squeeze %dma_start3A_130 : memref<1x64xi32, #tpu.memory_space<vmem>> -> memref<64xi32, #tpu.memory_space<vmem>>
      %dma_start3A_132 = arith.constant 0 : i32
      %dma_start3A_133 = arith.constant 0 : i32
      %dma_start3A_134 = tpu.memref_slice %arg2[%dma_start3A_132, %dma_start3A_133] : memref<10240x128xf32, #tpu.memory_space<hbm>> -> memref<10240x128xf32, #tpu.memory_space<hbm>>
      tpu.enqueue_indirect_dma source(%dma_start3A_134 : memref<10240x128xf32, #tpu.memory_space<hbm>>) target(%dma_start3A_128 : memref<64x128xf32, #tpu.memory_space<vmem>>) offsets(%dma_start3A_131 : memref<64xi32, #tpu.memory_space<vmem>>) semaphore(%arg14 : memref<!tpu.dma_semaphore, #tpu.memory_space<semaphore_mem>>)
      "tpu.region"() ({
        %run_scoped3A_161 = tpu.sem_alloc : memref<!tpu.dma_semaphore, #tpu.memory_space<semaphore_mem>>
        %dma_start3A_162 = arith.constant 0 : i32
        %dma_start3A_163 = tpu.memref_slice %arg7[%mul3A_97, %dma_start3A_162] : memref<40x128xi32, #tpu.memory_space<vmem>> -> memref<1x128xi32, #tpu.memory_space<vmem>>
        %dma_start3A_164 = tpu.memref_squeeze %dma_start3A_163 : memref<1x128xi32, #tpu.memory_space<vmem>> -> memref<128xi32, #tpu.memory_space<vmem>>
        %dma_start3A_165 = arith.constant 0 : i32
        %dma_start3A_166 = arith.constant 0 : i32
        %dma_start3A_167 = tpu.memref_slice %arg10[%dma_start3A_165, %dma_start3A_166] : memref<10240x128xf32, #tpu.memory_space<vmem_shared>> -> memref<10240x128xf32, #tpu.memory_space<vmem_shared>>
        tpu.enqueue_indirect_dma source(%arg8 : memref<128x128xf32, #tpu.memory_space<vmem>>) target(%dma_start3A_167 : memref<10240x128xf32, #tpu.memory_space<vmem_shared>>) offsets(%dma_start3A_164 : memref<128xi32, #tpu.memory_space<vmem>>) semaphore(%run_scoped3A_161 : memref<!tpu.dma_semaphore, #tpu.memory_space<semaphore_mem>>) {add = true}
        %dma_wait3A_168 = arith.constant 0 : i32
        %dma_wait3A_169 = tpu.memref_slice %arg7[%mul3A_97, %dma_wait3A_168] : memref<40x128xi32, #tpu.memory_space<vmem>> -> memref<1x128xi32, #tpu.memory_space<vmem>>
        %dma_wait3A_170 = tpu.memref_squeeze %dma_wait3A_169 : memref<1x128xi32, #tpu.memory_space<vmem>> -> memref<128xi32, #tpu.memory_space<vmem>>
        %dma_wait3A_171 = arith.constant 0 : i32
        %dma_wait3A_172 = arith.constant 0 : i32
        %dma_wait3A_173 = tpu.memref_slice %arg10[%dma_wait3A_171, %dma_wait3A_172] : memref<10240x128xf32, #tpu.memory_space<vmem_shared>> -> memref<10240x128xf32, #tpu.memory_space<vmem_shared>>
        tpu.wait_indirect_dma semaphore(%run_scoped3A_161 : memref<!tpu.dma_semaphore, #tpu.memory_space<semaphore_mem>>) src(%arg8 : memref<128x128xf32, #tpu.memory_space<vmem>>) dst(%dma_wait3A_173 : memref<10240x128xf32, #tpu.memory_space<vmem_shared>>)
        tpu.yield
      }) : () -> ()
      %add3A_135 = arith.constant 1 : i32
      %add3A_136 = arith.addi %mul3A_97, %add3A_135 : i32
      %dma_wait3A_137 = arith.constant 0 : i32
      %dma_wait3A_138 = arith.constant 0 : i32
      %dma_wait3A_139 = tpu.memref_slice %arg9[%dma_wait3A_137, %dma_wait3A_138] : memref<128x128xf32, #tpu.memory_space<vmem>> -> memref<64x128xf32, #tpu.memory_space<vmem>>
      %dma_wait3A_140 = arith.constant 0 : i32
      %dma_wait3A_141 = tpu.memref_slice %arg6[%add3A_136, %dma_wait3A_140] : memref<40x128xi32, #tpu.memory_space<vmem>> -> memref<1x64xi32, #tpu.memory_space<vmem>>
      %dma_wait3A_142 = tpu.memref_squeeze %dma_wait3A_141 : memref<1x64xi32, #tpu.memory_space<vmem>> -> memref<64xi32, #tpu.memory_space<vmem>>
      %dma_wait3A_143 = arith.constant 0 : i32
      %dma_wait3A_144 = arith.constant 0 : i32
      %dma_wait3A_145 = tpu.memref_slice %arg2[%dma_wait3A_143, %dma_wait3A_144] : memref<10240x128xf32, #tpu.memory_space<hbm>> -> memref<10240x128xf32, #tpu.memory_space<hbm>>
      tpu.wait_indirect_dma semaphore(%arg13 : memref<!tpu.dma_semaphore, #tpu.memory_space<semaphore_mem>>) src(%dma_wait3A_145 : memref<10240x128xf32, #tpu.memory_space<hbm>>) dst(%dma_wait3A_139 : memref<64x128xf32, #tpu.memory_space<vmem>>)
      %dma_wait3A_146 = arith.constant 64 : i32
      %dma_wait3A_147 = arith.constant 0 : i32
      %dma_wait3A_148 = tpu.memref_slice %arg9[%dma_wait3A_146, %dma_wait3A_147] : memref<128x128xf32, #tpu.memory_space<vmem>> -> memref<64x128xf32, #tpu.memory_space<vmem>>
      %dma_wait3A_149 = arith.constant 64 : i32
      %dma_wait3A_150 = tpu.memref_slice %arg6[%add3A_136, %dma_wait3A_149] : memref<40x128xi32, #tpu.memory_space<vmem>> -> memref<1x64xi32, #tpu.memory_space<vmem>>
      %dma_wait3A_151 = tpu.memref_squeeze %dma_wait3A_150 : memref<1x64xi32, #tpu.memory_space<vmem>> -> memref<64xi32, #tpu.memory_space<vmem>>
      %dma_wait3A_152 = arith.constant 0 : i32
      %dma_wait3A_153 = arith.constant 0 : i32
      %dma_wait3A_154 = tpu.memref_slice %arg2[%dma_wait3A_152, %dma_wait3A_153] : memref<10240x128xf32, #tpu.memory_space<hbm>> -> memref<10240x128xf32, #tpu.memory_space<hbm>>
      tpu.wait_indirect_dma semaphore(%arg14 : memref<!tpu.dma_semaphore, #tpu.memory_space<semaphore_mem>>) src(%dma_wait3A_154 : memref<10240x128xf32, #tpu.memory_space<hbm>>) dst(%dma_wait3A_148 : memref<64x128xf32, #tpu.memory_space<vmem>>)
      %add3A_155 = arith.constant 2 : i32
      %add3A_156 = arith.addi %mul3A_97, %add3A_155 : i32
      %lt3A = arith.constant 40 : i32
      %lt3A_157 = arith.cmpi slt, %add3A_156, %lt3A : i32
      %convert_element_type3A = arith.extui %lt3A_157 : i1 to i32
      %cond3A = arith.constant 0 : i32
      %cond3A_158 = arith.cmpi ne, %convert_element_type3A, %cond3A : i32
      scf.if %cond3A_158 {
        %add3A_161 = arith.constant 2 : i32
        %add3A_162 = arith.addi %mul3A_97, %add3A_161 : i32
        %dma_start3A_163 = arith.constant 0 : i32
        %dma_start3A_164 = arith.constant 0 : i32
        %dma_start3A_165 = tpu.memref_slice %arg8[%dma_start3A_163, %dma_start3A_164] : memref<128x128xf32, #tpu.memory_space<vmem>> -> memref<64x128xf32, #tpu.memory_space<vmem>>
        %dma_start3A_166 = arith.constant 0 : i32
        %dma_start3A_167 = tpu.memref_slice %arg6[%add3A_162, %dma_start3A_166] : memref<40x128xi32, #tpu.memory_space<vmem>> -> memref<1x64xi32, #tpu.memory_space<vmem>>
        %dma_start3A_168 = tpu.memref_squeeze %dma_start3A_167 : memref<1x64xi32, #tpu.memory_space<vmem>> -> memref<64xi32, #tpu.memory_space<vmem>>
        %dma_start3A_169 = arith.constant 0 : i32
        %dma_start3A_170 = arith.constant 0 : i32
        %dma_start3A_171 = tpu.memref_slice %arg2[%dma_start3A_169, %dma_start3A_170] : memref<10240x128xf32, #tpu.memory_space<hbm>> -> memref<10240x128xf32, #tpu.memory_space<hbm>>
        tpu.enqueue_indirect_dma source(%dma_start3A_171 : memref<10240x128xf32, #tpu.memory_space<hbm>>) target(%dma_start3A_165 : memref<64x128xf32, #tpu.memory_space<vmem>>) offsets(%dma_start3A_168 : memref<64xi32, #tpu.memory_space<vmem>>) semaphore(%arg11 : memref<!tpu.dma_semaphore, #tpu.memory_space<semaphore_mem>>)
        %dma_start3A_172 = arith.constant 64 : i32
        %dma_start3A_173 = arith.constant 0 : i32
        %dma_start3A_174 = tpu.memref_slice %arg8[%dma_start3A_172, %dma_start3A_173] : memref<128x128xf32, #tpu.memory_space<vmem>> -> memref<64x128xf32, #tpu.memory_space<vmem>>
        %dma_start3A_175 = arith.constant 64 : i32
        %dma_start3A_176 = tpu.memref_slice %arg6[%add3A_162, %dma_start3A_175] : memref<40x128xi32, #tpu.memory_space<vmem>> -> memref<1x64xi32, #tpu.memory_space<vmem>>
        %dma_start3A_177 = tpu.memref_squeeze %dma_start3A_176 : memref<1x64xi32, #tpu.memory_space<vmem>> -> memref<64xi32, #tpu.memory_space<vmem>>
        %dma_start3A_178 = arith.constant 0 : i32
        %dma_start3A_179 = arith.constant 0 : i32
        %dma_start3A_180 = tpu.memref_slice %arg2[%dma_start3A_178, %dma_start3A_179] : memref<10240x128xf32, #tpu.memory_space<hbm>> -> memref<10240x128xf32, #tpu.memory_space<hbm>>
        tpu.enqueue_indirect_dma source(%dma_start3A_180 : memref<10240x128xf32, #tpu.memory_space<hbm>>) target(%dma_start3A_174 : memref<64x128xf32, #tpu.memory_space<vmem>>) offsets(%dma_start3A_177 : memref<64xi32, #tpu.memory_space<vmem>>) semaphore(%arg12 : memref<!tpu.dma_semaphore, #tpu.memory_space<semaphore_mem>>)
      } else {
      }
      %add3A_159 = arith.constant 1 : i32
      %add3A_160 = arith.addi %mul3A_97, %add3A_159 : i32
      "tpu.region"() ({
        %run_scoped3A_161 = tpu.sem_alloc : memref<!tpu.dma_semaphore, #tpu.memory_space<semaphore_mem>>
        %dma_start3A_162 = arith.constant 0 : i32
        %dma_start3A_163 = tpu.memref_slice %arg7[%add3A_160, %dma_start3A_162] : memref<40x128xi32, #tpu.memory_space<vmem>> -> memref<1x128xi32, #tpu.memory_space<vmem>>
        %dma_start3A_164 = tpu.memref_squeeze %dma_start3A_163 : memref<1x128xi32, #tpu.memory_space<vmem>> -> memref<128xi32, #tpu.memory_space<vmem>>
        %dma_start3A_165 = arith.constant 0 : i32
        %dma_start3A_166 = arith.constant 0 : i32
        %dma_start3A_167 = tpu.memref_slice %arg10[%dma_start3A_165, %dma_start3A_166] : memref<10240x128xf32, #tpu.memory_space<vmem_shared>> -> memref<10240x128xf32, #tpu.memory_space<vmem_shared>>
        tpu.enqueue_indirect_dma source(%arg9 : memref<128x128xf32, #tpu.memory_space<vmem>>) target(%dma_start3A_167 : memref<10240x128xf32, #tpu.memory_space<vmem_shared>>) offsets(%dma_start3A_164 : memref<128xi32, #tpu.memory_space<vmem>>) semaphore(%run_scoped3A_161 : memref<!tpu.dma_semaphore, #tpu.memory_space<semaphore_mem>>) {add = true}
        %dma_wait3A_168 = arith.constant 0 : i32
        %dma_wait3A_169 = tpu.memref_slice %arg7[%add3A_160, %dma_wait3A_168] : memref<40x128xi32, #tpu.memory_space<vmem>> -> memref<1x128xi32, #tpu.memory_space<vmem>>
        %dma_wait3A_170 = tpu.memref_squeeze %dma_wait3A_169 : memref<1x128xi32, #tpu.memory_space<vmem>> -> memref<128xi32, #tpu.memory_space<vmem>>
        %dma_wait3A_171 = arith.constant 0 : i32
        %dma_wait3A_172 = arith.constant 0 : i32
        %dma_wait3A_173 = tpu.memref_slice %arg10[%dma_wait3A_171, %dma_wait3A_172] : memref<10240x128xf32, #tpu.memory_space<vmem_shared>> -> memref<10240x128xf32, #tpu.memory_space<vmem_shared>>
        tpu.wait_indirect_dma semaphore(%run_scoped3A_161 : memref<!tpu.dma_semaphore, #tpu.memory_space<semaphore_mem>>) src(%arg9 : memref<128x128xf32, #tpu.memory_space<vmem>>) dst(%dma_wait3A_173 : memref<10240x128xf32, #tpu.memory_space<vmem_shared>>)
        tpu.yield
      }) : () -> ()
    }
    %scan3A_69 = arith.constant 20 : i32
    %barrier3A_70 = arith.constant 0 : index
    tpu.barrier barrier_id(%barrier3A_70)
    %add3A_71 = arith.constant 0 : i32
    %add3A_72 = arith.addi %mul3A_2, %add3A_71 : i32
    %add3A_73 = arith.constant 0 : i32
    %add3A_74 = arith.addi %mul3A_2, %add3A_73 : i32
    "tpu.region"() ({
      %run_scoped3A_91 = tpu.sem_alloc : memref<!tpu.dma_semaphore, #tpu.memory_space<semaphore_mem>>
      %dma_start3A_92 = arith.constant 0 : i32
      %dma_start3A_93 = tpu.memref_slice %arg5[%arg0, %add3A_74, %dma_start3A_92] : memref<2x10240x128xf32, #tpu.memory_space<hbm>> -> memref<1x128x128xf32, #tpu.memory_space<hbm>>
      %dma_start3A_94 = tpu.memref_squeeze %dma_start3A_93 : memref<1x128x128xf32, #tpu.memory_space<hbm>> -> memref<128x128xf32, #tpu.memory_space<hbm>>
      %dma_start3A_95 = arith.constant 0 : i32
      %dma_start3A_96 = tpu.memref_slice %arg10[%add3A_72, %dma_start3A_95] : memref<10240x128xf32, #tpu.memory_space<vmem_shared>> -> memref<128x128xf32, #tpu.memory_space<vmem_shared>>
      tpu.enqueue_dma source(%dma_start3A_96 : memref<128x128xf32, #tpu.memory_space<vmem_shared>>) target(%dma_start3A_94 : memref<128x128xf32, #tpu.memory_space<hbm>>) target_semaphore(%run_scoped3A_91 : memref<!tpu.dma_semaphore, #tpu.memory_space<semaphore_mem>>)
      %dma_wait3A = arith.constant 0 : i32
      %dma_wait3A_97 = tpu.memref_slice %arg5[%arg0, %add3A_74, %dma_wait3A] : memref<2x10240x128xf32, #tpu.memory_space<hbm>> -> memref<1x128x128xf32, #tpu.memory_space<hbm>>
      %dma_wait3A_98 = tpu.memref_squeeze %dma_wait3A_97 : memref<1x128x128xf32, #tpu.memory_space<hbm>> -> memref<128x128xf32, #tpu.memory_space<hbm>>
      %dma_wait3A_99 = arith.constant 0 : i32
      %dma_wait3A_100 = tpu.memref_slice %arg10[%add3A_72, %dma_wait3A_99] : memref<10240x128xf32, #tpu.memory_space<vmem_shared>> -> memref<128x128xf32, #tpu.memory_space<vmem_shared>>
      tpu.wait_dma2 semaphore(%run_scoped3A_91 : memref<!tpu.dma_semaphore, #tpu.memory_space<semaphore_mem>>) src(%dma_wait3A_100 : memref<128x128xf32, #tpu.memory_space<vmem_shared>>) dst(%dma_wait3A_98 : memref<128x128xf32, #tpu.memory_space<hbm>>)
      tpu.yield
    }) : () -> ()
    %add3A_75 = arith.constant 128 : i32
    %add3A_76 = arith.addi %mul3A_2, %add3A_75 : i32
    %add3A_77 = arith.constant 128 : i32
    %add3A_78 = arith.addi %mul3A_2, %add3A_77 : i32
    "tpu.region"() ({
      %run_scoped3A_91 = tpu.sem_alloc : memref<!tpu.dma_semaphore, #tpu.memory_space<semaphore_mem>>
      %dma_start3A_92 = arith.constant 0 : i32
      %dma_start3A_93 = tpu.memref_slice %arg5[%arg0, %add3A_78, %dma_start3A_92] : memref<2x10240x128xf32, #tpu.memory_space<hbm>> -> memref<1x128x128xf32, #tpu.memory_space<hbm>>
      %dma_start3A_94 = tpu.memref_squeeze %dma_start3A_93 : memref<1x128x128xf32, #tpu.memory_space<hbm>> -> memref<128x128xf32, #tpu.memory_space<hbm>>
      %dma_start3A_95 = arith.constant 0 : i32
      %dma_start3A_96 = tpu.memref_slice %arg10[%add3A_76, %dma_start3A_95] : memref<10240x128xf32, #tpu.memory_space<vmem_shared>> -> memref<128x128xf32, #tpu.memory_space<vmem_shared>>
      tpu.enqueue_dma source(%dma_start3A_96 : memref<128x128xf32, #tpu.memory_space<vmem_shared>>) target(%dma_start3A_94 : memref<128x128xf32, #tpu.memory_space<hbm>>) target_semaphore(%run_scoped3A_91 : memref<!tpu.dma_semaphore, #tpu.memory_space<semaphore_mem>>)
      %dma_wait3A = arith.constant 0 : i32
      %dma_wait3A_97 = tpu.memref_slice %arg5[%arg0, %add3A_78, %dma_wait3A] : memref<2x10240x128xf32, #tpu.memory_space<hbm>> -> memref<1x128x128xf32, #tpu.memory_space<hbm>>
      %dma_wait3A_98 = tpu.memref_squeeze %dma_wait3A_97 : memref<1x128x128xf32, #tpu.memory_space<hbm>> -> memref<128x128xf32, #tpu.memory_space<hbm>>
      %dma_wait3A_99 = arith.constant 0 : i32
      %dma_wait3A_100 = tpu.memref_slice %arg10[%add3A_76, %dma_wait3A_99] : memref<10240x128xf32, #tpu.memory_space<vmem_shared>> -> memref<128x128xf32, #tpu.memory_space<vmem_shared>>
      tpu.wait_dma2 semaphore(%run_scoped3A_91 : memref<!tpu.dma_semaphore, #tpu.memory_space<semaphore_mem>>) src(%dma_wait3A_100 : memref<128x128xf32, #tpu.memory_space<vmem_shared>>) dst(%dma_wait3A_98 : memref<128x128xf32, #tpu.memory_space<hbm>>)
      tpu.yield
    }) : () -> ()
    %add3A_79 = arith.constant 256 : i32
    %add3A_80 = arith.addi %mul3A_2, %add3A_79 : i32
    %add3A_81 = arith.constant 256 : i32
    %add3A_82 = arith.addi %mul3A_2, %add3A_81 : i32
    "tpu.region"() ({
      %run_scoped3A_91 = tpu.sem_alloc : memref<!tpu.dma_semaphore, #tpu.memory_space<semaphore_mem>>
      %dma_start3A_92 = arith.constant 0 : i32
      %dma_start3A_93 = tpu.memref_slice %arg5[%arg0, %add3A_82, %dma_start3A_92] : memref<2x10240x128xf32, #tpu.memory_space<hbm>> -> memref<1x128x128xf32, #tpu.memory_space<hbm>>
      %dma_start3A_94 = tpu.memref_squeeze %dma_start3A_93 : memref<1x128x128xf32, #tpu.memory_space<hbm>> -> memref<128x128xf32, #tpu.memory_space<hbm>>
      %dma_start3A_95 = arith.constant 0 : i32
      %dma_start3A_96 = tpu.memref_slice %arg10[%add3A_80, %dma_start3A_95] : memref<10240x128xf32, #tpu.memory_space<vmem_shared>> -> memref<128x128xf32, #tpu.memory_space<vmem_shared>>
      tpu.enqueue_dma source(%dma_start3A_96 : memref<128x128xf32, #tpu.memory_space<vmem_shared>>) target(%dma_start3A_94 : memref<128x128xf32, #tpu.memory_space<hbm>>) target_semaphore(%run_scoped3A_91 : memref<!tpu.dma_semaphore, #tpu.memory_space<semaphore_mem>>)
      %dma_wait3A = arith.constant 0 : i32
      %dma_wait3A_97 = tpu.memref_slice %arg5[%arg0, %add3A_82, %dma_wait3A] : memref<2x10240x128xf32, #tpu.memory_space<hbm>> -> memref<1x128x128xf32, #tpu.memory_space<hbm>>
      %dma_wait3A_98 = tpu.memref_squeeze %dma_wait3A_97 : memref<1x128x128xf32, #tpu.memory_space<hbm>> -> memref<128x128xf32, #tpu.memory_space<hbm>>
      %dma_wait3A_99 = arith.constant 0 : i32
      %dma_wait3A_100 = tpu.memref_slice %arg10[%add3A_80, %dma_wait3A_99] : memref<10240x128xf32, #tpu.memory_space<vmem_shared>> -> memref<128x128xf32, #tpu.memory_space<vmem_shared>>
      tpu.wait_dma2 semaphore(%run_scoped3A_91 : memref<!tpu.dma_semaphore, #tpu.memory_space<semaphore_mem>>) src(%dma_wait3A_100 : memref<128x128xf32, #tpu.memory_space<vmem_shared>>) dst(%dma_wait3A_98 : memref<128x128xf32, #tpu.memory_space<hbm>>)
      tpu.yield
    }) : () -> ()
    %add3A_83 = arith.constant 384 : i32
    %add3A_84 = arith.addi %mul3A_2, %add3A_83 : i32
    %add3A_85 = arith.constant 384 : i32
    %add3A_86 = arith.addi %mul3A_2, %add3A_85 : i32
    "tpu.region"() ({
      %run_scoped3A_91 = tpu.sem_alloc : memref<!tpu.dma_semaphore, #tpu.memory_space<semaphore_mem>>
      %dma_start3A_92 = arith.constant 0 : i32
      %dma_start3A_93 = tpu.memref_slice %arg5[%arg0, %add3A_86, %dma_start3A_92] : memref<2x10240x128xf32, #tpu.memory_space<hbm>> -> memref<1x128x128xf32, #tpu.memory_space<hbm>>
      %dma_start3A_94 = tpu.memref_squeeze %dma_start3A_93 : memref<1x128x128xf32, #tpu.memory_space<hbm>> -> memref<128x128xf32, #tpu.memory_space<hbm>>
      %dma_start3A_95 = arith.constant 0 : i32
      %dma_start3A_96 = tpu.memref_slice %arg10[%add3A_84, %dma_start3A_95] : memref<10240x128xf32, #tpu.memory_space<vmem_shared>> -> memref<128x128xf32, #tpu.memory_space<vmem_shared>>
      tpu.enqueue_dma source(%dma_start3A_96 : memref<128x128xf32, #tpu.memory_space<vmem_shared>>) target(%dma_start3A_94 : memref<128x128xf32, #tpu.memory_space<hbm>>) target_semaphore(%run_scoped3A_91 : memref<!tpu.dma_semaphore, #tpu.memory_space<semaphore_mem>>)
      %dma_wait3A = arith.constant 0 : i32
      %dma_wait3A_97 = tpu.memref_slice %arg5[%arg0, %add3A_86, %dma_wait3A] : memref<2x10240x128xf32, #tpu.memory_space<hbm>> -> memref<1x128x128xf32, #tpu.memory_space<hbm>>
      %dma_wait3A_98 = tpu.memref_squeeze %dma_wait3A_97 : memref<1x128x128xf32, #tpu.memory_space<hbm>> -> memref<128x128xf32, #tpu.memory_space<hbm>>
      %dma_wait3A_99 = arith.constant 0 : i32
      %dma_wait3A_100 = tpu.memref_slice %arg10[%add3A_84, %dma_wait3A_99] : memref<10240x128xf32, #tpu.memory_space<vmem_shared>> -> memref<128x128xf32, #tpu.memory_space<vmem_shared>>
      tpu.wait_dma2 semaphore(%run_scoped3A_91 : memref<!tpu.dma_semaphore, #tpu.memory_space<semaphore_mem>>) src(%dma_wait3A_100 : memref<128x128xf32, #tpu.memory_space<vmem_shared>>) dst(%dma_wait3A_98 : memref<128x128xf32, #tpu.memory_space<hbm>>)
      tpu.yield
    }) : () -> ()
    %add3A_87 = arith.constant 512 : i32
    %add3A_88 = arith.addi %mul3A_2, %add3A_87 : i32
    %add3A_89 = arith.constant 512 : i32
    %add3A_90 = arith.addi %mul3A_2, %add3A_89 : i32
    "tpu.region"() ({
      %run_scoped3A_91 = tpu.sem_alloc : memref<!tpu.dma_semaphore, #tpu.memory_space<semaphore_mem>>
      %dma_start3A_92 = arith.constant 0 : i32
      %dma_start3A_93 = tpu.memref_slice %arg5[%arg0, %add3A_90, %dma_start3A_92] : memref<2x10240x128xf32, #tpu.memory_space<hbm>> -> memref<1x128x128xf32, #tpu.memory_space<hbm>>
      %dma_start3A_94 = tpu.memref_squeeze %dma_start3A_93 : memref<1x128x128xf32, #tpu.memory_space<hbm>> -> memref<128x128xf32, #tpu.memory_space<hbm>>
      %dma_start3A_95 = arith.constant 0 : i32
      %dma_start3A_96 = tpu.memref_slice %arg10[%add3A_88, %dma_start3A_95] : memref<10240x128xf32, #tpu.memory_space<vmem_shared>> -> memref<128x128xf32, #tpu.memory_space<vmem_shared>>
      tpu.enqueue_dma source(%dma_start3A_96 : memref<128x128xf32, #tpu.memory_space<vmem_shared>>) target(%dma_start3A_94 : memref<128x128xf32, #tpu.memory_space<hbm>>) target_semaphore(%run_scoped3A_91 : memref<!tpu.dma_semaphore, #tpu.memory_space<semaphore_mem>>)
      %dma_wait3A = arith.constant 0 : i32
      %dma_wait3A_97 = tpu.memref_slice %arg5[%arg0, %add3A_90, %dma_wait3A] : memref<2x10240x128xf32, #tpu.memory_space<hbm>> -> memref<1x128x128xf32, #tpu.memory_space<hbm>>
      %dma_wait3A_98 = tpu.memref_squeeze %dma_wait3A_97 : memref<1x128x128xf32, #tpu.memory_space<hbm>> -> memref<128x128xf32, #tpu.memory_space<hbm>>
      %dma_wait3A_99 = arith.constant 0 : i32
      %dma_wait3A_100 = tpu.memref_slice %arg10[%add3A_88, %dma_wait3A_99] : memref<10240x128xf32, #tpu.memory_space<vmem_shared>> -> memref<128x128xf32, #tpu.memory_space<vmem_shared>>
      tpu.wait_dma2 semaphore(%run_scoped3A_91 : memref<!tpu.dma_semaphore, #tpu.memory_space<semaphore_mem>>) src(%dma_wait3A_100 : memref<128x128xf32, #tpu.memory_space<vmem_shared>>) dst(%dma_wait3A_98 : memref<128x128xf32, #tpu.memory_space<hbm>>)
      tpu.yield
    }) : () -> ()
    return
  }
}

module attributes {stable_mosaic.version = 14 : i64} {
  func.func @_tc1_body(%arg0: i32, %arg1: memref<1024x1xf32, #tpu.memory_space<vmem>>, %arg2: memref<1024x1xf32, #tpu.memory_space<vmem>>, %arg3: memref<1024x128xf32, #tpu.memory_space<vmem>>, %arg4: memref<128x128xf32, #tpu.memory_space<vmem>>, %arg5: memref<1024x128xf32, #tpu.memory_space<vmem>>, %arg6: memref<1024x1xf32, #tpu.memory_space<vmem>>) attributes {dimension_semantics = [#tpu.dimension_semantics<arbitrary>], iteration_bounds = array<i64: 10>, scalar_prefetch = 0 : i64, scratch_operands = 0 : i64, tpu.core_type = #tpu.core_type<tc>, window_params = [{transform_indices = @transform_0, window_bounds = array<i64: 1024, 1>}, {transform_indices = @transform_1, window_bounds = array<i64: 1024, 1>}, {transform_indices = @transform_2, window_bounds = array<i64: 1024, 128>}, {pipeline_mode = #tpu.pipeline_mode<synchronous>, transform_indices = @transform_3, window_bounds = array<i64: 128, 128>}, {transform_indices = @transform_4, window_bounds = array<i64: 1024, 128>}, {transform_indices = @transform_5, window_bounds = array<i64: 1024, 1>}]} {
    %get3A = arith.constant 0 : index
    %get3A_0 = arith.constant 0 : index
    %get3A_1 = vector.load %arg1[%get3A, %get3A_0] : memref<1024x1xf32, #tpu.memory_space<vmem>>, vector<1024x1xf32>
    %get3A_2 = arith.constant 0 : index
    %get3A_3 = arith.constant 0 : index
    %get3A_4 = vector.load %arg2[%get3A_2, %get3A_3] : memref<1024x1xf32, #tpu.memory_space<vmem>>, vector<1024x1xf32>
    %add3A = arith.addf %get3A_1, %get3A_4 : vector<1024x1xf32>
    %add3A_5 = arith.constant 1.000000e+00 : f32
    %add3A_6 = vector.broadcast %add3A_5 : f32 to vector<1024x1xf32>
    %add3A_7 = arith.addf %add3A, %add3A_6 : vector<1024x1xf32>
    %rsqrt3A = math.rsqrt %add3A_7 : vector<1024x1xf32>
    %swap3A = arith.constant 0 : index
    %swap3A_8 = arith.constant 0 : index
    %swap3A_9 = vector.load %arg6[%swap3A, %swap3A_8] : memref<1024x1xf32, #tpu.memory_space<vmem>>, vector<1024x1xf32>
    tpu.vector_store %arg6[%swap3A, %swap3A_8], %rsqrt3A {strides = array<i32>} : memref<1024x1xf32, #tpu.memory_space<vmem>>, vector<1024x1xf32>,
    %get3A_10 = arith.constant 0 : index
    %get3A_11 = arith.constant 0 : index
    %get3A_12 = vector.load %arg3[%get3A_10, %get3A_11] : memref<1024x128xf32, #tpu.memory_space<vmem>>, vector<1024x128xf32>
    %mul3A = vector.broadcast %rsqrt3A : vector<1024x1xf32> to vector<1024x128xf32>
    %mul3A_13 = arith.mulf %get3A_12, %mul3A : vector<1024x128xf32>
    %get3A_14 = arith.constant 0 : index
    %get3A_15 = arith.constant 0 : index
    %get3A_16 = vector.load %arg4[%get3A_14, %get3A_15] : memref<128x128xf32, #tpu.memory_space<vmem>>, vector<128x128xf32>
    %dot_general3A = arith.constant dense<0.000000e+00> : vector<1024x128xf32>
    %dot_general3A_17 = tpu.matmul %mul3A_13, %get3A_16, %dot_general3A {dimension_numbers = #tpu.dot_dimension_numbers<[1], [0], [0], [1], [0, 0, 1, 1], [], []>, transpose_lhs_hint = false} : vector<1024x128xf32>, vector<128x128xf32>, vector<1024x128xf32> -> vector<1024x128xf32>
    %swap3A_18 = arith.constant 0 : index
    %swap3A_19 = arith.constant 0 : index
    %swap3A_20 = vector.load %arg5[%swap3A_18, %swap3A_19] : memref<1024x128xf32, #tpu.memory_space<vmem>>, vector<1024x128xf32>
    tpu.vector_store %arg5[%swap3A_18, %swap3A_19], %dot_general3A_17 {strides = array<i32>} : memref<1024x128xf32, #tpu.memory_space<vmem>>, vector<1024x128xf32>,
    return
  }
  func.func @transform_0(%arg0: i32) -> (i32, i32) {
    %c0_i32 = arith.constant 0 : i32
    %c0_i32_0 = arith.constant 0 : i32
    return %arg0, %c0_i32 : i32, i32
  }
  func.func @transform_1(%arg0: i32) -> (i32, i32) {
    %c0_i32 = arith.constant 0 : i32
    %c0_i32_0 = arith.constant 0 : i32
    return %arg0, %c0_i32 : i32, i32
  }
  func.func @transform_2(%arg0: i32) -> (i32, i32) {
    %c0_i32 = arith.constant 0 : i32
    %c0_i32_0 = arith.constant 0 : i32
    return %arg0, %c0_i32 : i32, i32
  }
  func.func @transform_3(%arg0: i32) -> (i32, i32) {
    %c0_i32 = arith.constant 0 : i32
    %c0_i32_0 = arith.constant 0 : i32
    %c0_i32_1 = arith.constant 0 : i32
    return %c0_i32, %c0_i32_0 : i32, i32
  }
  func.func @transform_4(%arg0: i32) -> (i32, i32) {
    %c0_i32 = arith.constant 0 : i32
    %c0_i32_0 = arith.constant 0 : i32
    return %arg0, %c0_i32 : i32, i32
  }
  func.func @transform_5(%arg0: i32) -> (i32, i32) {
    %c0_i32 = arith.constant 0 : i32
    %c0_i32_0 = arith.constant 0 : i32
    return %arg0, %c0_i32 : i32, i32
  }
}

module attributes {stable_mosaic.version = 14 : i64} {
  func.func @_tc_fused_body(%arg0: i32, %arg1: memref<1024x1xf32, #tpu.memory_space<vmem>>, %arg2: memref<1024x128xf32, #tpu.memory_space<vmem>>, %arg3: memref<1024x128xf32, #tpu.memory_space<vmem>>, %arg4: memref<1024x128xf32, #tpu.memory_space<vmem>>, %arg5: memref<1x128xf32, #tpu.memory_space<vmem>>, %arg6: memref<128x128xf32, #tpu.memory_space<vmem>>, %arg7: memref<1024x128xf32, #tpu.memory_space<vmem>>) attributes {dimension_semantics = [#tpu.dimension_semantics<arbitrary>], iteration_bounds = array<i64: 10>, scalar_prefetch = 0 : i64, scratch_operands = 0 : i64, tpu.core_type = #tpu.core_type<tc>, window_params = [{transform_indices = @transform_0, window_bounds = array<i64: 1024, 1>}, {transform_indices = @transform_1, window_bounds = array<i64: 1024, 128>}, {transform_indices = @transform_2, window_bounds = array<i64: 1024, 128>}, {transform_indices = @transform_3, window_bounds = array<i64: 1024, 128>}, {pipeline_mode = #tpu.pipeline_mode<synchronous>, transform_indices = @transform_4, window_bounds = array<i64: 1, 128>}, {pipeline_mode = #tpu.pipeline_mode<synchronous>, transform_indices = @transform_5, window_bounds = array<i64: 128, 128>}, {transform_indices = @transform_6, window_bounds = array<i64: 1024, 128>}]} {
    %get3A = arith.constant 0 : index
    %get3A_0 = arith.constant 0 : index
    %get3A_1 = vector.load %arg1[%get3A, %get3A_0] : memref<1024x1xf32, #tpu.memory_space<vmem>>, vector<1024x1xf32>
    %get3A_2 = arith.constant 0 : index
    %get3A_3 = arith.constant 0 : index
    %get3A_4 = vector.load %arg2[%get3A_2, %get3A_3] : memref<1024x128xf32, #tpu.memory_space<vmem>>, vector<1024x128xf32>
    %get3A_5 = arith.constant 0 : index
    %get3A_6 = arith.constant 0 : index
    %get3A_7 = vector.load %arg3[%get3A_5, %get3A_6] : memref<1024x128xf32, #tpu.memory_space<vmem>>, vector<1024x128xf32>
    %add3A = arith.addf %get3A_4, %get3A_7 : vector<1024x128xf32>
    %get3A_8 = arith.constant 0 : index
    %get3A_9 = arith.constant 0 : index
    %get3A_10 = vector.load %arg4[%get3A_8, %get3A_9] : memref<1024x128xf32, #tpu.memory_space<vmem>>, vector<1024x128xf32>
    %add3A_11 = arith.addf %add3A, %get3A_10 : vector<1024x128xf32>
    %mul3A = vector.broadcast %get3A_1 : vector<1024x1xf32> to vector<1024x128xf32>
    %mul3A_12 = arith.mulf %mul3A, %add3A_11 : vector<1024x128xf32>
    %get3A_13 = arith.constant 0 : index
    %get3A_14 = arith.constant 0 : index
    %get3A_15 = vector.load %arg5[%get3A_13, %get3A_14] : memref<1x128xf32, #tpu.memory_space<vmem>>, vector<1x128xf32>
    %add3A_16 = vector.broadcast %get3A_15 : vector<1x128xf32> to vector<1024x128xf32>
    %add3A_17 = arith.addf %mul3A_12, %add3A_16 : vector<1024x128xf32>
    %max3A = arith.constant 0.000000e+00 : f32
    %max3A_18 = vector.broadcast %max3A : f32 to vector<1024x128xf32>
    %max3A_19 = arith.maximumf %add3A_17, %max3A_18 : vector<1024x128xf32>
    %mul3A_20 = vector.broadcast %get3A_1 : vector<1024x1xf32> to vector<1024x128xf32>
    %mul3A_21 = arith.mulf %max3A_19, %mul3A_20 : vector<1024x128xf32>
    %get3A_22 = arith.constant 0 : index
    %get3A_23 = arith.constant 0 : index
    %get3A_24 = vector.load %arg6[%get3A_22, %get3A_23] : memref<128x128xf32, #tpu.memory_space<vmem>>, vector<128x128xf32>
    %dot_general3A = arith.constant dense<0.000000e+00> : vector<1024x128xf32>
    %dot_general3A_25 = tpu.matmul %mul3A_21, %get3A_24, %dot_general3A {dimension_numbers = #tpu.dot_dimension_numbers<[1], [0], [0], [1], [0, 0, 1, 1], [], []>, transpose_lhs_hint = false} : vector<1024x128xf32>, vector<128x128xf32>, vector<1024x128xf32> -> vector<1024x128xf32>
    %swap3A = arith.constant 0 : index
    %swap3A_26 = arith.constant 0 : index
    %swap3A_27 = vector.load %arg7[%swap3A, %swap3A_26] : memref<1024x128xf32, #tpu.memory_space<vmem>>, vector<1024x128xf32>
    tpu.vector_store %arg7[%swap3A, %swap3A_26], %dot_general3A_25 {strides = array<i32>} : memref<1024x128xf32, #tpu.memory_space<vmem>>, vector<1024x128xf32>,
    return
  }
  func.func @transform_0(%arg0: i32) -> (i32, i32) {
    %c0_i32 = arith.constant 0 : i32
    %c0_i32_0 = arith.constant 0 : i32
    return %arg0, %c0_i32 : i32, i32
  }
  func.func @transform_1(%arg0: i32) -> (i32, i32) {
    %c0_i32 = arith.constant 0 : i32
    %c0_i32_0 = arith.constant 0 : i32
    return %arg0, %c0_i32 : i32, i32
  }
  func.func @transform_2(%arg0: i32) -> (i32, i32) {
    %c0_i32 = arith.constant 0 : i32
    %c0_i32_0 = arith.constant 0 : i32
    return %arg0, %c0_i32 : i32, i32
  }
  func.func @transform_3(%arg0: i32) -> (i32, i32) {
    %c0_i32 = arith.constant 0 : i32
    %c0_i32_0 = arith.constant 0 : i32
    return %arg0, %c0_i32 : i32, i32
  }
  func.func @transform_4(%arg0: i32) -> (i32, i32) {
    %c0_i32 = arith.constant 0 : i32
    %c0_i32_0 = arith.constant 0 : i32
    %c0_i32_1 = arith.constant 0 : i32
    return %c0_i32, %c0_i32_0 : i32, i32
  }
  func.func @transform_5(%arg0: i32) -> (i32, i32) {
    %c0_i32 = arith.constant 0 : i32
    %c0_i32_0 = arith.constant 0 : i32
    %c0_i32_1 = arith.constant 0 : i32
    return %c0_i32, %c0_i32_0 : i32, i32
  }
  func.func @transform_6(%arg0: i32) -> (i32, i32) {
    %c0_i32 = arith.constant 0 : i32
    %c0_i32_0 = arith.constant 0 : i32
    return %arg0, %c0_i32 : i32, i32
  }
}

module attributes {stable_mosaic.version = 14 : i64} {
  func.func @_tc_final_body(%arg0: i32, %arg1: memref<1024x1xf32, #tpu.memory_space<vmem>>, %arg2: memref<1024x128xf32, #tpu.memory_space<vmem>>, %arg3: memref<1024x128xf32, #tpu.memory_space<vmem>>, %arg4: memref<1024x128xf32, #tpu.memory_space<vmem>>, %arg5: memref<1x128xf32, #tpu.memory_space<vmem>>, %arg6: memref<1024x128xf32, #tpu.memory_space<vmem>>) attributes {dimension_semantics = [#tpu.dimension_semantics<arbitrary>], iteration_bounds = array<i64: 10>, scalar_prefetch = 0 : i64, scratch_operands = 0 : i64, tpu.core_type = #tpu.core_type<tc>, window_params = [{transform_indices = @transform_0, window_bounds = array<i64: 1024, 1>}, {transform_indices = @transform_1, window_bounds = array<i64: 1024, 128>}, {transform_indices = @transform_2, window_bounds = array<i64: 1024, 128>}, {transform_indices = @transform_3, window_bounds = array<i64: 1024, 128>}, {pipeline_mode = #tpu.pipeline_mode<synchronous>, transform_indices = @transform_4, window_bounds = array<i64: 1, 128>}, {transform_indices = @transform_5, window_bounds = array<i64: 1024, 128>}]} {
    %get3A = arith.constant 0 : index
    %get3A_0 = arith.constant 0 : index
    %get3A_1 = vector.load %arg1[%get3A, %get3A_0] : memref<1024x1xf32, #tpu.memory_space<vmem>>, vector<1024x1xf32>
    %get3A_2 = arith.constant 0 : index
    %get3A_3 = arith.constant 0 : index
    %get3A_4 = vector.load %arg2[%get3A_2, %get3A_3] : memref<1024x128xf32, #tpu.memory_space<vmem>>, vector<1024x128xf32>
    %get3A_5 = arith.constant 0 : index
    %get3A_6 = arith.constant 0 : index
    %get3A_7 = vector.load %arg3[%get3A_5, %get3A_6] : memref<1024x128xf32, #tpu.memory_space<vmem>>, vector<1024x128xf32>
    %add3A = arith.addf %get3A_4, %get3A_7 : vector<1024x128xf32>
    %get3A_8 = arith.constant 0 : index
    %get3A_9 = arith.constant 0 : index
    %get3A_10 = vector.load %arg4[%get3A_8, %get3A_9] : memref<1024x128xf32, #tpu.memory_space<vmem>>, vector<1024x128xf32>
    %add3A_11 = arith.addf %add3A, %get3A_10 : vector<1024x128xf32>
    %mul3A = vector.broadcast %get3A_1 : vector<1024x1xf32> to vector<1024x128xf32>
    %mul3A_12 = arith.mulf %mul3A, %add3A_11 : vector<1024x128xf32>
    %get3A_13 = arith.constant 0 : index
    %get3A_14 = arith.constant 0 : index
    %get3A_15 = vector.load %arg5[%get3A_13, %get3A_14] : memref<1x128xf32, #tpu.memory_space<vmem>>, vector<1x128xf32>
    %add3A_16 = vector.broadcast %get3A_15 : vector<1x128xf32> to vector<1024x128xf32>
    %add3A_17 = arith.addf %mul3A_12, %add3A_16 : vector<1024x128xf32>
    %swap3A = arith.constant 0 : index
    %swap3A_18 = arith.constant 0 : index
    %swap3A_19 = vector.load %arg6[%swap3A, %swap3A_18] : memref<1024x128xf32, #tpu.memory_space<vmem>>, vector<1024x128xf32>
    tpu.vector_store %arg6[%swap3A, %swap3A_18], %add3A_17 {strides = array<i32>} : memref<1024x128xf32, #tpu.memory_space<vmem>>, vector<1024x128xf32>,
    return
  }
  func.func @transform_0(%arg0: i32) -> (i32, i32) {
    %c0_i32 = arith.constant 0 : i32
    %c0_i32_0 = arith.constant 0 : i32
    return %arg0, %c0_i32 : i32, i32
  }
  func.func @transform_1(%arg0: i32) -> (i32, i32) {
    %c0_i32 = arith.constant 0 : i32
    %c0_i32_0 = arith.constant 0 : i32
    return %arg0, %c0_i32 : i32, i32
  }
  func.func @transform_2(%arg0: i32) -> (i32, i32) {
    %c0_i32 = arith.constant 0 : i32
    %c0_i32_0 = arith.constant 0 : i32
    return %arg0, %c0_i32 : i32, i32
  }
  func.func @transform_3(%arg0: i32) -> (i32, i32) {
    %c0_i32 = arith.constant 0 : i32
    %c0_i32_0 = arith.constant 0 : i32
    return %arg0, %c0_i32 : i32, i32
  }
  func.func @transform_4(%arg0: i32) -> (i32, i32) {
    %c0_i32 = arith.constant 0 : i32
    %c0_i32_0 = arith.constant 0 : i32
    %c0_i32_1 = arith.constant 0 : i32
    return %c0_i32, %c0_i32_0 : i32, i32
  }
  func.func @transform_5(%arg0: i32) -> (i32, i32) {
    %c0_i32 = arith.constant 0 : i32
    %c0_i32_0 = arith.constant 0 : i32
    return %arg0, %c0_i32 : i32, i32
  }
}

</mosaic_0001>

<sc_bundles>
// kernel: kernel.10.cloned.1.call-start
scs
__scs_entry_jumppad:
0x0: {  	(pc) =	sbr.rel $0x88, $3  }
0x1: {  	(tag) =	ssettag $0x0;
	lr =	simm.s32 $0x1  }
0x2: {  	[smem:$0x3F99] =	sst lr;
	_ =	strace $0xD0000000  }
0x3: {  	_ = 	snop  }
0x4: {  	_ = 	snop  }
0x5: {  	_ = 	snop  }
0x6: {  	_ = 	snop  }
0x7: {  	_ = 	snop  }
__scs_overlays_trampoline_lowered:
0x8: {  	[smem:$0x3FA8] =	sst s0  }
0x9: {  	[smem:$0x3FA9] =	sst s1  }
0xa: {  	[smem:$0x3FAA] =	sst s2  }
0xb: {  	[smem:$0x3FAB] =	sst s3  }
0xc: {  	[smem:$0x3FAC] =	sst s4  }
0xd: {  	[smem:$0x3FAD] =	sst s5  }
0xe: {  	[smem:$0x3FAE] =	sst s6  }
0xf: {  	[smem:$0x3FAF] =	sst s7  }
0x10: {  	[smem:$0x3FB0] =	sst s8  }
0x11: {  	[smem:$0x3FB1] =	sst s9;
	s0 =	simm.s32 @!p0 $0x0  }
0x12: {  	s1 =	sld [smem:$0x3F97];
	s0 =	simm.s32 @p0 $0x1  }
0x13: {  	[smem:$0x3FB2] =	sst s0;
	s0 =	simm.s32 @!p1 $0x0  }
0x14: {  	s2 =	sld [smem:$0x3F96];
	s0 =	simm.s32 @p1 $0x1  }
0x15: {  	[smem:$0x3FB3] =	sst s0;
	s0 =	simm.s32 @!p2 $0x0  }
0x16: {  	s3 =	sld [smem:$0x3FDB];
	s0 =	simm.s32 @p2 $0x1  }
0x17: {  	s4 =	simm.s32 $0x1BF5;
	[smem:$0x3FB5] =	sst s0  }
0x18: {  	s0 =	sld [smem:$0x3F98];
	_ =	swait.ge [sflag:s4], $0x0  }
0x19: {  	s7 =	sld [smem:$0x3F99]  }
0x1a: {  	s8 =	sadd.s32 $0xFFFFE003, lr  }
0x1b: {  	s9 =	sadd.s32 $0xFFFFFEF7, lr;
	s5 =	simm.s32 $0xFFFFFFFF;
	p2 =	slt.u32 s8, $0xFFFFF086  }
0x1c: {  	p1 =	slt.u32 s9, $0xF7A;
	s5 =	simm.s32 @!p2 $0x0  }
0x1d: {  	s5 =	simm.s32 @p1 $0x1;
	p0 =	seq.s32 s7, s2  }
0x1e: {  	s7 =	smul.u32 @!p0 $0xF7A, s2;
	p2 =	seq.s32 @!p0 s5, $0x0  }
0x1f: {  	s9 =	smul.u32 $0xF7A, s1;
	s8 =	simm.s32 @!p0 $0x1BF5;
	p2 =	por !p2, p0  }
0x20: {  	[sflag:s8] =	ssyncset.s32 @!p0 $0xFFFFF086;
	s6 =	sadd.s32 @!p0 s3, s7;
	s7 =	simm.s32 @!p0 $0x108  }
0x21: {  	s3 =	sadd.s32 s3, s9;
	s6 =	sadd.s32 @!p0 $0x88, s6;
	s7 =	simm.s32 @p2 $0x1082  }
0x22: {  	[simem:s7], [sflag:s8] =	dma.local @!p0 [hbm:s6], $0xF7A  }
0x23: {  	s9 =	sor.u32 $0xD0000000, s2;
	s6 =	simm.s32 $0x108;
	_ =	swait.ge @!p0 [sflag:s8], $0x0  }
0x24: {  	s3 =	sadd.s32 $0x88, s3;
	s6 =	simm.s32 @!p1 $0x1082;
	[sflag:s4] =	ssyncset.s32 $0xFFFFF086  }
0x25: {  	[simem:s6], [sflag:s4] =	dma.local [hbm:s3], $0xF7A  }
0x26: {  	[smem:$0x3F99] =	sst s1;
	(tag) =	ssettag s2;
	_ =	strace s9  }
0x27: {  	s1 =	sld [smem:$0x3FA9]  }
0x28: {  	s2 =	sld [smem:$0x3FAA]  }
0x29: {  	s4 =	sld [smem:$0x3FAC]  }
0x2a: {  	p0 =	seq.s32 s5, $0x0;
	s5 =	sld [smem:$0x3FAD]  }
0x2b: {  	s6 =	sld [smem:$0x3FAE]  }
0x2c: {  	s7 =	sld [smem:$0x3FAF]  }
0x2d: {  	s3 =	simm.s32 $0x108;
	s8 =	sld [smem:$0x3FB0]  }
0x2e: {  	s3 =	simm.s32 @!p0 $0x1082;
	s9 =	sld [smem:$0x3FB1]  }
0x2f: {  	lr =	sadd.s32 s0, s3;
	s0 =	sld [smem:$0x3FA8]  }
0x30: {  	s3 =	sld [smem:$0x3FAB]  }
0x31: {  	[smem:$0x3FB4] =	sst s10  }
0x32: {  	s10 =	sld [smem:$0x3FB2];
	_ =	sdelay $0x3  }
0x33: {  	p0 =	seq.s32 s10, $0x1;
	s10 =	sld [smem:$0x3FB4];
	_ =	sdelay $0x3  }
0x34: {  	[smem:$0x3FB4] =	sst s10  }
0x35: {  	s10 =	sld [smem:$0x3FB3];
	_ =	sdelay $0x3  }
0x36: {  	p1 =	seq.s32 s10, $0x1;
	s10 =	sld [smem:$0x3FB4];
	_ =	sdelay $0x3  }
0x37: {  	[smem:$0x3FB4] =	sst s10  }
0x38: {  	s10 =	sld [smem:$0x3FB5]  }
0x39: {  	_ = 	snop;
	(pc) =	sbr.ind lr, $3  }
0x3a: {  	_ = 	snop  }
0x3b: {  	_ = 	snop  }
0x3c: {  	p2 =	seq.s32 s10, $0x1;
	s10 =	sld [smem:$0x3FB4]  }
0x3d: {  	_ =	shalt  }
0x3e: {  	_ =	shalt  }
0x3f: {  	_ =	shalt  }
0x40: {  	_ =	shalt  }
0x41: {  	_ =	shalt  }
0x42: {  	_ =	shalt  }
0x43: {  	_ =	shalt  }
0x44: {  	_ =	shalt  }
0x45: {  	_ =	shalt  }
0x46: {  	_ =	shalt  }
0x47: {  	_ =	shalt  }
0x48: {  	_ =	shalt  }
0x49: {  	_ =	shalt  }
0x4a: {  	_ =	shalt  }
0x4b: {  	_ =	shalt  }
0x4c: {  	_ =	shalt  }
0x4d: {  	_ =	shalt  }
0x4e: {  	_ =	shalt  }
0x4f: {  	_ =	shalt  }
0x50: {  	_ =	shalt  }
0x51: {  	_ =	shalt  }
0x52: {  	_ =	shalt  }
0x53: {  	_ =	shalt  }
0x54: {  	_ =	shalt  }
0x55: {  	_ =	shalt  }
0x56: {  	_ =	shalt  }
0x57: {  	_ =	shalt  }
0x58: {  	_ =	shalt  }
0x59: {  	_ =	shalt  }
0x5a: {  	_ =	shalt  }
0x5b: {  	_ =	shalt  }
0x5c: {  	_ =	shalt  }
0x5d: {  	_ =	shalt  }
0x5e: {  	_ =	shalt  }
0x5f: {  	_ =	shalt  }
0x60: {  	_ =	shalt  }
0x61: {  	_ =	shalt  }
0x62: {  	_ =	shalt  }
0x63: {  	_ =	shalt  }
0x64: {  	_ =	shalt  }
0x65: {  	_ =	shalt  }
0x66: {  	_ =	shalt  }
0x67: {  	_ =	shalt  }
0x68: {  	_ =	shalt  }
0x69: {  	_ =	shalt  }
0x6a: {  	_ =	shalt  }
0x6b: {  	_ =	shalt  }
0x6c: {  	_ =	shalt  }
0x6d: {  	_ =	shalt  }
0x6e: {  	_ =	shalt  }
0x6f: {  	_ =	shalt  }
0x70: {  	_ =	shalt  }
0x71: {  	_ =	shalt  }
0x72: {  	_ =	shalt  }
0x73: {  	_ =	shalt  }
0x74: {  	_ =	shalt  }
0x75: {  	_ =	shalt  }
0x76: {  	_ =	shalt  }
0x77: {  	_ =	shalt  }
0x78: {  	_ =	shalt  }
0x79: {  	_ =	shalt  }
0x7a: {  	_ =	shalt  }
0x7b: {  	_ =	shalt  }
0x7c: {  	_ =	shalt  }
0x7d: {  	_ =	shalt  }
0x7e: {  	_ =	shalt  }
0x7f: {  	_ =	shalt  }
0x80: {  	_ =	shalt  }
0x81: {  	_ =	shalt  }
0x82: {  	_ =	shalt  }
0x83: {  	_ =	shalt  }
0x84: {  	_ =	shalt  }
0x85: {  	_ =	shalt  }
0x86: {  	_ =	shalt  }
0x87: {  	_ =	shalt  }
.Lfunc_end0:
.L_simem_size_0:
called_computation_lowered:
.L_overlay_start_0:
0x88: {  	s2 =	sld [smem:$0x3FD9]  }
0x89: {  	s3 =	sld [smem:$0x3FFE];
	_ =	sdelay $0x1  }
0x8a: {  	s1 =	srdreg.scid  }
0x8b: {  	s0 =	sand.u32 $0x1, s1  }
0x8c: {  	s17 =	sshll.u32 s0, $0xA;
	s2 =	sadd.s32 s3, s2  }
0x8d: {  	s2 =	sadd.s32 s2, s17  }
0x8e: {  	[smem:$0x3FC0] =	sst s2  }
0x8f: {  	_ = 	snop  }
0x90: {  	s2 =	sld [smem:$0x3FD0];
	(tm) =	ssettm $0x1  }
0x91: {  	s18 =	sld [smem:$0x3FFB];
	_ =	sdelay $0x3  }
0x92: {  	_ =	strace s18  }
0x93: {  	s3 =	sld [smem:$0x3FFC];
	_ =	sdelay $0x3  }
0x94: {  	_ =	strace s3  }
0x95: {  	s3 =	sld [smem:$0x3FFD];
	_ =	sdelay $0x3  }
0x96: {  	_ =	strace s3  }
0x97: {  	_ =	strace $0x8FFFFFFF  }
0x98: {  	s19 =	sld [smem:$0x3FDB];
	_ =	sdelay $0x1  }
0x99: {  	s4 =	simm.s32 $_scs_section_size  }
0x9a: {  	s5 =	simm.s32 $_size__tile_overlayer_lowered;
	s6 =	simm.s32 $_tile_overlayer_lowered  }
0x9b: {  	s22 =	simm.s32 $0x1BFF;
	s21 =	sshll.u32 s6, $0x1;
	s3 =	sadd.s32 s4, s19  }
0x9c: {  	s7 =	simm.s32 $0x0;
	s20 =	sshll.u32 s5, $0x1;
	s5 =	sadd.s32 s21, s3  }
0x9d: {  	[timem:s7], [sflag:s22] =	dma.local [hbm:s5], s20  }
0x9e: {  	_ =	swait.ge [sflag:s22], s20  }
0x9f: {  	s4 =	ssub.s32 $0x0, s20;
	[sflag:s22] =	ssyncset.done $0x0  }
0xa0: {  	[sflag:s22] =	ssyncadd.s32 s4;
	_ =	sdelay $0x1  }
0xa1: {  	s23 =	simm.s32 $0x1B8B  }
0xa2: {  	_ =	swait.ge [sflag:s23], $0x1  }
0xa3: {  	[sflag:s23] =	ssyncset.done $0x0  }
0xa4: {  	s25 =	simm.s32 $0x1B8E;
	s24 =	sld [smem:$0x3FFE];
	[sflag:s23] =	ssyncadd.s32 $0xFFFFFFFF  }
0xa5: {  	s26 =	simm.s32 $execute0_lowered;
	[smem:$0x3FD2] =	sst s25  }
0xa6: {  	s5 =	sshll.u32 s26, $0x1;
	_ =	strace $0x80000046;
	[dreg:$0x1] =	wrdreg $0xFFFFFFFF  }
0xa7: {  	s28 =	simm.s32 $_size_execute0_lowered;
	s3 =	sadd.s32 s3, s5;
	[dreg:$0x0] =	wrdreg $0x0  }
0xa8: {  	s5 =	sshll.u32 s28, $0x1;
	[dreg:$0x2] =	wrdreg s3  }
0xa9: {  	[dreg:$0x3] =	wrdreg s5  }
0xaa: {  	[dreg:$0x4] =	wrdreg $0xC0  }
0xab: {  	_ =	task [dreg:s7], $0x5FFFF  }
0xac: {  	[dreg:$0x1] =	wrdreg $0xFFFFFFFF  }
0xad: {  	[dreg:$0x0] =	wrdreg $0x60  }
0xae: {  	[dreg:$0x2] =	wrdreg s2  }
0xaf: {  	[dreg:$0x3] =	wrdreg s24  }
0xb0: {  	[dreg:$0x4] =	wrdreg $0x17000  }
0xb1: {  	[dreg:$0x5] =	wrdreg $0x9  }
0xb2: {  	_ =	task.clear_ibuf [dreg:s7], $0x6FFFF;
	_ =	strace $0x90000046  }
0xb3: {  	s29 =	simm.s32 $0x9;
	_ =	strace $0x80000048  }
0xb4: {  	_ =	swait.ge [sflag:s29], $0x1  }
0xb5: {  	[sflag:s29] =	ssyncadd.s32 $0xFFFFFFFF  }
0xb6: {  	_ =	strace $0x90000048  }
0xb7: {  	_ =	sfence  }
0xb8: {  	s30 =	sld [smem:$0x0];
	_ =	sdelay $0x2  }
0xb9: {  	s31 =	sshll.u32 s1, $0xD;
	s1 =	sshrl.u32 s1, $0x2  }
0xba: {  	s3 =	sand.u32 $0x4000, s31;
	s1 =	sadd.s32 s1, s30  }
0xbb: {  	s0 =	sor.u32 s3, s0;
	s1 =	sshll.u32 s1, $0x11  }
0xbc: {  	s0 =	sor.u32 s1, s0  }
0xbd: {  	s0 =	sadd.s32 $0x8F2B, s0  }
0xbe: {  	[sflag:s0] =	ssyncadd.remote.s32 $0x1  }
0xbf: {  	_ =	sfence.sel $0xFFFF  }
0xc0: {  	[dreg:$0x0] =	wrdreg $0xFFFFFFFF;
	(pc) =	sbr.abs _section_cstart, $3  }
0xc1: {  	[dreg:$0x1] =	wrdreg $0xFFFFFFFF  }
0xc2: {  	_ =	task.clear_ibuf [dreg:s7], $0x2FFFF;
	_ =	strace $0x9FFFFFFF  }
0xc3: {  	(tm) =	ssettm $0x7FFFFFFF  }
tec
execute0_lowered:
.L_overlay_start_1:
0x0: {  	(tag) =	ssettag $0x1  }
0x1: {  	s4 =	rddreg [dreg:$0x0]  }
0x2: {  	s5 =	rddreg [dreg:$0x1];
	s0 =	srdreg.scid  }
0x3: {  	s2 =	rddreg [dreg:$0x2];
	s1 =	stileid.u32;
	s3 =	simm.s32 $0x0  }
0x4: {  	s10 =	simm.s32 $0x1;
	s11 =	simm.s32 $0x80;
	s12 =	simm.s32 $0x1400  }
0x5: {  	s15 =	simm.s32 $0x20;
	s16 =	simm.s32 $0x10;
	s17 =	simm.s32 $0x0  }
0x6: {  	s6 =	sand.u32 $0x1, s0;
	s0 =	rddreg [dreg:$0x3];
	s7 =	smul.u32 $0x500, s1  }
0x7: {  	[smem:$0x7FF] =	sst s3;
	s28 =	smul.u32 $0xA00, s1;
	s13 =	sshll.u32 s1, $0x6  }
0x8: {  	s8 =	sshll.u32 s6, $0x4;
	s9 =	sshll.u32 s6, $0x7;
	_ =	strace $0x80000047  }
0x9: {  	s29 =	ssub.s32 $0x2, s6;
	s8 =	sor.u32 s1, s8;
	s7 =	sor.u32 s9, s7  }
0xa: {  	s13 =	sor.u32 $0x1C01, s13;
	s8 =	smul.u32 $0x2800, s8;
	s7 =	sshrl.u32 s7, $0x3  }
0xb: {  	s31 =	sshrl.u32 s29, $0x1;
	s9 =	sshrl.u32 s28, $0x2;
	s7 =	sadd.s32 s7, s5  }
0xc: {  	s5 =	sadd.s32 s9, s2;
	s9 =	simm.s32 $0x1480;
	s30 =	sshrl.u32 s8, $0x3  }
0xd: {  	s8 =	ssub.s32 s29, s31;
	s7 =	sadd.s32 $0x2C00, s7;
	s4 =	sadd.s32 s4, s30  }
0xe: {  	v0 =	vimm.f32 $1.000000000e+00;
	v1 =	vimm.f32 $0.0e+00;
	s14 =	sshrl.u32 s5, $0x3;
	s8 =	smax.u32 s8, $0x1;
	s6 =	sadd.s32 $0x280, s4  }
.LBB2_1:
0xf: {  	[tilespmem:$0x1400] =	vst v0  }
0x10: {  	[tilespmem:$0x1410] =	vst v0  }
0x11: {  	[tilespmem:$0x1420] =	vst v0  }
0x12: {  	[tilespmem:$0x1430] =	vst v0  }
0x13: {  	[tilespmem:$0x1440] =	vst v0  }
0x14: {  	[tilespmem:$0x1450] =	vst v0  }
0x15: {  	[tilespmem:$0x1460] =	vst v0  }
0x16: {  	[tilespmem:$0x1470] =	vst v0  }
0x17: {  	[tilespmem:$0x1480] =	vst v1  }
0x18: {  	[tilespmem:$0x1490] =	vst v1  }
0x19: {  	[tilespmem:$0x14A0] =	vst v1  }
0x1a: {  	[tilespmem:$0x14B0] =	vst v1  }
0x1b: {  	[tilespmem:$0x14C0] =	vst v1  }
0x1c: {  	[tilespmem:$0x14D0] =	vst v1  }
0x1d: {  	[tilespmem:$0x14E0] =	vst v1  }
0x1e: {  	[tilespmem:$0x14F0] =	vst v1  }
0x1f: {  	[tilespmem:$0x1500] =	vst v1  }
0x20: {  	[tilespmem:$0x1510] =	vst v1  }
0x21: {  	[tilespmem:$0x1520] =	vst v1  }
0x22: {  	[tilespmem:$0x1530] =	vst v1  }
0x23: {  	[tilespmem:$0x1540] =	vst v1  }
0x24: {  	[tilespmem:$0x1550] =	vst v1  }
0x25: {  	[tilespmem:$0x1560] =	vst v1  }
0x26: {  	[tilespmem:$0x1570] =	vst v1  }
0x27: {  	[tilespmem:$0x1580] =	vst v1  }
0x28: {  	[tilespmem:$0x1590] =	vst v1  }
0x29: {  	[tilespmem:$0x15A0] =	vst v1  }
0x2a: {  	[tilespmem:$0x15B0] =	vst v1  }
0x2b: {  	[tilespmem:$0x15C0] =	vst v1  }
0x2c: {  	[tilespmem:$0x15D0] =	vst v1  }
0x2d: {  	[tilespmem:$0x15E0] =	vst v1  }
0x2e: {  	[tilespmem:$0x15F0] =	vst v1  }
0x2f: {  	[tilespmem:$0x1600] =	vst v1  }
0x30: {  	[tilespmem:$0x1610] =	vst v1  }
0x31: {  	[tilespmem:$0x1620] =	vst v1  }
0x32: {  	[tilespmem:$0x1630] =	vst v1  }
0x33: {  	[tilespmem:$0x1640] =	vst v1  }
0x34: {  	[tilespmem:$0x1650] =	vst v1  }
0x35: {  	[tilespmem:$0x1660] =	vst v1  }
0x36: {  	[tilespmem:$0x1670] =	vst v1  }
0x37: {  	[tilespmem:$0x1680] =	vst v1  }
0x38: {  	[tilespmem:$0x1690] =	vst v1  }
0x39: {  	[tilespmem:$0x16A0] =	vst v1  }
0x3a: {  	[tilespmem:$0x16B0] =	vst v1  }
0x3b: {  	[tilespmem:$0x16C0] =	vst v1  }
0x3c: {  	[tilespmem:$0x16D0] =	vst v1  }
0x3d: {  	[tilespmem:$0x16E0] =	vst v1  }
0x3e: {  	[tilespmem:$0x16F0] =	vst v1  }
0x3f: {  	[spmem:s5] =	stream.linear.scatter [tilespmem:s9], [sflag:$0x1], $0x280, $0x38;
	[tilespmem:$0x1980] =	vst v63  }
0x40: {  	_ =	swait.ge [sflag:s10], $0x280  }
0x41: {  	[sflag:s10] =	ssyncset.done $0x0  }
0x42: {  	[sflag:s10] =	ssyncadd.s32 $0xFFFFFD80  }
0x43: {  	[bflag:$0x0] =	sbarrier.arrive $0xFFFF  }
0x44: {  	[tilespmem:s3], [sflag:$0x1] =	stream.linear.gather [hbm4b:s4+s3], $0x1400, $0x38;
	[tilespmem:$0x1980] =	vst v63  }
0x45: {  	_ =	swait.ge [sflag:s10], $0x1400  }
0x46: {  	[sflag:s10] =	ssyncset.done $0x0  }
0x47: {  	s18 =	simm.s32 $0x0;
	[sflag:s10] =	ssyncadd.s32 $0xFFFFEC00  }
0x48: {  	[spmem:s2] =	stream.indirect.scatter.add.f32 [tilespmem:s12], [sflag:$0x1], $0x1, s18, s11, $0xb8;
	[tilespmem:$0x1980] =	vst v63  }
0x49: {  	_ =	swait.ge [sflag:s10], $0x80  }
0x4a: {  	s18 =	simm.s32 $0x200;
	[sflag:s10] =	ssyncset.done $0x0  }
.LBB2_2:
0x4b: {  	s19 =	sshra.s32 s18, $0x2;
	[sflag:s10] =	ssyncadd.s32 $0xFFFFFF80;
	p0 =	sne.s32 s18, $0x4E00  }
0x4c: {  	[spmem:s2] =	stream.indirect.scatter.add.f32 [tilespmem:s12], [sflag:$0x1], $0x1, s19, s11, $0xb8;
	[tilespmem:$0x1980] =	vst v63  }
.Ltmp0:
0x4d: {  	_ = 	snop;
	(pc) =	sbr.rel @p0 .LBB2_2-.Ltmp0, $4  }
0x4e: {  	_ = 	snop  }
0x4f: {  	s18 =	sadd.s32 $0x200, s18  }
0x50: {  	_ =	swait.ge [sflag:s10], $0x80  }
0x51: {  	[sflag:s10] =	ssyncset.done $0x0  }
0x52: {  	[sflag:s10] =	ssyncadd.s32 $0xFFFFFF80;
	s18 =	simm.s32 $0x0  }
0x53: {  	[tilespmem:s18], [sflag:$0x1] =	stream.linear.gather [hbm4b:s6+s18], $0x1400, $0x38;
	[tilespmem:$0x1980] =	vst v63  }
0x54: {  	_ =	swait.ge [sflag:s10], $0x1400  }
0x55: {  	[sflag:s10] =	ssyncset.done $0x0  }
0x56: {  	s31 =	simm.s32 $0x0;
	[sflag:s10] =	ssyncadd.s32 $0xFFFFEC00  }
0x57: {  	[spmem:s2] =	stream.indirect.scatter.add.f32 [tilespmem:s12], [sflag:$0x1], $0x1, s31, s11, $0xb8;
	[tilespmem:$0x1980] =	vst v63  }
0x58: {  	_ =	swait.ge [sflag:s10], $0x80  }
0x59: {  	s18 =	simm.s32 $0x200;
	[sflag:s10] =	ssyncset.done $0x0  }
.LBB2_4:
0x5a: {  	s19 =	sshra.s32 s18, $0x2;
	[sflag:s10] =	ssyncadd.s32 $0xFFFFFF80;
	p0 =	sne.s32 s18, $0x4E00  }
0x5b: {  	[spmem:s2] =	stream.indirect.scatter.add.f32 [tilespmem:s12], [sflag:$0x1], $0x1, s19, s11, $0xb8;
	[tilespmem:$0x1980] =	vst v63  }
.Ltmp1:
0x5c: {  	_ = 	snop;
	(pc) =	sbr.rel @p0 .LBB2_4-.Ltmp1, $4  }
0x5d: {  	_ = 	snop  }
0x5e: {  	s18 =	sadd.s32 $0x200, s18  }
0x5f: {  	_ =	swait.ge [sflag:s10], $0x80  }
0x60: {  	[sflag:s10] =	ssyncset.done $0x0  }
0x61: {  	s17 =	sadd.s32 $0x1, s17  }
0x62: {  	[sflag:s10] =	ssyncadd.s32 $0xFFFFFF80;
	p0 =	sne.s32 s17, s8  }
.Ltmp2:
0x63: {  	[bflag:$0x0] =	sbarrier.arrive $0xFFFF;
	(pc) =	sbr.rel @p0 .LBB2_1-.Ltmp2, $4  }
0x64: {  	[hbm:s7@s15], [sflag:s13] =	dma.strided [spmem:s14@s16], $0x50, s10, $0x10   }
0x65: {  	_ =	swait.ge [sflag:s10], $0x50  }
0x66: {  	[sflag:s10] =	ssyncset.done $0x0  }
0x67: {  	[sflag:s10] =	ssyncadd.s32 $0xFFFFFFB0  }
0x68: {  	_ =	sfence.sel $0x180000  }
0x69: {  	[bflag:$0x0] =	sbarrier.arrive $0xFFFF  }
0x6a: {  	p0 =	sne.s32 s1, $0x0;
	_ =	strace $0x90000047  }
0x6b: {  	s0 =	sadd.s32 @!p0 $0x100000, s0;
	[bflag:$0x2] =	sbarrier.arrive $0xFFFF  }
0x6c: {  	[sflag:s0] =	ssyncadd.tile.s32 @!p0 $0x1;
	_ =	shalt  }
.Lfunc_end2:
_tile_overlayer_lowered:
.L_overlay_start_2:
0x6d: {  	(tag) =	ssettag $0x2  }
0x6e: {  	s0 =	rddreg [dreg:$0x0];
	s2 =	stileid.u32  }
0x6f: {  	s1 =	rddreg [dreg:$0x1];
	p0 =	sne.s32 s2, $0x0  }
0x70: {  	s3 =	rddreg [dreg:$0x2];
	[bflag:$0x3] =	sbarrier.arrive $0xFFFF;
	s2 =	simm.s32 @!p0 $0x1C01  }
0x71: {  	[timem:s3], [sflag:s2] =	dma.local @!p0 [hbm:s0], s1  }
0x72: {  	s0 =	simm.s32 @!p0 $0x1  }
0x73: {  	_ =	swait.ge @!p0 [sflag:s0], s1  }
0x74: {  	s1 =	ssub.s32 @!p0 $0x0, s1;
	[sflag:s0] =	ssyncset.done @!p0 $0x0  }
0x75: {  	[sflag:s0] =	ssyncadd.s32 @!p0 s1  }
0x76: {  	[bflag:$0x3] =	sbarrier.arrive $0xFFFF  }
0x77: {  	_ =	shalt  }

// kernel: kernel.13.cloned.1.call-start
scs
__scs_entry_jumppad:
0x0: {  	(pc) =	sbr.rel $0x88, $3  }
0x1: {  	(tag) =	ssettag $0x0;
	lr =	simm.s32 $0x1  }
0x2: {  	[smem:$0x3F99] =	sst lr;
	_ =	strace $0xD0000000  }
0x3: {  	_ = 	snop  }
0x4: {  	_ = 	snop  }
0x5: {  	_ = 	snop  }
0x6: {  	_ = 	snop  }
0x7: {  	_ = 	snop  }
__scs_overlays_trampoline_lowered:
0x8: {  	[smem:$0x3FA8] =	sst s0  }
0x9: {  	[smem:$0x3FA9] =	sst s1  }
0xa: {  	[smem:$0x3FAA] =	sst s2  }
0xb: {  	[smem:$0x3FAB] =	sst s3  }
0xc: {  	[smem:$0x3FAC] =	sst s4  }
0xd: {  	[smem:$0x3FAD] =	sst s5  }
0xe: {  	[smem:$0x3FAE] =	sst s6  }
0xf: {  	[smem:$0x3FAF] =	sst s7  }
0x10: {  	[smem:$0x3FB0] =	sst s8  }
0x11: {  	[smem:$0x3FB1] =	sst s9;
	s0 =	simm.s32 @!p0 $0x0  }
0x12: {  	s1 =	sld [smem:$0x3F97];
	s0 =	simm.s32 @p0 $0x1  }
0x13: {  	[smem:$0x3FB2] =	sst s0;
	s0 =	simm.s32 @!p1 $0x0  }
0x14: {  	s2 =	sld [smem:$0x3F96];
	s0 =	simm.s32 @p1 $0x1  }
0x15: {  	[smem:$0x3FB3] =	sst s0;
	s0 =	simm.s32 @!p2 $0x0  }
0x16: {  	s3 =	sld [smem:$0x3FDB];
	s0 =	simm.s32 @p2 $0x1  }
0x17: {  	s4 =	simm.s32 $0x1BF5;
	[smem:$0x3FB5] =	sst s0  }
0x18: {  	s0 =	sld [smem:$0x3F98];
	_ =	swait.ge [sflag:s4], $0x0  }
0x19: {  	s7 =	sld [smem:$0x3F99]  }
0x1a: {  	s8 =	sadd.s32 $0xFFFFE003, lr  }
0x1b: {  	s9 =	sadd.s32 $0xFFFFFEF7, lr;
	s5 =	simm.s32 $0xFFFFFFFF;
	p2 =	slt.u32 s8, $0xFFFFF086  }
0x1c: {  	p1 =	slt.u32 s9, $0xF7A;
	s5 =	simm.s32 @!p2 $0x0  }
0x1d: {  	s5 =	simm.s32 @p1 $0x1;
	p0 =	seq.s32 s7, s2  }
0x1e: {  	s7 =	smul.u32 @!p0 $0xF7A, s2;
	p2 =	seq.s32 @!p0 s5, $0x0  }
0x1f: {  	s9 =	smul.u32 $0xF7A, s1;
	s8 =	simm.s32 @!p0 $0x1BF5;
	p2 =	por !p2, p0  }
0x20: {  	[sflag:s8] =	ssyncset.s32 @!p0 $0xFFFFF086;
	s6 =	sadd.s32 @!p0 s3, s7;
	s7 =	simm.s32 @!p0 $0x108  }
0x21: {  	s3 =	sadd.s32 s3, s9;
	s6 =	sadd.s32 @!p0 $0x88, s6;
	s7 =	simm.s32 @p2 $0x1082  }
0x22: {  	[simem:s7], [sflag:s8] =	dma.local @!p0 [hbm:s6], $0xF7A  }
0x23: {  	s9 =	sor.u32 $0xD0000000, s2;
	s6 =	simm.s32 $0x108;
	_ =	swait.ge @!p0 [sflag:s8], $0x0  }
0x24: {  	s3 =	sadd.s32 $0x88, s3;
	s6 =	simm.s32 @!p1 $0x1082;
	[sflag:s4] =	ssyncset.s32 $0xFFFFF086  }
0x25: {  	[simem:s6], [sflag:s4] =	dma.local [hbm:s3], $0xF7A  }
0x26: {  	[smem:$0x3F99] =	sst s1;
	(tag) =	ssettag s2;
	_ =	strace s9  }
0x27: {  	s1 =	sld [smem:$0x3FA9]  }
0x28: {  	s2 =	sld [smem:$0x3FAA]  }
0x29: {  	s4 =	sld [smem:$0x3FAC]  }
0x2a: {  	p0 =	seq.s32 s5, $0x0;
	s5 =	sld [smem:$0x3FAD]  }
0x2b: {  	s6 =	sld [smem:$0x3FAE]  }
0x2c: {  	s7 =	sld [smem:$0x3FAF]  }
0x2d: {  	s3 =	simm.s32 $0x108;
	s8 =	sld [smem:$0x3FB0]  }
0x2e: {  	s3 =	simm.s32 @!p0 $0x1082;
	s9 =	sld [smem:$0x3FB1]  }
0x2f: {  	lr =	sadd.s32 s0, s3;
	s0 =	sld [smem:$0x3FA8]  }
0x30: {  	s3 =	sld [smem:$0x3FAB]  }
0x31: {  	[smem:$0x3FB4] =	sst s10  }
0x32: {  	s10 =	sld [smem:$0x3FB2];
	_ =	sdelay $0x3  }
0x33: {  	p0 =	seq.s32 s10, $0x1;
	s10 =	sld [smem:$0x3FB4];
	_ =	sdelay $0x3  }
0x34: {  	[smem:$0x3FB4] =	sst s10  }
0x35: {  	s10 =	sld [smem:$0x3FB3];
	_ =	sdelay $0x3  }
0x36: {  	p1 =	seq.s32 s10, $0x1;
	s10 =	sld [smem:$0x3FB4];
	_ =	sdelay $0x3  }
0x37: {  	[smem:$0x3FB4] =	sst s10  }
0x38: {  	s10 =	sld [smem:$0x3FB5]  }
0x39: {  	_ = 	snop;
	(pc) =	sbr.ind lr, $3  }
0x3a: {  	_ = 	snop  }
0x3b: {  	_ = 	snop  }
0x3c: {  	p2 =	seq.s32 s10, $0x1;
	s10 =	sld [smem:$0x3FB4]  }
0x3d: {  	_ =	shalt  }
0x3e: {  	_ =	shalt  }
0x3f: {  	_ =	shalt  }
0x40: {  	_ =	shalt  }
0x41: {  	_ =	shalt  }
0x42: {  	_ =	shalt  }
0x43: {  	_ =	shalt  }
0x44: {  	_ =	shalt  }
0x45: {  	_ =	shalt  }
0x46: {  	_ =	shalt  }
0x47: {  	_ =	shalt  }
0x48: {  	_ =	shalt  }
0x49: {  	_ =	shalt  }
0x4a: {  	_ =	shalt  }
0x4b: {  	_ =	shalt  }
0x4c: {  	_ =	shalt  }
0x4d: {  	_ =	shalt  }
0x4e: {  	_ =	shalt  }
0x4f: {  	_ =	shalt  }
0x50: {  	_ =	shalt  }
0x51: {  	_ =	shalt  }
0x52: {  	_ =	shalt  }
0x53: {  	_ =	shalt  }
0x54: {  	_ =	shalt  }
0x55: {  	_ =	shalt  }
0x56: {  	_ =	shalt  }
0x57: {  	_ =	shalt  }
0x58: {  	_ =	shalt  }
0x59: {  	_ =	shalt  }
0x5a: {  	_ =	shalt  }
0x5b: {  	_ =	shalt  }
0x5c: {  	_ =	shalt  }
0x5d: {  	_ =	shalt  }
0x5e: {  	_ =	shalt  }
0x5f: {  	_ =	shalt  }
0x60: {  	_ =	shalt  }
0x61: {  	_ =	shalt  }
0x62: {  	_ =	shalt  }
0x63: {  	_ =	shalt  }
0x64: {  	_ =	shalt  }
0x65: {  	_ =	shalt  }
0x66: {  	_ =	shalt  }
0x67: {  	_ =	shalt  }
0x68: {  	_ =	shalt  }
0x69: {  	_ =	shalt  }
0x6a: {  	_ =	shalt  }
0x6b: {  	_ =	shalt  }
0x6c: {  	_ =	shalt  }
0x6d: {  	_ =	shalt  }
0x6e: {  	_ =	shalt  }
0x6f: {  	_ =	shalt  }
0x70: {  	_ =	shalt  }
0x71: {  	_ =	shalt  }
0x72: {  	_ =	shalt  }
0x73: {  	_ =	shalt  }
0x74: {  	_ =	shalt  }
0x75: {  	_ =	shalt  }
0x76: {  	_ =	shalt  }
0x77: {  	_ =	shalt  }
0x78: {  	_ =	shalt  }
0x79: {  	_ =	shalt  }
0x7a: {  	_ =	shalt  }
0x7b: {  	_ =	shalt  }
0x7c: {  	_ =	shalt  }
0x7d: {  	_ =	shalt  }
0x7e: {  	_ =	shalt  }
0x7f: {  	_ =	shalt  }
0x80: {  	_ =	shalt  }
0x81: {  	_ =	shalt  }
0x82: {  	_ =	shalt  }
0x83: {  	_ =	shalt  }
0x84: {  	_ =	shalt  }
0x85: {  	_ =	shalt  }
0x86: {  	_ =	shalt  }
0x87: {  	_ =	shalt  }
.Lfunc_end0:
.L_simem_size_0:
called_computation.1_lowered:
.L_overlay_start_0:
0x88: {  	s2 =	sld [smem:$0x3FD9]  }
0x89: {  	s3 =	sld [smem:$0x3FFE];
	_ =	sdelay $0x1  }
0x8a: {  	s1 =	srdreg.scid  }
0x8b: {  	s0 =	sand.u32 $0x1, s1  }
0x8c: {  	s17 =	sshll.u32 s0, $0xA;
	s2 =	sadd.s32 s3, s2  }
0x8d: {  	s2 =	sadd.s32 s2, s17  }
0x8e: {  	[smem:$0x3FC0] =	sst s2  }
0x8f: {  	_ = 	snop  }
0x90: {  	s2 =	sld [smem:$0x3FD0];
	(tm) =	ssettm $0x1  }
0x91: {  	s18 =	sld [smem:$0x3FFB];
	_ =	sdelay $0x3  }
0x92: {  	_ =	strace s18  }
0x93: {  	s3 =	sld [smem:$0x3FFC];
	_ =	sdelay $0x3  }
0x94: {  	_ =	strace s3  }
0x95: {  	s3 =	sld [smem:$0x3FFD];
	_ =	sdelay $0x3  }
0x96: {  	_ =	strace s3  }
0x97: {  	_ =	strace $0x8FFFFFFF  }
0x98: {  	s19 =	sld [smem:$0x3FDB];
	_ =	sdelay $0x1  }
0x99: {  	s4 =	simm.s32 $_scs_section_size  }
0x9a: {  	s5 =	simm.s32 $_size__tile_overlayer_lowered;
	s6 =	simm.s32 $_tile_overlayer_lowered  }
0x9b: {  	s22 =	simm.s32 $0x1BFF;
	s21 =	sshll.u32 s6, $0x1;
	s3 =	sadd.s32 s4, s19  }
0x9c: {  	s7 =	simm.s32 $0x0;
	s20 =	sshll.u32 s5, $0x1;
	s5 =	sadd.s32 s21, s3  }
0x9d: {  	[timem:s7], [sflag:s22] =	dma.local [hbm:s5], s20  }
0x9e: {  	_ =	swait.ge [sflag:s22], s20  }
0x9f: {  	s4 =	ssub.s32 $0x0, s20;
	[sflag:s22] =	ssyncset.done $0x0  }
0xa0: {  	[sflag:s22] =	ssyncadd.s32 s4;
	_ =	sdelay $0x1  }
0xa1: {  	s23 =	simm.s32 $0x1B8B  }
0xa2: {  	_ =	swait.ge [sflag:s23], $0x1  }
0xa3: {  	[sflag:s23] =	ssyncset.done $0x0  }
0xa4: {  	s25 =	simm.s32 $0x1B8E;
	s24 =	sld [smem:$0x3FFE];
	[sflag:s23] =	ssyncadd.s32 $0xFFFFFFFF  }
0xa5: {  	s26 =	simm.s32 $execute0_lowered;
	[smem:$0x3FD2] =	sst s25  }
0xa6: {  	s5 =	sshll.u32 s26, $0x1;
	_ =	strace $0x80000049;
	[dreg:$0x1] =	wrdreg $0xFFFFFFFF  }
0xa7: {  	s28 =	simm.s32 $_size_execute0_lowered;
	s3 =	sadd.s32 s3, s5;
	[dreg:$0x0] =	wrdreg $0x0  }
0xa8: {  	s5 =	sshll.u32 s28, $0x1;
	[dreg:$0x2] =	wrdreg s3  }
0xa9: {  	[dreg:$0x3] =	wrdreg s5  }
0xaa: {  	[dreg:$0x4] =	wrdreg $0xC0  }
0xab: {  	_ =	task [dreg:s7], $0x5FFFF  }
0xac: {  	[dreg:$0x1] =	wrdreg $0xFFFFFFFF  }
0xad: {  	[dreg:$0x0] =	wrdreg $0x60  }
0xae: {  	[dreg:$0x2] =	wrdreg s24  }
0xaf: {  	[dreg:$0x3] =	wrdreg s2  }
0xb0: {  	[dreg:$0x4] =	wrdreg $0xA8000  }
0xb1: {  	[dreg:$0x5] =	wrdreg $0x9  }
0xb2: {  	_ =	task.clear_ibuf [dreg:s7], $0x6FFFF;
	_ =	strace $0x90000049  }
0xb3: {  	s29 =	simm.s32 $0x9;
	_ =	strace $0x8000004B  }
0xb4: {  	_ =	swait.ge [sflag:s29], $0x1  }
0xb5: {  	[sflag:s29] =	ssyncadd.s32 $0xFFFFFFFF  }
0xb6: {  	_ =	strace $0x9000004B  }
0xb7: {  	_ =	sfence  }
0xb8: {  	s30 =	sld [smem:$0x0];
	_ =	sdelay $0x2  }
0xb9: {  	s31 =	sshll.u32 s1, $0xD;
	s1 =	sshrl.u32 s1, $0x2  }
0xba: {  	s3 =	sand.u32 $0x4000, s31;
	s1 =	sadd.s32 s1, s30  }
0xbb: {  	s0 =	sor.u32 s3, s0;
	s1 =	sshll.u32 s1, $0x11  }
0xbc: {  	s0 =	sor.u32 s1, s0  }
0xbd: {  	s0 =	sadd.s32 $0x8F2B, s0  }
0xbe: {  	[sflag:s0] =	ssyncadd.remote.s32 $0x1  }
0xbf: {  	_ =	sfence.sel $0xFFFF  }
0xc0: {  	[dreg:$0x0] =	wrdreg $0xFFFFFFFF;
	(pc) =	sbr.abs _section_cstart, $3  }
0xc1: {  	[dreg:$0x1] =	wrdreg $0xFFFFFFFF  }
0xc2: {  	_ =	task.clear_ibuf [dreg:s7], $0x2FFFF;
	_ =	strace $0x9FFFFFFF  }
0xc3: {  	(tm) =	ssettm $0x7FFFFFFF  }
tec
execute0_lowered:
.L_overlay_start_1:
0x0: {  	(tag) =	ssettag $0x1  }
0x1: {  	s0 =	rddreg [dreg:$0x0]  }
0x2: {  	s2 =	rddreg [dreg:$0x1]  }
0x3: {  	s1 =	rddreg [dreg:$0x2]  }
0x4: {  	s3 =	simm.s32 $0x0;
	s4 =	srdreg.scid;
	s13 =	stileid.u32  }
0x5: {  	s28 =	simm.s32 $0x6800;
	s29 =	simm.s32 $0x8800;
	s30 =	simm.s32 $0x80  }
0x6: {  	s31 =	simm.s32 $0x3;
	[smem:$0x7FF] =	sst s3;
	s8 =	sand.u32 $0x1, s4  }
0x7: {  	s4 =	sadd.s32 $0xD600, s0;
	s6 =	smul.u32 $0x50000, s13;
	s10 =	sadd.s32 $0x3600, s0  }
0x8: {  	s0 =	sadd.s32 $0x35600, s0;
	s11 =	smul.u32 $0x14000, s13;
	_ =	strace $0x8000004A  }
0x9: {  	s5 =	ssub.s32 $0x2, s8;
	s9 =	sshll.u32 s8, $0x4;
	s18 =	smul.u32 $0x140000, s8  }
0xa: {  	s7 =	sshrl.u32 s5, $0x1;
	s6 =	sshrl.u32 s6, $0x2;
	s24 =	sor.u32 s13, s9  }
0xb: {  	s25 =	sadd.s32 $0x4000, s11;
	s14 =	sadd.s32 $0x8000, s11;
	s16 =	sadd.s32 $0xC000, s11  }
0xc: {  	s17 =	sadd.s32 $0x10000, s11;
	s12 =	ssub.s32 s5, s7;
	s5 =	sadd.s32 s6, s1  }
0xd: {  	s9 =	smul.u32 $0x2800, s24;
	s6 =	sadd.s32 s25, s1;
	s7 =	sadd.s32 s14, s1  }
0xe: {  	s8 =	sadd.s32 s16, s1;
	s11 =	sadd.s32 s11, s18;
	s20 =	sadd.s32 s18, s25  }
0xf: {  	s23 =	sadd.s32 s18, s14;
	s24 =	sadd.s32 s18, s16;
	s15 =	sshrl.u32 s9, $0x3  }
0x10: {  	s25 =	sadd.s32 s18, s17;
	s22 =	sshrl.u32 s20, $0x3;
	s19 =	sadd.s32 s10, s15  }
0x11: {  	s20 =	simm.s32 $0x2800;
	s26 =	sadd.s32 s2, s15;
	[dreg:$0x4] =	wrdreg s19  }
0x12: {  	s9 =	sadd.s32 s17, s1;
	s15 =	sadd.s32 $0x280, s15;
	[dreg:$0x5] =	wrdreg s26  }
0x13: {  	s10 =	sadd.s32 s10, s15;
	s19 =	sshrl.u32 s11, $0x3;
	s2 =	sadd.s32 s2, s15  }
0x14: {  	s26 =	sshrl.u32 s25, $0x3;
	s25 =	simm.s32 $0x1;
	[dreg:$0x6] =	wrdreg s10  }
0x15: {  	s11 =	simm.s32 $0x2700;
	[dreg:$0x7] =	wrdreg s2;
	s21 =	sadd.s32 s0, s19  }
0x16: {  	s2 =	sadd.s32 s0, s22;
	s10 =	sshrl.u32 s24, $0x3;
	s18 =	sadd.s32 s0, s26  }
0x17: {  	s19 =	smax.u32 s12, $0x1;
	s22 =	simm.s32 $0x1400;
	s24 =	simm.s32 $0x4800  }
0x18: {  	s26 =	simm.s32 $0x2;
	s12 =	simm.s32 $0x2780;
	[dreg:$0x8] =	wrdreg s21  }
0x19: {  	[dreg:$0x9] =	wrdreg s2;
	s2 =	sshrl.u32 s23, $0x3;
	s17 =	sadd.s32 s0, s10  }
0x1a: {  	s21 =	simm.s32 $0x5;
	s23 =	simm.s32 $0x40;
	s10 =	simm.s32 $0x13C0  }
0x1b: {  	v0 =	vimm.f32 $0.0e+00;
	s16 =	sadd.s32 s0, s2;
	s0 =	simm.s32 $0x4;
	s2 =	simm.s32 $0x1380  }
.LBB2_1:
0x1c: {  	s13 =	simm.s32 $0x0;
	s14 =	simm.s32 $0x200  }
.LBB2_2:
0x1d: {  	p0 =	sne.s32 s14, $0xFE00;
	[tilespmem:s13+$0x2870] =	vst v0  }
0x1e: {  	[tilespmem:s13+$0x2800] =	vst v0  }
0x1f: {  	[tilespmem:s13+$0x2810] =	vst v0  }
.Ltmp0:
0x20: {  	[tilespmem:s13+$0x2820] =	vst v0;
	(pc) =	sbr.rel @p0 .LBB2_2-.Ltmp0, $4  }
0x21: {  	[tilespmem:s13+$0x2830] =	vst v0  }
0x22: {  	[tilespmem:s13+$0x2840] =	vst v0  }
0x23: {  	[tilespmem:s13+$0x2850] =	vst v0  }
0x24: {  	[tilespmem:s13+$0x2860] =	vst v0;
	s13 =	sshra.s32 s14, $0x2;
	s14 =	sadd.s32 $0x200, s14  }
0x25: {  	[tilespmem:s13+$0x2870] =	vst v0  }
0x26: {  	[tilespmem:s13+$0x2800] =	vst v0  }
0x27: {  	[tilespmem:s13+$0x2810] =	vst v0  }
0x28: {  	[tilespmem:s13+$0x2820] =	vst v0  }
0x29: {  	[tilespmem:s13+$0x2830] =	vst v0  }
0x2a: {  	[tilespmem:s13+$0x2840] =	vst v0  }
0x2b: {  	[tilespmem:s13+$0x2850] =	vst v0  }
0x2c: {  	[tilespmem:s13+$0x2860] =	vst v0  }
0x2d: {  	[spmem:s5] =	stream.linear.scatter [tilespmem:s20], [sflag:$0x5], $0x4000, $0x38;
	[tilespmem:$0x1E800] =	vst v63  }
0x2e: {  	_ =	swait.ge [sflag:s21], $0x4000  }
0x2f: {  	[sflag:s21] =	ssyncset.done $0x0  }
0x30: {  	[sflag:s21] =	ssyncadd.s32 $0xFFFFC000  }
0x31: {  	[spmem:s6] =	stream.linear.scatter [tilespmem:s20], [sflag:$0x5], $0x4000, $0x38;
	[tilespmem:$0x1E800] =	vst v63  }
0x32: {  	_ =	swait.ge [sflag:s21], $0x4000  }
0x33: {  	[sflag:s21] =	ssyncset.done $0x0  }
0x34: {  	[sflag:s21] =	ssyncadd.s32 $0xFFFFC000  }
0x35: {  	[spmem:s7] =	stream.linear.scatter [tilespmem:s20], [sflag:$0x5], $0x4000, $0x38;
	[tilespmem:$0x1E800] =	vst v63  }
0x36: {  	_ =	swait.ge [sflag:s21], $0x4000  }
0x37: {  	[sflag:s21] =	ssyncset.done $0x0  }
0x38: {  	[sflag:s21] =	ssyncadd.s32 $0xFFFFC000  }
0x39: {  	[spmem:s8] =	stream.linear.scatter [tilespmem:s20], [sflag:$0x5], $0x4000, $0x38;
	[tilespmem:$0x1E800] =	vst v63  }
0x3a: {  	_ =	swait.ge [sflag:s21], $0x4000  }
0x3b: {  	[sflag:s21] =	ssyncset.done $0x0  }
0x3c: {  	[sflag:s21] =	ssyncadd.s32 $0xFFFFC000  }
0x3d: {  	[spmem:s9] =	stream.linear.scatter [tilespmem:s20], [sflag:$0x5], $0x4000, $0x38;
	[tilespmem:$0x1E800] =	vst v63  }
0x3e: {  	_ =	swait.ge [sflag:s21], $0x4000  }
0x3f: {  	[sflag:s21] =	ssyncset.done $0x0  }
0x40: {  	[sflag:s21] =	ssyncadd.s32 $0xFFFFC000  }
0x41: {  	[bflag:$0x0] =	sbarrier.arrive $0xFFFF  }
0x42: {  	s13 =	simm.s32 $0x0;
	s14 =	rddreg [dreg:$0x4]  }
0x43: {  	[tilespmem:s13], [sflag:$0x5] =	stream.linear.gather [hbm4b:s14+s13], $0x1400, $0x38;
	[tilespmem:$0x1E800] =	vst v63  }
0x44: {  	_ =	swait.ge [sflag:s21], $0x1400  }
0x45: {  	[sflag:s21] =	ssyncset.done $0x0  }
0x46: {  	s15 =	rddreg [dreg:$0x5];
	[sflag:s21] =	ssyncadd.s32 $0xFFFFEC00  }
0x47: {  	[tilespmem:s22], [sflag:$0x5] =	stream.linear.gather [hbm4b:s15+s13], $0x1400, $0x38;
	[tilespmem:$0x1E800] =	vst v63  }
0x48: {  	_ =	swait.ge [sflag:s21], $0x1400  }
0x49: {  	[sflag:s21] =	ssyncset.done $0x0  }
0x4a: {  	[sflag:s21] =	ssyncadd.s32 $0xFFFFEC00  }
0x4b: {  	[tilespmem:s20], [sflag:$0x1] =	stream.indirect.gather [hbm4b:s4+s23], $0x80, s13, s23, $0xb8;
	[tilespmem:$0x1E800] =	vst v63  }
0x4c: {  	_ = 	snop  }
0x4d: {  	[tilespmem:s24], [sflag:$0x2] =	stream.indirect.gather [hbm4b:s4+s23], $0x80, s23, s23, $0xb8;
	[tilespmem:$0x1E800] =	vst v63  }
0x4e: {  	_ =	swait.ge [sflag:s25], $0x2000  }
0x4f: {  	[sflag:s25] =	ssyncset.done $0x0  }
0x50: {  	[sflag:s25] =	ssyncadd.s32 $0xFFFFE000  }
0x51: {  	_ =	swait.ge [sflag:s26], $0x2000  }
0x52: {  	[sflag:s26] =	ssyncset.done $0x0  }
0x53: {  	s14 =	simm.s32 $0x80;
	[sflag:s26] =	ssyncadd.s32 $0xFFFFE000  }
0x54: {  	[tilespmem:s28], [sflag:$0x3] =	stream.indirect.gather [hbm4b:s4+s23], $0x80, s14, s23, $0xb8;
	[tilespmem:$0x1E800] =	vst v63  }
0x55: {  	s15 =	simm.s32 $0xC0  }
0x56: {  	[tilespmem:s29], [sflag:$0x4] =	stream.indirect.gather [hbm4b:s4+s23], $0x80, s15, s23, $0xb8;
	[tilespmem:$0x1E800] =	vst v63  }
0x57: {  	s14 =	simm.s32 $0x1400  }
0x58: {  	[spmem:s1] =	stream.indirect.scatter.add.f32 [tilespmem:s20], [sflag:$0x5], $0x80, s14, s30, $0xb8;
	[tilespmem:$0x1E800] =	vst v63  }
0x59: {  	_ =	swait.ge [sflag:s21], $0x4000  }
0x5a: {  	[sflag:s21] =	ssyncset.done $0x0  }
0x5b: {  	[sflag:s21] =	ssyncadd.s32 $0xFFFFC000  }
0x5c: {  	_ =	swait.ge [sflag:s31], $0x2000  }
0x5d: {  	[sflag:s31] =	ssyncset.done $0x0  }
0x5e: {  	[sflag:s31] =	ssyncadd.s32 $0xFFFFE000  }
0x5f: {  	_ =	swait.ge [sflag:s0], $0x2000  }
0x60: {  	[sflag:s0] =	ssyncset.done $0x0  }
0x61: {  	s15 =	simm.s32 $0x100;
	[sflag:s0] =	ssyncadd.s32 $0xFFFFE000  }
0x62: {  	[tilespmem:s20], [sflag:$0x1] =	stream.indirect.gather [hbm4b:s4+s23], $0x80, s15, s23, $0xb8;
	[tilespmem:$0x1E800] =	vst v63  }
0x63: {  	s14 =	simm.s32 $0x140  }
0x64: {  	[tilespmem:s24], [sflag:$0x2] =	stream.indirect.gather [hbm4b:s4+s23], $0x80, s14, s23, $0xb8;
	[tilespmem:$0x1E800] =	vst v63  }
0x65: {  	s15 =	simm.s32 $0x1480  }
0x66: {  	[spmem:s1] =	stream.indirect.scatter.add.f32 [tilespmem:s28], [sflag:$0x5], $0x80, s15, s30, $0xb8;
	[tilespmem:$0x1E800] =	vst v63  }
0x67: {  	_ =	swait.ge [sflag:s21], $0x4000  }
0x68: {  	s13 =	simm.s32 $0x400;
	[sflag:s21] =	ssyncset.done $0x0  }
.LBB2_4:
0x69: {  	p0 =	sne.s32 s13, $0x4800  }
0x6a: {  	[sflag:s21] =	ssyncadd.s32 $0xFFFFC000;
	s14 =	smov.u32 s13;
	s13 =	sadd.s32 $0x400, s13  }
0x6b: {  	_ = 	snop  }
0x6c: {  	_ =	swait.ge [sflag:s25], $0x2000  }
0x6d: {  	[sflag:s25] =	ssyncset.done $0x0  }
0x6e: {  	[sflag:s25] =	ssyncadd.s32 $0xFFFFE000  }
0x6f: {  	_ =	swait.ge [sflag:s26], $0x2000  }
0x70: {  	s14 =	sshra.s32 s14, $0x2;
	[sflag:s26] =	ssyncset.done $0x0  }
0x71: {  	s15 =	sadd.s32 $0x80, s14;
	[sflag:s26] =	ssyncadd.s32 $0xFFFFE000  }
0x72: {  	[tilespmem:s28], [sflag:$0x3] =	stream.indirect.gather [hbm4b:s4+s23], $0x80, s15, s23, $0xb8;
	[tilespmem:$0x1E800] =	vst v63  }
0x73: {  	s15 =	sadd.s32 $0xC0, s14  }
0x74: {  	[tilespmem:s29], [sflag:$0x4] =	stream.indirect.gather [hbm4b:s4+s23], $0x80, s15, s23, $0xb8;
	[tilespmem:$0x1E800] =	vst v63  }
0x75: {  	s15 =	sadd.s32 $0x1400, s14  }
0x76: {  	[spmem:s1] =	stream.indirect.scatter.add.f32 [tilespmem:s20], [sflag:$0x5], $0x80, s15, s30, $0xb8;
	[tilespmem:$0x1E800] =	vst v63  }
0x77: {  	_ =	swait.ge [sflag:s21], $0x4000  }
0x78: {  	[sflag:s21] =	ssyncset.done $0x0  }
0x79: {  	[sflag:s21] =	ssyncadd.s32 $0xFFFFC000  }
0x7a: {  	_ =	swait.ge [sflag:s31], $0x2000  }
0x7b: {  	[sflag:s31] =	ssyncset.done $0x0  }
0x7c: {  	[sflag:s31] =	ssyncadd.s32 $0xFFFFE000  }
0x7d: {  	_ =	swait.ge [sflag:s0], $0x2000  }
0x7e: {  	[sflag:s0] =	ssyncset.done $0x0  }
0x7f: {  	s15 =	sadd.s32 $0x100, s14;
	[sflag:s0] =	ssyncadd.s32 $0xFFFFE000  }
0x80: {  	[tilespmem:s20], [sflag:$0x1] =	stream.indirect.gather [hbm4b:s4+s23], $0x80, s15, s23, $0xb8;
	[tilespmem:$0x1E800] =	vst v63  }
0x81: {  	s15 =	sadd.s32 $0x140, s14  }
0x82: {  	[tilespmem:s24], [sflag:$0x2] =	stream.indirect.gather [hbm4b:s4+s23], $0x80, s15, s23, $0xb8;
	[tilespmem:$0x1E800] =	vst v63  }
.Ltmp1:
0x83: {  	_ = 	snop;
	(pc) =	sbr.rel @p0 .LBB2_4-.Ltmp1, $4  }
0x84: {  	s14 =	sadd.s32 $0x1480, s14  }
0x85: {  	[spmem:s1] =	stream.indirect.scatter.add.f32 [tilespmem:s28], [sflag:$0x5], $0x80, s14, s30, $0xb8;
	[tilespmem:$0x1E800] =	vst v63  }
0x86: {  	_ =	swait.ge [sflag:s21], $0x4000  }
0x87: {  	[sflag:s21] =	ssyncset.done $0x0  }
0x88: {  	[sflag:s21] =	ssyncadd.s32 $0xFFFFC000  }
0x89: {  	_ =	swait.ge [sflag:s25], $0x2000  }
0x8a: {  	[sflag:s25] =	ssyncset.done $0x0  }
0x8b: {  	[sflag:s25] =	ssyncadd.s32 $0xFFFFE000  }
0x8c: {  	_ =	swait.ge [sflag:s26], $0x2000  }
0x8d: {  	[sflag:s26] =	ssyncset.done $0x0  }
0x8e: {  	[sflag:s26] =	ssyncadd.s32 $0xFFFFE000  }
0x8f: {  	[tilespmem:s28], [sflag:$0x3] =	stream.indirect.gather [hbm4b:s4+s23], $0x80, s2, s23, $0xb8;
	[tilespmem:$0x1E800] =	vst v63  }
0x90: {  	_ = 	snop  }
0x91: {  	[tilespmem:s29], [sflag:$0x4] =	stream.indirect.gather [hbm4b:s4+s23], $0x80, s10, s23, $0xb8;
	[tilespmem:$0x1E800] =	vst v63  }
0x92: {  	_ = 	snop  }
0x93: {  	[spmem:s1] =	stream.indirect.scatter.add.f32 [tilespmem:s20], [sflag:$0x5], $0x80, s11, s30, $0xb8;
	[tilespmem:$0x1E800] =	vst v63  }
0x94: {  	_ =	swait.ge [sflag:s21], $0x4000  }
0x95: {  	[sflag:s21] =	ssyncset.done $0x0  }
0x96: {  	[sflag:s21] =	ssyncadd.s32 $0xFFFFC000  }
0x97: {  	_ =	swait.ge [sflag:s31], $0x2000  }
0x98: {  	[sflag:s31] =	ssyncset.done $0x0  }
0x99: {  	[sflag:s31] =	ssyncadd.s32 $0xFFFFE000  }
0x9a: {  	_ =	swait.ge [sflag:s0], $0x2000  }
0x9b: {  	[sflag:s0] =	ssyncset.done $0x0  }
0x9c: {  	[sflag:s0] =	ssyncadd.s32 $0xFFFFE000  }
0x9d: {  	[spmem:s1] =	stream.indirect.scatter.add.f32 [tilespmem:s28], [sflag:$0x5], $0x80, s12, s30, $0xb8;
	[tilespmem:$0x1E800] =	vst v63  }
0x9e: {  	_ =	swait.ge [sflag:s21], $0x4000  }
0x9f: {  	[sflag:s21] =	ssyncset.done $0x0  }
0xa0: {  	s13 =	simm.s32 $0x0;
	s14 =	rddreg [dreg:$0x6];
	[sflag:s21] =	ssyncadd.s32 $0xFFFFC000  }
0xa1: {  	[tilespmem:s13], [sflag:$0x5] =	stream.linear.gather [hbm4b:s14+s13], $0x1400, $0x38;
	[tilespmem:$0x1E800] =	vst v63  }
0xa2: {  	_ =	swait.ge [sflag:s21], $0x1400  }
0xa3: {  	[sflag:s21] =	ssyncset.done $0x0  }
0xa4: {  	s15 =	rddreg [dreg:$0x7];
	[sflag:s21] =	ssyncadd.s32 $0xFFFFEC00  }
0xa5: {  	[tilespmem:s22], [sflag:$0x5] =	stream.linear.gather [hbm4b:s15+s13], $0x1400, $0x38;
	[tilespmem:$0x1E800] =	vst v63  }
0xa6: {  	_ =	swait.ge [sflag:s21], $0x1400  }
0xa7: {  	[sflag:s21] =	ssyncset.done $0x0  }
0xa8: {  	[sflag:s21] =	ssyncadd.s32 $0xFFFFEC00  }
0xa9: {  	[tilespmem:s20], [sflag:$0x1] =	stream.indirect.gather [hbm4b:s4+s23], $0x80, s13, s23, $0xb8;
	[tilespmem:$0x1E800] =	vst v63  }
0xaa: {  	_ = 	snop  }
0xab: {  	[tilespmem:s24], [sflag:$0x2] =	stream.indirect.gather [hbm4b:s4+s23], $0x80, s23, s23, $0xb8;
	[tilespmem:$0x1E800] =	vst v63  }
0xac: {  	_ =	swait.ge [sflag:s25], $0x2000  }
0xad: {  	[sflag:s25] =	ssyncset.done $0x0  }
0xae: {  	[sflag:s25] =	ssyncadd.s32 $0xFFFFE000  }
0xaf: {  	_ =	swait.ge [sflag:s26], $0x2000  }
0xb0: {  	[sflag:s26] =	ssyncset.done $0x0  }
0xb1: {  	s14 =	simm.s32 $0x80;
	[sflag:s26] =	ssyncadd.s32 $0xFFFFE000  }
0xb2: {  	[tilespmem:s28], [sflag:$0x3] =	stream.indirect.gather [hbm4b:s4+s23], $0x80, s14, s23, $0xb8;
	[tilespmem:$0x1E800] =	vst v63  }
0xb3: {  	s15 =	simm.s32 $0xC0  }
0xb4: {  	[tilespmem:s29], [sflag:$0x4] =	stream.indirect.gather [hbm4b:s4+s23], $0x80, s15, s23, $0xb8;
	[tilespmem:$0x1E800] =	vst v63  }
0xb5: {  	s14 =	simm.s32 $0x1400  }
0xb6: {  	[spmem:s1] =	stream.indirect.scatter.add.f32 [tilespmem:s20], [sflag:$0x5], $0x80, s14, s30, $0xb8;
	[tilespmem:$0x1E800] =	vst v63  }
0xb7: {  	_ =	swait.ge [sflag:s21], $0x4000  }
0xb8: {  	[sflag:s21] =	ssyncset.done $0x0  }
0xb9: {  	[sflag:s21] =	ssyncadd.s32 $0xFFFFC000  }
0xba: {  	_ =	swait.ge [sflag:s31], $0x2000  }
0xbb: {  	[sflag:s31] =	ssyncset.done $0x0  }
0xbc: {  	[sflag:s31] =	ssyncadd.s32 $0xFFFFE000  }
0xbd: {  	_ =	swait.ge [sflag:s0], $0x2000  }
0xbe: {  	[sflag:s0] =	ssyncset.done $0x0  }
0xbf: {  	s15 =	simm.s32 $0x100;
	[sflag:s0] =	ssyncadd.s32 $0xFFFFE000  }
0xc0: {  	[tilespmem:s20], [sflag:$0x1] =	stream.indirect.gather [hbm4b:s4+s23], $0x80, s15, s23, $0xb8;
	[tilespmem:$0x1E800] =	vst v63  }
0xc1: {  	s14 =	simm.s32 $0x140  }
0xc2: {  	[tilespmem:s24], [sflag:$0x2] =	stream.indirect.gather [hbm4b:s4+s23], $0x80, s14, s23, $0xb8;
	[tilespmem:$0x1E800] =	vst v63  }
0xc3: {  	s15 =	simm.s32 $0x1480  }
0xc4: {  	[spmem:s1] =	stream.indirect.scatter.add.f32 [tilespmem:s28], [sflag:$0x5], $0x80, s15, s30, $0xb8;
	[tilespmem:$0x1E800] =	vst v63  }
0xc5: {  	_ =	swait.ge [sflag:s21], $0x4000  }
0xc6: {  	s13 =	simm.s32 $0x400;
	[sflag:s21] =	ssyncset.done $0x0  }
.LBB2_6:
0xc7: {  	p0 =	sne.s32 s13, $0x4800  }
0xc8: {  	[sflag:s21] =	ssyncadd.s32 $0xFFFFC000;
	s14 =	smov.u32 s13;
	s13 =	sadd.s32 $0x400, s13  }
0xc9: {  	_ = 	snop  }
0xca: {  	_ =	swait.ge [sflag:s25], $0x2000  }
0xcb: {  	[sflag:s25] =	ssyncset.done $0x0  }
0xcc: {  	[sflag:s25] =	ssyncadd.s32 $0xFFFFE000  }
0xcd: {  	_ =	swait.ge [sflag:s26], $0x2000  }
0xce: {  	s14 =	sshra.s32 s14, $0x2;
	[sflag:s26] =	ssyncset.done $0x0  }
0xcf: {  	s15 =	sadd.s32 $0x80, s14;
	[sflag:s26] =	ssyncadd.s32 $0xFFFFE000  }
0xd0: {  	[tilespmem:s28], [sflag:$0x3] =	stream.indirect.gather [hbm4b:s4+s23], $0x80, s15, s23, $0xb8;
	[tilespmem:$0x1E800] =	vst v63  }
0xd1: {  	s15 =	sadd.s32 $0xC0, s14  }
0xd2: {  	[tilespmem:s29], [sflag:$0x4] =	stream.indirect.gather [hbm4b:s4+s23], $0x80, s15, s23, $0xb8;
	[tilespmem:$0x1E800] =	vst v63  }
0xd3: {  	s15 =	sadd.s32 $0x1400, s14  }
0xd4: {  	[spmem:s1] =	stream.indirect.scatter.add.f32 [tilespmem:s20], [sflag:$0x5], $0x80, s15, s30, $0xb8;
	[tilespmem:$0x1E800] =	vst v63  }
0xd5: {  	_ =	swait.ge [sflag:s21], $0x4000  }
0xd6: {  	[sflag:s21] =	ssyncset.done $0x0  }
0xd7: {  	[sflag:s21] =	ssyncadd.s32 $0xFFFFC000  }
0xd8: {  	_ =	swait.ge [sflag:s31], $0x2000  }
0xd9: {  	[sflag:s31] =	ssyncset.done $0x0  }
0xda: {  	[sflag:s31] =	ssyncadd.s32 $0xFFFFE000  }
0xdb: {  	_ =	swait.ge [sflag:s0], $0x2000  }
0xdc: {  	[sflag:s0] =	ssyncset.done $0x0  }
0xdd: {  	s15 =	sadd.s32 $0x100, s14;
	[sflag:s0] =	ssyncadd.s32 $0xFFFFE000  }
0xde: {  	[tilespmem:s20], [sflag:$0x1] =	stream.indirect.gather [hbm4b:s4+s23], $0x80, s15, s23, $0xb8;
	[tilespmem:$0x1E800] =	vst v63  }
0xdf: {  	s15 =	sadd.s32 $0x140, s14  }
0xe0: {  	[tilespmem:s24], [sflag:$0x2] =	stream.indirect.gather [hbm4b:s4+s23], $0x80, s15, s23, $0xb8;
	[tilespmem:$0x1E800] =	vst v63  }
.Ltmp2:
0xe1: {  	_ = 	snop;
	(pc) =	sbr.rel @p0 .LBB2_6-.Ltmp2, $4  }
0xe2: {  	s14 =	sadd.s32 $0x1480, s14  }
0xe3: {  	[spmem:s1] =	stream.indirect.scatter.add.f32 [tilespmem:s28], [sflag:$0x5], $0x80, s14, s30, $0xb8;
	[tilespmem:$0x1E800] =	vst v63  }
0xe4: {  	_ =	swait.ge [sflag:s21], $0x4000  }
0xe5: {  	[sflag:s21] =	ssyncset.done $0x0  }
0xe6: {  	[sflag:s21] =	ssyncadd.s32 $0xFFFFC000  }
0xe7: {  	_ =	swait.ge [sflag:s25], $0x2000  }
0xe8: {  	[sflag:s25] =	ssyncset.done $0x0  }
0xe9: {  	[sflag:s25] =	ssyncadd.s32 $0xFFFFE000  }
0xea: {  	_ =	swait.ge [sflag:s26], $0x2000  }
0xeb: {  	[sflag:s26] =	ssyncset.done $0x0  }
0xec: {  	[sflag:s26] =	ssyncadd.s32 $0xFFFFE000  }
0xed: {  	[tilespmem:s28], [sflag:$0x3] =	stream.indirect.gather [hbm4b:s4+s23], $0x80, s2, s23, $0xb8;
	[tilespmem:$0x1E800] =	vst v63  }
0xee: {  	_ = 	snop  }
0xef: {  	[tilespmem:s29], [sflag:$0x4] =	stream.indirect.gather [hbm4b:s4+s23], $0x80, s10, s23, $0xb8;
	[tilespmem:$0x1E800] =	vst v63  }
0xf0: {  	_ = 	snop  }
0xf1: {  	[spmem:s1] =	stream.indirect.scatter.add.f32 [tilespmem:s20], [sflag:$0x5], $0x80, s11, s30, $0xb8;
	[tilespmem:$0x1E800] =	vst v63  }
0xf2: {  	_ =	swait.ge [sflag:s21], $0x4000  }
0xf3: {  	[sflag:s21] =	ssyncset.done $0x0  }
0xf4: {  	[sflag:s21] =	ssyncadd.s32 $0xFFFFC000  }
0xf5: {  	_ =	swait.ge [sflag:s31], $0x2000  }
0xf6: {  	[sflag:s31] =	ssyncset.done $0x0  }
0xf7: {  	[sflag:s31] =	ssyncadd.s32 $0xFFFFE000  }
0xf8: {  	_ =	swait.ge [sflag:s0], $0x2000  }
0xf9: {  	[sflag:s0] =	ssyncset.done $0x0  }
0xfa: {  	[sflag:s0] =	ssyncadd.s32 $0xFFFFE000  }
0xfb: {  	[spmem:s1] =	stream.indirect.scatter.add.f32 [tilespmem:s28], [sflag:$0x5], $0x80, s12, s30, $0xb8;
	[tilespmem:$0x1E800] =	vst v63  }
0xfc: {  	_ =	swait.ge [sflag:s21], $0x4000  }
0xfd: {  	[sflag:s21] =	ssyncset.done $0x0  }
0xfe: {  	s13 =	stileid.u32;
	[sflag:s21] =	ssyncadd.s32 $0xFFFFC000  }
0xff: {  	s13 =	sshll.u32 s13, $0x6;
	[bflag:$0x0] =	sbarrier.arrive $0xFFFF  }
0x100: {  	s14 =	sshrl.u32 s5, $0x3;
	s13 =	sor.u32 $0x1C05, s13;
	s15 =	rddreg [dreg:$0x8]  }
0x101: {  	[hbm:s15], [sflag:s13] =	dma.local [spmem:s14], $0x800  }
0x102: {  	_ =	swait.ge [sflag:s21], $0x800  }
0x103: {  	[sflag:s21] =	ssyncset.done $0x0  }
0x104: {  	s14 =	sshrl.u32 s6, $0x3;
	s15 =	rddreg [dreg:$0x9];
	[sflag:s21] =	ssyncadd.s32 $0xFFFFF800  }
0x105: {  	[hbm:s15], [sflag:s13] =	dma.local [spmem:s14], $0x800  }
0x106: {  	_ =	swait.ge [sflag:s21], $0x800  }
0x107: {  	[sflag:s21] =	ssyncset.done $0x0  }
0x108: {  	s15 =	sshrl.u32 s7, $0x3;
	[sflag:s21] =	ssyncadd.s32 $0xFFFFF800  }
0x109: {  	[hbm:s16], [sflag:s13] =	dma.local [spmem:s15], $0x800  }
0x10a: {  	_ =	swait.ge [sflag:s21], $0x800  }
0x10b: {  	[sflag:s21] =	ssyncset.done $0x0  }
0x10c: {  	s15 =	sshrl.u32 s8, $0x3;
	[sflag:s21] =	ssyncadd.s32 $0xFFFFF800  }
0x10d: {  	[hbm:s17], [sflag:s13] =	dma.local [spmem:s15], $0x800  }
0x10e: {  	s3 =	sadd.s32 $0x1, s3;
	_ =	swait.ge [sflag:s21], $0x800  }
0x10f: {  	p0 =	sne.s32 s3, s19;
	[sflag:s21] =	ssyncset.done $0x0  }
.Ltmp3:
0x110: {  	s15 =	sshrl.u32 s9, $0x3;
	[sflag:s21] =	ssyncadd.s32 $0xFFFFF800;
	(pc) =	sbr.rel @p0 .LBB2_1-.Ltmp3, $4  }
0x111: {  	[hbm:s18], [sflag:s13] =	dma.local [spmem:s15], $0x800  }
0x112: {  	_ =	swait.ge [sflag:s21], $0x800  }
0x113: {  	[sflag:s21] =	ssyncset.done $0x0  }
0x114: {  	[sflag:s21] =	ssyncadd.s32 $0xFFFFF800  }
0x115: {  	_ =	sfence.sel $0x180000  }
0x116: {  	[bflag:$0x0] =	sbarrier.arrive $0xFFFF  }
0x117: {  	_ =	strace $0x9000004A  }
0x118: {  	s0 =	stileid.u32;
	[bflag:$0x2] =	sbarrier.arrive $0xFFFF  }
0x119: {  	p0 =	sne.s32 s0, $0x0;
	s0 =	rddreg [dreg:$0x3]  }
0x11a: {  	s0 =	sadd.s32 @!p0 $0x100000, s0  }
0x11b: {  	[sflag:s0] =	ssyncadd.tile.s32 @!p0 $0x1;
	_ =	shalt  }
.Lfunc_end2:
_tile_overlayer_lowered:
.L_overlay_start_2:
0x11c: {  	(tag) =	ssettag $0x2  }
0x11d: {  	s0 =	rddreg [dreg:$0x0];
	s2 =	stileid.u32  }
0x11e: {  	s1 =	rddreg [dreg:$0x1];
	p0 =	sne.s32 s2, $0x0  }
0x11f: {  	s3 =	rddreg [dreg:$0x2];
	[bflag:$0x3] =	sbarrier.arrive $0xFFFF;
	s2 =	simm.s32 @!p0 $0x1C05  }
0x120: {  	[timem:s3], [sflag:s2] =	dma.local @!p0 [hbm:s0], s1  }
0x121: {  	s0 =	simm.s32 @!p0 $0x5  }
0x122: {  	_ =	swait.ge @!p0 [sflag:s0], s1  }
0x123: {  	s1 =	ssub.s32 @!p0 $0x0, s1;
	[sflag:s0] =	ssyncset.done @!p0 $0x0  }
0x124: {  	[sflag:s0] =	ssyncadd.s32 @!p0 s1  }
0x125: {  	[bflag:$0x3] =	sbarrier.arrive $0xFFFF  }
0x126: {  	_ =	shalt  }

// kernel: kernel.16.cloned.1.call-start
scs
__scs_entry_jumppad:
0x0: {  	(pc) =	sbr.rel $0x88, $3  }
0x1: {  	(tag) =	ssettag $0x0;
	lr =	simm.s32 $0x1  }
0x2: {  	[smem:$0x3F99] =	sst lr;
	_ =	strace $0xD0000000  }
0x3: {  	_ = 	snop  }
0x4: {  	_ = 	snop  }
0x5: {  	_ = 	snop  }
0x6: {  	_ = 	snop  }
0x7: {  	_ = 	snop  }
__scs_overlays_trampoline_lowered:
0x8: {  	[smem:$0x3FA8] =	sst s0  }
0x9: {  	[smem:$0x3FA9] =	sst s1  }
0xa: {  	[smem:$0x3FAA] =	sst s2  }
0xb: {  	[smem:$0x3FAB] =	sst s3  }
0xc: {  	[smem:$0x3FAC] =	sst s4  }
0xd: {  	[smem:$0x3FAD] =	sst s5  }
0xe: {  	[smem:$0x3FAE] =	sst s6  }
0xf: {  	[smem:$0x3FAF] =	sst s7  }
0x10: {  	[smem:$0x3FB0] =	sst s8  }
0x11: {  	[smem:$0x3FB1] =	sst s9;
	s0 =	simm.s32 @!p0 $0x0  }
0x12: {  	s1 =	sld [smem:$0x3F97];
	s0 =	simm.s32 @p0 $0x1  }
0x13: {  	[smem:$0x3FB2] =	sst s0;
	s0 =	simm.s32 @!p1 $0x0  }
0x14: {  	s2 =	sld [smem:$0x3F96];
	s0 =	simm.s32 @p1 $0x1  }
0x15: {  	[smem:$0x3FB3] =	sst s0;
	s0 =	simm.s32 @!p2 $0x0  }
0x16: {  	s3 =	sld [smem:$0x3FDB];
	s0 =	simm.s32 @p2 $0x1  }
0x17: {  	s4 =	simm.s32 $0x1BF5;
	[smem:$0x3FB5] =	sst s0  }
0x18: {  	s0 =	sld [smem:$0x3F98];
	_ =	swait.ge [sflag:s4], $0x0  }
0x19: {  	s7 =	sld [smem:$0x3F99]  }
0x1a: {  	s8 =	sadd.s32 $0xFFFFE003, lr  }
0x1b: {  	s9 =	sadd.s32 $0xFFFFFEF7, lr;
	s5 =	simm.s32 $0xFFFFFFFF;
	p2 =	slt.u32 s8, $0xFFFFF086  }
0x1c: {  	p1 =	slt.u32 s9, $0xF7A;
	s5 =	simm.s32 @!p2 $0x0  }
0x1d: {  	s5 =	simm.s32 @p1 $0x1;
	p0 =	seq.s32 s7, s2  }
0x1e: {  	s7 =	smul.u32 @!p0 $0xF7A, s2;
	p2 =	seq.s32 @!p0 s5, $0x0  }
0x1f: {  	s9 =	smul.u32 $0xF7A, s1;
	s8 =	simm.s32 @!p0 $0x1BF5;
	p2 =	por !p2, p0  }
0x20: {  	[sflag:s8] =	ssyncset.s32 @!p0 $0xFFFFF086;
	s6 =	sadd.s32 @!p0 s3, s7;
	s7 =	simm.s32 @!p0 $0x108  }
0x21: {  	s3 =	sadd.s32 s3, s9;
	s6 =	sadd.s32 @!p0 $0x88, s6;
	s7 =	simm.s32 @p2 $0x1082  }
0x22: {  	[simem:s7], [sflag:s8] =	dma.local @!p0 [hbm:s6], $0xF7A  }
0x23: {  	s9 =	sor.u32 $0xD0000000, s2;
	s6 =	simm.s32 $0x108;
	_ =	swait.ge @!p0 [sflag:s8], $0x0  }
0x24: {  	s3 =	sadd.s32 $0x88, s3;
	s6 =	simm.s32 @!p1 $0x1082;
	[sflag:s4] =	ssyncset.s32 $0xFFFFF086  }
0x25: {  	[simem:s6], [sflag:s4] =	dma.local [hbm:s3], $0xF7A  }
0x26: {  	[smem:$0x3F99] =	sst s1;
	(tag) =	ssettag s2;
	_ =	strace s9  }
0x27: {  	s1 =	sld [smem:$0x3FA9]  }
0x28: {  	s2 =	sld [smem:$0x3FAA]  }
0x29: {  	s4 =	sld [smem:$0x3FAC]  }
0x2a: {  	p0 =	seq.s32 s5, $0x0;
	s5 =	sld [smem:$0x3FAD]  }
0x2b: {  	s6 =	sld [smem:$0x3FAE]  }
0x2c: {  	s7 =	sld [smem:$0x3FAF]  }
0x2d: {  	s3 =	simm.s32 $0x108;
	s8 =	sld [smem:$0x3FB0]  }
0x2e: {  	s3 =	simm.s32 @!p0 $0x1082;
	s9 =	sld [smem:$0x3FB1]  }
0x2f: {  	lr =	sadd.s32 s0, s3;
	s0 =	sld [smem:$0x3FA8]  }
0x30: {  	s3 =	sld [smem:$0x3FAB]  }
0x31: {  	[smem:$0x3FB4] =	sst s10  }
0x32: {  	s10 =	sld [smem:$0x3FB2];
	_ =	sdelay $0x3  }
0x33: {  	p0 =	seq.s32 s10, $0x1;
	s10 =	sld [smem:$0x3FB4];
	_ =	sdelay $0x3  }
0x34: {  	[smem:$0x3FB4] =	sst s10  }
0x35: {  	s10 =	sld [smem:$0x3FB3];
	_ =	sdelay $0x3  }
0x36: {  	p1 =	seq.s32 s10, $0x1;
	s10 =	sld [smem:$0x3FB4];
	_ =	sdelay $0x3  }
0x37: {  	[smem:$0x3FB4] =	sst s10  }
0x38: {  	s10 =	sld [smem:$0x3FB5]  }
0x39: {  	_ = 	snop;
	(pc) =	sbr.ind lr, $3  }
0x3a: {  	_ = 	snop  }
0x3b: {  	_ = 	snop  }
0x3c: {  	p2 =	seq.s32 s10, $0x1;
	s10 =	sld [smem:$0x3FB4]  }
0x3d: {  	_ =	shalt  }
0x3e: {  	_ =	shalt  }
0x3f: {  	_ =	shalt  }
0x40: {  	_ =	shalt  }
0x41: {  	_ =	shalt  }
0x42: {  	_ =	shalt  }
0x43: {  	_ =	shalt  }
0x44: {  	_ =	shalt  }
0x45: {  	_ =	shalt  }
0x46: {  	_ =	shalt  }
0x47: {  	_ =	shalt  }
0x48: {  	_ =	shalt  }
0x49: {  	_ =	shalt  }
0x4a: {  	_ =	shalt  }
0x4b: {  	_ =	shalt  }
0x4c: {  	_ =	shalt  }
0x4d: {  	_ =	shalt  }
0x4e: {  	_ =	shalt  }
0x4f: {  	_ =	shalt  }
0x50: {  	_ =	shalt  }
0x51: {  	_ =	shalt  }
0x52: {  	_ =	shalt  }
0x53: {  	_ =	shalt  }
0x54: {  	_ =	shalt  }
0x55: {  	_ =	shalt  }
0x56: {  	_ =	shalt  }
0x57: {  	_ =	shalt  }
0x58: {  	_ =	shalt  }
0x59: {  	_ =	shalt  }
0x5a: {  	_ =	shalt  }
0x5b: {  	_ =	shalt  }
0x5c: {  	_ =	shalt  }
0x5d: {  	_ =	shalt  }
0x5e: {  	_ =	shalt  }
0x5f: {  	_ =	shalt  }
0x60: {  	_ =	shalt  }
0x61: {  	_ =	shalt  }
0x62: {  	_ =	shalt  }
0x63: {  	_ =	shalt  }
0x64: {  	_ =	shalt  }
0x65: {  	_ =	shalt  }
0x66: {  	_ =	shalt  }
0x67: {  	_ =	shalt  }
0x68: {  	_ =	shalt  }
0x69: {  	_ =	shalt  }
0x6a: {  	_ =	shalt  }
0x6b: {  	_ =	shalt  }
0x6c: {  	_ =	shalt  }
0x6d: {  	_ =	shalt  }
0x6e: {  	_ =	shalt  }
0x6f: {  	_ =	shalt  }
0x70: {  	_ =	shalt  }
0x71: {  	_ =	shalt  }
0x72: {  	_ =	shalt  }
0x73: {  	_ =	shalt  }
0x74: {  	_ =	shalt  }
0x75: {  	_ =	shalt  }
0x76: {  	_ =	shalt  }
0x77: {  	_ =	shalt  }
0x78: {  	_ =	shalt  }
0x79: {  	_ =	shalt  }
0x7a: {  	_ =	shalt  }
0x7b: {  	_ =	shalt  }
0x7c: {  	_ =	shalt  }
0x7d: {  	_ =	shalt  }
0x7e: {  	_ =	shalt  }
0x7f: {  	_ =	shalt  }
0x80: {  	_ =	shalt  }
0x81: {  	_ =	shalt  }
0x82: {  	_ =	shalt  }
0x83: {  	_ =	shalt  }
0x84: {  	_ =	shalt  }
0x85: {  	_ =	shalt  }
0x86: {  	_ =	shalt  }
0x87: {  	_ =	shalt  }
.Lfunc_end0:
.L_simem_size_0:
called_computation.2_lowered:
.L_overlay_start_0:
0x88: {  	s2 =	sld [smem:$0x3FD9]  }
0x89: {  	s3 =	sld [smem:$0x3FFE];
	_ =	sdelay $0x1  }
0x8a: {  	s1 =	srdreg.scid  }
0x8b: {  	s0 =	sand.u32 $0x1, s1  }
0x8c: {  	s17 =	sshll.u32 s0, $0xA;
	s2 =	sadd.s32 s3, s2  }
0x8d: {  	s2 =	sadd.s32 s2, s17  }
0x8e: {  	[smem:$0x3FC0] =	sst s2  }
0x8f: {  	_ = 	snop  }
0x90: {  	s2 =	sld [smem:$0x3FD0];
	(tm) =	ssettm $0x1  }
0x91: {  	s18 =	sld [smem:$0x3FFB];
	_ =	sdelay $0x3  }
0x92: {  	_ =	strace s18  }
0x93: {  	s3 =	sld [smem:$0x3FFC];
	_ =	sdelay $0x3  }
0x94: {  	_ =	strace s3  }
0x95: {  	s3 =	sld [smem:$0x3FFD];
	_ =	sdelay $0x3  }
0x96: {  	_ =	strace s3  }
0x97: {  	_ =	strace $0x8FFFFFFF  }
0x98: {  	s19 =	sld [smem:$0x3FDB];
	_ =	sdelay $0x1  }
0x99: {  	s4 =	simm.s32 $_scs_section_size  }
0x9a: {  	s5 =	simm.s32 $_size__tile_overlayer_lowered;
	s6 =	simm.s32 $_tile_overlayer_lowered  }
0x9b: {  	s22 =	simm.s32 $0x1BFF;
	s21 =	sshll.u32 s6, $0x1;
	s3 =	sadd.s32 s4, s19  }
0x9c: {  	s7 =	simm.s32 $0x0;
	s20 =	sshll.u32 s5, $0x1;
	s5 =	sadd.s32 s21, s3  }
0x9d: {  	[timem:s7], [sflag:s22] =	dma.local [hbm:s5], s20  }
0x9e: {  	_ =	swait.ge [sflag:s22], s20  }
0x9f: {  	s4 =	ssub.s32 $0x0, s20;
	[sflag:s22] =	ssyncset.done $0x0  }
0xa0: {  	[sflag:s22] =	ssyncadd.s32 s4;
	_ =	sdelay $0x1  }
0xa1: {  	s23 =	simm.s32 $0x1B8B  }
0xa2: {  	_ =	swait.ge [sflag:s23], $0x1  }
0xa3: {  	[sflag:s23] =	ssyncset.done $0x0  }
0xa4: {  	s25 =	simm.s32 $0x1B8E;
	s24 =	sld [smem:$0x3FFE];
	[sflag:s23] =	ssyncadd.s32 $0xFFFFFFFF  }
0xa5: {  	s26 =	simm.s32 $execute0_lowered;
	[smem:$0x3FD2] =	sst s25  }
0xa6: {  	s5 =	sshll.u32 s26, $0x1;
	_ =	strace $0x8000004C;
	[dreg:$0x1] =	wrdreg $0xFFFFFFFF  }
0xa7: {  	s28 =	simm.s32 $_size_execute0_lowered;
	s3 =	sadd.s32 s3, s5;
	[dreg:$0x0] =	wrdreg $0x0  }
0xa8: {  	s5 =	sshll.u32 s28, $0x1;
	[dreg:$0x2] =	wrdreg s3  }
0xa9: {  	[dreg:$0x3] =	wrdreg s5  }
0xaa: {  	[dreg:$0x4] =	wrdreg $0xC0  }
0xab: {  	_ =	task [dreg:s7], $0x5FFFF  }
0xac: {  	[dreg:$0x1] =	wrdreg $0xFFFFFFFF  }
0xad: {  	[dreg:$0x0] =	wrdreg $0x60  }
0xae: {  	[dreg:$0x2] =	wrdreg s24  }
0xaf: {  	[dreg:$0x3] =	wrdreg s2  }
0xb0: {  	[dreg:$0x4] =	wrdreg $0xA8000  }
0xb1: {  	[dreg:$0x5] =	wrdreg $0x9  }
0xb2: {  	_ =	task.clear_ibuf [dreg:s7], $0x6FFFF;
	_ =	strace $0x9000004C  }
0xb3: {  	s29 =	simm.s32 $0x9;
	_ =	strace $0x8000004E  }
0xb4: {  	_ =	swait.ge [sflag:s29], $0x1  }
0xb5: {  	[sflag:s29] =	ssyncadd.s32 $0xFFFFFFFF  }
0xb6: {  	_ =	strace $0x9000004E  }
0xb7: {  	_ =	sfence  }
0xb8: {  	s30 =	sld [smem:$0x0];
	_ =	sdelay $0x2  }
0xb9: {  	s31 =	sshll.u32 s1, $0xD;
	s1 =	sshrl.u32 s1, $0x2  }
0xba: {  	s3 =	sand.u32 $0x4000, s31;
	s1 =	sadd.s32 s1, s30  }
0xbb: {  	s0 =	sor.u32 s3, s0;
	s1 =	sshll.u32 s1, $0x11  }
0xbc: {  	s0 =	sor.u32 s1, s0  }
0xbd: {  	s0 =	sadd.s32 $0x8F2B, s0  }
0xbe: {  	[sflag:s0] =	ssyncadd.remote.s32 $0x1  }
0xbf: {  	_ =	sfence.sel $0xFFFF  }
0xc0: {  	[dreg:$0x0] =	wrdreg $0xFFFFFFFF;
	(pc) =	sbr.abs _section_cstart, $3  }
0xc1: {  	[dreg:$0x1] =	wrdreg $0xFFFFFFFF  }
0xc2: {  	_ =	task.clear_ibuf [dreg:s7], $0x2FFFF;
	_ =	strace $0x9FFFFFFF  }
0xc3: {  	(tm) =	ssettm $0x7FFFFFFF  }
tec
execute0_lowered:
.L_overlay_start_1:
0x0: {  	(tag) =	ssettag $0x1  }
0x1: {  	s0 =	rddreg [dreg:$0x0]  }
0x2: {  	s2 =	rddreg [dreg:$0x1]  }
0x3: {  	s1 =	rddreg [dreg:$0x2]  }
0x4: {  	s3 =	simm.s32 $0x0;
	s4 =	srdreg.scid;
	s13 =	stileid.u32  }
0x5: {  	s28 =	simm.s32 $0x6800;
	s29 =	simm.s32 $0x8800;
	s30 =	simm.s32 $0x80  }
0x6: {  	s31 =	simm.s32 $0x3;
	[smem:$0x7FF] =	sst s3;
	s8 =	sand.u32 $0x1, s4  }
0x7: {  	s4 =	sadd.s32 $0xD600, s0;
	s6 =	smul.u32 $0x50000, s13;
	s10 =	sadd.s32 $0x3600, s0  }
0x8: {  	s0 =	sadd.s32 $0x35600, s0;
	s11 =	smul.u32 $0x14000, s13;
	_ =	strace $0x8000004D  }
0x9: {  	s5 =	ssub.s32 $0x2, s8;
	s9 =	sshll.u32 s8, $0x4;
	s18 =	smul.u32 $0x140000, s8  }
0xa: {  	s7 =	sshrl.u32 s5, $0x1;
	s6 =	sshrl.u32 s6, $0x2;
	s24 =	sor.u32 s13, s9  }
0xb: {  	s25 =	sadd.s32 $0x4000, s11;
	s14 =	sadd.s32 $0x8000, s11;
	s16 =	sadd.s32 $0xC000, s11  }
0xc: {  	s17 =	sadd.s32 $0x10000, s11;
	s12 =	ssub.s32 s5, s7;
	s5 =	sadd.s32 s6, s1  }
0xd: {  	s9 =	smul.u32 $0x2800, s24;
	s6 =	sadd.s32 s25, s1;
	s7 =	sadd.s32 s14, s1  }
0xe: {  	s8 =	sadd.s32 s16, s1;
	s11 =	sadd.s32 s11, s18;
	s20 =	sadd.s32 s18, s25  }
0xf: {  	s23 =	sadd.s32 s18, s14;
	s24 =	sadd.s32 s18, s16;
	s15 =	sshrl.u32 s9, $0x3  }
0x10: {  	s25 =	sadd.s32 s18, s17;
	s22 =	sshrl.u32 s20, $0x3;
	s19 =	sadd.s32 s10, s15  }
0x11: {  	s20 =	simm.s32 $0x2800;
	s26 =	sadd.s32 s2, s15;
	[dreg:$0x4] =	wrdreg s19  }
0x12: {  	s9 =	sadd.s32 s17, s1;
	s15 =	sadd.s32 $0x280, s15;
	[dreg:$0x5] =	wrdreg s26  }
0x13: {  	s10 =	sadd.s32 s10, s15;
	s19 =	sshrl.u32 s11, $0x3;
	s2 =	sadd.s32 s2, s15  }
0x14: {  	s26 =	sshrl.u32 s25, $0x3;
	s25 =	simm.s32 $0x1;
	[dreg:$0x6] =	wrdreg s10  }
0x15: {  	s11 =	simm.s32 $0x2700;
	[dreg:$0x7] =	wrdreg s2;
	s21 =	sadd.s32 s0, s19  }
0x16: {  	s2 =	sadd.s32 s0, s22;
	s10 =	sshrl.u32 s24, $0x3;
	s18 =	sadd.s32 s0, s26  }
0x17: {  	s19 =	smax.u32 s12, $0x1;
	s22 =	simm.s32 $0x1400;
	s24 =	simm.s32 $0x4800  }
0x18: {  	s26 =	simm.s32 $0x2;
	s12 =	simm.s32 $0x2780;
	[dreg:$0x8] =	wrdreg s21  }
0x19: {  	[dreg:$0x9] =	wrdreg s2;
	s2 =	sshrl.u32 s23, $0x3;
	s17 =	sadd.s32 s0, s10  }
0x1a: {  	s21 =	simm.s32 $0x5;
	s23 =	simm.s32 $0x40;
	s10 =	simm.s32 $0x13C0  }
0x1b: {  	v0 =	vimm.f32 $0.0e+00;
	s16 =	sadd.s32 s0, s2;
	s0 =	simm.s32 $0x4;
	s2 =	simm.s32 $0x1380  }
.LBB2_1:
0x1c: {  	s13 =	simm.s32 $0x0;
	s14 =	simm.s32 $0x200  }
.LBB2_2:
0x1d: {  	p0 =	sne.s32 s14, $0xFE00;
	[tilespmem:s13+$0x2870] =	vst v0  }
0x1e: {  	[tilespmem:s13+$0x2800] =	vst v0  }
0x1f: {  	[tilespmem:s13+$0x2810] =	vst v0  }
.Ltmp0:
0x20: {  	[tilespmem:s13+$0x2820] =	vst v0;
	(pc) =	sbr.rel @p0 .LBB2_2-.Ltmp0, $4  }
0x21: {  	[tilespmem:s13+$0x2830] =	vst v0  }
0x22: {  	[tilespmem:s13+$0x2840] =	vst v0  }
0x23: {  	[tilespmem:s13+$0x2850] =	vst v0  }
0x24: {  	[tilespmem:s13+$0x2860] =	vst v0;
	s13 =	sshra.s32 s14, $0x2;
	s14 =	sadd.s32 $0x200, s14  }
0x25: {  	[tilespmem:s13+$0x2870] =	vst v0  }
0x26: {  	[tilespmem:s13+$0x2800] =	vst v0  }
0x27: {  	[tilespmem:s13+$0x2810] =	vst v0  }
0x28: {  	[tilespmem:s13+$0x2820] =	vst v0  }
0x29: {  	[tilespmem:s13+$0x2830] =	vst v0  }
0x2a: {  	[tilespmem:s13+$0x2840] =	vst v0  }
0x2b: {  	[tilespmem:s13+$0x2850] =	vst v0  }
0x2c: {  	[tilespmem:s13+$0x2860] =	vst v0  }
0x2d: {  	[spmem:s5] =	stream.linear.scatter [tilespmem:s20], [sflag:$0x5], $0x4000, $0x38;
	[tilespmem:$0x1E800] =	vst v63  }
0x2e: {  	_ =	swait.ge [sflag:s21], $0x4000  }
0x2f: {  	[sflag:s21] =	ssyncset.done $0x0  }
0x30: {  	[sflag:s21] =	ssyncadd.s32 $0xFFFFC000  }
0x31: {  	[spmem:s6] =	stream.linear.scatter [tilespmem:s20], [sflag:$0x5], $0x4000, $0x38;
	[tilespmem:$0x1E800] =	vst v63  }
0x32: {  	_ =	swait.ge [sflag:s21], $0x4000  }
0x33: {  	[sflag:s21] =	ssyncset.done $0x0  }
0x34: {  	[sflag:s21] =	ssyncadd.s32 $0xFFFFC000  }
0x35: {  	[spmem:s7] =	stream.linear.scatter [tilespmem:s20], [sflag:$0x5], $0x4000, $0x38;
	[tilespmem:$0x1E800] =	vst v63  }
0x36: {  	_ =	swait.ge [sflag:s21], $0x4000  }
0x37: {  	[sflag:s21] =	ssyncset.done $0x0  }
0x38: {  	[sflag:s21] =	ssyncadd.s32 $0xFFFFC000  }
0x39: {  	[spmem:s8] =	stream.linear.scatter [tilespmem:s20], [sflag:$0x5], $0x4000, $0x38;
	[tilespmem:$0x1E800] =	vst v63  }
0x3a: {  	_ =	swait.ge [sflag:s21], $0x4000  }
0x3b: {  	[sflag:s21] =	ssyncset.done $0x0  }
0x3c: {  	[sflag:s21] =	ssyncadd.s32 $0xFFFFC000  }
0x3d: {  	[spmem:s9] =	stream.linear.scatter [tilespmem:s20], [sflag:$0x5], $0x4000, $0x38;
	[tilespmem:$0x1E800] =	vst v63  }
0x3e: {  	_ =	swait.ge [sflag:s21], $0x4000  }
0x3f: {  	[sflag:s21] =	ssyncset.done $0x0  }
0x40: {  	[sflag:s21] =	ssyncadd.s32 $0xFFFFC000  }
0x41: {  	[bflag:$0x0] =	sbarrier.arrive $0xFFFF  }
0x42: {  	s13 =	simm.s32 $0x0;
	s14 =	rddreg [dreg:$0x4]  }
0x43: {  	[tilespmem:s13], [sflag:$0x5] =	stream.linear.gather [hbm4b:s14+s13], $0x1400, $0x38;
	[tilespmem:$0x1E800] =	vst v63  }
0x44: {  	_ =	swait.ge [sflag:s21], $0x1400  }
0x45: {  	[sflag:s21] =	ssyncset.done $0x0  }
0x46: {  	s15 =	rddreg [dreg:$0x5];
	[sflag:s21] =	ssyncadd.s32 $0xFFFFEC00  }
0x47: {  	[tilespmem:s22], [sflag:$0x5] =	stream.linear.gather [hbm4b:s15+s13], $0x1400, $0x38;
	[tilespmem:$0x1E800] =	vst v63  }
0x48: {  	_ =	swait.ge [sflag:s21], $0x1400  }
0x49: {  	[sflag:s21] =	ssyncset.done $0x0  }
0x4a: {  	[sflag:s21] =	ssyncadd.s32 $0xFFFFEC00  }
0x4b: {  	[tilespmem:s20], [sflag:$0x1] =	stream.indirect.gather [hbm4b:s4+s23], $0x80, s13, s23, $0xb8;
	[tilespmem:$0x1E800] =	vst v63  }
0x4c: {  	_ = 	snop  }
0x4d: {  	[tilespmem:s24], [sflag:$0x2] =	stream.indirect.gather [hbm4b:s4+s23], $0x80, s23, s23, $0xb8;
	[tilespmem:$0x1E800] =	vst v63  }
0x4e: {  	_ =	swait.ge [sflag:s25], $0x2000  }
0x4f: {  	[sflag:s25] =	ssyncset.done $0x0  }
0x50: {  	[sflag:s25] =	ssyncadd.s32 $0xFFFFE000  }
0x51: {  	_ =	swait.ge [sflag:s26], $0x2000  }
0x52: {  	[sflag:s26] =	ssyncset.done $0x0  }
0x53: {  	s14 =	simm.s32 $0x80;
	[sflag:s26] =	ssyncadd.s32 $0xFFFFE000  }
0x54: {  	[tilespmem:s28], [sflag:$0x3] =	stream.indirect.gather [hbm4b:s4+s23], $0x80, s14, s23, $0xb8;
	[tilespmem:$0x1E800] =	vst v63  }
0x55: {  	s15 =	simm.s32 $0xC0  }
0x56: {  	[tilespmem:s29], [sflag:$0x4] =	stream.indirect.gather [hbm4b:s4+s23], $0x80, s15, s23, $0xb8;
	[tilespmem:$0x1E800] =	vst v63  }
0x57: {  	s14 =	simm.s32 $0x1400  }
0x58: {  	[spmem:s1] =	stream.indirect.scatter.add.f32 [tilespmem:s20], [sflag:$0x5], $0x80, s14, s30, $0xb8;
	[tilespmem:$0x1E800] =	vst v63  }
0x59: {  	_ =	swait.ge [sflag:s21], $0x4000  }
0x5a: {  	[sflag:s21] =	ssyncset.done $0x0  }
0x5b: {  	[sflag:s21] =	ssyncadd.s32 $0xFFFFC000  }
0x5c: {  	_ =	swait.ge [sflag:s31], $0x2000  }
0x5d: {  	[sflag:s31] =	ssyncset.done $0x0  }
0x5e: {  	[sflag:s31] =	ssyncadd.s32 $0xFFFFE000  }
0x5f: {  	_ =	swait.ge [sflag:s0], $0x2000  }
0x60: {  	[sflag:s0] =	ssyncset.done $0x0  }
0x61: {  	s15 =	simm.s32 $0x100;
	[sflag:s0] =	ssyncadd.s32 $0xFFFFE000  }
0x62: {  	[tilespmem:s20], [sflag:$0x1] =	stream.indirect.gather [hbm4b:s4+s23], $0x80, s15, s23, $0xb8;
	[tilespmem:$0x1E800] =	vst v63  }
0x63: {  	s14 =	simm.s32 $0x140  }
0x64: {  	[tilespmem:s24], [sflag:$0x2] =	stream.indirect.gather [hbm4b:s4+s23], $0x80, s14, s23, $0xb8;
	[tilespmem:$0x1E800] =	vst v63  }
0x65: {  	s15 =	simm.s32 $0x1480  }
0x66: {  	[spmem:s1] =	stream.indirect.scatter.add.f32 [tilespmem:s28], [sflag:$0x5], $0x80, s15, s30, $0xb8;
	[tilespmem:$0x1E800] =	vst v63  }
0x67: {  	_ =	swait.ge [sflag:s21], $0x4000  }
0x68: {  	s13 =	simm.s32 $0x400;
	[sflag:s21] =	ssyncset.done $0x0  }
.LBB2_4:
0x69: {  	p0 =	sne.s32 s13, $0x4800  }
0x6a: {  	[sflag:s21] =	ssyncadd.s32 $0xFFFFC000;
	s14 =	smov.u32 s13;
	s13 =	sadd.s32 $0x400, s13  }
0x6b: {  	_ = 	snop  }
0x6c: {  	_ =	swait.ge [sflag:s25], $0x2000  }
0x6d: {  	[sflag:s25] =	ssyncset.done $0x0  }
0x6e: {  	[sflag:s25] =	ssyncadd.s32 $0xFFFFE000  }
0x6f: {  	_ =	swait.ge [sflag:s26], $0x2000  }
0x70: {  	s14 =	sshra.s32 s14, $0x2;
	[sflag:s26] =	ssyncset.done $0x0  }
0x71: {  	s15 =	sadd.s32 $0x80, s14;
	[sflag:s26] =	ssyncadd.s32 $0xFFFFE000  }
0x72: {  	[tilespmem:s28], [sflag:$0x3] =	stream.indirect.gather [hbm4b:s4+s23], $0x80, s15, s23, $0xb8;
	[tilespmem:$0x1E800] =	vst v63  }
0x73: {  	s15 =	sadd.s32 $0xC0, s14  }
0x74: {  	[tilespmem:s29], [sflag:$0x4] =	stream.indirect.gather [hbm4b:s4+s23], $0x80, s15, s23, $0xb8;
	[tilespmem:$0x1E800] =	vst v63  }
0x75: {  	s15 =	sadd.s32 $0x1400, s14  }
0x76: {  	[spmem:s1] =	stream.indirect.scatter.add.f32 [tilespmem:s20], [sflag:$0x5], $0x80, s15, s30, $0xb8;
	[tilespmem:$0x1E800] =	vst v63  }
0x77: {  	_ =	swait.ge [sflag:s21], $0x4000  }
0x78: {  	[sflag:s21] =	ssyncset.done $0x0  }
0x79: {  	[sflag:s21] =	ssyncadd.s32 $0xFFFFC000  }
0x7a: {  	_ =	swait.ge [sflag:s31], $0x2000  }
0x7b: {  	[sflag:s31] =	ssyncset.done $0x0  }
0x7c: {  	[sflag:s31] =	ssyncadd.s32 $0xFFFFE000  }
0x7d: {  	_ =	swait.ge [sflag:s0], $0x2000  }
0x7e: {  	[sflag:s0] =	ssyncset.done $0x0  }
0x7f: {  	s15 =	sadd.s32 $0x100, s14;
	[sflag:s0] =	ssyncadd.s32 $0xFFFFE000  }
0x80: {  	[tilespmem:s20], [sflag:$0x1] =	stream.indirect.gather [hbm4b:s4+s23], $0x80, s15, s23, $0xb8;
	[tilespmem:$0x1E800] =	vst v63  }
0x81: {  	s15 =	sadd.s32 $0x140, s14  }
0x82: {  	[tilespmem:s24], [sflag:$0x2] =	stream.indirect.gather [hbm4b:s4+s23], $0x80, s15, s23, $0xb8;
	[tilespmem:$0x1E800] =	vst v63  }
.Ltmp1:
0x83: {  	_ = 	snop;
	(pc) =	sbr.rel @p0 .LBB2_4-.Ltmp1, $4  }
0x84: {  	s14 =	sadd.s32 $0x1480, s14  }
0x85: {  	[spmem:s1] =	stream.indirect.scatter.add.f32 [tilespmem:s28], [sflag:$0x5], $0x80, s14, s30, $0xb8;
	[tilespmem:$0x1E800] =	vst v63  }
0x86: {  	_ =	swait.ge [sflag:s21], $0x4000  }
0x87: {  	[sflag:s21] =	ssyncset.done $0x0  }
0x88: {  	[sflag:s21] =	ssyncadd.s32 $0xFFFFC000  }
0x89: {  	_ =	swait.ge [sflag:s25], $0x2000  }
0x8a: {  	[sflag:s25] =	ssyncset.done $0x0  }
0x8b: {  	[sflag:s25] =	ssyncadd.s32 $0xFFFFE000  }
0x8c: {  	_ =	swait.ge [sflag:s26], $0x2000  }
0x8d: {  	[sflag:s26] =	ssyncset.done $0x0  }
0x8e: {  	[sflag:s26] =	ssyncadd.s32 $0xFFFFE000  }
0x8f: {  	[tilespmem:s28], [sflag:$0x3] =	stream.indirect.gather [hbm4b:s4+s23], $0x80, s2, s23, $0xb8;
	[tilespmem:$0x1E800] =	vst v63  }
0x90: {  	_ = 	snop  }
0x91: {  	[tilespmem:s29], [sflag:$0x4] =	stream.indirect.gather [hbm4b:s4+s23], $0x80, s10, s23, $0xb8;
	[tilespmem:$0x1E800] =	vst v63  }
0x92: {  	_ = 	snop  }
0x93: {  	[spmem:s1] =	stream.indirect.scatter.add.f32 [tilespmem:s20], [sflag:$0x5], $0x80, s11, s30, $0xb8;
	[tilespmem:$0x1E800] =	vst v63  }
0x94: {  	_ =	swait.ge [sflag:s21], $0x4000  }
0x95: {  	[sflag:s21] =	ssyncset.done $0x0  }
0x96: {  	[sflag:s21] =	ssyncadd.s32 $0xFFFFC000  }
0x97: {  	_ =	swait.ge [sflag:s31], $0x2000  }
0x98: {  	[sflag:s31] =	ssyncset.done $0x0  }
0x99: {  	[sflag:s31] =	ssyncadd.s32 $0xFFFFE000  }
0x9a: {  	_ =	swait.ge [sflag:s0], $0x2000  }
0x9b: {  	[sflag:s0] =	ssyncset.done $0x0  }
0x9c: {  	[sflag:s0] =	ssyncadd.s32 $0xFFFFE000  }
0x9d: {  	[spmem:s1] =	stream.indirect.scatter.add.f32 [tilespmem:s28], [sflag:$0x5], $0x80, s12, s30, $0xb8;
	[tilespmem:$0x1E800] =	vst v63  }
0x9e: {  	_ =	swait.ge [sflag:s21], $0x4000  }
0x9f: {  	[sflag:s21] =	ssyncset.done $0x0  }
0xa0: {  	s13 =	simm.s32 $0x0;
	s14 =	rddreg [dreg:$0x6];
	[sflag:s21] =	ssyncadd.s32 $0xFFFFC000  }
0xa1: {  	[tilespmem:s13], [sflag:$0x5] =	stream.linear.gather [hbm4b:s14+s13], $0x1400, $0x38;
	[tilespmem:$0x1E800] =	vst v63  }
0xa2: {  	_ =	swait.ge [sflag:s21], $0x1400  }
0xa3: {  	[sflag:s21] =	ssyncset.done $0x0  }
0xa4: {  	s15 =	rddreg [dreg:$0x7];
	[sflag:s21] =	ssyncadd.s32 $0xFFFFEC00  }
0xa5: {  	[tilespmem:s22], [sflag:$0x5] =	stream.linear.gather [hbm4b:s15+s13], $0x1400, $0x38;
	[tilespmem:$0x1E800] =	vst v63  }
0xa6: {  	_ =	swait.ge [sflag:s21], $0x1400  }
0xa7: {  	[sflag:s21] =	ssyncset.done $0x0  }
0xa8: {  	[sflag:s21] =	ssyncadd.s32 $0xFFFFEC00  }
0xa9: {  	[tilespmem:s20], [sflag:$0x1] =	stream.indirect.gather [hbm4b:s4+s23], $0x80, s13, s23, $0xb8;
	[tilespmem:$0x1E800] =	vst v63  }
0xaa: {  	_ = 	snop  }
0xab: {  	[tilespmem:s24], [sflag:$0x2] =	stream.indirect.gather [hbm4b:s4+s23], $0x80, s23, s23, $0xb8;
	[tilespmem:$0x1E800] =	vst v63  }
0xac: {  	_ =	swait.ge [sflag:s25], $0x2000  }
0xad: {  	[sflag:s25] =	ssyncset.done $0x0  }
0xae: {  	[sflag:s25] =	ssyncadd.s32 $0xFFFFE000  }
0xaf: {  	_ =	swait.ge [sflag:s26], $0x2000  }
0xb0: {  	[sflag:s26] =	ssyncset.done $0x0  }
0xb1: {  	s14 =	simm.s32 $0x80;
	[sflag:s26] =	ssyncadd.s32 $0xFFFFE000  }
0xb2: {  	[tilespmem:s28], [sflag:$0x3] =	stream.indirect.gather [hbm4b:s4+s23], $0x80, s14, s23, $0xb8;
	[tilespmem:$0x1E800] =	vst v63  }
0xb3: {  	s15 =	simm.s32 $0xC0  }
0xb4: {  	[tilespmem:s29], [sflag:$0x4] =	stream.indirect.gather [hbm4b:s4+s23], $0x80, s15, s23, $0xb8;
	[tilespmem:$0x1E800] =	vst v63  }
0xb5: {  	s14 =	simm.s32 $0x1400  }
0xb6: {  	[spmem:s1] =	stream.indirect.scatter.add.f32 [tilespmem:s20], [sflag:$0x5], $0x80, s14, s30, $0xb8;
	[tilespmem:$0x1E800] =	vst v63  }
0xb7: {  	_ =	swait.ge [sflag:s21], $0x4000  }
0xb8: {  	[sflag:s21] =	ssyncset.done $0x0  }
0xb9: {  	[sflag:s21] =	ssyncadd.s32 $0xFFFFC000  }
0xba: {  	_ =	swait.ge [sflag:s31], $0x2000  }
0xbb: {  	[sflag:s31] =	ssyncset.done $0x0  }
0xbc: {  	[sflag:s31] =	ssyncadd.s32 $0xFFFFE000  }
0xbd: {  	_ =	swait.ge [sflag:s0], $0x2000  }
0xbe: {  	[sflag:s0] =	ssyncset.done $0x0  }
0xbf: {  	s15 =	simm.s32 $0x100;
	[sflag:s0] =	ssyncadd.s32 $0xFFFFE000  }
0xc0: {  	[tilespmem:s20], [sflag:$0x1] =	stream.indirect.gather [hbm4b:s4+s23], $0x80, s15, s23, $0xb8;
	[tilespmem:$0x1E800] =	vst v63  }
0xc1: {  	s14 =	simm.s32 $0x140  }
0xc2: {  	[tilespmem:s24], [sflag:$0x2] =	stream.indirect.gather [hbm4b:s4+s23], $0x80, s14, s23, $0xb8;
	[tilespmem:$0x1E800] =	vst v63  }
0xc3: {  	s15 =	simm.s32 $0x1480  }
0xc4: {  	[spmem:s1] =	stream.indirect.scatter.add.f32 [tilespmem:s28], [sflag:$0x5], $0x80, s15, s30, $0xb8;
	[tilespmem:$0x1E800] =	vst v63  }
0xc5: {  	_ =	swait.ge [sflag:s21], $0x4000  }
0xc6: {  	s13 =	simm.s32 $0x400;
	[sflag:s21] =	ssyncset.done $0x0  }
.LBB2_6:
0xc7: {  	p0 =	sne.s32 s13, $0x4800  }
0xc8: {  	[sflag:s21] =	ssyncadd.s32 $0xFFFFC000;
	s14 =	smov.u32 s13;
	s13 =	sadd.s32 $0x400, s13  }
0xc9: {  	_ = 	snop  }
0xca: {  	_ =	swait.ge [sflag:s25], $0x2000  }
0xcb: {  	[sflag:s25] =	ssyncset.done $0x0  }
0xcc: {  	[sflag:s25] =	ssyncadd.s32 $0xFFFFE000  }
0xcd: {  	_ =	swait.ge [sflag:s26], $0x2000  }
0xce: {  	s14 =	sshra.s32 s14, $0x2;
	[sflag:s26] =	ssyncset.done $0x0  }
0xcf: {  	s15 =	sadd.s32 $0x80, s14;
	[sflag:s26] =	ssyncadd.s32 $0xFFFFE000  }
0xd0: {  	[tilespmem:s28], [sflag:$0x3] =	stream.indirect.gather [hbm4b:s4+s23], $0x80, s15, s23, $0xb8;
	[tilespmem:$0x1E800] =	vst v63  }
0xd1: {  	s15 =	sadd.s32 $0xC0, s14  }
0xd2: {  	[tilespmem:s29], [sflag:$0x4] =	stream.indirect.gather [hbm4b:s4+s23], $0x80, s15, s23, $0xb8;
	[tilespmem:$0x1E800] =	vst v63  }
0xd3: {  	s15 =	sadd.s32 $0x1400, s14  }
0xd4: {  	[spmem:s1] =	stream.indirect.scatter.add.f32 [tilespmem:s20], [sflag:$0x5], $0x80, s15, s30, $0xb8;
	[tilespmem:$0x1E800] =	vst v63  }
0xd5: {  	_ =	swait.ge [sflag:s21], $0x4000  }
0xd6: {  	[sflag:s21] =	ssyncset.done $0x0  }
0xd7: {  	[sflag:s21] =	ssyncadd.s32 $0xFFFFC000  }
0xd8: {  	_ =	swait.ge [sflag:s31], $0x2000  }
0xd9: {  	[sflag:s31] =	ssyncset.done $0x0  }
0xda: {  	[sflag:s31] =	ssyncadd.s32 $0xFFFFE000  }
0xdb: {  	_ =	swait.ge [sflag:s0], $0x2000  }
0xdc: {  	[sflag:s0] =	ssyncset.done $0x0  }
0xdd: {  	s15 =	sadd.s32 $0x100, s14;
	[sflag:s0] =	ssyncadd.s32 $0xFFFFE000  }
0xde: {  	[tilespmem:s20], [sflag:$0x1] =	stream.indirect.gather [hbm4b:s4+s23], $0x80, s15, s23, $0xb8;
	[tilespmem:$0x1E800] =	vst v63  }
0xdf: {  	s15 =	sadd.s32 $0x140, s14  }
0xe0: {  	[tilespmem:s24], [sflag:$0x2] =	stream.indirect.gather [hbm4b:s4+s23], $0x80, s15, s23, $0xb8;
	[tilespmem:$0x1E800] =	vst v63  }
.Ltmp2:
0xe1: {  	_ = 	snop;
	(pc) =	sbr.rel @p0 .LBB2_6-.Ltmp2, $4  }
0xe2: {  	s14 =	sadd.s32 $0x1480, s14  }
0xe3: {  	[spmem:s1] =	stream.indirect.scatter.add.f32 [tilespmem:s28], [sflag:$0x5], $0x80, s14, s30, $0xb8;
	[tilespmem:$0x1E800] =	vst v63  }
0xe4: {  	_ =	swait.ge [sflag:s21], $0x4000  }
0xe5: {  	[sflag:s21] =	ssyncset.done $0x0  }
0xe6: {  	[sflag:s21] =	ssyncadd.s32 $0xFFFFC000  }
0xe7: {  	_ =	swait.ge [sflag:s25], $0x2000  }
0xe8: {  	[sflag:s25] =	ssyncset.done $0x0  }
0xe9: {  	[sflag:s25] =	ssyncadd.s32 $0xFFFFE000  }
0xea: {  	_ =	swait.ge [sflag:s26], $0x2000  }
0xeb: {  	[sflag:s26] =	ssyncset.done $0x0  }
0xec: {  	[sflag:s26] =	ssyncadd.s32 $0xFFFFE000  }
0xed: {  	[tilespmem:s28], [sflag:$0x3] =	stream.indirect.gather [hbm4b:s4+s23], $0x80, s2, s23, $0xb8;
	[tilespmem:$0x1E800] =	vst v63  }
0xee: {  	_ = 	snop  }
0xef: {  	[tilespmem:s29], [sflag:$0x4] =	stream.indirect.gather [hbm4b:s4+s23], $0x80, s10, s23, $0xb8;
	[tilespmem:$0x1E800] =	vst v63  }
0xf0: {  	_ = 	snop  }
0xf1: {  	[spmem:s1] =	stream.indirect.scatter.add.f32 [tilespmem:s20], [sflag:$0x5], $0x80, s11, s30, $0xb8;
	[tilespmem:$0x1E800] =	vst v63  }
0xf2: {  	_ =	swait.ge [sflag:s21], $0x4000  }
0xf3: {  	[sflag:s21] =	ssyncset.done $0x0  }
0xf4: {  	[sflag:s21] =	ssyncadd.s32 $0xFFFFC000  }
0xf5: {  	_ =	swait.ge [sflag:s31], $0x2000  }
0xf6: {  	[sflag:s31] =	ssyncset.done $0x0  }
0xf7: {  	[sflag:s31] =	ssyncadd.s32 $0xFFFFE000  }
0xf8: {  	_ =	swait.ge [sflag:s0], $0x2000  }
0xf9: {  	[sflag:s0] =	ssyncset.done $0x0  }
0xfa: {  	[sflag:s0] =	ssyncadd.s32 $0xFFFFE000  }
0xfb: {  	[spmem:s1] =	stream.indirect.scatter.add.f32 [tilespmem:s28], [sflag:$0x5], $0x80, s12, s30, $0xb8;
	[tilespmem:$0x1E800] =	vst v63  }
0xfc: {  	_ =	swait.ge [sflag:s21], $0x4000  }
0xfd: {  	[sflag:s21] =	ssyncset.done $0x0  }
0xfe: {  	s13 =	stileid.u32;
	[sflag:s21] =	ssyncadd.s32 $0xFFFFC000  }
0xff: {  	s13 =	sshll.u32 s13, $0x6;
	[bflag:$0x0] =	sbarrier.arrive $0xFFFF  }
0x100: {  	s14 =	sshrl.u32 s5, $0x3;
	s13 =	sor.u32 $0x1C05, s13;
	s15 =	rddreg [dreg:$0x8]  }
0x101: {  	[hbm:s15], [sflag:s13] =	dma.local [spmem:s14], $0x800  }
0x102: {  	_ =	swait.ge [sflag:s21], $0x800  }
0x103: {  	[sflag:s21] =	ssyncset.done $0x0  }
0x104: {  	s14 =	sshrl.u32 s6, $0x3;
	s15 =	rddreg [dreg:$0x9];
	[sflag:s21] =	ssyncadd.s32 $0xFFFFF800  }
0x105: {  	[hbm:s15], [sflag:s13] =	dma.local [spmem:s14], $0x800  }
0x106: {  	_ =	swait.ge [sflag:s21], $0x800  }
0x107: {  	[sflag:s21] =	ssyncset.done $0x0  }
0x108: {  	s15 =	sshrl.u32 s7, $0x3;
	[sflag:s21] =	ssyncadd.s32 $0xFFFFF800  }
0x109: {  	[hbm:s16], [sflag:s13] =	dma.local [spmem:s15], $0x800  }
0x10a: {  	_ =	swait.ge [sflag:s21], $0x800  }
0x10b: {  	[sflag:s21] =	ssyncset.done $0x0  }
0x10c: {  	s15 =	sshrl.u32 s8, $0x3;
	[sflag:s21] =	ssyncadd.s32 $0xFFFFF800  }
0x10d: {  	[hbm:s17], [sflag:s13] =	dma.local [spmem:s15], $0x800  }
0x10e: {  	s3 =	sadd.s32 $0x1, s3;
	_ =	swait.ge [sflag:s21], $0x800  }
0x10f: {  	p0 =	sne.s32 s3, s19;
	[sflag:s21] =	ssyncset.done $0x0  }
.Ltmp3:
0x110: {  	s15 =	sshrl.u32 s9, $0x3;
	[sflag:s21] =	ssyncadd.s32 $0xFFFFF800;
	(pc) =	sbr.rel @p0 .LBB2_1-.Ltmp3, $4  }
0x111: {  	[hbm:s18], [sflag:s13] =	dma.local [spmem:s15], $0x800  }
0x112: {  	_ =	swait.ge [sflag:s21], $0x800  }
0x113: {  	[sflag:s21] =	ssyncset.done $0x0  }
0x114: {  	[sflag:s21] =	ssyncadd.s32 $0xFFFFF800  }
0x115: {  	_ =	sfence.sel $0x180000  }
0x116: {  	[bflag:$0x0] =	sbarrier.arrive $0xFFFF  }
0x117: {  	_ =	strace $0x9000004D  }
0x118: {  	s0 =	stileid.u32;
	[bflag:$0x2] =	sbarrier.arrive $0xFFFF  }
0x119: {  	p0 =	sne.s32 s0, $0x0;
	s0 =	rddreg [dreg:$0x3]  }
0x11a: {  	s0 =	sadd.s32 @!p0 $0x100000, s0  }
0x11b: {  	[sflag:s0] =	ssyncadd.tile.s32 @!p0 $0x1;
	_ =	shalt  }
.Lfunc_end2:
_tile_overlayer_lowered:
.L_overlay_start_2:
0x11c: {  	(tag) =	ssettag $0x2  }
0x11d: {  	s0 =	rddreg [dreg:$0x0];
	s2 =	stileid.u32  }
0x11e: {  	s1 =	rddreg [dreg:$0x1];
	p0 =	sne.s32 s2, $0x0  }
0x11f: {  	s3 =	rddreg [dreg:$0x2];
	[bflag:$0x3] =	sbarrier.arrive $0xFFFF;
	s2 =	simm.s32 @!p0 $0x1C05  }
0x120: {  	[timem:s3], [sflag:s2] =	dma.local @!p0 [hbm:s0], s1  }
0x121: {  	s0 =	simm.s32 @!p0 $0x5  }
0x122: {  	_ =	swait.ge @!p0 [sflag:s0], s1  }
0x123: {  	s1 =	ssub.s32 @!p0 $0x0, s1;
	[sflag:s0] =	ssyncset.done @!p0 $0x0  }
0x124: {  	[sflag:s0] =	ssyncadd.s32 @!p0 s1  }
0x125: {  	[bflag:$0x3] =	sbarrier.arrive $0xFFFF  }
0x126: {  	_ =	shalt  }

// kernel: kernel.19.cloned.1.call-start
scs
__scs_entry_jumppad:
0x0: {  	(pc) =	sbr.rel $0x88, $3  }
0x1: {  	(tag) =	ssettag $0x0;
	lr =	simm.s32 $0x1  }
0x2: {  	[smem:$0x3F99] =	sst lr;
	_ =	strace $0xD0000000  }
0x3: {  	_ = 	snop  }
0x4: {  	_ = 	snop  }
0x5: {  	_ = 	snop  }
0x6: {  	_ = 	snop  }
0x7: {  	_ = 	snop  }
__scs_overlays_trampoline_lowered:
0x8: {  	[smem:$0x3FA8] =	sst s0  }
0x9: {  	[smem:$0x3FA9] =	sst s1  }
0xa: {  	[smem:$0x3FAA] =	sst s2  }
0xb: {  	[smem:$0x3FAB] =	sst s3  }
0xc: {  	[smem:$0x3FAC] =	sst s4  }
0xd: {  	[smem:$0x3FAD] =	sst s5  }
0xe: {  	[smem:$0x3FAE] =	sst s6  }
0xf: {  	[smem:$0x3FAF] =	sst s7  }
0x10: {  	[smem:$0x3FB0] =	sst s8  }
0x11: {  	[smem:$0x3FB1] =	sst s9;
	s0 =	simm.s32 @!p0 $0x0  }
0x12: {  	s1 =	sld [smem:$0x3F97];
	s0 =	simm.s32 @p0 $0x1  }
0x13: {  	[smem:$0x3FB2] =	sst s0;
	s0 =	simm.s32 @!p1 $0x0  }
0x14: {  	s2 =	sld [smem:$0x3F96];
	s0 =	simm.s32 @p1 $0x1  }
0x15: {  	[smem:$0x3FB3] =	sst s0;
	s0 =	simm.s32 @!p2 $0x0  }
0x16: {  	s3 =	sld [smem:$0x3FDB];
	s0 =	simm.s32 @p2 $0x1  }
0x17: {  	s4 =	simm.s32 $0x1BF5;
	[smem:$0x3FB5] =	sst s0  }
0x18: {  	s0 =	sld [smem:$0x3F98];
	_ =	swait.ge [sflag:s4], $0x0  }
0x19: {  	s7 =	sld [smem:$0x3F99]  }
0x1a: {  	s8 =	sadd.s32 $0xFFFFE003, lr  }
0x1b: {  	s9 =	sadd.s32 $0xFFFFFEF7, lr;
	s5 =	simm.s32 $0xFFFFFFFF;
	p2 =	slt.u32 s8, $0xFFFFF086  }
0x1c: {  	p1 =	slt.u32 s9, $0xF7A;
	s5 =	simm.s32 @!p2 $0x0  }
0x1d: {  	s5 =	simm.s32 @p1 $0x1;
	p0 =	seq.s32 s7, s2  }
0x1e: {  	s7 =	smul.u32 @!p0 $0xF7A, s2;
	p2 =	seq.s32 @!p0 s5, $0x0  }
0x1f: {  	s9 =	smul.u32 $0xF7A, s1;
	s8 =	simm.s32 @!p0 $0x1BF5;
	p2 =	por !p2, p0  }
0x20: {  	[sflag:s8] =	ssyncset.s32 @!p0 $0xFFFFF086;
	s6 =	sadd.s32 @!p0 s3, s7;
	s7 =	simm.s32 @!p0 $0x108  }
0x21: {  	s3 =	sadd.s32 s3, s9;
	s6 =	sadd.s32 @!p0 $0x88, s6;
	s7 =	simm.s32 @p2 $0x1082  }
0x22: {  	[simem:s7], [sflag:s8] =	dma.local @!p0 [hbm:s6], $0xF7A  }
0x23: {  	s9 =	sor.u32 $0xD0000000, s2;
	s6 =	simm.s32 $0x108;
	_ =	swait.ge @!p0 [sflag:s8], $0x0  }
0x24: {  	s3 =	sadd.s32 $0x88, s3;
	s6 =	simm.s32 @!p1 $0x1082;
	[sflag:s4] =	ssyncset.s32 $0xFFFFF086  }
0x25: {  	[simem:s6], [sflag:s4] =	dma.local [hbm:s3], $0xF7A  }
0x26: {  	[smem:$0x3F99] =	sst s1;
	(tag) =	ssettag s2;
	_ =	strace s9  }
0x27: {  	s1 =	sld [smem:$0x3FA9]  }
0x28: {  	s2 =	sld [smem:$0x3FAA]  }
0x29: {  	s4 =	sld [smem:$0x3FAC]  }
0x2a: {  	p0 =	seq.s32 s5, $0x0;
	s5 =	sld [smem:$0x3FAD]  }
0x2b: {  	s6 =	sld [smem:$0x3FAE]  }
0x2c: {  	s7 =	sld [smem:$0x3FAF]  }
0x2d: {  	s3 =	simm.s32 $0x108;
	s8 =	sld [smem:$0x3FB0]  }
0x2e: {  	s3 =	simm.s32 @!p0 $0x1082;
	s9 =	sld [smem:$0x3FB1]  }
0x2f: {  	lr =	sadd.s32 s0, s3;
	s0 =	sld [smem:$0x3FA8]  }
0x30: {  	s3 =	sld [smem:$0x3FAB]  }
0x31: {  	[smem:$0x3FB4] =	sst s10  }
0x32: {  	s10 =	sld [smem:$0x3FB2];
	_ =	sdelay $0x3  }
0x33: {  	p0 =	seq.s32 s10, $0x1;
	s10 =	sld [smem:$0x3FB4];
	_ =	sdelay $0x3  }
0x34: {  	[smem:$0x3FB4] =	sst s10  }
0x35: {  	s10 =	sld [smem:$0x3FB3];
	_ =	sdelay $0x3  }
0x36: {  	p1 =	seq.s32 s10, $0x1;
	s10 =	sld [smem:$0x3FB4];
	_ =	sdelay $0x3  }
0x37: {  	[smem:$0x3FB4] =	sst s10  }
0x38: {  	s10 =	sld [smem:$0x3FB5]  }
0x39: {  	_ = 	snop;
	(pc) =	sbr.ind lr, $3  }
0x3a: {  	_ = 	snop  }
0x3b: {  	_ = 	snop  }
0x3c: {  	p2 =	seq.s32 s10, $0x1;
	s10 =	sld [smem:$0x3FB4]  }
0x3d: {  	_ =	shalt  }
0x3e: {  	_ =	shalt  }
0x3f: {  	_ =	shalt  }
0x40: {  	_ =	shalt  }
0x41: {  	_ =	shalt  }
0x42: {  	_ =	shalt  }
0x43: {  	_ =	shalt  }
0x44: {  	_ =	shalt  }
0x45: {  	_ =	shalt  }
0x46: {  	_ =	shalt  }
0x47: {  	_ =	shalt  }
0x48: {  	_ =	shalt  }
0x49: {  	_ =	shalt  }
0x4a: {  	_ =	shalt  }
0x4b: {  	_ =	shalt  }
0x4c: {  	_ =	shalt  }
0x4d: {  	_ =	shalt  }
0x4e: {  	_ =	shalt  }
0x4f: {  	_ =	shalt  }
0x50: {  	_ =	shalt  }
0x51: {  	_ =	shalt  }
0x52: {  	_ =	shalt  }
0x53: {  	_ =	shalt  }
0x54: {  	_ =	shalt  }
0x55: {  	_ =	shalt  }
0x56: {  	_ =	shalt  }
0x57: {  	_ =	shalt  }
0x58: {  	_ =	shalt  }
0x59: {  	_ =	shalt  }
0x5a: {  	_ =	shalt  }
0x5b: {  	_ =	shalt  }
0x5c: {  	_ =	shalt  }
0x5d: {  	_ =	shalt  }
0x5e: {  	_ =	shalt  }
0x5f: {  	_ =	shalt  }
0x60: {  	_ =	shalt  }
0x61: {  	_ =	shalt  }
0x62: {  	_ =	shalt  }
0x63: {  	_ =	shalt  }
0x64: {  	_ =	shalt  }
0x65: {  	_ =	shalt  }
0x66: {  	_ =	shalt  }
0x67: {  	_ =	shalt  }
0x68: {  	_ =	shalt  }
0x69: {  	_ =	shalt  }
0x6a: {  	_ =	shalt  }
0x6b: {  	_ =	shalt  }
0x6c: {  	_ =	shalt  }
0x6d: {  	_ =	shalt  }
0x6e: {  	_ =	shalt  }
0x6f: {  	_ =	shalt  }
0x70: {  	_ =	shalt  }
0x71: {  	_ =	shalt  }
0x72: {  	_ =	shalt  }
0x73: {  	_ =	shalt  }
0x74: {  	_ =	shalt  }
0x75: {  	_ =	shalt  }
0x76: {  	_ =	shalt  }
0x77: {  	_ =	shalt  }
0x78: {  	_ =	shalt  }
0x79: {  	_ =	shalt  }
0x7a: {  	_ =	shalt  }
0x7b: {  	_ =	shalt  }
0x7c: {  	_ =	shalt  }
0x7d: {  	_ =	shalt  }
0x7e: {  	_ =	shalt  }
0x7f: {  	_ =	shalt  }
0x80: {  	_ =	shalt  }
0x81: {  	_ =	shalt  }
0x82: {  	_ =	shalt  }
0x83: {  	_ =	shalt  }
0x84: {  	_ =	shalt  }
0x85: {  	_ =	shalt  }
0x86: {  	_ =	shalt  }
0x87: {  	_ =	shalt  }
.Lfunc_end0:
.L_simem_size_0:
called_computation.3_lowered:
.L_overlay_start_0:
0x88: {  	s2 =	sld [smem:$0x3FD9]  }
0x89: {  	s3 =	sld [smem:$0x3FFE];
	_ =	sdelay $0x1  }
0x8a: {  	s1 =	srdreg.scid  }
0x8b: {  	s0 =	sand.u32 $0x1, s1  }
0x8c: {  	s17 =	sshll.u32 s0, $0xA;
	s2 =	sadd.s32 s3, s2  }
0x8d: {  	s2 =	sadd.s32 s2, s17  }
0x8e: {  	[smem:$0x3FC0] =	sst s2  }
0x8f: {  	_ = 	snop  }
0x90: {  	s2 =	sld [smem:$0x3FD0];
	(tm) =	ssettm $0x1  }
0x91: {  	s18 =	sld [smem:$0x3FFB];
	_ =	sdelay $0x3  }
0x92: {  	_ =	strace s18  }
0x93: {  	s3 =	sld [smem:$0x3FFC];
	_ =	sdelay $0x3  }
0x94: {  	_ =	strace s3  }
0x95: {  	s3 =	sld [smem:$0x3FFD];
	_ =	sdelay $0x3  }
0x96: {  	_ =	strace s3  }
0x97: {  	_ =	strace $0x8FFFFFFF  }
0x98: {  	s19 =	sld [smem:$0x3FDB];
	_ =	sdelay $0x1  }
0x99: {  	s4 =	simm.s32 $_scs_section_size  }
0x9a: {  	s5 =	simm.s32 $_size__tile_overlayer_lowered;
	s6 =	simm.s32 $_tile_overlayer_lowered  }
0x9b: {  	s22 =	simm.s32 $0x1BFF;
	s21 =	sshll.u32 s6, $0x1;
	s3 =	sadd.s32 s4, s19  }
0x9c: {  	s7 =	simm.s32 $0x0;
	s20 =	sshll.u32 s5, $0x1;
	s5 =	sadd.s32 s21, s3  }
0x9d: {  	[timem:s7], [sflag:s22] =	dma.local [hbm:s5], s20  }
0x9e: {  	_ =	swait.ge [sflag:s22], s20  }
0x9f: {  	s4 =	ssub.s32 $0x0, s20;
	[sflag:s22] =	ssyncset.done $0x0  }
0xa0: {  	[sflag:s22] =	ssyncadd.s32 s4;
	_ =	sdelay $0x1  }
0xa1: {  	s23 =	simm.s32 $0x1B8B  }
0xa2: {  	_ =	swait.ge [sflag:s23], $0x1  }
0xa3: {  	[sflag:s23] =	ssyncset.done $0x0  }
0xa4: {  	s25 =	simm.s32 $0x1B8E;
	s24 =	sld [smem:$0x3FFE];
	[sflag:s23] =	ssyncadd.s32 $0xFFFFFFFF  }
0xa5: {  	s26 =	simm.s32 $execute0_lowered;
	[smem:$0x3FD2] =	sst s25  }
0xa6: {  	s5 =	sshll.u32 s26, $0x1;
	_ =	strace $0x8000004F;
	[dreg:$0x1] =	wrdreg $0xFFFFFFFF  }
0xa7: {  	s28 =	simm.s32 $_size_execute0_lowered;
	s3 =	sadd.s32 s3, s5;
	[dreg:$0x0] =	wrdreg $0x0  }
0xa8: {  	s5 =	sshll.u32 s28, $0x1;
	[dreg:$0x2] =	wrdreg s3  }
0xa9: {  	[dreg:$0x3] =	wrdreg s5  }
0xaa: {  	[dreg:$0x4] =	wrdreg $0xC0  }
0xab: {  	_ =	task [dreg:s7], $0x5FFFF  }
0xac: {  	[dreg:$0x1] =	wrdreg $0xFFFFFFFF  }
0xad: {  	[dreg:$0x0] =	wrdreg $0x60  }
0xae: {  	[dreg:$0x2] =	wrdreg s24  }
0xaf: {  	[dreg:$0x3] =	wrdreg s2  }
0xb0: {  	[dreg:$0x4] =	wrdreg $0xA8000  }
0xb1: {  	[dreg:$0x5] =	wrdreg $0x9  }
0xb2: {  	_ =	task.clear_ibuf [dreg:s7], $0x6FFFF;
	_ =	strace $0x9000004F  }
0xb3: {  	s29 =	simm.s32 $0x9;
	_ =	strace $0x80000051  }
0xb4: {  	_ =	swait.ge [sflag:s29], $0x1  }
0xb5: {  	[sflag:s29] =	ssyncadd.s32 $0xFFFFFFFF  }
0xb6: {  	_ =	strace $0x90000051  }
0xb7: {  	_ =	sfence  }
0xb8: {  	s30 =	sld [smem:$0x0];
	_ =	sdelay $0x2  }
0xb9: {  	s31 =	sshll.u32 s1, $0xD;
	s1 =	sshrl.u32 s1, $0x2  }
0xba: {  	s3 =	sand.u32 $0x4000, s31;
	s1 =	sadd.s32 s1, s30  }
0xbb: {  	s0 =	sor.u32 s3, s0;
	s1 =	sshll.u32 s1, $0x11  }
0xbc: {  	s0 =	sor.u32 s1, s0  }
0xbd: {  	s0 =	sadd.s32 $0x8F2B, s0  }
0xbe: {  	[sflag:s0] =	ssyncadd.remote.s32 $0x1  }
0xbf: {  	_ =	sfence.sel $0xFFFF  }
0xc0: {  	[dreg:$0x0] =	wrdreg $0xFFFFFFFF;
	(pc) =	sbr.abs _section_cstart, $3  }
0xc1: {  	[dreg:$0x1] =	wrdreg $0xFFFFFFFF  }
0xc2: {  	_ =	task.clear_ibuf [dreg:s7], $0x2FFFF;
	_ =	strace $0x9FFFFFFF  }
0xc3: {  	(tm) =	ssettm $0x7FFFFFFF  }
tec
execute0_lowered:
.L_overlay_start_1:
0x0: {  	(tag) =	ssettag $0x1  }
0x1: {  	s0 =	rddreg [dreg:$0x0]  }
0x2: {  	s2 =	rddreg [dreg:$0x1]  }
0x3: {  	s1 =	rddreg [dreg:$0x2]  }
0x4: {  	s3 =	simm.s32 $0x0;
	s4 =	srdreg.scid;
	s13 =	stileid.u32  }
0x5: {  	s28 =	simm.s32 $0x6800;
	s29 =	simm.s32 $0x8800;
	s30 =	simm.s32 $0x80  }
0x6: {  	s31 =	simm.s32 $0x3;
	[smem:$0x7FF] =	sst s3;
	s8 =	sand.u32 $0x1, s4  }
0x7: {  	s4 =	sadd.s32 $0xD600, s0;
	s6 =	smul.u32 $0x50000, s13;
	s10 =	sadd.s32 $0x3600, s0  }
0x8: {  	s0 =	sadd.s32 $0x35600, s0;
	s11 =	smul.u32 $0x14000, s13;
	_ =	strace $0x80000050  }
0x9: {  	s5 =	ssub.s32 $0x2, s8;
	s9 =	sshll.u32 s8, $0x4;
	s18 =	smul.u32 $0x140000, s8  }
0xa: {  	s7 =	sshrl.u32 s5, $0x1;
	s6 =	sshrl.u32 s6, $0x2;
	s24 =	sor.u32 s13, s9  }
0xb: {  	s25 =	sadd.s32 $0x4000, s11;
	s14 =	sadd.s32 $0x8000, s11;
	s16 =	sadd.s32 $0xC000, s11  }
0xc: {  	s17 =	sadd.s32 $0x10000, s11;
	s12 =	ssub.s32 s5, s7;
	s5 =	sadd.s32 s6, s1  }
0xd: {  	s9 =	smul.u32 $0x2800, s24;
	s6 =	sadd.s32 s25, s1;
	s7 =	sadd.s32 s14, s1  }
0xe: {  	s8 =	sadd.s32 s16, s1;
	s11 =	sadd.s32 s11, s18;
	s20 =	sadd.s32 s18, s25  }
0xf: {  	s23 =	sadd.s32 s18, s14;
	s24 =	sadd.s32 s18, s16;
	s15 =	sshrl.u32 s9, $0x3  }
0x10: {  	s25 =	sadd.s32 s18, s17;
	s22 =	sshrl.u32 s20, $0x3;
	s19 =	sadd.s32 s10, s15  }
0x11: {  	s20 =	simm.s32 $0x2800;
	s26 =	sadd.s32 s2, s15;
	[dreg:$0x4] =	wrdreg s19  }
0x12: {  	s9 =	sadd.s32 s17, s1;
	s15 =	sadd.s32 $0x280, s15;
	[dreg:$0x5] =	wrdreg s26  }
0x13: {  	s10 =	sadd.s32 s10, s15;
	s19 =	sshrl.u32 s11, $0x3;
	s2 =	sadd.s32 s2, s15  }
0x14: {  	s26 =	sshrl.u32 s25, $0x3;
	s25 =	simm.s32 $0x1;
	[dreg:$0x6] =	wrdreg s10  }
0x15: {  	s11 =	simm.s32 $0x2700;
	[dreg:$0x7] =	wrdreg s2;
	s21 =	sadd.s32 s0, s19  }
0x16: {  	s2 =	sadd.s32 s0, s22;
	s10 =	sshrl.u32 s24, $0x3;
	s18 =	sadd.s32 s0, s26  }
0x17: {  	s19 =	smax.u32 s12, $0x1;
	s22 =	simm.s32 $0x1400;
	s24 =	simm.s32 $0x4800  }
0x18: {  	s26 =	simm.s32 $0x2;
	s12 =	simm.s32 $0x2780;
	[dreg:$0x8] =	wrdreg s21  }
0x19: {  	[dreg:$0x9] =	wrdreg s2;
	s2 =	sshrl.u32 s23, $0x3;
	s17 =	sadd.s32 s0, s10  }
0x1a: {  	s21 =	simm.s32 $0x5;
	s23 =	simm.s32 $0x40;
	s10 =	simm.s32 $0x13C0  }
0x1b: {  	v0 =	vimm.f32 $0.0e+00;
	s16 =	sadd.s32 s0, s2;
	s0 =	simm.s32 $0x4;
	s2 =	simm.s32 $0x1380  }
.LBB2_1:
0x1c: {  	s13 =	simm.s32 $0x0;
	s14 =	simm.s32 $0x200  }
.LBB2_2:
0x1d: {  	p0 =	sne.s32 s14, $0xFE00;
	[tilespmem:s13+$0x2870] =	vst v0  }
0x1e: {  	[tilespmem:s13+$0x2800] =	vst v0  }
0x1f: {  	[tilespmem:s13+$0x2810] =	vst v0  }
.Ltmp0:
0x20: {  	[tilespmem:s13+$0x2820] =	vst v0;
	(pc) =	sbr.rel @p0 .LBB2_2-.Ltmp0, $4  }
0x21: {  	[tilespmem:s13+$0x2830] =	vst v0  }
0x22: {  	[tilespmem:s13+$0x2840] =	vst v0  }
0x23: {  	[tilespmem:s13+$0x2850] =	vst v0  }
0x24: {  	[tilespmem:s13+$0x2860] =	vst v0;
	s13 =	sshra.s32 s14, $0x2;
	s14 =	sadd.s32 $0x200, s14  }
0x25: {  	[tilespmem:s13+$0x2870] =	vst v0  }
0x26: {  	[tilespmem:s13+$0x2800] =	vst v0  }
0x27: {  	[tilespmem:s13+$0x2810] =	vst v0  }
0x28: {  	[tilespmem:s13+$0x2820] =	vst v0  }
0x29: {  	[tilespmem:s13+$0x2830] =	vst v0  }
0x2a: {  	[tilespmem:s13+$0x2840] =	vst v0  }
0x2b: {  	[tilespmem:s13+$0x2850] =	vst v0  }
0x2c: {  	[tilespmem:s13+$0x2860] =	vst v0  }
0x2d: {  	[spmem:s5] =	stream.linear.scatter [tilespmem:s20], [sflag:$0x5], $0x4000, $0x38;
	[tilespmem:$0x1E800] =	vst v63  }
0x2e: {  	_ =	swait.ge [sflag:s21], $0x4000  }
0x2f: {  	[sflag:s21] =	ssyncset.done $0x0  }
0x30: {  	[sflag:s21] =	ssyncadd.s32 $0xFFFFC000  }
0x31: {  	[spmem:s6] =	stream.linear.scatter [tilespmem:s20], [sflag:$0x5], $0x4000, $0x38;
	[tilespmem:$0x1E800] =	vst v63  }
0x32: {  	_ =	swait.ge [sflag:s21], $0x4000  }
0x33: {  	[sflag:s21] =	ssyncset.done $0x0  }
0x34: {  	[sflag:s21] =	ssyncadd.s32 $0xFFFFC000  }
0x35: {  	[spmem:s7] =	stream.linear.scatter [tilespmem:s20], [sflag:$0x5], $0x4000, $0x38;
	[tilespmem:$0x1E800] =	vst v63  }
0x36: {  	_ =	swait.ge [sflag:s21], $0x4000  }
0x37: {  	[sflag:s21] =	ssyncset.done $0x0  }
0x38: {  	[sflag:s21] =	ssyncadd.s32 $0xFFFFC000  }
0x39: {  	[spmem:s8] =	stream.linear.scatter [tilespmem:s20], [sflag:$0x5], $0x4000, $0x38;
	[tilespmem:$0x1E800] =	vst v63  }
0x3a: {  	_ =	swait.ge [sflag:s21], $0x4000  }
0x3b: {  	[sflag:s21] =	ssyncset.done $0x0  }
0x3c: {  	[sflag:s21] =	ssyncadd.s32 $0xFFFFC000  }
0x3d: {  	[spmem:s9] =	stream.linear.scatter [tilespmem:s20], [sflag:$0x5], $0x4000, $0x38;
	[tilespmem:$0x1E800] =	vst v63  }
0x3e: {  	_ =	swait.ge [sflag:s21], $0x4000  }
0x3f: {  	[sflag:s21] =	ssyncset.done $0x0  }
0x40: {  	[sflag:s21] =	ssyncadd.s32 $0xFFFFC000  }
0x41: {  	[bflag:$0x0] =	sbarrier.arrive $0xFFFF  }
0x42: {  	s13 =	simm.s32 $0x0;
	s14 =	rddreg [dreg:$0x4]  }
0x43: {  	[tilespmem:s13], [sflag:$0x5] =	stream.linear.gather [hbm4b:s14+s13], $0x1400, $0x38;
	[tilespmem:$0x1E800] =	vst v63  }
0x44: {  	_ =	swait.ge [sflag:s21], $0x1400  }
0x45: {  	[sflag:s21] =	ssyncset.done $0x0  }
0x46: {  	s15 =	rddreg [dreg:$0x5];
	[sflag:s21] =	ssyncadd.s32 $0xFFFFEC00  }
0x47: {  	[tilespmem:s22], [sflag:$0x5] =	stream.linear.gather [hbm4b:s15+s13], $0x1400, $0x38;
	[tilespmem:$0x1E800] =	vst v63  }
0x48: {  	_ =	swait.ge [sflag:s21], $0x1400  }
0x49: {  	[sflag:s21] =	ssyncset.done $0x0  }
0x4a: {  	[sflag:s21] =	ssyncadd.s32 $0xFFFFEC00  }
0x4b: {  	[tilespmem:s20], [sflag:$0x1] =	stream.indirect.gather [hbm4b:s4+s23], $0x80, s13, s23, $0xb8;
	[tilespmem:$0x1E800] =	vst v63  }
0x4c: {  	_ = 	snop  }
0x4d: {  	[tilespmem:s24], [sflag:$0x2] =	stream.indirect.gather [hbm4b:s4+s23], $0x80, s23, s23, $0xb8;
	[tilespmem:$0x1E800] =	vst v63  }
0x4e: {  	_ =	swait.ge [sflag:s25], $0x2000  }
0x4f: {  	[sflag:s25] =	ssyncset.done $0x0  }
0x50: {  	[sflag:s25] =	ssyncadd.s32 $0xFFFFE000  }
0x51: {  	_ =	swait.ge [sflag:s26], $0x2000  }
0x52: {  	[sflag:s26] =	ssyncset.done $0x0  }
0x53: {  	s14 =	simm.s32 $0x80;
	[sflag:s26] =	ssyncadd.s32 $0xFFFFE000  }
0x54: {  	[tilespmem:s28], [sflag:$0x3] =	stream.indirect.gather [hbm4b:s4+s23], $0x80, s14, s23, $0xb8;
	[tilespmem:$0x1E800] =	vst v63  }
0x55: {  	s15 =	simm.s32 $0xC0  }
0x56: {  	[tilespmem:s29], [sflag:$0x4] =	stream.indirect.gather [hbm4b:s4+s23], $0x80, s15, s23, $0xb8;
	[tilespmem:$0x1E800] =	vst v63  }
0x57: {  	s14 =	simm.s32 $0x1400  }
0x58: {  	[spmem:s1] =	stream.indirect.scatter.add.f32 [tilespmem:s20], [sflag:$0x5], $0x80, s14, s30, $0xb8;
	[tilespmem:$0x1E800] =	vst v63  }
0x59: {  	_ =	swait.ge [sflag:s21], $0x4000  }
0x5a: {  	[sflag:s21] =	ssyncset.done $0x0  }
0x5b: {  	[sflag:s21] =	ssyncadd.s32 $0xFFFFC000  }
0x5c: {  	_ =	swait.ge [sflag:s31], $0x2000  }
0x5d: {  	[sflag:s31] =	ssyncset.done $0x0  }
0x5e: {  	[sflag:s31] =	ssyncadd.s32 $0xFFFFE000  }
0x5f: {  	_ =	swait.ge [sflag:s0], $0x2000  }
0x60: {  	[sflag:s0] =	ssyncset.done $0x0  }
0x61: {  	s15 =	simm.s32 $0x100;
	[sflag:s0] =	ssyncadd.s32 $0xFFFFE000  }
0x62: {  	[tilespmem:s20], [sflag:$0x1] =	stream.indirect.gather [hbm4b:s4+s23], $0x80, s15, s23, $0xb8;
	[tilespmem:$0x1E800] =	vst v63  }
0x63: {  	s14 =	simm.s32 $0x140  }
0x64: {  	[tilespmem:s24], [sflag:$0x2] =	stream.indirect.gather [hbm4b:s4+s23], $0x80, s14, s23, $0xb8;
	[tilespmem:$0x1E800] =	vst v63  }
0x65: {  	s15 =	simm.s32 $0x1480  }
0x66: {  	[spmem:s1] =	stream.indirect.scatter.add.f32 [tilespmem:s28], [sflag:$0x5], $0x80, s15, s30, $0xb8;
	[tilespmem:$0x1E800] =	vst v63  }
0x67: {  	_ =	swait.ge [sflag:s21], $0x4000  }
0x68: {  	s13 =	simm.s32 $0x400;
	[sflag:s21] =	ssyncset.done $0x0  }
.LBB2_4:
0x69: {  	p0 =	sne.s32 s13, $0x4800  }
0x6a: {  	[sflag:s21] =	ssyncadd.s32 $0xFFFFC000;
	s14 =	smov.u32 s13;
	s13 =	sadd.s32 $0x400, s13  }
0x6b: {  	_ = 	snop  }
0x6c: {  	_ =	swait.ge [sflag:s25], $0x2000  }
0x6d: {  	[sflag:s25] =	ssyncset.done $0x0  }
0x6e: {  	[sflag:s25] =	ssyncadd.s32 $0xFFFFE000  }
0x6f: {  	_ =	swait.ge [sflag:s26], $0x2000  }
0x70: {  	s14 =	sshra.s32 s14, $0x2;
	[sflag:s26] =	ssyncset.done $0x0  }
0x71: {  	s15 =	sadd.s32 $0x80, s14;
	[sflag:s26] =	ssyncadd.s32 $0xFFFFE000  }
0x72: {  	[tilespmem:s28], [sflag:$0x3] =	stream.indirect.gather [hbm4b:s4+s23], $0x80, s15, s23, $0xb8;
	[tilespmem:$0x1E800] =	vst v63  }
0x73: {  	s15 =	sadd.s32 $0xC0, s14  }
0x74: {  	[tilespmem:s29], [sflag:$0x4] =	stream.indirect.gather [hbm4b:s4+s23], $0x80, s15, s23, $0xb8;
	[tilespmem:$0x1E800] =	vst v63  }
0x75: {  	s15 =	sadd.s32 $0x1400, s14  }
0x76: {  	[spmem:s1] =	stream.indirect.scatter.add.f32 [tilespmem:s20], [sflag:$0x5], $0x80, s15, s30, $0xb8;
	[tilespmem:$0x1E800] =	vst v63  }
0x77: {  	_ =	swait.ge [sflag:s21], $0x4000  }
0x78: {  	[sflag:s21] =	ssyncset.done $0x0  }
0x79: {  	[sflag:s21] =	ssyncadd.s32 $0xFFFFC000  }
0x7a: {  	_ =	swait.ge [sflag:s31], $0x2000  }
0x7b: {  	[sflag:s31] =	ssyncset.done $0x0  }
0x7c: {  	[sflag:s31] =	ssyncadd.s32 $0xFFFFE000  }
0x7d: {  	_ =	swait.ge [sflag:s0], $0x2000  }
0x7e: {  	[sflag:s0] =	ssyncset.done $0x0  }
0x7f: {  	s15 =	sadd.s32 $0x100, s14;
	[sflag:s0] =	ssyncadd.s32 $0xFFFFE000  }
0x80: {  	[tilespmem:s20], [sflag:$0x1] =	stream.indirect.gather [hbm4b:s4+s23], $0x80, s15, s23, $0xb8;
	[tilespmem:$0x1E800] =	vst v63  }
0x81: {  	s15 =	sadd.s32 $0x140, s14  }
0x82: {  	[tilespmem:s24], [sflag:$0x2] =	stream.indirect.gather [hbm4b:s4+s23], $0x80, s15, s23, $0xb8;
	[tilespmem:$0x1E800] =	vst v63  }
.Ltmp1:
0x83: {  	_ = 	snop;
	(pc) =	sbr.rel @p0 .LBB2_4-.Ltmp1, $4  }
0x84: {  	s14 =	sadd.s32 $0x1480, s14  }
0x85: {  	[spmem:s1] =	stream.indirect.scatter.add.f32 [tilespmem:s28], [sflag:$0x5], $0x80, s14, s30, $0xb8;
	[tilespmem:$0x1E800] =	vst v63  }
0x86: {  	_ =	swait.ge [sflag:s21], $0x4000  }
0x87: {  	[sflag:s21] =	ssyncset.done $0x0  }
0x88: {  	[sflag:s21] =	ssyncadd.s32 $0xFFFFC000  }
0x89: {  	_ =	swait.ge [sflag:s25], $0x2000  }
0x8a: {  	[sflag:s25] =	ssyncset.done $0x0  }
0x8b: {  	[sflag:s25] =	ssyncadd.s32 $0xFFFFE000  }
0x8c: {  	_ =	swait.ge [sflag:s26], $0x2000  }
0x8d: {  	[sflag:s26] =	ssyncset.done $0x0  }
0x8e: {  	[sflag:s26] =	ssyncadd.s32 $0xFFFFE000  }
0x8f: {  	[tilespmem:s28], [sflag:$0x3] =	stream.indirect.gather [hbm4b:s4+s23], $0x80, s2, s23, $0xb8;
	[tilespmem:$0x1E800] =	vst v63  }
0x90: {  	_ = 	snop  }
0x91: {  	[tilespmem:s29], [sflag:$0x4] =	stream.indirect.gather [hbm4b:s4+s23], $0x80, s10, s23, $0xb8;
	[tilespmem:$0x1E800] =	vst v63  }
0x92: {  	_ = 	snop  }
0x93: {  	[spmem:s1] =	stream.indirect.scatter.add.f32 [tilespmem:s20], [sflag:$0x5], $0x80, s11, s30, $0xb8;
	[tilespmem:$0x1E800] =	vst v63  }
0x94: {  	_ =	swait.ge [sflag:s21], $0x4000  }
0x95: {  	[sflag:s21] =	ssyncset.done $0x0  }
0x96: {  	[sflag:s21] =	ssyncadd.s32 $0xFFFFC000  }
0x97: {  	_ =	swait.ge [sflag:s31], $0x2000  }
0x98: {  	[sflag:s31] =	ssyncset.done $0x0  }
0x99: {  	[sflag:s31] =	ssyncadd.s32 $0xFFFFE000  }
0x9a: {  	_ =	swait.ge [sflag:s0], $0x2000  }
0x9b: {  	[sflag:s0] =	ssyncset.done $0x0  }
0x9c: {  	[sflag:s0] =	ssyncadd.s32 $0xFFFFE000  }
0x9d: {  	[spmem:s1] =	stream.indirect.scatter.add.f32 [tilespmem:s28], [sflag:$0x5], $0x80, s12, s30, $0xb8;
	[tilespmem:$0x1E800] =	vst v63  }
0x9e: {  	_ =	swait.ge [sflag:s21], $0x4000  }
0x9f: {  	[sflag:s21] =	ssyncset.done $0x0  }
0xa0: {  	s13 =	simm.s32 $0x0;
	s14 =	rddreg [dreg:$0x6];
	[sflag:s21] =	ssyncadd.s32 $0xFFFFC000  }
0xa1: {  	[tilespmem:s13], [sflag:$0x5] =	stream.linear.gather [hbm4b:s14+s13], $0x1400, $0x38;
	[tilespmem:$0x1E800] =	vst v63  }
0xa2: {  	_ =	swait.ge [sflag:s21], $0x1400  }
0xa3: {  	[sflag:s21] =	ssyncset.done $0x0  }
0xa4: {  	s15 =	rddreg [dreg:$0x7];
	[sflag:s21] =	ssyncadd.s32 $0xFFFFEC00  }
0xa5: {  	[tilespmem:s22], [sflag:$0x5] =	stream.linear.gather [hbm4b:s15+s13], $0x1400, $0x38;
	[tilespmem:$0x1E800] =	vst v63  }
0xa6: {  	_ =	swait.ge [sflag:s21], $0x1400  }
0xa7: {  	[sflag:s21] =	ssyncset.done $0x0  }
0xa8: {  	[sflag:s21] =	ssyncadd.s32 $0xFFFFEC00  }
0xa9: {  	[tilespmem:s20], [sflag:$0x1] =	stream.indirect.gather [hbm4b:s4+s23], $0x80, s13, s23, $0xb8;
	[tilespmem:$0x1E800] =	vst v63  }
0xaa: {  	_ = 	snop  }
0xab: {  	[tilespmem:s24], [sflag:$0x2] =	stream.indirect.gather [hbm4b:s4+s23], $0x80, s23, s23, $0xb8;
	[tilespmem:$0x1E800] =	vst v63  }
0xac: {  	_ =	swait.ge [sflag:s25], $0x2000  }
0xad: {  	[sflag:s25] =	ssyncset.done $0x0  }
0xae: {  	[sflag:s25] =	ssyncadd.s32 $0xFFFFE000  }
0xaf: {  	_ =	swait.ge [sflag:s26], $0x2000  }
0xb0: {  	[sflag:s26] =	ssyncset.done $0x0  }
0xb1: {  	s14 =	simm.s32 $0x80;
	[sflag:s26] =	ssyncadd.s32 $0xFFFFE000  }
0xb2: {  	[tilespmem:s28], [sflag:$0x3] =	stream.indirect.gather [hbm4b:s4+s23], $0x80, s14, s23, $0xb8;
	[tilespmem:$0x1E800] =	vst v63  }
0xb3: {  	s15 =	simm.s32 $0xC0  }
0xb4: {  	[tilespmem:s29], [sflag:$0x4] =	stream.indirect.gather [hbm4b:s4+s23], $0x80, s15, s23, $0xb8;
	[tilespmem:$0x1E800] =	vst v63  }
0xb5: {  	s14 =	simm.s32 $0x1400  }
0xb6: {  	[spmem:s1] =	stream.indirect.scatter.add.f32 [tilespmem:s20], [sflag:$0x5], $0x80, s14, s30, $0xb8;
	[tilespmem:$0x1E800] =	vst v63  }
0xb7: {  	_ =	swait.ge [sflag:s21], $0x4000  }
0xb8: {  	[sflag:s21] =	ssyncset.done $0x0  }
0xb9: {  	[sflag:s21] =	ssyncadd.s32 $0xFFFFC000  }
0xba: {  	_ =	swait.ge [sflag:s31], $0x2000  }
0xbb: {  	[sflag:s31] =	ssyncset.done $0x0  }
0xbc: {  	[sflag:s31] =	ssyncadd.s32 $0xFFFFE000  }
0xbd: {  	_ =	swait.ge [sflag:s0], $0x2000  }
0xbe: {  	[sflag:s0] =	ssyncset.done $0x0  }
0xbf: {  	s15 =	simm.s32 $0x100;
	[sflag:s0] =	ssyncadd.s32 $0xFFFFE000  }
0xc0: {  	[tilespmem:s20], [sflag:$0x1] =	stream.indirect.gather [hbm4b:s4+s23], $0x80, s15, s23, $0xb8;
	[tilespmem:$0x1E800] =	vst v63  }
0xc1: {  	s14 =	simm.s32 $0x140  }
0xc2: {  	[tilespmem:s24], [sflag:$0x2] =	stream.indirect.gather [hbm4b:s4+s23], $0x80, s14, s23, $0xb8;
	[tilespmem:$0x1E800] =	vst v63  }
0xc3: {  	s15 =	simm.s32 $0x1480  }
0xc4: {  	[spmem:s1] =	stream.indirect.scatter.add.f32 [tilespmem:s28], [sflag:$0x5], $0x80, s15, s30, $0xb8;
	[tilespmem:$0x1E800] =	vst v63  }
0xc5: {  	_ =	swait.ge [sflag:s21], $0x4000  }
0xc6: {  	s13 =	simm.s32 $0x400;
	[sflag:s21] =	ssyncset.done $0x0  }
.LBB2_6:
0xc7: {  	p0 =	sne.s32 s13, $0x4800  }
0xc8: {  	[sflag:s21] =	ssyncadd.s32 $0xFFFFC000;
	s14 =	smov.u32 s13;
	s13 =	sadd.s32 $0x400, s13  }
0xc9: {  	_ = 	snop  }
0xca: {  	_ =	swait.ge [sflag:s25], $0x2000  }
0xcb: {  	[sflag:s25] =	ssyncset.done $0x0  }
0xcc: {  	[sflag:s25] =	ssyncadd.s32 $0xFFFFE000  }
0xcd: {  	_ =	swait.ge [sflag:s26], $0x2000  }
0xce: {  	s14 =	sshra.s32 s14, $0x2;
	[sflag:s26] =	ssyncset.done $0x0  }
0xcf: {  	s15 =	sadd.s32 $0x80, s14;
	[sflag:s26] =	ssyncadd.s32 $0xFFFFE000  }
0xd0: {  	[tilespmem:s28], [sflag:$0x3] =	stream.indirect.gather [hbm4b:s4+s23], $0x80, s15, s23, $0xb8;
	[tilespmem:$0x1E800] =	vst v63  }
0xd1: {  	s15 =	sadd.s32 $0xC0, s14  }
0xd2: {  	[tilespmem:s29], [sflag:$0x4] =	stream.indirect.gather [hbm4b:s4+s23], $0x80, s15, s23, $0xb8;
	[tilespmem:$0x1E800] =	vst v63  }
0xd3: {  	s15 =	sadd.s32 $0x1400, s14  }
0xd4: {  	[spmem:s1] =	stream.indirect.scatter.add.f32 [tilespmem:s20], [sflag:$0x5], $0x80, s15, s30, $0xb8;
	[tilespmem:$0x1E800] =	vst v63  }
0xd5: {  	_ =	swait.ge [sflag:s21], $0x4000  }
0xd6: {  	[sflag:s21] =	ssyncset.done $0x0  }
0xd7: {  	[sflag:s21] =	ssyncadd.s32 $0xFFFFC000  }
0xd8: {  	_ =	swait.ge [sflag:s31], $0x2000  }
0xd9: {  	[sflag:s31] =	ssyncset.done $0x0  }
0xda: {  	[sflag:s31] =	ssyncadd.s32 $0xFFFFE000  }
0xdb: {  	_ =	swait.ge [sflag:s0], $0x2000  }
0xdc: {  	[sflag:s0] =	ssyncset.done $0x0  }
0xdd: {  	s15 =	sadd.s32 $0x100, s14;
	[sflag:s0] =	ssyncadd.s32 $0xFFFFE000  }
0xde: {  	[tilespmem:s20], [sflag:$0x1] =	stream.indirect.gather [hbm4b:s4+s23], $0x80, s15, s23, $0xb8;
	[tilespmem:$0x1E800] =	vst v63  }
0xdf: {  	s15 =	sadd.s32 $0x140, s14  }
0xe0: {  	[tilespmem:s24], [sflag:$0x2] =	stream.indirect.gather [hbm4b:s4+s23], $0x80, s15, s23, $0xb8;
	[tilespmem:$0x1E800] =	vst v63  }
.Ltmp2:
0xe1: {  	_ = 	snop;
	(pc) =	sbr.rel @p0 .LBB2_6-.Ltmp2, $4  }
0xe2: {  	s14 =	sadd.s32 $0x1480, s14  }
0xe3: {  	[spmem:s1] =	stream.indirect.scatter.add.f32 [tilespmem:s28], [sflag:$0x5], $0x80, s14, s30, $0xb8;
	[tilespmem:$0x1E800] =	vst v63  }
0xe4: {  	_ =	swait.ge [sflag:s21], $0x4000  }
0xe5: {  	[sflag:s21] =	ssyncset.done $0x0  }
0xe6: {  	[sflag:s21] =	ssyncadd.s32 $0xFFFFC000  }
0xe7: {  	_ =	swait.ge [sflag:s25], $0x2000  }
0xe8: {  	[sflag:s25] =	ssyncset.done $0x0  }
0xe9: {  	[sflag:s25] =	ssyncadd.s32 $0xFFFFE000  }
0xea: {  	_ =	swait.ge [sflag:s26], $0x2000  }
0xeb: {  	[sflag:s26] =	ssyncset.done $0x0  }
0xec: {  	[sflag:s26] =	ssyncadd.s32 $0xFFFFE000  }
0xed: {  	[tilespmem:s28], [sflag:$0x3] =	stream.indirect.gather [hbm4b:s4+s23], $0x80, s2, s23, $0xb8;
	[tilespmem:$0x1E800] =	vst v63  }
0xee: {  	_ = 	snop  }
0xef: {  	[tilespmem:s29], [sflag:$0x4] =	stream.indirect.gather [hbm4b:s4+s23], $0x80, s10, s23, $0xb8;
	[tilespmem:$0x1E800] =	vst v63  }
0xf0: {  	_ = 	snop  }
0xf1: {  	[spmem:s1] =	stream.indirect.scatter.add.f32 [tilespmem:s20], [sflag:$0x5], $0x80, s11, s30, $0xb8;
	[tilespmem:$0x1E800] =	vst v63  }
0xf2: {  	_ =	swait.ge [sflag:s21], $0x4000  }
0xf3: {  	[sflag:s21] =	ssyncset.done $0x0  }
0xf4: {  	[sflag:s21] =	ssyncadd.s32 $0xFFFFC000  }
0xf5: {  	_ =	swait.ge [sflag:s31], $0x2000  }
0xf6: {  	[sflag:s31] =	ssyncset.done $0x0  }
0xf7: {  	[sflag:s31] =	ssyncadd.s32 $0xFFFFE000  }
0xf8: {  	_ =	swait.ge [sflag:s0], $0x2000  }
0xf9: {  	[sflag:s0] =	ssyncset.done $0x0  }
0xfa: {  	[sflag:s0] =	ssyncadd.s32 $0xFFFFE000  }
0xfb: {  	[spmem:s1] =	stream.indirect.scatter.add.f32 [tilespmem:s28], [sflag:$0x5], $0x80, s12, s30, $0xb8;
	[tilespmem:$0x1E800] =	vst v63  }
0xfc: {  	_ =	swait.ge [sflag:s21], $0x4000  }
0xfd: {  	[sflag:s21] =	ssyncset.done $0x0  }
0xfe: {  	s13 =	stileid.u32;
	[sflag:s21] =	ssyncadd.s32 $0xFFFFC000  }
0xff: {  	s13 =	sshll.u32 s13, $0x6;
	[bflag:$0x0] =	sbarrier.arrive $0xFFFF  }
0x100: {  	s14 =	sshrl.u32 s5, $0x3;
	s13 =	sor.u32 $0x1C05, s13;
	s15 =	rddreg [dreg:$0x8]  }
0x101: {  	[hbm:s15], [sflag:s13] =	dma.local [spmem:s14], $0x800  }
0x102: {  	_ =	swait.ge [sflag:s21], $0x800  }
0x103: {  	[sflag:s21] =	ssyncset.done $0x0  }
0x104: {  	s14 =	sshrl.u32 s6, $0x3;
	s15 =	rddreg [dreg:$0x9];
	[sflag:s21] =	ssyncadd.s32 $0xFFFFF800  }
0x105: {  	[hbm:s15], [sflag:s13] =	dma.local [spmem:s14], $0x800  }
0x106: {  	_ =	swait.ge [sflag:s21], $0x800  }
0x107: {  	[sflag:s21] =	ssyncset.done $0x0  }
0x108: {  	s15 =	sshrl.u32 s7, $0x3;
	[sflag:s21] =	ssyncadd.s32 $0xFFFFF800  }
0x109: {  	[hbm:s16], [sflag:s13] =	dma.local [spmem:s15], $0x800  }
0x10a: {  	_ =	swait.ge [sflag:s21], $0x800  }
0x10b: {  	[sflag:s21] =	ssyncset.done $0x0  }
0x10c: {  	s15 =	sshrl.u32 s8, $0x3;
	[sflag:s21] =	ssyncadd.s32 $0xFFFFF800  }
0x10d: {  	[hbm:s17], [sflag:s13] =	dma.local [spmem:s15], $0x800  }
0x10e: {  	s3 =	sadd.s32 $0x1, s3;
	_ =	swait.ge [sflag:s21], $0x800  }
0x10f: {  	p0 =	sne.s32 s3, s19;
	[sflag:s21] =	ssyncset.done $0x0  }
.Ltmp3:
0x110: {  	s15 =	sshrl.u32 s9, $0x3;
	[sflag:s21] =	ssyncadd.s32 $0xFFFFF800;
	(pc) =	sbr.rel @p0 .LBB2_1-.Ltmp3, $4  }
0x111: {  	[hbm:s18], [sflag:s13] =	dma.local [spmem:s15], $0x800  }
0x112: {  	_ =	swait.ge [sflag:s21], $0x800  }
0x113: {  	[sflag:s21] =	ssyncset.done $0x0  }
0x114: {  	[sflag:s21] =	ssyncadd.s32 $0xFFFFF800  }
0x115: {  	_ =	sfence.sel $0x180000  }
0x116: {  	[bflag:$0x0] =	sbarrier.arrive $0xFFFF  }
0x117: {  	_ =	strace $0x90000050  }
0x118: {  	s0 =	stileid.u32;
	[bflag:$0x2] =	sbarrier.arrive $0xFFFF  }
0x119: {  	p0 =	sne.s32 s0, $0x0;
	s0 =	rddreg [dreg:$0x3]  }
0x11a: {  	s0 =	sadd.s32 @!p0 $0x100000, s0  }
0x11b: {  	[sflag:s0] =	ssyncadd.tile.s32 @!p0 $0x1;
	_ =	shalt  }
.Lfunc_end2:
_tile_overlayer_lowered:
.L_overlay_start_2:
0x11c: {  	(tag) =	ssettag $0x2  }
0x11d: {  	s0 =	rddreg [dreg:$0x0];
	s2 =	stileid.u32  }
0x11e: {  	s1 =	rddreg [dreg:$0x1];
	p0 =	sne.s32 s2, $0x0  }
0x11f: {  	s3 =	rddreg [dreg:$0x2];
	[bflag:$0x3] =	sbarrier.arrive $0xFFFF;
	s2 =	simm.s32 @!p0 $0x1C05  }
0x120: {  	[timem:s3], [sflag:s2] =	dma.local @!p0 [hbm:s0], s1  }
0x121: {  	s0 =	simm.s32 @!p0 $0x5  }
0x122: {  	_ =	swait.ge @!p0 [sflag:s0], s1  }
0x123: {  	s1 =	ssub.s32 @!p0 $0x0, s1;
	[sflag:s0] =	ssyncset.done @!p0 $0x0  }
0x124: {  	[sflag:s0] =	ssyncadd.s32 @!p0 s1  }
0x125: {  	[bflag:$0x3] =	sbarrier.arrive $0xFFFF  }
0x126: {  	_ =	shalt  }

</sc_bundles>
